<compile_context>
chip_gen: v7x
topology: tpu7x:2x2x1
jax: 0.10.2.dev20260603
libtpu: 0.0.44.dev20260713+nightly
codegen_flags: <defaults>
</compile_context>

<pallas_src>
import jax
import jax.numpy as jnp
from jax import lax
from jax.experimental import pallas as pl
from jax.experimental.pallas import tpu as pltpu
from jax.experimental.pallas import tpu_sc as plsc

N = 10000
E = 320000
D = 128

NUM_CORES = 2
NUM_SUBCORES = 16

CHUNK = 80
EDGES_PER_TILE = E // NUM_SUBCORES
NB = EDGES_PER_TILE // CHUNK
SUBNB = 50
NSTAGE = NB // SUBNB
NBUF = 3
DEPTH = NBUF - 1
NGROUP = (SUBNB + NBUF - 1) // NBUF
ROWS_PER_TILE = 640
ROWS_LAST = N - 15 * ROWS_PER_TILE


def _sc_pair_body(x_hbm, idx0_hbm, idx1_hbm, out_hbm,
                  acc, src_v, dst_v, rows_v, sem0, sem1, sem2):
    c = lax.axis_index("c")
    s = lax.axis_index("s")
    row_base = pl.multiple_of(s * ROWS_PER_TILE, 8)
    sems = [sem0, sem1, sem2]

    @pl.when(s < NUM_SUBCORES - 1)
    def _():
        pltpu.sync_copy(x_hbm.at[pl.ds(row_base, ROWS_PER_TILE)],
                        acc.at[pl.ds(row_base, ROWS_PER_TILE)])

    @pl.when(s == NUM_SUBCORES - 1)
    def _():
        pltpu.sync_copy(x_hbm.at[pl.ds(N - ROWS_LAST, ROWS_LAST)],
                        acc.at[pl.ds(N - ROWS_LAST, ROWS_LAST)])

    plsc.subcore_barrier()

    def gather(j, b):
        return pltpu.async_copy(x_hbm.at[src_v.at[j]], rows_v.at[b], sems[b])

    for t in range(NSTAGE):
        for ci, idx_hbm in enumerate([idx0_hbm, idx1_hbm]):
            @pl.when(c == ci)
            def _():
                pltpu.sync_copy(idx_hbm.at[0, s, t], src_v)
                pltpu.sync_copy(idx_hbm.at[1, s, t], dst_v)
        for d in range(DEPTH):
            gather(d, d)

        def group(g, carry):
            for b in range(NBUF):
                j = g * NBUF + b

                @pl.when(j < SUBNB)
                def _():
                    pltpu.make_async_copy(x_hbm.at[src_v.at[j]],
                                          rows_v.at[b], sems[b]).wait()

                    @pl.when(j + DEPTH < SUBNB)
                    def _():
                        gather(j + DEPTH, (b + DEPTH) % NBUF)

                    pltpu.sync_copy(rows_v.at[b], acc.at[dst_v.at[j]],
                                    add=True)
            return carry

        lax.fori_loop(0, NGROUP, group, 0, unroll=False)
    plsc.subcore_barrier()

    @pl.when(s < NUM_SUBCORES - 1)
    def _():
        pltpu.sync_copy(acc.at[pl.ds(row_base, ROWS_PER_TILE)],
                        out_hbm.at[c, pl.ds(row_base, ROWS_PER_TILE)])

    @pl.when(s == NUM_SUBCORES - 1)
    def _():
        pltpu.sync_copy(acc.at[pl.ds(N - ROWS_LAST, ROWS_LAST)],
                        out_hbm.at[c, pl.ds(N - ROWS_LAST, ROWS_LAST)])


def _sc_round(x, idx0_blocks, idx1_blocks):
    mesh = plsc.VectorSubcoreMesh(core_axis_name="c", subcore_axis_name="s",
                                  num_cores=NUM_CORES,
                                  num_subcores=NUM_SUBCORES)
    f = pl.kernel(
        _sc_pair_body,
        out_type=jax.ShapeDtypeStruct((2, N, D), jnp.float32),
        mesh=mesh,
        scratch_types=[
            pltpu.VMEM_SHARED((N, D), jnp.float32),
            pltpu.VMEM((SUBNB, CHUNK), jnp.int32),
            pltpu.VMEM((SUBNB, CHUNK), jnp.int32),
            pltpu.VMEM((NBUF, CHUNK, D), jnp.float32),
            pltpu.SemaphoreType.DMA,
            pltpu.SemaphoreType.DMA,
            pltpu.SemaphoreType.DMA,
        ],
    )
    return f(x, idx0_blocks, idx1_blocks)


BN = 2000


def _tc_pair_partial_body(seg_ref, w1_ref, b1_ref, w2_ref, b2_ref, wc_ref,
                          out_ref):
    acc = jnp.zeros((BN, D), jnp.float32)
    for a in range(2):
        h = jnp.dot(seg_ref[a], w1_ref[a], preferred_element_type=jnp.float32)
        h = jnp.maximum(h + b1_ref[a], 0.0)
        h = jnp.dot(h, w2_ref[a], preferred_element_type=jnp.float32)
        h = h + b2_ref[a]
        acc = acc + jnp.dot(h, wc_ref[a], preferred_element_type=jnp.float32)
    out_ref[...] = acc


def _tc_pair_final_body(seg_ref, w1_ref, b1_ref, w2_ref, b2_ref, wc_ref,
                        bc_ref, part_ref, out_ref):
    acc = part_ref[...]
    for a in range(2):
        h = jnp.dot(seg_ref[a], w1_ref[a], preferred_element_type=jnp.float32)
        h = jnp.maximum(h + b1_ref[a], 0.0)
        h = jnp.dot(h, w2_ref[a], preferred_element_type=jnp.float32)
        h = h + b2_ref[a]
        acc = acc + jnp.dot(h, wc_ref[a], preferred_element_type=jnp.float32)
    out_ref[...] = jnp.maximum(acc + bc_ref[0], 0.0)


_SEG_SPEC = pl.BlockSpec((2, BN, D), lambda i: (0, i, 0))
_W_SPEC = pl.BlockSpec((2, D, D), lambda i: (0, 0, 0))
_B_SPEC = pl.BlockSpec((2, 1, D), lambda i: (0, 0, 0))
_ROW_SPEC = pl.BlockSpec((BN, D), lambda i: (i, 0))


def _tc_pair_partial(seg, w1, b1, w2, b2, wc):
    return pl.pallas_call(
        _tc_pair_partial_body,
        grid=(N // BN,),
        in_specs=[_SEG_SPEC, _W_SPEC, _B_SPEC, _W_SPEC, _B_SPEC, _W_SPEC],
        out_specs=_ROW_SPEC,
        out_shape=jax.ShapeDtypeStruct((N, D), jnp.float32),
    )(seg, w1, b1, w2, b2, wc)


def _tc_pair_final(seg, w1, b1, w2, b2, wc, bc, part):
    return pl.pallas_call(
        _tc_pair_final_body,
        grid=(N // BN,),
        in_specs=[_SEG_SPEC, _W_SPEC, _B_SPEC, _W_SPEC, _B_SPEC, _W_SPEC,
                  pl.BlockSpec((1, D), lambda i: (0, 0)), _ROW_SPEC],
        out_specs=_ROW_SPEC,
        out_shape=jax.ShapeDtypeStruct((N, D), jnp.float32),
    )(seg, w1, b1, w2, b2, wc, bc, part)


def kernel(x, up_index, down_index, boundary_index, coboundary_index,
           W_up1, b_up1, W_up2, b_up2,
           W_down1, b_down1, W_down2, b_down2,
           W_boundaries1, b_boundaries1, W_boundaries2, b_boundaries2,
           W_coboundaries1, b_coboundaries1, W_coboundaries2, b_coboundaries2,
           W_comb, b_comb):
    def blocks(idx):
        return idx.astype(jnp.int32).reshape(
            2, NUM_SUBCORES, NSTAGE, SUBNB, CHUNK)

    seg_r1 = _sc_round(x, blocks(up_index), blocks(boundary_index))
    seg_r2 = _sc_round(x, blocks(down_index), blocks(coboundary_index))

    wc = W_comb.reshape(4, D, D)

    w1_r1 = jnp.stack([W_up1, W_boundaries1])
    b1_r1 = jnp.stack([b_up1, b_boundaries1])[:, None, :]
    w2_r1 = jnp.stack([W_up2, W_boundaries2])
    b2_r1 = jnp.stack([b_up2, b_boundaries2])[:, None, :]
    wc_r1 = jnp.stack([wc[0], wc[2]])

    w1_r2 = jnp.stack([W_down1, W_coboundaries1])
    b1_r2 = jnp.stack([b_down1, b_coboundaries1])[:, None, :]
    w2_r2 = jnp.stack([W_down2, W_coboundaries2])
    b2_r2 = jnp.stack([b_down2, b_coboundaries2])[:, None, :]
    wc_r2 = jnp.stack([wc[1], wc[3]])

    part = _tc_pair_partial(seg_r1, w1_r1, b1_r1, w2_r1, b2_r1, wc_r1)
    return _tc_pair_final(seg_r2, w1_r2, b1_r2, w2_r2, b2_r2, wc_r2,
                          b_comb[None, :], part)

# --- scband reference (transcript-rebuilt; emitter-appended) ---
"""Pipeline reference for scband-dense-cinconv-80676665688179 (READ-ONLY COPY).

The authoritative reference and input builder live on the scoring server;
editing this copy changes nothing except your own understanding.
"""

import jax, jax.numpy as jnp
import numpy as np

N = 10000
E = 320000
D = 128


def setup_inputs(seed: int = 0) -> dict:
    key = jax.random.key(seed)
    ks = jax.random.split(key, 32)
    s = 1.0 / np.sqrt(D)
    sc = 1.0 / np.sqrt(4 * D)
    inp = {}
    inp["x"] = jax.random.normal(ks[0], (N, D), dtype=jnp.float32)
    inp["up_index"] = jax.random.randint(ks[1], (2, E), 0, N)
    inp["down_index"] = jax.random.randint(ks[2], (2, E), 0, N)
    inp["boundary_index"] = jax.random.randint(ks[3], (2, E), 0, N)
    inp["coboundary_index"] = jax.random.randint(ks[4], (2, E), 0, N)
    names = ["up", "down", "boundaries", "coboundaries"]
    for i, nm in enumerate(names):
        inp["W_%s1" % nm] = jax.random.normal(ks[5 + 4 * i], (D, D), dtype=jnp.float32) * s
        inp["b_%s1" % nm] = jnp.zeros((D,), dtype=jnp.float32)
        inp["W_%s2" % nm] = jax.random.normal(ks[6 + 4 * i], (D, D), dtype=jnp.float32) * s
        inp["b_%s2" % nm] = jnp.zeros((D,), dtype=jnp.float32)
    inp["W_comb"] = jax.random.normal(ks[30], (4 * D, D), dtype=jnp.float32) * sc
    inp["b_comb"] = jnp.zeros((D,), dtype=jnp.float32)
    return inp


def _mlp(h, W1, b1, W2, b2):
    # update_*_nn: Linear -> ReLU -> Linear (GIN-style update MLP)
    return jax.nn.relu(h @ W1 + b1) @ W2 + b2


def reference(x, up_index, down_index, boundary_index, coboundary_index,
              W_up1, b_up1, W_up2, b_up2,
              W_down1, b_down1, W_down2, b_down2,
              W_boundaries1, b_boundaries1, W_boundaries2, b_boundaries2,
              W_coboundaries1, b_coboundaries1, W_coboundaries2, b_coboundaries2,
              W_comb, b_comb):
    # DenseCINCochainConv forward, variant='dense': all four message types used.
    # msg_*_nn are identity on x_j (use_up_attr/use_down_attr = False),
    # propagate = gather x at source cells then scatter-add to destination cells.
    eps = 0.0  # train_eps=False buffers eps1..eps4 = 0.0

    def agg(idx):
        # message passing: x_j = x[src]; aggregate-add onto dst
        return jax.ops.segment_sum(x[idx[0]], idx[1], num_segments=N)

    out_up = agg(up_index) + (1.0 + eps) * x
    out_down = agg(down_index) + (1.0 + eps) * x
    out_boundaries = agg(boundary_index) + (1.0 + eps) * x
    out_coboundaries = agg(coboundary_index) + (1.0 + eps) * x

    out_up = _mlp(out_up, W_up1, b_up1, W_up2, b_up2)
    out_down = _mlp(out_down, W_down1, b_down1, W_down2, b_down2)
    out_boundaries = _mlp(out_boundaries, W_boundaries1, b_boundaries1, W_boundaries2, b_boundaries2)
    out_coboundaries = _mlp(out_coboundaries, W_coboundaries1, b_coboundaries1, W_coboundaries2, b_coboundaries2)

    cat = jnp.concatenate([out_up, out_down, out_boundaries, out_coboundaries], axis=-1)
    # combine_nn: Linear(4*D -> D) + ReLU
    return jax.nn.relu(cat @ W_comb + b_comb)

if __name__ == "__main__":
    import jax
    _d = setup_inputs()
    print(jax.jit(kernel)(*tuple(_d.values())))

</pallas_src>

<mosaic_0001>
#map = affine_map<(d0, d1) -> (0, 0)>
#map1 = affine_map<(d0, d1) -> (0, 0, 0, 0, 0)>
#map2 = affine_map<(d0, d1) -> (0, 0, 0)>
module attributes {stable_mosaic.version = 14 : i64} {
  func.func @_sc_pair_body(%arg0: i32, %arg1: i32, %arg2: memref<10000x128xf32, #tpu.memory_space<hbm>>, %arg3: memref<2x16x5x50x80xi32, #tpu.memory_space<hbm>>, %arg4: memref<2x16x5x50x80xi32, #tpu.memory_space<hbm>>, %arg5: memref<2x10000x128xf32, #tpu.memory_space<hbm>>, %arg6: memref<10000x128xf32, #tpu.memory_space<vmem_shared>>, %arg7: memref<50x80xi32, #tpu.memory_space<vmem>>, %arg8: memref<50x80xi32, #tpu.memory_space<vmem>>, %arg9: memref<3x80x128xf32, #tpu.memory_space<vmem>>, %arg10: memref<!tpu.dma_semaphore, #tpu.memory_space<semaphore_mem>>, %arg11: memref<!tpu.dma_semaphore, #tpu.memory_space<semaphore_mem>>, %arg12: memref<!tpu.dma_semaphore, #tpu.memory_space<semaphore_mem>>) attributes {dimension_semantics = [#tpu.dimension_semantics<core_parallel>, #tpu.dimension_semantics<subcore_parallel>], iteration_bounds = array<i64: 2, 16>, scalar_prefetch = 0 : i64, scratch_operands = 7 : i64, tpu.core_type = #tpu.core_type<sc_vector_subcore>, window_params = [{transform_indices = #map}, {transform_indices = #map1}, {transform_indices = #map1}, {transform_indices = #map2}]} {
    %mul3A = arith.constant 640 : i32
    %mul3A_0 = arith.muli %arg1, %mul3A : i32
    %multiple_of3A = tpu.assume_multiple %mul3A_0, 8 : i32
    %lt3A = arith.constant 15 : i32
    %lt3A_1 = arith.cmpi slt, %arg1, %lt3A : i32
    %convert_element_type3A = arith.extui %lt3A_1 : i1 to i32
    %cond3A = arith.constant 0 : i32
    %cond3A_2 = arith.cmpi ne, %convert_element_type3A, %cond3A : i32
    scf.if %cond3A_2 {
      "tpu.region"() ({
        %run_scoped3A = tpu.sem_alloc : memref<!tpu.dma_semaphore, #tpu.memory_space<semaphore_mem>>
        %dma_start3A_216 = arith.constant 0 : i32
        %dma_start3A_217 = tpu.memref_slice %arg6[%multiple_of3A, %dma_start3A_216] : memref<10000x128xf32, #tpu.memory_space<vmem_shared>> -> memref<640x128xf32, #tpu.memory_space<vmem_shared>>
        %dma_start3A_218 = arith.constant 0 : i32
        %dma_start3A_219 = tpu.memref_slice %arg2[%multiple_of3A, %dma_start3A_218] : memref<10000x128xf32, #tpu.memory_space<hbm>> -> memref<640x128xf32, #tpu.memory_space<hbm>>
        tpu.enqueue_dma source(%dma_start3A_219 : memref<640x128xf32, #tpu.memory_space<hbm>>) target(%dma_start3A_217 : memref<640x128xf32, #tpu.memory_space<vmem_shared>>) target_semaphore(%run_scoped3A : memref<!tpu.dma_semaphore, #tpu.memory_space<semaphore_mem>>)
        %dma_wait3A = arith.constant 0 : i32
        %dma_wait3A_220 = tpu.memref_slice %arg6[%multiple_of3A, %dma_wait3A] : memref<10000x128xf32, #tpu.memory_space<vmem_shared>> -> memref<640x128xf32, #tpu.memory_space<vmem_shared>>
        %dma_wait3A_221 = arith.constant 0 : i32
        %dma_wait3A_222 = tpu.memref_slice %arg2[%multiple_of3A, %dma_wait3A_221] : memref<10000x128xf32, #tpu.memory_space<hbm>> -> memref<640x128xf32, #tpu.memory_space<hbm>>
        tpu.wait_dma2 semaphore(%run_scoped3A : memref<!tpu.dma_semaphore, #tpu.memory_space<semaphore_mem>>) src(%dma_wait3A_222 : memref<640x128xf32, #tpu.memory_space<hbm>>) dst(%dma_wait3A_220 : memref<640x128xf32, #tpu.memory_space<vmem_shared>>)
        tpu.yield
      }) : () -> ()
    } else {
    }
    %eq3A = arith.constant 15 : i32
    %eq3A_3 = arith.cmpi eq, %arg1, %eq3A : i32
    %convert_element_type3A_4 = arith.extui %eq3A_3 : i1 to i32
    %cond3A_5 = arith.constant 0 : i32
    %cond3A_6 = arith.cmpi ne, %convert_element_type3A_4, %cond3A_5 : i32
    scf.if %cond3A_6 {
      "tpu.region"() ({
        %run_scoped3A = tpu.sem_alloc : memref<!tpu.dma_semaphore, #tpu.memory_space<semaphore_mem>>
        %dma_start3A_216 = arith.constant 9600 : i32
        %dma_start3A_217 = arith.constant 0 : i32
        %dma_start3A_218 = tpu.memref_slice %arg6[%dma_start3A_216, %dma_start3A_217] : memref<10000x128xf32, #tpu.memory_space<vmem_shared>> -> memref<400x128xf32, #tpu.memory_space<vmem_shared>>
        %dma_start3A_219 = arith.constant 9600 : i32
        %dma_start3A_220 = arith.constant 0 : i32
        %dma_start3A_221 = tpu.memref_slice %arg2[%dma_start3A_219, %dma_start3A_220] : memref<10000x128xf32, #tpu.memory_space<hbm>> -> memref<400x128xf32, #tpu.memory_space<hbm>>
        tpu.enqueue_dma source(%dma_start3A_221 : memref<400x128xf32, #tpu.memory_space<hbm>>) target(%dma_start3A_218 : memref<400x128xf32, #tpu.memory_space<vmem_shared>>) target_semaphore(%run_scoped3A : memref<!tpu.dma_semaphore, #tpu.memory_space<semaphore_mem>>)
        %dma_wait3A = arith.constant 9600 : i32
        %dma_wait3A_222 = arith.constant 0 : i32
        %dma_wait3A_223 = tpu.memref_slice %arg6[%dma_wait3A, %dma_wait3A_222] : memref<10000x128xf32, #tpu.memory_space<vmem_shared>> -> memref<400x128xf32, #tpu.memory_space<vmem_shared>>
        %dma_wait3A_224 = arith.constant 9600 : i32
        %dma_wait3A_225 = arith.constant 0 : i32
        %dma_wait3A_226 = tpu.memref_slice %arg2[%dma_wait3A_224, %dma_wait3A_225] : memref<10000x128xf32, #tpu.memory_space<hbm>> -> memref<400x128xf32, #tpu.memory_space<hbm>>
        tpu.wait_dma2 semaphore(%run_scoped3A : memref<!tpu.dma_semaphore, #tpu.memory_space<semaphore_mem>>) src(%dma_wait3A_226 : memref<400x128xf32, #tpu.memory_space<hbm>>) dst(%dma_wait3A_223 : memref<400x128xf32, #tpu.memory_space<vmem_shared>>)
        tpu.yield
      }) : () -> ()
    } else {
    }
    %barrier3A = arith.constant 0 : index
    tpu.barrier barrier_id(%barrier3A)
    %eq3A_7 = arith.constant 0 : i32
    %eq3A_8 = arith.cmpi eq, %arg0, %eq3A_7 : i32
    %convert_element_type3A_9 = arith.extui %eq3A_8 : i1 to i32
    %cond3A_10 = arith.constant 0 : i32
    %cond3A_11 = arith.cmpi ne, %convert_element_type3A_9, %cond3A_10 : i32
    scf.if %cond3A_11 {
      %run_scoped3A = arith.constant 0 : i32
      %run_scoped3A_216 = arith.constant 0 : i32
      "tpu.region"() ({
        %run_scoped3A_219 = tpu.sem_alloc : memref<!tpu.dma_semaphore, #tpu.memory_space<semaphore_mem>>
        %dma_start3A_220 = arith.constant 0 : i32
        %dma_start3A_221 = arith.constant 0 : i32
        %dma_start3A_222 = tpu.memref_slice %arg3[%run_scoped3A, %arg1, %run_scoped3A_216, %dma_start3A_220, %dma_start3A_221] : memref<2x16x5x50x80xi32, #tpu.memory_space<hbm>> -> memref<1x1x1x50x80xi32, #tpu.memory_space<hbm>>
        %dma_start3A_223 = tpu.memref_squeeze %dma_start3A_222 : memref<1x1x1x50x80xi32, #tpu.memory_space<hbm>> -> memref<50x80xi32, #tpu.memory_space<hbm>>
        %dma_start3A_224 = arith.constant 0 : i32
        %dma_start3A_225 = arith.constant 0 : i32
        %dma_start3A_226 = tpu.memref_slice %arg3[%run_scoped3A, %arg1, %run_scoped3A_216, %dma_start3A_224, %dma_start3A_225] : memref<2x16x5x50x80xi32, #tpu.memory_space<hbm>> -> memref<1x1x1x50x80xi32, #tpu.memory_space<hbm>>
        %dma_start3A_227 = tpu.memref_squeeze %dma_start3A_226 : memref<1x1x1x50x80xi32, #tpu.memory_space<hbm>> -> memref<50x80xi32, #tpu.memory_space<hbm>>
        tpu.enqueue_dma source(%dma_start3A_227 : memref<50x80xi32, #tpu.memory_space<hbm>>) target(%arg7 : memref<50x80xi32, #tpu.memory_space<vmem>>) target_semaphore(%run_scoped3A_219 : memref<!tpu.dma_semaphore, #tpu.memory_space<semaphore_mem>>)
        %dma_wait3A = arith.constant 0 : i32
        %dma_wait3A_228 = arith.constant 0 : i32
        %dma_wait3A_229 = tpu.memref_slice %arg3[%run_scoped3A, %arg1, %run_scoped3A_216, %dma_wait3A, %dma_wait3A_228] : memref<2x16x5x50x80xi32, #tpu.memory_space<hbm>> -> memref<1x1x1x50x80xi32, #tpu.memory_space<hbm>>
        %dma_wait3A_230 = tpu.memref_squeeze %dma_wait3A_229 : memref<1x1x1x50x80xi32, #tpu.memory_space<hbm>> -> memref<50x80xi32, #tpu.memory_space<hbm>>
        %dma_wait3A_231 = arith.constant 0 : i32
        %dma_wait3A_232 = arith.constant 0 : i32
        %dma_wait3A_233 = tpu.memref_slice %arg3[%run_scoped3A, %arg1, %run_scoped3A_216, %dma_wait3A_231, %dma_wait3A_232] : memref<2x16x5x50x80xi32, #tpu.memory_space<hbm>> -> memref<1x1x1x50x80xi32, #tpu.memory_space<hbm>>
        %dma_wait3A_234 = tpu.memref_squeeze %dma_wait3A_233 : memref<1x1x1x50x80xi32, #tpu.memory_space<hbm>> -> memref<50x80xi32, #tpu.memory_space<hbm>>
        tpu.wait_dma2 semaphore(%run_scoped3A_219 : memref<!tpu.dma_semaphore, #tpu.memory_space<semaphore_mem>>) src(%dma_wait3A_234 : memref<50x80xi32, #tpu.memory_space<hbm>>) dst(%arg7 : memref<50x80xi32, #tpu.memory_space<vmem>>)
        tpu.yield
      }) : () -> ()
      %run_scoped3A_217 = arith.constant 1 : i32
      %run_scoped3A_218 = arith.constant 0 : i32
      "tpu.region"() ({
        %run_scoped3A_219 = tpu.sem_alloc : memref<!tpu.dma_semaphore, #tpu.memory_space<semaphore_mem>>
        %dma_start3A_220 = arith.constant 0 : i32
        %dma_start3A_221 = arith.constant 0 : i32
        %dma_start3A_222 = tpu.memref_slice %arg3[%run_scoped3A_217, %arg1, %run_scoped3A_218, %dma_start3A_220, %dma_start3A_221] : memref<2x16x5x50x80xi32, #tpu.memory_space<hbm>> -> memref<1x1x1x50x80xi32, #tpu.memory_space<hbm>>
        %dma_start3A_223 = tpu.memref_squeeze %dma_start3A_222 : memref<1x1x1x50x80xi32, #tpu.memory_space<hbm>> -> memref<50x80xi32, #tpu.memory_space<hbm>>
        %dma_start3A_224 = arith.constant 0 : i32
        %dma_start3A_225 = arith.constant 0 : i32
        %dma_start3A_226 = tpu.memref_slice %arg3[%run_scoped3A_217, %arg1, %run_scoped3A_218, %dma_start3A_224, %dma_start3A_225] : memref<2x16x5x50x80xi32, #tpu.memory_space<hbm>> -> memref<1x1x1x50x80xi32, #tpu.memory_space<hbm>>
        %dma_start3A_227 = tpu.memref_squeeze %dma_start3A_226 : memref<1x1x1x50x80xi32, #tpu.memory_space<hbm>> -> memref<50x80xi32, #tpu.memory_space<hbm>>
        tpu.enqueue_dma source(%dma_start3A_227 : memref<50x80xi32, #tpu.memory_space<hbm>>) target(%arg8 : memref<50x80xi32, #tpu.memory_space<vmem>>) target_semaphore(%run_scoped3A_219 : memref<!tpu.dma_semaphore, #tpu.memory_space<semaphore_mem>>)
        %dma_wait3A = arith.constant 0 : i32
        %dma_wait3A_228 = arith.constant 0 : i32
        %dma_wait3A_229 = tpu.memref_slice %arg3[%run_scoped3A_217, %arg1, %run_scoped3A_218, %dma_wait3A, %dma_wait3A_228] : memref<2x16x5x50x80xi32, #tpu.memory_space<hbm>> -> memref<1x1x1x50x80xi32, #tpu.memory_space<hbm>>
        %dma_wait3A_230 = tpu.memref_squeeze %dma_wait3A_229 : memref<1x1x1x50x80xi32, #tpu.memory_space<hbm>> -> memref<50x80xi32, #tpu.memory_space<hbm>>
        %dma_wait3A_231 = arith.constant 0 : i32
        %dma_wait3A_232 = arith.constant 0 : i32
        %dma_wait3A_233 = tpu.memref_slice %arg3[%run_scoped3A_217, %arg1, %run_scoped3A_218, %dma_wait3A_231, %dma_wait3A_232] : memref<2x16x5x50x80xi32, #tpu.memory_space<hbm>> -> memref<1x1x1x50x80xi32, #tpu.memory_space<hbm>>
        %dma_wait3A_234 = tpu.memref_squeeze %dma_wait3A_233 : memref<1x1x1x50x80xi32, #tpu.memory_space<hbm>> -> memref<50x80xi32, #tpu.memory_space<hbm>>
        tpu.wait_dma2 semaphore(%run_scoped3A_219 : memref<!tpu.dma_semaphore, #tpu.memory_space<semaphore_mem>>) src(%dma_wait3A_234 : memref<50x80xi32, #tpu.memory_space<hbm>>) dst(%arg8 : memref<50x80xi32, #tpu.memory_space<vmem>>)
        tpu.yield
      }) : () -> ()
    } else {
    }
    %eq3A_12 = arith.constant 1 : i32
    %eq3A_13 = arith.cmpi eq, %arg0, %eq3A_12 : i32
    %convert_element_type3A_14 = arith.extui %eq3A_13 : i1 to i32
    %cond3A_15 = arith.constant 0 : i32
    %cond3A_16 = arith.cmpi ne, %convert_element_type3A_14, %cond3A_15 : i32
    scf.if %cond3A_16 {
      %run_scoped3A = arith.constant 0 : i32
      %run_scoped3A_216 = arith.constant 0 : i32
      "tpu.region"() ({
        %run_scoped3A_219 = tpu.sem_alloc : memref<!tpu.dma_semaphore, #tpu.memory_space<semaphore_mem>>
        %dma_start3A_220 = arith.constant 0 : i32
        %dma_start3A_221 = arith.constant 0 : i32
        %dma_start3A_222 = tpu.memref_slice %arg4[%run_scoped3A, %arg1, %run_scoped3A_216, %dma_start3A_220, %dma_start3A_221] : memref<2x16x5x50x80xi32, #tpu.memory_space<hbm>> -> memref<1x1x1x50x80xi32, #tpu.memory_space<hbm>>
        %dma_start3A_223 = tpu.memref_squeeze %dma_start3A_222 : memref<1x1x1x50x80xi32, #tpu.memory_space<hbm>> -> memref<50x80xi32, #tpu.memory_space<hbm>>
        %dma_start3A_224 = arith.constant 0 : i32
        %dma_start3A_225 = arith.constant 0 : i32
        %dma_start3A_226 = tpu.memref_slice %arg4[%run_scoped3A, %arg1, %run_scoped3A_216, %dma_start3A_224, %dma_start3A_225] : memref<2x16x5x50x80xi32, #tpu.memory_space<hbm>> -> memref<1x1x1x50x80xi32, #tpu.memory_space<hbm>>
        %dma_start3A_227 = tpu.memref_squeeze %dma_start3A_226 : memref<1x1x1x50x80xi32, #tpu.memory_space<hbm>> -> memref<50x80xi32, #tpu.memory_space<hbm>>
        tpu.enqueue_dma source(%dma_start3A_227 : memref<50x80xi32, #tpu.memory_space<hbm>>) target(%arg7 : memref<50x80xi32, #tpu.memory_space<vmem>>) target_semaphore(%run_scoped3A_219 : memref<!tpu.dma_semaphore, #tpu.memory_space<semaphore_mem>>)
        %dma_wait3A = arith.constant 0 : i32
        %dma_wait3A_228 = arith.constant 0 : i32
        %dma_wait3A_229 = tpu.memref_slice %arg4[%run_scoped3A, %arg1, %run_scoped3A_216, %dma_wait3A, %dma_wait3A_228] : memref<2x16x5x50x80xi32, #tpu.memory_space<hbm>> -> memref<1x1x1x50x80xi32, #tpu.memory_space<hbm>>
        %dma_wait3A_230 = tpu.memref_squeeze %dma_wait3A_229 : memref<1x1x1x50x80xi32, #tpu.memory_space<hbm>> -> memref<50x80xi32, #tpu.memory_space<hbm>>
        %dma_wait3A_231 = arith.constant 0 : i32
        %dma_wait3A_232 = arith.constant 0 : i32
        %dma_wait3A_233 = tpu.memref_slice %arg4[%run_scoped3A, %arg1, %run_scoped3A_216, %dma_wait3A_231, %dma_wait3A_232] : memref<2x16x5x50x80xi32, #tpu.memory_space<hbm>> -> memref<1x1x1x50x80xi32, #tpu.memory_space<hbm>>
        %dma_wait3A_234 = tpu.memref_squeeze %dma_wait3A_233 : memref<1x1x1x50x80xi32, #tpu.memory_space<hbm>> -> memref<50x80xi32, #tpu.memory_space<hbm>>
        tpu.wait_dma2 semaphore(%run_scoped3A_219 : memref<!tpu.dma_semaphore, #tpu.memory_space<semaphore_mem>>) src(%dma_wait3A_234 : memref<50x80xi32, #tpu.memory_space<hbm>>) dst(%arg7 : memref<50x80xi32, #tpu.memory_space<vmem>>)
        tpu.yield
      }) : () -> ()
      %run_scoped3A_217 = arith.constant 1 : i32
      %run_scoped3A_218 = arith.constant 0 : i32
      "tpu.region"() ({
        %run_scoped3A_219 = tpu.sem_alloc : memref<!tpu.dma_semaphore, #tpu.memory_space<semaphore_mem>>
        %dma_start3A_220 = arith.constant 0 : i32
        %dma_start3A_221 = arith.constant 0 : i32
        %dma_start3A_222 = tpu.memref_slice %arg4[%run_scoped3A_217, %arg1, %run_scoped3A_218, %dma_start3A_220, %dma_start3A_221] : memref<2x16x5x50x80xi32, #tpu.memory_space<hbm>> -> memref<1x1x1x50x80xi32, #tpu.memory_space<hbm>>
        %dma_start3A_223 = tpu.memref_squeeze %dma_start3A_222 : memref<1x1x1x50x80xi32, #tpu.memory_space<hbm>> -> memref<50x80xi32, #tpu.memory_space<hbm>>
        %dma_start3A_224 = arith.constant 0 : i32
        %dma_start3A_225 = arith.constant 0 : i32
        %dma_start3A_226 = tpu.memref_slice %arg4[%run_scoped3A_217, %arg1, %run_scoped3A_218, %dma_start3A_224, %dma_start3A_225] : memref<2x16x5x50x80xi32, #tpu.memory_space<hbm>> -> memref<1x1x1x50x80xi32, #tpu.memory_space<hbm>>
        %dma_start3A_227 = tpu.memref_squeeze %dma_start3A_226 : memref<1x1x1x50x80xi32, #tpu.memory_space<hbm>> -> memref<50x80xi32, #tpu.memory_space<hbm>>
        tpu.enqueue_dma source(%dma_start3A_227 : memref<50x80xi32, #tpu.memory_space<hbm>>) target(%arg8 : memref<50x80xi32, #tpu.memory_space<vmem>>) target_semaphore(%run_scoped3A_219 : memref<!tpu.dma_semaphore, #tpu.memory_space<semaphore_mem>>)
        %dma_wait3A = arith.constant 0 : i32
        %dma_wait3A_228 = arith.constant 0 : i32
        %dma_wait3A_229 = tpu.memref_slice %arg4[%run_scoped3A_217, %arg1, %run_scoped3A_218, %dma_wait3A, %dma_wait3A_228] : memref<2x16x5x50x80xi32, #tpu.memory_space<hbm>> -> memref<1x1x1x50x80xi32, #tpu.memory_space<hbm>>
        %dma_wait3A_230 = tpu.memref_squeeze %dma_wait3A_229 : memref<1x1x1x50x80xi32, #tpu.memory_space<hbm>> -> memref<50x80xi32, #tpu.memory_space<hbm>>
        %dma_wait3A_231 = arith.constant 0 : i32
        %dma_wait3A_232 = arith.constant 0 : i32
        %dma_wait3A_233 = tpu.memref_slice %arg4[%run_scoped3A_217, %arg1, %run_scoped3A_218, %dma_wait3A_231, %dma_wait3A_232] : memref<2x16x5x50x80xi32, #tpu.memory_space<hbm>> -> memref<1x1x1x50x80xi32, #tpu.memory_space<hbm>>
        %dma_wait3A_234 = tpu.memref_squeeze %dma_wait3A_233 : memref<1x1x1x50x80xi32, #tpu.memory_space<hbm>> -> memref<50x80xi32, #tpu.memory_space<hbm>>
        tpu.wait_dma2 semaphore(%run_scoped3A_219 : memref<!tpu.dma_semaphore, #tpu.memory_space<semaphore_mem>>) src(%dma_wait3A_234 : memref<50x80xi32, #tpu.memory_space<hbm>>) dst(%arg8 : memref<50x80xi32, #tpu.memory_space<vmem>>)
        tpu.yield
      }) : () -> ()
    } else {
    }
    %dma_start3A = arith.constant 0 : i32
    %dma_start3A_17 = arith.constant 0 : i32
    %dma_start3A_18 = arith.constant 0 : i32
    %dma_start3A_19 = arith.constant 0 : i32
    %dma_start3A_20 = tpu.memref_slice %arg9[%dma_start3A_17, %dma_start3A_18, %dma_start3A_19] : memref<3x80x128xf32, #tpu.memory_space<vmem>> -> memref<1x80x128xf32, #tpu.memory_space<vmem>>
    %dma_start3A_21 = tpu.memref_squeeze %dma_start3A_20 : memref<1x80x128xf32, #tpu.memory_space<vmem>> -> memref<80x128xf32, #tpu.memory_space<vmem>>
    %dma_start3A_22 = arith.constant 0 : i32
    %dma_start3A_23 = tpu.memref_slice %arg7[%dma_start3A, %dma_start3A_22] : memref<50x80xi32, #tpu.memory_space<vmem>> -> memref<1x80xi32, #tpu.memory_space<vmem>>
    %dma_start3A_24 = tpu.memref_squeeze %dma_start3A_23 : memref<1x80xi32, #tpu.memory_space<vmem>> -> memref<80xi32, #tpu.memory_space<vmem>>
    %dma_start3A_25 = arith.constant 0 : i32
    %dma_start3A_26 = arith.constant 0 : i32
    %dma_start3A_27 = tpu.memref_slice %arg2[%dma_start3A_25, %dma_start3A_26] : memref<10000x128xf32, #tpu.memory_space<hbm>> -> memref<10000x128xf32, #tpu.memory_space<hbm>>
    tpu.enqueue_indirect_dma source(%dma_start3A_27 : memref<10000x128xf32, #tpu.memory_space<hbm>>) target(%dma_start3A_21 : memref<80x128xf32, #tpu.memory_space<vmem>>) offsets(%dma_start3A_24 : memref<80xi32, #tpu.memory_space<vmem>>) semaphore(%arg10 : memref<!tpu.dma_semaphore, #tpu.memory_space<semaphore_mem>>)
    %dma_start3A_28 = arith.constant 1 : i32
    %dma_start3A_29 = arith.constant 1 : i32
    %dma_start3A_30 = arith.constant 0 : i32
    %dma_start3A_31 = arith.constant 0 : i32
    %dma_start3A_32 = tpu.memref_slice %arg9[%dma_start3A_29, %dma_start3A_30, %dma_start3A_31] : memref<3x80x128xf32, #tpu.memory_space<vmem>> -> memref<1x80x128xf32, #tpu.memory_space<vmem>>
    %dma_start3A_33 = tpu.memref_squeeze %dma_start3A_32 : memref<1x80x128xf32, #tpu.memory_space<vmem>> -> memref<80x128xf32, #tpu.memory_space<vmem>>
    %dma_start3A_34 = arith.constant 0 : i32
    %dma_start3A_35 = tpu.memref_slice %arg7[%dma_start3A_28, %dma_start3A_34] : memref<50x80xi32, #tpu.memory_space<vmem>> -> memref<1x80xi32, #tpu.memory_space<vmem>>
    %dma_start3A_36 = tpu.memref_squeeze %dma_start3A_35 : memref<1x80xi32, #tpu.memory_space<vmem>> -> memref<80xi32, #tpu.memory_space<vmem>>
    %dma_start3A_37 = arith.constant 0 : i32
    %dma_start3A_38 = arith.constant 0 : i32
    %dma_start3A_39 = tpu.memref_slice %arg2[%dma_start3A_37, %dma_start3A_38] : memref<10000x128xf32, #tpu.memory_space<hbm>> -> memref<10000x128xf32, #tpu.memory_space<hbm>>
    tpu.enqueue_indirect_dma source(%dma_start3A_39 : memref<10000x128xf32, #tpu.memory_space<hbm>>) target(%dma_start3A_33 : memref<80x128xf32, #tpu.memory_space<vmem>>) offsets(%dma_start3A_36 : memref<80xi32, #tpu.memory_space<vmem>>) semaphore(%arg11 : memref<!tpu.dma_semaphore, #tpu.memory_space<semaphore_mem>>)
    %scan3A = arith.constant 0 : i32
    %scan3A_40 = arith.constant 0 : i32
    %scan3A_41 = arith.constant 17 : i32
    %scan3A_42 = arith.addi %scan3A_40, %scan3A_41 : i32
    %scan3A_43 = arith.constant 1 : i32
    scf.for %scan3A_216 = %scan3A_40 to %scan3A_42 step %scan3A_43  : i32 {
      %mul3A_217 = arith.constant 3 : i32
      %mul3A_218 = arith.muli %scan3A_216, %mul3A_217 : i32
      %add3A = arith.constant 0 : i32
      %add3A_219 = arith.addi %mul3A_218, %add3A : i32
      %lt3A_220 = arith.constant 50 : i32
      %lt3A_221 = arith.cmpi slt, %add3A_219, %lt3A_220 : i32
      %convert_element_type3A_222 = arith.extui %lt3A_221 : i1 to i32
      %cond3A_223 = arith.constant 0 : i32
      %cond3A_224 = arith.cmpi ne, %convert_element_type3A_222, %cond3A_223 : i32
      scf.if %cond3A_224 {
        %dma_wait3A = arith.constant 0 : i32
        %dma_wait3A_243 = arith.constant 0 : i32
        %dma_wait3A_244 = arith.constant 0 : i32
        %dma_wait3A_245 = tpu.memref_slice %arg9[%dma_wait3A, %dma_wait3A_243, %dma_wait3A_244] : memref<3x80x128xf32, #tpu.memory_space<vmem>> -> memref<1x80x128xf32, #tpu.memory_space<vmem>>
        %dma_wait3A_246 = tpu.memref_squeeze %dma_wait3A_245 : memref<1x80x128xf32, #tpu.memory_space<vmem>> -> memref<80x128xf32, #tpu.memory_space<vmem>>
        %dma_wait3A_247 = arith.constant 0 : i32
        %dma_wait3A_248 = tpu.memref_slice %arg7[%add3A_219, %dma_wait3A_247] : memref<50x80xi32, #tpu.memory_space<vmem>> -> memref<1x80xi32, #tpu.memory_space<vmem>>
        %dma_wait3A_249 = tpu.memref_squeeze %dma_wait3A_248 : memref<1x80xi32, #tpu.memory_space<vmem>> -> memref<80xi32, #tpu.memory_space<vmem>>
        %dma_wait3A_250 = arith.constant 0 : i32
        %dma_wait3A_251 = arith.constant 0 : i32
        %dma_wait3A_252 = tpu.memref_slice %arg2[%dma_wait3A_250, %dma_wait3A_251] : memref<10000x128xf32, #tpu.memory_space<hbm>> -> memref<10000x128xf32, #tpu.memory_space<hbm>>
        tpu.wait_indirect_dma semaphore(%arg10 : memref<!tpu.dma_semaphore, #tpu.memory_space<semaphore_mem>>) src(%dma_wait3A_252 : memref<10000x128xf32, #tpu.memory_space<hbm>>) dst(%dma_wait3A_246 : memref<80x128xf32, #tpu.memory_space<vmem>>)
        %add3A_253 = arith.constant 2 : i32
        %add3A_254 = arith.addi %add3A_219, %add3A_253 : i32
        %lt3A_255 = arith.constant 50 : i32
        %lt3A_256 = arith.cmpi slt, %add3A_254, %lt3A_255 : i32
        %convert_element_type3A_257 = arith.extui %lt3A_256 : i1 to i32
        %cond3A_258 = arith.constant 0 : i32
        %cond3A_259 = arith.cmpi ne, %convert_element_type3A_257, %cond3A_258 : i32
        scf.if %cond3A_259 {
          %add3A_260 = arith.constant 2 : i32
          %add3A_261 = arith.addi %add3A_219, %add3A_260 : i32
          %dma_start3A_262 = arith.constant 2 : i32
          %dma_start3A_263 = arith.constant 0 : i32
          %dma_start3A_264 = arith.constant 0 : i32
          %dma_start3A_265 = tpu.memref_slice %arg9[%dma_start3A_262, %dma_start3A_263, %dma_start3A_264] : memref<3x80x128xf32, #tpu.memory_space<vmem>> -> memref<1x80x128xf32, #tpu.memory_space<vmem>>
          %dma_start3A_266 = tpu.memref_squeeze %dma_start3A_265 : memref<1x80x128xf32, #tpu.memory_space<vmem>> -> memref<80x128xf32, #tpu.memory_space<vmem>>
          %dma_start3A_267 = arith.constant 0 : i32
          %dma_start3A_268 = tpu.memref_slice %arg7[%add3A_261, %dma_start3A_267] : memref<50x80xi32, #tpu.memory_space<vmem>> -> memref<1x80xi32, #tpu.memory_space<vmem>>
          %dma_start3A_269 = tpu.memref_squeeze %dma_start3A_268 : memref<1x80xi32, #tpu.memory_space<vmem>> -> memref<80xi32, #tpu.memory_space<vmem>>
          %dma_start3A_270 = arith.constant 0 : i32
          %dma_start3A_271 = arith.constant 0 : i32
          %dma_start3A_272 = tpu.memref_slice %arg2[%dma_start3A_270, %dma_start3A_271] : memref<10000x128xf32, #tpu.memory_space<hbm>> -> memref<10000x128xf32, #tpu.memory_space<hbm>>
          tpu.enqueue_indirect_dma source(%dma_start3A_272 : memref<10000x128xf32, #tpu.memory_space<hbm>>) target(%dma_start3A_266 : memref<80x128xf32, #tpu.memory_space<vmem>>) offsets(%dma_start3A_269 : memref<80xi32, #tpu.memory_space<vmem>>) semaphore(%arg12 : memref<!tpu.dma_semaphore, #tpu.memory_space<semaphore_mem>>)
        } else {
        }
        %run_scoped3A = arith.constant 0 : i32
        "tpu.region"() ({
          %run_scoped3A_260 = tpu.sem_alloc : memref<!tpu.dma_semaphore, #tpu.memory_space<semaphore_mem>>
          %dma_start3A_261 = arith.constant 0 : i32
          %dma_start3A_262 = arith.constant 0 : i32
          %dma_start3A_263 = tpu.memref_slice %arg9[%run_scoped3A, %dma_start3A_261, %dma_start3A_262] : memref<3x80x128xf32, #tpu.memory_space<vmem>> -> memref<1x80x128xf32, #tpu.memory_space<vmem>>
          %dma_start3A_264 = tpu.memref_squeeze %dma_start3A_263 : memref<1x80x128xf32, #tpu.memory_space<vmem>> -> memref<80x128xf32, #tpu.memory_space<vmem>>
          %dma_start3A_265 = arith.constant 0 : i32
          %dma_start3A_266 = tpu.memref_slice %arg8[%add3A_219, %dma_start3A_265] : memref<50x80xi32, #tpu.memory_space<vmem>> -> memref<1x80xi32, #tpu.memory_space<vmem>>
          %dma_start3A_267 = tpu.memref_squeeze %dma_start3A_266 : memref<1x80xi32, #tpu.memory_space<vmem>> -> memref<80xi32, #tpu.memory_space<vmem>>
          %dma_start3A_268 = arith.constant 0 : i32
          %dma_start3A_269 = arith.constant 0 : i32
          %dma_start3A_270 = tpu.memref_slice %arg6[%dma_start3A_268, %dma_start3A_269] : memref<10000x128xf32, #tpu.memory_space<vmem_shared>> -> memref<10000x128xf32, #tpu.memory_space<vmem_shared>>
          tpu.enqueue_indirect_dma source(%dma_start3A_264 : memref<80x128xf32, #tpu.memory_space<vmem>>) target(%dma_start3A_270 : memref<10000x128xf32, #tpu.memory_space<vmem_shared>>) offsets(%dma_start3A_267 : memref<80xi32, #tpu.memory_space<vmem>>) semaphore(%run_scoped3A_260 : memref<!tpu.dma_semaphore, #tpu.memory_space<semaphore_mem>>) {add = true}
          %dma_wait3A_271 = arith.constant 0 : i32
          %dma_wait3A_272 = arith.constant 0 : i32
          %dma_wait3A_273 = tpu.memref_slice %arg9[%run_scoped3A, %dma_wait3A_271, %dma_wait3A_272] : memref<3x80x128xf32, #tpu.memory_space<vmem>> -> memref<1x80x128xf32, #tpu.memory_space<vmem>>
          %dma_wait3A_274 = tpu.memref_squeeze %dma_wait3A_273 : memref<1x80x128xf32, #tpu.memory_space<vmem>> -> memref<80x128xf32, #tpu.memory_space<vmem>>
          %dma_wait3A_275 = arith.constant 0 : i32
          %dma_wait3A_276 = tpu.memref_slice %arg8[%add3A_219, %dma_wait3A_275] : memref<50x80xi32, #tpu.memory_space<vmem>> -> memref<1x80xi32, #tpu.memory_space<vmem>>
          %dma_wait3A_277 = tpu.memref_squeeze %dma_wait3A_276 : memref<1x80xi32, #tpu.memory_space<vmem>> -> memref<80xi32, #tpu.memory_space<vmem>>
          %dma_wait3A_278 = arith.constant 0 : i32
          %dma_wait3A_279 = arith.constant 0 : i32
          %dma_wait3A_280 = tpu.memref_slice %arg6[%dma_wait3A_278, %dma_wait3A_279] : memref<10000x128xf32, #tpu.memory_space<vmem_shared>> -> memref<10000x128xf32, #tpu.memory_space<vmem_shared>>
          tpu.wait_indirect_dma semaphore(%run_scoped3A_260 : memref<!tpu.dma_semaphore, #tpu.memory_space<semaphore_mem>>) src(%dma_wait3A_274 : memref<80x128xf32, #tpu.memory_space<vmem>>) dst(%dma_wait3A_280 : memref<10000x128xf32, #tpu.memory_space<vmem_shared>>)
          tpu.yield
        }) : () -> ()
      } else {
      }
      %mul3A_225 = arith.constant 3 : i32
      %mul3A_226 = arith.muli %scan3A_216, %mul3A_225 : i32
      %add3A_227 = arith.constant 1 : i32
      %add3A_228 = arith.addi %mul3A_226, %add3A_227 : i32
      %lt3A_229 = arith.constant 50 : i32
      %lt3A_230 = arith.cmpi slt, %add3A_228, %lt3A_229 : i32
      %convert_element_type3A_231 = arith.extui %lt3A_230 : i1 to i32
      %cond3A_232 = arith.constant 0 : i32
      %cond3A_233 = arith.cmpi ne, %convert_element_type3A_231, %cond3A_232 : i32
      scf.if %cond3A_233 {
        %dma_wait3A = arith.constant 1 : i32
        %dma_wait3A_243 = arith.constant 0 : i32
        %dma_wait3A_244 = arith.constant 0 : i32
        %dma_wait3A_245 = tpu.memref_slice %arg9[%dma_wait3A, %dma_wait3A_243, %dma_wait3A_244] : memref<3x80x128xf32, #tpu.memory_space<vmem>> -> memref<1x80x128xf32, #tpu.memory_space<vmem>>
        %dma_wait3A_246 = tpu.memref_squeeze %dma_wait3A_245 : memref<1x80x128xf32, #tpu.memory_space<vmem>> -> memref<80x128xf32, #tpu.memory_space<vmem>>
        %dma_wait3A_247 = arith.constant 0 : i32
        %dma_wait3A_248 = tpu.memref_slice %arg7[%add3A_228, %dma_wait3A_247] : memref<50x80xi32, #tpu.memory_space<vmem>> -> memref<1x80xi32, #tpu.memory_space<vmem>>
        %dma_wait3A_249 = tpu.memref_squeeze %dma_wait3A_248 : memref<1x80xi32, #tpu.memory_space<vmem>> -> memref<80xi32, #tpu.memory_space<vmem>>
        %dma_wait3A_250 = arith.constant 0 : i32
        %dma_wait3A_251 = arith.constant 0 : i32
        %dma_wait3A_252 = tpu.memref_slice %arg2[%dma_wait3A_250, %dma_wait3A_251] : memref<10000x128xf32, #tpu.memory_space<hbm>> -> memref<10000x128xf32, #tpu.memory_space<hbm>>
        tpu.wait_indirect_dma semaphore(%arg11 : memref<!tpu.dma_semaphore, #tpu.memory_space<semaphore_mem>>) src(%dma_wait3A_252 : memref<10000x128xf32, #tpu.memory_space<hbm>>) dst(%dma_wait3A_246 : memref<80x128xf32, #tpu.memory_space<vmem>>)
        %add3A_253 = arith.constant 2 : i32
        %add3A_254 = arith.addi %add3A_228, %add3A_253 : i32
        %lt3A_255 = arith.constant 50 : i32
        %lt3A_256 = arith.cmpi slt, %add3A_254, %lt3A_255 : i32
        %convert_element_type3A_257 = arith.extui %lt3A_256 : i1 to i32
        %cond3A_258 = arith.constant 0 : i32
        %cond3A_259 = arith.cmpi ne, %convert_element_type3A_257, %cond3A_258 : i32
        scf.if %cond3A_259 {
          %add3A_260 = arith.constant 2 : i32
          %add3A_261 = arith.addi %add3A_228, %add3A_260 : i32
          %dma_start3A_262 = arith.constant 0 : i32
          %dma_start3A_263 = arith.constant 0 : i32
          %dma_start3A_264 = arith.constant 0 : i32
          %dma_start3A_265 = tpu.memref_slice %arg9[%dma_start3A_262, %dma_start3A_263, %dma_start3A_264] : memref<3x80x128xf32, #tpu.memory_space<vmem>> -> memref<1x80x128xf32, #tpu.memory_space<vmem>>
          %dma_start3A_266 = tpu.memref_squeeze %dma_start3A_265 : memref<1x80x128xf32, #tpu.memory_space<vmem>> -> memref<80x128xf32, #tpu.memory_space<vmem>>
          %dma_start3A_267 = arith.constant 0 : i32
          %dma_start3A_268 = tpu.memref_slice %arg7[%add3A_261, %dma_start3A_267] : memref<50x80xi32, #tpu.memory_space<vmem>> -> memref<1x80xi32, #tpu.memory_space<vmem>>
          %dma_start3A_269 = tpu.memref_squeeze %dma_start3A_268 : memref<1x80xi32, #tpu.memory_space<vmem>> -> memref<80xi32, #tpu.memory_space<vmem>>
          %dma_start3A_270 = arith.constant 0 : i32
          %dma_start3A_271 = arith.constant 0 : i32
          %dma_start3A_272 = tpu.memref_slice %arg2[%dma_start3A_270, %dma_start3A_271] : memref<10000x128xf32, #tpu.memory_space<hbm>> -> memref<10000x128xf32, #tpu.memory_space<hbm>>
          tpu.enqueue_indirect_dma source(%dma_start3A_272 : memref<10000x128xf32, #tpu.memory_space<hbm>>) target(%dma_start3A_266 : memref<80x128xf32, #tpu.memory_space<vmem>>) offsets(%dma_start3A_269 : memref<80xi32, #tpu.memory_space<vmem>>) semaphore(%arg10 : memref<!tpu.dma_semaphore, #tpu.memory_space<semaphore_mem>>)
        } else {
        }
        %run_scoped3A = arith.constant 1 : i32
        "tpu.region"() ({
          %run_scoped3A_260 = tpu.sem_alloc : memref<!tpu.dma_semaphore, #tpu.memory_space<semaphore_mem>>
          %dma_start3A_261 = arith.constant 0 : i32
          %dma_start3A_262 = arith.constant 0 : i32
          %dma_start3A_263 = tpu.memref_slice %arg9[%run_scoped3A, %dma_start3A_261, %dma_start3A_262] : memref<3x80x128xf32, #tpu.memory_space<vmem>> -> memref<1x80x128xf32, #tpu.memory_space<vmem>>
          %dma_start3A_264 = tpu.memref_squeeze %dma_start3A_263 : memref<1x80x128xf32, #tpu.memory_space<vmem>> -> memref<80x128xf32, #tpu.memory_space<vmem>>
          %dma_start3A_265 = arith.constant 0 : i32
          %dma_start3A_266 = tpu.memref_slice %arg8[%add3A_228, %dma_start3A_265] : memref<50x80xi32, #tpu.memory_space<vmem>> -> memref<1x80xi32, #tpu.memory_space<vmem>>
          %dma_start3A_267 = tpu.memref_squeeze %dma_start3A_266 : memref<1x80xi32, #tpu.memory_space<vmem>> -> memref<80xi32, #tpu.memory_space<vmem>>
          %dma_start3A_268 = arith.constant 0 : i32
          %dma_start3A_269 = arith.constant 0 : i32
          %dma_start3A_270 = tpu.memref_slice %arg6[%dma_start3A_268, %dma_start3A_269] : memref<10000x128xf32, #tpu.memory_space<vmem_shared>> -> memref<10000x128xf32, #tpu.memory_space<vmem_shared>>
          tpu.enqueue_indirect_dma source(%dma_start3A_264 : memref<80x128xf32, #tpu.memory_space<vmem>>) target(%dma_start3A_270 : memref<10000x128xf32, #tpu.memory_space<vmem_shared>>) offsets(%dma_start3A_267 : memref<80xi32, #tpu.memory_space<vmem>>) semaphore(%run_scoped3A_260 : memref<!tpu.dma_semaphore, #tpu.memory_space<semaphore_mem>>) {add = true}
          %dma_wait3A_271 = arith.constant 0 : i32
          %dma_wait3A_272 = arith.constant 0 : i32
          %dma_wait3A_273 = tpu.memref_slice %arg9[%run_scoped3A, %dma_wait3A_271, %dma_wait3A_272] : memref<3x80x128xf32, #tpu.memory_space<vmem>> -> memref<1x80x128xf32, #tpu.memory_space<vmem>>
          %dma_wait3A_274 = tpu.memref_squeeze %dma_wait3A_273 : memref<1x80x128xf32, #tpu.memory_space<vmem>> -> memref<80x128xf32, #tpu.memory_space<vmem>>
          %dma_wait3A_275 = arith.constant 0 : i32
          %dma_wait3A_276 = tpu.memref_slice %arg8[%add3A_228, %dma_wait3A_275] : memref<50x80xi32, #tpu.memory_space<vmem>> -> memref<1x80xi32, #tpu.memory_space<vmem>>
          %dma_wait3A_277 = tpu.memref_squeeze %dma_wait3A_276 : memref<1x80xi32, #tpu.memory_space<vmem>> -> memref<80xi32, #tpu.memory_space<vmem>>
          %dma_wait3A_278 = arith.constant 0 : i32
          %dma_wait3A_279 = arith.constant 0 : i32
          %dma_wait3A_280 = tpu.memref_slice %arg6[%dma_wait3A_278, %dma_wait3A_279] : memref<10000x128xf32, #tpu.memory_space<vmem_shared>> -> memref<10000x128xf32, #tpu.memory_space<vmem_shared>>
          tpu.wait_indirect_dma semaphore(%run_scoped3A_260 : memref<!tpu.dma_semaphore, #tpu.memory_space<semaphore_mem>>) src(%dma_wait3A_274 : memref<80x128xf32, #tpu.memory_space<vmem>>) dst(%dma_wait3A_280 : memref<10000x128xf32, #tpu.memory_space<vmem_shared>>)
          tpu.yield
        }) : () -> ()
      } else {
      }
      %mul3A_234 = arith.constant 3 : i32
      %mul3A_235 = arith.muli %scan3A_216, %mul3A_234 : i32
      %add3A_236 = arith.constant 2 : i32
      %add3A_237 = arith.addi %mul3A_235, %add3A_236 : i32
      %lt3A_238 = arith.constant 50 : i32
      %lt3A_239 = arith.cmpi slt, %add3A_237, %lt3A_238 : i32
      %convert_element_type3A_240 = arith.extui %lt3A_239 : i1 to i32
      %cond3A_241 = arith.constant 0 : i32
      %cond3A_242 = arith.cmpi ne, %convert_element_type3A_240, %cond3A_241 : i32
      scf.if %cond3A_242 {
        %dma_wait3A = arith.constant 2 : i32
        %dma_wait3A_243 = arith.constant 0 : i32
        %dma_wait3A_244 = arith.constant 0 : i32
        %dma_wait3A_245 = tpu.memref_slice %arg9[%dma_wait3A, %dma_wait3A_243, %dma_wait3A_244] : memref<3x80x128xf32, #tpu.memory_space<vmem>> -> memref<1x80x128xf32, #tpu.memory_space<vmem>>
        %dma_wait3A_246 = tpu.memref_squeeze %dma_wait3A_245 : memref<1x80x128xf32, #tpu.memory_space<vmem>> -> memref<80x128xf32, #tpu.memory_space<vmem>>
        %dma_wait3A_247 = arith.constant 0 : i32
        %dma_wait3A_248 = tpu.memref_slice %arg7[%add3A_237, %dma_wait3A_247] : memref<50x80xi32, #tpu.memory_space<vmem>> -> memref<1x80xi32, #tpu.memory_space<vmem>>
        %dma_wait3A_249 = tpu.memref_squeeze %dma_wait3A_248 : memref<1x80xi32, #tpu.memory_space<vmem>> -> memref<80xi32, #tpu.memory_space<vmem>>
        %dma_wait3A_250 = arith.constant 0 : i32
        %dma_wait3A_251 = arith.constant 0 : i32
        %dma_wait3A_252 = tpu.memref_slice %arg2[%dma_wait3A_250, %dma_wait3A_251] : memref<10000x128xf32, #tpu.memory_space<hbm>> -> memref<10000x128xf32, #tpu.memory_space<hbm>>
        tpu.wait_indirect_dma semaphore(%arg12 : memref<!tpu.dma_semaphore, #tpu.memory_space<semaphore_mem>>) src(%dma_wait3A_252 : memref<10000x128xf32, #tpu.memory_space<hbm>>) dst(%dma_wait3A_246 : memref<80x128xf32, #tpu.memory_space<vmem>>)
        %add3A_253 = arith.constant 2 : i32
        %add3A_254 = arith.addi %add3A_237, %add3A_253 : i32
        %lt3A_255 = arith.constant 50 : i32
        %lt3A_256 = arith.cmpi slt, %add3A_254, %lt3A_255 : i32
        %convert_element_type3A_257 = arith.extui %lt3A_256 : i1 to i32
        %cond3A_258 = arith.constant 0 : i32
        %cond3A_259 = arith.cmpi ne, %convert_element_type3A_257, %cond3A_258 : i32
        scf.if %cond3A_259 {
          %add3A_260 = arith.constant 2 : i32
          %add3A_261 = arith.addi %add3A_237, %add3A_260 : i32
          %dma_start3A_262 = arith.constant 1 : i32
          %dma_start3A_263 = arith.constant 0 : i32
          %dma_start3A_264 = arith.constant 0 : i32
          %dma_start3A_265 = tpu.memref_slice %arg9[%dma_start3A_262, %dma_start3A_263, %dma_start3A_264] : memref<3x80x128xf32, #tpu.memory_space<vmem>> -> memref<1x80x128xf32, #tpu.memory_space<vmem>>
          %dma_start3A_266 = tpu.memref_squeeze %dma_start3A_265 : memref<1x80x128xf32, #tpu.memory_space<vmem>> -> memref<80x128xf32, #tpu.memory_space<vmem>>
          %dma_start3A_267 = arith.constant 0 : i32
          %dma_start3A_268 = tpu.memref_slice %arg7[%add3A_261, %dma_start3A_267] : memref<50x80xi32, #tpu.memory_space<vmem>> -> memref<1x80xi32, #tpu.memory_space<vmem>>
          %dma_start3A_269 = tpu.memref_squeeze %dma_start3A_268 : memref<1x80xi32, #tpu.memory_space<vmem>> -> memref<80xi32, #tpu.memory_space<vmem>>
          %dma_start3A_270 = arith.constant 0 : i32
          %dma_start3A_271 = arith.constant 0 : i32
          %dma_start3A_272 = tpu.memref_slice %arg2[%dma_start3A_270, %dma_start3A_271] : memref<10000x128xf32, #tpu.memory_space<hbm>> -> memref<10000x128xf32, #tpu.memory_space<hbm>>
          tpu.enqueue_indirect_dma source(%dma_start3A_272 : memref<10000x128xf32, #tpu.memory_space<hbm>>) target(%dma_start3A_266 : memref<80x128xf32, #tpu.memory_space<vmem>>) offsets(%dma_start3A_269 : memref<80xi32, #tpu.memory_space<vmem>>) semaphore(%arg11 : memref<!tpu.dma_semaphore, #tpu.memory_space<semaphore_mem>>)
        } else {
        }
        %run_scoped3A = arith.constant 2 : i32
        "tpu.region"() ({
          %run_scoped3A_260 = tpu.sem_alloc : memref<!tpu.dma_semaphore, #tpu.memory_space<semaphore_mem>>
          %dma_start3A_261 = arith.constant 0 : i32
          %dma_start3A_262 = arith.constant 0 : i32
          %dma_start3A_263 = tpu.memref_slice %arg9[%run_scoped3A, %dma_start3A_261, %dma_start3A_262] : memref<3x80x128xf32, #tpu.memory_space<vmem>> -> memref<1x80x128xf32, #tpu.memory_space<vmem>>
          %dma_start3A_264 = tpu.memref_squeeze %dma_start3A_263 : memref<1x80x128xf32, #tpu.memory_space<vmem>> -> memref<80x128xf32, #tpu.memory_space<vmem>>
          %dma_start3A_265 = arith.constant 0 : i32
          %dma_start3A_266 = tpu.memref_slice %arg8[%add3A_237, %dma_start3A_265] : memref<50x80xi32, #tpu.memory_space<vmem>> -> memref<1x80xi32, #tpu.memory_space<vmem>>
          %dma_start3A_267 = tpu.memref_squeeze %dma_start3A_266 : memref<1x80xi32, #tpu.memory_space<vmem>> -> memref<80xi32, #tpu.memory_space<vmem>>
          %dma_start3A_268 = arith.constant 0 : i32
          %dma_start3A_269 = arith.constant 0 : i32
          %dma_start3A_270 = tpu.memref_slice %arg6[%dma_start3A_268, %dma_start3A_269] : memref<10000x128xf32, #tpu.memory_space<vmem_shared>> -> memref<10000x128xf32, #tpu.memory_space<vmem_shared>>
          tpu.enqueue_indirect_dma source(%dma_start3A_264 : memref<80x128xf32, #tpu.memory_space<vmem>>) target(%dma_start3A_270 : memref<10000x128xf32, #tpu.memory_space<vmem_shared>>) offsets(%dma_start3A_267 : memref<80xi32, #tpu.memory_space<vmem>>) semaphore(%run_scoped3A_260 : memref<!tpu.dma_semaphore, #tpu.memory_space<semaphore_mem>>) {add = true}
          %dma_wait3A_271 = arith.constant 0 : i32
          %dma_wait3A_272 = arith.constant 0 : i32
          %dma_wait3A_273 = tpu.memref_slice %arg9[%run_scoped3A, %dma_wait3A_271, %dma_wait3A_272] : memref<3x80x128xf32, #tpu.memory_space<vmem>> -> memref<1x80x128xf32, #tpu.memory_space<vmem>>
          %dma_wait3A_274 = tpu.memref_squeeze %dma_wait3A_273 : memref<1x80x128xf32, #tpu.memory_space<vmem>> -> memref<80x128xf32, #tpu.memory_space<vmem>>
          %dma_wait3A_275 = arith.constant 0 : i32
          %dma_wait3A_276 = tpu.memref_slice %arg8[%add3A_237, %dma_wait3A_275] : memref<50x80xi32, #tpu.memory_space<vmem>> -> memref<1x80xi32, #tpu.memory_space<vmem>>
          %dma_wait3A_277 = tpu.memref_squeeze %dma_wait3A_276 : memref<1x80xi32, #tpu.memory_space<vmem>> -> memref<80xi32, #tpu.memory_space<vmem>>
          %dma_wait3A_278 = arith.constant 0 : i32
          %dma_wait3A_279 = arith.constant 0 : i32
          %dma_wait3A_280 = tpu.memref_slice %arg6[%dma_wait3A_278, %dma_wait3A_279] : memref<10000x128xf32, #tpu.memory_space<vmem_shared>> -> memref<10000x128xf32, #tpu.memory_space<vmem_shared>>
          tpu.wait_indirect_dma semaphore(%run_scoped3A_260 : memref<!tpu.dma_semaphore, #tpu.memory_space<semaphore_mem>>) src(%dma_wait3A_274 : memref<80x128xf32, #tpu.memory_space<vmem>>) dst(%dma_wait3A_280 : memref<10000x128xf32, #tpu.memory_space<vmem_shared>>)
          tpu.yield
        }) : () -> ()
      } else {
      }
    }
    %scan3A_44 = arith.constant 17 : i32
    %eq3A_45 = arith.constant 0 : i32
    %eq3A_46 = arith.cmpi eq, %arg0, %eq3A_45 : i32
    %convert_element_type3A_47 = arith.extui %eq3A_46 : i1 to i32
    %cond3A_48 = arith.constant 0 : i32
    %cond3A_49 = arith.cmpi ne, %convert_element_type3A_47, %cond3A_48 : i32
    scf.if %cond3A_49 {
      %run_scoped3A = arith.constant 0 : i32
      %run_scoped3A_216 = arith.constant 1 : i32
      "tpu.region"() ({
        %run_scoped3A_219 = tpu.sem_alloc : memref<!tpu.dma_semaphore, #tpu.memory_space<semaphore_mem>>
        %dma_start3A_220 = arith.constant 0 : i32
        %dma_start3A_221 = arith.constant 0 : i32
        %dma_start3A_222 = tpu.memref_slice %arg3[%run_scoped3A, %arg1, %run_scoped3A_216, %dma_start3A_220, %dma_start3A_221] : memref<2x16x5x50x80xi32, #tpu.memory_space<hbm>> -> memref<1x1x1x50x80xi32, #tpu.memory_space<hbm>>
        %dma_start3A_223 = tpu.memref_squeeze %dma_start3A_222 : memref<1x1x1x50x80xi32, #tpu.memory_space<hbm>> -> memref<50x80xi32, #tpu.memory_space<hbm>>
        %dma_start3A_224 = arith.constant 0 : i32
        %dma_start3A_225 = arith.constant 0 : i32
        %dma_start3A_226 = tpu.memref_slice %arg3[%run_scoped3A, %arg1, %run_scoped3A_216, %dma_start3A_224, %dma_start3A_225] : memref<2x16x5x50x80xi32, #tpu.memory_space<hbm>> -> memref<1x1x1x50x80xi32, #tpu.memory_space<hbm>>
        %dma_start3A_227 = tpu.memref_squeeze %dma_start3A_226 : memref<1x1x1x50x80xi32, #tpu.memory_space<hbm>> -> memref<50x80xi32, #tpu.memory_space<hbm>>
        tpu.enqueue_dma source(%dma_start3A_227 : memref<50x80xi32, #tpu.memory_space<hbm>>) target(%arg7 : memref<50x80xi32, #tpu.memory_space<vmem>>) target_semaphore(%run_scoped3A_219 : memref<!tpu.dma_semaphore, #tpu.memory_space<semaphore_mem>>)
        %dma_wait3A = arith.constant 0 : i32
        %dma_wait3A_228 = arith.constant 0 : i32
        %dma_wait3A_229 = tpu.memref_slice %arg3[%run_scoped3A, %arg1, %run_scoped3A_216, %dma_wait3A, %dma_wait3A_228] : memref<2x16x5x50x80xi32, #tpu.memory_space<hbm>> -> memref<1x1x1x50x80xi32, #tpu.memory_space<hbm>>
        %dma_wait3A_230 = tpu.memref_squeeze %dma_wait3A_229 : memref<1x1x1x50x80xi32, #tpu.memory_space<hbm>> -> memref<50x80xi32, #tpu.memory_space<hbm>>
        %dma_wait3A_231 = arith.constant 0 : i32
        %dma_wait3A_232 = arith.constant 0 : i32
        %dma_wait3A_233 = tpu.memref_slice %arg3[%run_scoped3A, %arg1, %run_scoped3A_216, %dma_wait3A_231, %dma_wait3A_232] : memref<2x16x5x50x80xi32, #tpu.memory_space<hbm>> -> memref<1x1x1x50x80xi32, #tpu.memory_space<hbm>>
        %dma_wait3A_234 = tpu.memref_squeeze %dma_wait3A_233 : memref<1x1x1x50x80xi32, #tpu.memory_space<hbm>> -> memref<50x80xi32, #tpu.memory_space<hbm>>
        tpu.wait_dma2 semaphore(%run_scoped3A_219 : memref<!tpu.dma_semaphore, #tpu.memory_space<semaphore_mem>>) src(%dma_wait3A_234 : memref<50x80xi32, #tpu.memory_space<hbm>>) dst(%arg7 : memref<50x80xi32, #tpu.memory_space<vmem>>)
        tpu.yield
      }) : () -> ()
      %run_scoped3A_217 = arith.constant 1 : i32
      %run_scoped3A_218 = arith.constant 1 : i32
      "tpu.region"() ({
        %run_scoped3A_219 = tpu.sem_alloc : memref<!tpu.dma_semaphore, #tpu.memory_space<semaphore_mem>>
        %dma_start3A_220 = arith.constant 0 : i32
        %dma_start3A_221 = arith.constant 0 : i32
        %dma_start3A_222 = tpu.memref_slice %arg3[%run_scoped3A_217, %arg1, %run_scoped3A_218, %dma_start3A_220, %dma_start3A_221] : memref<2x16x5x50x80xi32, #tpu.memory_space<hbm>> -> memref<1x1x1x50x80xi32, #tpu.memory_space<hbm>>
        %dma_start3A_223 = tpu.memref_squeeze %dma_start3A_222 : memref<1x1x1x50x80xi32, #tpu.memory_space<hbm>> -> memref<50x80xi32, #tpu.memory_space<hbm>>
        %dma_start3A_224 = arith.constant 0 : i32
        %dma_start3A_225 = arith.constant 0 : i32
        %dma_start3A_226 = tpu.memref_slice %arg3[%run_scoped3A_217, %arg1, %run_scoped3A_218, %dma_start3A_224, %dma_start3A_225] : memref<2x16x5x50x80xi32, #tpu.memory_space<hbm>> -> memref<1x1x1x50x80xi32, #tpu.memory_space<hbm>>
        %dma_start3A_227 = tpu.memref_squeeze %dma_start3A_226 : memref<1x1x1x50x80xi32, #tpu.memory_space<hbm>> -> memref<50x80xi32, #tpu.memory_space<hbm>>
        tpu.enqueue_dma source(%dma_start3A_227 : memref<50x80xi32, #tpu.memory_space<hbm>>) target(%arg8 : memref<50x80xi32, #tpu.memory_space<vmem>>) target_semaphore(%run_scoped3A_219 : memref<!tpu.dma_semaphore, #tpu.memory_space<semaphore_mem>>)
        %dma_wait3A = arith.constant 0 : i32
        %dma_wait3A_228 = arith.constant 0 : i32
        %dma_wait3A_229 = tpu.memref_slice %arg3[%run_scoped3A_217, %arg1, %run_scoped3A_218, %dma_wait3A, %dma_wait3A_228] : memref<2x16x5x50x80xi32, #tpu.memory_space<hbm>> -> memref<1x1x1x50x80xi32, #tpu.memory_space<hbm>>
        %dma_wait3A_230 = tpu.memref_squeeze %dma_wait3A_229 : memref<1x1x1x50x80xi32, #tpu.memory_space<hbm>> -> memref<50x80xi32, #tpu.memory_space<hbm>>
        %dma_wait3A_231 = arith.constant 0 : i32
        %dma_wait3A_232 = arith.constant 0 : i32
        %dma_wait3A_233 = tpu.memref_slice %arg3[%run_scoped3A_217, %arg1, %run_scoped3A_218, %dma_wait3A_231, %dma_wait3A_232] : memref<2x16x5x50x80xi32, #tpu.memory_space<hbm>> -> memref<1x1x1x50x80xi32, #tpu.memory_space<hbm>>
        %dma_wait3A_234 = tpu.memref_squeeze %dma_wait3A_233 : memref<1x1x1x50x80xi32, #tpu.memory_space<hbm>> -> memref<50x80xi32, #tpu.memory_space<hbm>>
        tpu.wait_dma2 semaphore(%run_scoped3A_219 : memref<!tpu.dma_semaphore, #tpu.memory_space<semaphore_mem>>) src(%dma_wait3A_234 : memref<50x80xi32, #tpu.memory_space<hbm>>) dst(%arg8 : memref<50x80xi32, #tpu.memory_space<vmem>>)
        tpu.yield
      }) : () -> ()
    } else {
    }
    %eq3A_50 = arith.constant 1 : i32
    %eq3A_51 = arith.cmpi eq, %arg0, %eq3A_50 : i32
    %convert_element_type3A_52 = arith.extui %eq3A_51 : i1 to i32
    %cond3A_53 = arith.constant 0 : i32
    %cond3A_54 = arith.cmpi ne, %convert_element_type3A_52, %cond3A_53 : i32
    scf.if %cond3A_54 {
      %run_scoped3A = arith.constant 0 : i32
      %run_scoped3A_216 = arith.constant 1 : i32
      "tpu.region"() ({
        %run_scoped3A_219 = tpu.sem_alloc : memref<!tpu.dma_semaphore, #tpu.memory_space<semaphore_mem>>
        %dma_start3A_220 = arith.constant 0 : i32
        %dma_start3A_221 = arith.constant 0 : i32
        %dma_start3A_222 = tpu.memref_slice %arg4[%run_scoped3A, %arg1, %run_scoped3A_216, %dma_start3A_220, %dma_start3A_221] : memref<2x16x5x50x80xi32, #tpu.memory_space<hbm>> -> memref<1x1x1x50x80xi32, #tpu.memory_space<hbm>>
        %dma_start3A_223 = tpu.memref_squeeze %dma_start3A_222 : memref<1x1x1x50x80xi32, #tpu.memory_space<hbm>> -> memref<50x80xi32, #tpu.memory_space<hbm>>
        %dma_start3A_224 = arith.constant 0 : i32
        %dma_start3A_225 = arith.constant 0 : i32
        %dma_start3A_226 = tpu.memref_slice %arg4[%run_scoped3A, %arg1, %run_scoped3A_216, %dma_start3A_224, %dma_start3A_225] : memref<2x16x5x50x80xi32, #tpu.memory_space<hbm>> -> memref<1x1x1x50x80xi32, #tpu.memory_space<hbm>>
        %dma_start3A_227 = tpu.memref_squeeze %dma_start3A_226 : memref<1x1x1x50x80xi32, #tpu.memory_space<hbm>> -> memref<50x80xi32, #tpu.memory_space<hbm>>
        tpu.enqueue_dma source(%dma_start3A_227 : memref<50x80xi32, #tpu.memory_space<hbm>>) target(%arg7 : memref<50x80xi32, #tpu.memory_space<vmem>>) target_semaphore(%run_scoped3A_219 : memref<!tpu.dma_semaphore, #tpu.memory_space<semaphore_mem>>)
        %dma_wait3A = arith.constant 0 : i32
        %dma_wait3A_228 = arith.constant 0 : i32
        %dma_wait3A_229 = tpu.memref_slice %arg4[%run_scoped3A, %arg1, %run_scoped3A_216, %dma_wait3A, %dma_wait3A_228] : memref<2x16x5x50x80xi32, #tpu.memory_space<hbm>> -> memref<1x1x1x50x80xi32, #tpu.memory_space<hbm>>
        %dma_wait3A_230 = tpu.memref_squeeze %dma_wait3A_229 : memref<1x1x1x50x80xi32, #tpu.memory_space<hbm>> -> memref<50x80xi32, #tpu.memory_space<hbm>>
        %dma_wait3A_231 = arith.constant 0 : i32
        %dma_wait3A_232 = arith.constant 0 : i32
        %dma_wait3A_233 = tpu.memref_slice %arg4[%run_scoped3A, %arg1, %run_scoped3A_216, %dma_wait3A_231, %dma_wait3A_232] : memref<2x16x5x50x80xi32, #tpu.memory_space<hbm>> -> memref<1x1x1x50x80xi32, #tpu.memory_space<hbm>>
        %dma_wait3A_234 = tpu.memref_squeeze %dma_wait3A_233 : memref<1x1x1x50x80xi32, #tpu.memory_space<hbm>> -> memref<50x80xi32, #tpu.memory_space<hbm>>
        tpu.wait_dma2 semaphore(%run_scoped3A_219 : memref<!tpu.dma_semaphore, #tpu.memory_space<semaphore_mem>>) src(%dma_wait3A_234 : memref<50x80xi32, #tpu.memory_space<hbm>>) dst(%arg7 : memref<50x80xi32, #tpu.memory_space<vmem>>)
        tpu.yield
      }) : () -> ()
      %run_scoped3A_217 = arith.constant 1 : i32
      %run_scoped3A_218 = arith.constant 1 : i32
      "tpu.region"() ({
        %run_scoped3A_219 = tpu.sem_alloc : memref<!tpu.dma_semaphore, #tpu.memory_space<semaphore_mem>>
        %dma_start3A_220 = arith.constant 0 : i32
        %dma_start3A_221 = arith.constant 0 : i32
        %dma_start3A_222 = tpu.memref_slice %arg4[%run_scoped3A_217, %arg1, %run_scoped3A_218, %dma_start3A_220, %dma_start3A_221] : memref<2x16x5x50x80xi32, #tpu.memory_space<hbm>> -> memref<1x1x1x50x80xi32, #tpu.memory_space<hbm>>
        %dma_start3A_223 = tpu.memref_squeeze %dma_start3A_222 : memref<1x1x1x50x80xi32, #tpu.memory_space<hbm>> -> memref<50x80xi32, #tpu.memory_space<hbm>>
        %dma_start3A_224 = arith.constant 0 : i32
        %dma_start3A_225 = arith.constant 0 : i32
        %dma_start3A_226 = tpu.memref_slice %arg4[%run_scoped3A_217, %arg1, %run_scoped3A_218, %dma_start3A_224, %dma_start3A_225] : memref<2x16x5x50x80xi32, #tpu.memory_space<hbm>> -> memref<1x1x1x50x80xi32, #tpu.memory_space<hbm>>
        %dma_start3A_227 = tpu.memref_squeeze %dma_start3A_226 : memref<1x1x1x50x80xi32, #tpu.memory_space<hbm>> -> memref<50x80xi32, #tpu.memory_space<hbm>>
        tpu.enqueue_dma source(%dma_start3A_227 : memref<50x80xi32, #tpu.memory_space<hbm>>) target(%arg8 : memref<50x80xi32, #tpu.memory_space<vmem>>) target_semaphore(%run_scoped3A_219 : memref<!tpu.dma_semaphore, #tpu.memory_space<semaphore_mem>>)
        %dma_wait3A = arith.constant 0 : i32
        %dma_wait3A_228 = arith.constant 0 : i32
        %dma_wait3A_229 = tpu.memref_slice %arg4[%run_scoped3A_217, %arg1, %run_scoped3A_218, %dma_wait3A, %dma_wait3A_228] : memref<2x16x5x50x80xi32, #tpu.memory_space<hbm>> -> memref<1x1x1x50x80xi32, #tpu.memory_space<hbm>>
        %dma_wait3A_230 = tpu.memref_squeeze %dma_wait3A_229 : memref<1x1x1x50x80xi32, #tpu.memory_space<hbm>> -> memref<50x80xi32, #tpu.memory_space<hbm>>
        %dma_wait3A_231 = arith.constant 0 : i32
        %dma_wait3A_232 = arith.constant 0 : i32
        %dma_wait3A_233 = tpu.memref_slice %arg4[%run_scoped3A_217, %arg1, %run_scoped3A_218, %dma_wait3A_231, %dma_wait3A_232] : memref<2x16x5x50x80xi32, #tpu.memory_space<hbm>> -> memref<1x1x1x50x80xi32, #tpu.memory_space<hbm>>
        %dma_wait3A_234 = tpu.memref_squeeze %dma_wait3A_233 : memref<1x1x1x50x80xi32, #tpu.memory_space<hbm>> -> memref<50x80xi32, #tpu.memory_space<hbm>>
        tpu.wait_dma2 semaphore(%run_scoped3A_219 : memref<!tpu.dma_semaphore, #tpu.memory_space<semaphore_mem>>) src(%dma_wait3A_234 : memref<50x80xi32, #tpu.memory_space<hbm>>) dst(%arg8 : memref<50x80xi32, #tpu.memory_space<vmem>>)
        tpu.yield
      }) : () -> ()
    } else {
    }
    %dma_start3A_55 = arith.constant 0 : i32
    %dma_start3A_56 = arith.constant 0 : i32
    %dma_start3A_57 = arith.constant 0 : i32
    %dma_start3A_58 = arith.constant 0 : i32
    %dma_start3A_59 = tpu.memref_slice %arg9[%dma_start3A_56, %dma_start3A_57, %dma_start3A_58] : memref<3x80x128xf32, #tpu.memory_space<vmem>> -> memref<1x80x128xf32, #tpu.memory_space<vmem>>
    %dma_start3A_60 = tpu.memref_squeeze %dma_start3A_59 : memref<1x80x128xf32, #tpu.memory_space<vmem>> -> memref<80x128xf32, #tpu.memory_space<vmem>>
    %dma_start3A_61 = arith.constant 0 : i32
    %dma_start3A_62 = tpu.memref_slice %arg7[%dma_start3A_55, %dma_start3A_61] : memref<50x80xi32, #tpu.memory_space<vmem>> -> memref<1x80xi32, #tpu.memory_space<vmem>>
    %dma_start3A_63 = tpu.memref_squeeze %dma_start3A_62 : memref<1x80xi32, #tpu.memory_space<vmem>> -> memref<80xi32, #tpu.memory_space<vmem>>
    %dma_start3A_64 = arith.constant 0 : i32
    %dma_start3A_65 = arith.constant 0 : i32
    %dma_start3A_66 = tpu.memref_slice %arg2[%dma_start3A_64, %dma_start3A_65] : memref<10000x128xf32, #tpu.memory_space<hbm>> -> memref<10000x128xf32, #tpu.memory_space<hbm>>
    tpu.enqueue_indirect_dma source(%dma_start3A_66 : memref<10000x128xf32, #tpu.memory_space<hbm>>) target(%dma_start3A_60 : memref<80x128xf32, #tpu.memory_space<vmem>>) offsets(%dma_start3A_63 : memref<80xi32, #tpu.memory_space<vmem>>) semaphore(%arg10 : memref<!tpu.dma_semaphore, #tpu.memory_space<semaphore_mem>>)
    %dma_start3A_67 = arith.constant 1 : i32
    %dma_start3A_68 = arith.constant 1 : i32
    %dma_start3A_69 = arith.constant 0 : i32
    %dma_start3A_70 = arith.constant 0 : i32
    %dma_start3A_71 = tpu.memref_slice %arg9[%dma_start3A_68, %dma_start3A_69, %dma_start3A_70] : memref<3x80x128xf32, #tpu.memory_space<vmem>> -> memref<1x80x128xf32, #tpu.memory_space<vmem>>
    %dma_start3A_72 = tpu.memref_squeeze %dma_start3A_71 : memref<1x80x128xf32, #tpu.memory_space<vmem>> -> memref<80x128xf32, #tpu.memory_space<vmem>>
    %dma_start3A_73 = arith.constant 0 : i32
    %dma_start3A_74 = tpu.memref_slice %arg7[%dma_start3A_67, %dma_start3A_73] : memref<50x80xi32, #tpu.memory_space<vmem>> -> memref<1x80xi32, #tpu.memory_space<vmem>>
    %dma_start3A_75 = tpu.memref_squeeze %dma_start3A_74 : memref<1x80xi32, #tpu.memory_space<vmem>> -> memref<80xi32, #tpu.memory_space<vmem>>
    %dma_start3A_76 = arith.constant 0 : i32
    %dma_start3A_77 = arith.constant 0 : i32
    %dma_start3A_78 = tpu.memref_slice %arg2[%dma_start3A_76, %dma_start3A_77] : memref<10000x128xf32, #tpu.memory_space<hbm>> -> memref<10000x128xf32, #tpu.memory_space<hbm>>
    tpu.enqueue_indirect_dma source(%dma_start3A_78 : memref<10000x128xf32, #tpu.memory_space<hbm>>) target(%dma_start3A_72 : memref<80x128xf32, #tpu.memory_space<vmem>>) offsets(%dma_start3A_75 : memref<80xi32, #tpu.memory_space<vmem>>) semaphore(%arg11 : memref<!tpu.dma_semaphore, #tpu.memory_space<semaphore_mem>>)
    %scan3A_79 = arith.constant 0 : i32
    %scan3A_80 = arith.constant 0 : i32
    %scan3A_81 = arith.constant 17 : i32
    %scan3A_82 = arith.addi %scan3A_80, %scan3A_81 : i32
    %scan3A_83 = arith.constant 1 : i32
    scf.for %scan3A_216 = %scan3A_80 to %scan3A_82 step %scan3A_83  : i32 {
      %mul3A_217 = arith.constant 3 : i32
      %mul3A_218 = arith.muli %scan3A_216, %mul3A_217 : i32
      %add3A = arith.constant 0 : i32
      %add3A_219 = arith.addi %mul3A_218, %add3A : i32
      %lt3A_220 = arith.constant 50 : i32
      %lt3A_221 = arith.cmpi slt, %add3A_219, %lt3A_220 : i32
      %convert_element_type3A_222 = arith.extui %lt3A_221 : i1 to i32
      %cond3A_223 = arith.constant 0 : i32
      %cond3A_224 = arith.cmpi ne, %convert_element_type3A_222, %cond3A_223 : i32
      scf.if %cond3A_224 {
        %dma_wait3A = arith.constant 0 : i32
        %dma_wait3A_243 = arith.constant 0 : i32
        %dma_wait3A_244 = arith.constant 0 : i32
        %dma_wait3A_245 = tpu.memref_slice %arg9[%dma_wait3A, %dma_wait3A_243, %dma_wait3A_244] : memref<3x80x128xf32, #tpu.memory_space<vmem>> -> memref<1x80x128xf32, #tpu.memory_space<vmem>>
        %dma_wait3A_246 = tpu.memref_squeeze %dma_wait3A_245 : memref<1x80x128xf32, #tpu.memory_space<vmem>> -> memref<80x128xf32, #tpu.memory_space<vmem>>
        %dma_wait3A_247 = arith.constant 0 : i32
        %dma_wait3A_248 = tpu.memref_slice %arg7[%add3A_219, %dma_wait3A_247] : memref<50x80xi32, #tpu.memory_space<vmem>> -> memref<1x80xi32, #tpu.memory_space<vmem>>
        %dma_wait3A_249 = tpu.memref_squeeze %dma_wait3A_248 : memref<1x80xi32, #tpu.memory_space<vmem>> -> memref<80xi32, #tpu.memory_space<vmem>>
        %dma_wait3A_250 = arith.constant 0 : i32
        %dma_wait3A_251 = arith.constant 0 : i32
        %dma_wait3A_252 = tpu.memref_slice %arg2[%dma_wait3A_250, %dma_wait3A_251] : memref<10000x128xf32, #tpu.memory_space<hbm>> -> memref<10000x128xf32, #tpu.memory_space<hbm>>
        tpu.wait_indirect_dma semaphore(%arg10 : memref<!tpu.dma_semaphore, #tpu.memory_space<semaphore_mem>>) src(%dma_wait3A_252 : memref<10000x128xf32, #tpu.memory_space<hbm>>) dst(%dma_wait3A_246 : memref<80x128xf32, #tpu.memory_space<vmem>>)
        %add3A_253 = arith.constant 2 : i32
        %add3A_254 = arith.addi %add3A_219, %add3A_253 : i32
        %lt3A_255 = arith.constant 50 : i32
        %lt3A_256 = arith.cmpi slt, %add3A_254, %lt3A_255 : i32
        %convert_element_type3A_257 = arith.extui %lt3A_256 : i1 to i32
        %cond3A_258 = arith.constant 0 : i32
        %cond3A_259 = arith.cmpi ne, %convert_element_type3A_257, %cond3A_258 : i32
        scf.if %cond3A_259 {
          %add3A_260 = arith.constant 2 : i32
          %add3A_261 = arith.addi %add3A_219, %add3A_260 : i32
          %dma_start3A_262 = arith.constant 2 : i32
          %dma_start3A_263 = arith.constant 0 : i32
          %dma_start3A_264 = arith.constant 0 : i32
          %dma_start3A_265 = tpu.memref_slice %arg9[%dma_start3A_262, %dma_start3A_263, %dma_start3A_264] : memref<3x80x128xf32, #tpu.memory_space<vmem>> -> memref<1x80x128xf32, #tpu.memory_space<vmem>>
          %dma_start3A_266 = tpu.memref_squeeze %dma_start3A_265 : memref<1x80x128xf32, #tpu.memory_space<vmem>> -> memref<80x128xf32, #tpu.memory_space<vmem>>
          %dma_start3A_267 = arith.constant 0 : i32
          %dma_start3A_268 = tpu.memref_slice %arg7[%add3A_261, %dma_start3A_267] : memref<50x80xi32, #tpu.memory_space<vmem>> -> memref<1x80xi32, #tpu.memory_space<vmem>>
          %dma_start3A_269 = tpu.memref_squeeze %dma_start3A_268 : memref<1x80xi32, #tpu.memory_space<vmem>> -> memref<80xi32, #tpu.memory_space<vmem>>
          %dma_start3A_270 = arith.constant 0 : i32
          %dma_start3A_271 = arith.constant 0 : i32
          %dma_start3A_272 = tpu.memref_slice %arg2[%dma_start3A_270, %dma_start3A_271] : memref<10000x128xf32, #tpu.memory_space<hbm>> -> memref<10000x128xf32, #tpu.memory_space<hbm>>
          tpu.enqueue_indirect_dma source(%dma_start3A_272 : memref<10000x128xf32, #tpu.memory_space<hbm>>) target(%dma_start3A_266 : memref<80x128xf32, #tpu.memory_space<vmem>>) offsets(%dma_start3A_269 : memref<80xi32, #tpu.memory_space<vmem>>) semaphore(%arg12 : memref<!tpu.dma_semaphore, #tpu.memory_space<semaphore_mem>>)
        } else {
        }
        %run_scoped3A = arith.constant 0 : i32
        "tpu.region"() ({
          %run_scoped3A_260 = tpu.sem_alloc : memref<!tpu.dma_semaphore, #tpu.memory_space<semaphore_mem>>
          %dma_start3A_261 = arith.constant 0 : i32
          %dma_start3A_262 = arith.constant 0 : i32
          %dma_start3A_263 = tpu.memref_slice %arg9[%run_scoped3A, %dma_start3A_261, %dma_start3A_262] : memref<3x80x128xf32, #tpu.memory_space<vmem>> -> memref<1x80x128xf32, #tpu.memory_space<vmem>>
          %dma_start3A_264 = tpu.memref_squeeze %dma_start3A_263 : memref<1x80x128xf32, #tpu.memory_space<vmem>> -> memref<80x128xf32, #tpu.memory_space<vmem>>
          %dma_start3A_265 = arith.constant 0 : i32
          %dma_start3A_266 = tpu.memref_slice %arg8[%add3A_219, %dma_start3A_265] : memref<50x80xi32, #tpu.memory_space<vmem>> -> memref<1x80xi32, #tpu.memory_space<vmem>>
          %dma_start3A_267 = tpu.memref_squeeze %dma_start3A_266 : memref<1x80xi32, #tpu.memory_space<vmem>> -> memref<80xi32, #tpu.memory_space<vmem>>
          %dma_start3A_268 = arith.constant 0 : i32
          %dma_start3A_269 = arith.constant 0 : i32
          %dma_start3A_270 = tpu.memref_slice %arg6[%dma_start3A_268, %dma_start3A_269] : memref<10000x128xf32, #tpu.memory_space<vmem_shared>> -> memref<10000x128xf32, #tpu.memory_space<vmem_shared>>
          tpu.enqueue_indirect_dma source(%dma_start3A_264 : memref<80x128xf32, #tpu.memory_space<vmem>>) target(%dma_start3A_270 : memref<10000x128xf32, #tpu.memory_space<vmem_shared>>) offsets(%dma_start3A_267 : memref<80xi32, #tpu.memory_space<vmem>>) semaphore(%run_scoped3A_260 : memref<!tpu.dma_semaphore, #tpu.memory_space<semaphore_mem>>) {add = true}
          %dma_wait3A_271 = arith.constant 0 : i32
          %dma_wait3A_272 = arith.constant 0 : i32
          %dma_wait3A_273 = tpu.memref_slice %arg9[%run_scoped3A, %dma_wait3A_271, %dma_wait3A_272] : memref<3x80x128xf32, #tpu.memory_space<vmem>> -> memref<1x80x128xf32, #tpu.memory_space<vmem>>
          %dma_wait3A_274 = tpu.memref_squeeze %dma_wait3A_273 : memref<1x80x128xf32, #tpu.memory_space<vmem>> -> memref<80x128xf32, #tpu.memory_space<vmem>>
          %dma_wait3A_275 = arith.constant 0 : i32
          %dma_wait3A_276 = tpu.memref_slice %arg8[%add3A_219, %dma_wait3A_275] : memref<50x80xi32, #tpu.memory_space<vmem>> -> memref<1x80xi32, #tpu.memory_space<vmem>>
          %dma_wait3A_277 = tpu.memref_squeeze %dma_wait3A_276 : memref<1x80xi32, #tpu.memory_space<vmem>> -> memref<80xi32, #tpu.memory_space<vmem>>
          %dma_wait3A_278 = arith.constant 0 : i32
          %dma_wait3A_279 = arith.constant 0 : i32
          %dma_wait3A_280 = tpu.memref_slice %arg6[%dma_wait3A_278, %dma_wait3A_279] : memref<10000x128xf32, #tpu.memory_space<vmem_shared>> -> memref<10000x128xf32, #tpu.memory_space<vmem_shared>>
          tpu.wait_indirect_dma semaphore(%run_scoped3A_260 : memref<!tpu.dma_semaphore, #tpu.memory_space<semaphore_mem>>) src(%dma_wait3A_274 : memref<80x128xf32, #tpu.memory_space<vmem>>) dst(%dma_wait3A_280 : memref<10000x128xf32, #tpu.memory_space<vmem_shared>>)
          tpu.yield
        }) : () -> ()
      } else {
      }
      %mul3A_225 = arith.constant 3 : i32
      %mul3A_226 = arith.muli %scan3A_216, %mul3A_225 : i32
      %add3A_227 = arith.constant 1 : i32
      %add3A_228 = arith.addi %mul3A_226, %add3A_227 : i32
      %lt3A_229 = arith.constant 50 : i32
      %lt3A_230 = arith.cmpi slt, %add3A_228, %lt3A_229 : i32
      %convert_element_type3A_231 = arith.extui %lt3A_230 : i1 to i32
      %cond3A_232 = arith.constant 0 : i32
      %cond3A_233 = arith.cmpi ne, %convert_element_type3A_231, %cond3A_232 : i32
      scf.if %cond3A_233 {
        %dma_wait3A = arith.constant 1 : i32
        %dma_wait3A_243 = arith.constant 0 : i32
        %dma_wait3A_244 = arith.constant 0 : i32
        %dma_wait3A_245 = tpu.memref_slice %arg9[%dma_wait3A, %dma_wait3A_243, %dma_wait3A_244] : memref<3x80x128xf32, #tpu.memory_space<vmem>> -> memref<1x80x128xf32, #tpu.memory_space<vmem>>
        %dma_wait3A_246 = tpu.memref_squeeze %dma_wait3A_245 : memref<1x80x128xf32, #tpu.memory_space<vmem>> -> memref<80x128xf32, #tpu.memory_space<vmem>>
        %dma_wait3A_247 = arith.constant 0 : i32
        %dma_wait3A_248 = tpu.memref_slice %arg7[%add3A_228, %dma_wait3A_247] : memref<50x80xi32, #tpu.memory_space<vmem>> -> memref<1x80xi32, #tpu.memory_space<vmem>>
        %dma_wait3A_249 = tpu.memref_squeeze %dma_wait3A_248 : memref<1x80xi32, #tpu.memory_space<vmem>> -> memref<80xi32, #tpu.memory_space<vmem>>
        %dma_wait3A_250 = arith.constant 0 : i32
        %dma_wait3A_251 = arith.constant 0 : i32
        %dma_wait3A_252 = tpu.memref_slice %arg2[%dma_wait3A_250, %dma_wait3A_251] : memref<10000x128xf32, #tpu.memory_space<hbm>> -> memref<10000x128xf32, #tpu.memory_space<hbm>>
        tpu.wait_indirect_dma semaphore(%arg11 : memref<!tpu.dma_semaphore, #tpu.memory_space<semaphore_mem>>) src(%dma_wait3A_252 : memref<10000x128xf32, #tpu.memory_space<hbm>>) dst(%dma_wait3A_246 : memref<80x128xf32, #tpu.memory_space<vmem>>)
        %add3A_253 = arith.constant 2 : i32
        %add3A_254 = arith.addi %add3A_228, %add3A_253 : i32
        %lt3A_255 = arith.constant 50 : i32
        %lt3A_256 = arith.cmpi slt, %add3A_254, %lt3A_255 : i32
        %convert_element_type3A_257 = arith.extui %lt3A_256 : i1 to i32
        %cond3A_258 = arith.constant 0 : i32
        %cond3A_259 = arith.cmpi ne, %convert_element_type3A_257, %cond3A_258 : i32
        scf.if %cond3A_259 {
          %add3A_260 = arith.constant 2 : i32
          %add3A_261 = arith.addi %add3A_228, %add3A_260 : i32
          %dma_start3A_262 = arith.constant 0 : i32
          %dma_start3A_263 = arith.constant 0 : i32
          %dma_start3A_264 = arith.constant 0 : i32
          %dma_start3A_265 = tpu.memref_slice %arg9[%dma_start3A_262, %dma_start3A_263, %dma_start3A_264] : memref<3x80x128xf32, #tpu.memory_space<vmem>> -> memref<1x80x128xf32, #tpu.memory_space<vmem>>
          %dma_start3A_266 = tpu.memref_squeeze %dma_start3A_265 : memref<1x80x128xf32, #tpu.memory_space<vmem>> -> memref<80x128xf32, #tpu.memory_space<vmem>>
          %dma_start3A_267 = arith.constant 0 : i32
          %dma_start3A_268 = tpu.memref_slice %arg7[%add3A_261, %dma_start3A_267] : memref<50x80xi32, #tpu.memory_space<vmem>> -> memref<1x80xi32, #tpu.memory_space<vmem>>
          %dma_start3A_269 = tpu.memref_squeeze %dma_start3A_268 : memref<1x80xi32, #tpu.memory_space<vmem>> -> memref<80xi32, #tpu.memory_space<vmem>>
          %dma_start3A_270 = arith.constant 0 : i32
          %dma_start3A_271 = arith.constant 0 : i32
          %dma_start3A_272 = tpu.memref_slice %arg2[%dma_start3A_270, %dma_start3A_271] : memref<10000x128xf32, #tpu.memory_space<hbm>> -> memref<10000x128xf32, #tpu.memory_space<hbm>>
          tpu.enqueue_indirect_dma source(%dma_start3A_272 : memref<10000x128xf32, #tpu.memory_space<hbm>>) target(%dma_start3A_266 : memref<80x128xf32, #tpu.memory_space<vmem>>) offsets(%dma_start3A_269 : memref<80xi32, #tpu.memory_space<vmem>>) semaphore(%arg10 : memref<!tpu.dma_semaphore, #tpu.memory_space<semaphore_mem>>)
        } else {
        }
        %run_scoped3A = arith.constant 1 : i32
        "tpu.region"() ({
          %run_scoped3A_260 = tpu.sem_alloc : memref<!tpu.dma_semaphore, #tpu.memory_space<semaphore_mem>>
          %dma_start3A_261 = arith.constant 0 : i32
          %dma_start3A_262 = arith.constant 0 : i32
          %dma_start3A_263 = tpu.memref_slice %arg9[%run_scoped3A, %dma_start3A_261, %dma_start3A_262] : memref<3x80x128xf32, #tpu.memory_space<vmem>> -> memref<1x80x128xf32, #tpu.memory_space<vmem>>
          %dma_start3A_264 = tpu.memref_squeeze %dma_start3A_263 : memref<1x80x128xf32, #tpu.memory_space<vmem>> -> memref<80x128xf32, #tpu.memory_space<vmem>>
          %dma_start3A_265 = arith.constant 0 : i32
          %dma_start3A_266 = tpu.memref_slice %arg8[%add3A_228, %dma_start3A_265] : memref<50x80xi32, #tpu.memory_space<vmem>> -> memref<1x80xi32, #tpu.memory_space<vmem>>
          %dma_start3A_267 = tpu.memref_squeeze %dma_start3A_266 : memref<1x80xi32, #tpu.memory_space<vmem>> -> memref<80xi32, #tpu.memory_space<vmem>>
          %dma_start3A_268 = arith.constant 0 : i32
          %dma_start3A_269 = arith.constant 0 : i32
          %dma_start3A_270 = tpu.memref_slice %arg6[%dma_start3A_268, %dma_start3A_269] : memref<10000x128xf32, #tpu.memory_space<vmem_shared>> -> memref<10000x128xf32, #tpu.memory_space<vmem_shared>>
          tpu.enqueue_indirect_dma source(%dma_start3A_264 : memref<80x128xf32, #tpu.memory_space<vmem>>) target(%dma_start3A_270 : memref<10000x128xf32, #tpu.memory_space<vmem_shared>>) offsets(%dma_start3A_267 : memref<80xi32, #tpu.memory_space<vmem>>) semaphore(%run_scoped3A_260 : memref<!tpu.dma_semaphore, #tpu.memory_space<semaphore_mem>>) {add = true}
          %dma_wait3A_271 = arith.constant 0 : i32
          %dma_wait3A_272 = arith.constant 0 : i32
          %dma_wait3A_273 = tpu.memref_slice %arg9[%run_scoped3A, %dma_wait3A_271, %dma_wait3A_272] : memref<3x80x128xf32, #tpu.memory_space<vmem>> -> memref<1x80x128xf32, #tpu.memory_space<vmem>>
          %dma_wait3A_274 = tpu.memref_squeeze %dma_wait3A_273 : memref<1x80x128xf32, #tpu.memory_space<vmem>> -> memref<80x128xf32, #tpu.memory_space<vmem>>
          %dma_wait3A_275 = arith.constant 0 : i32
          %dma_wait3A_276 = tpu.memref_slice %arg8[%add3A_228, %dma_wait3A_275] : memref<50x80xi32, #tpu.memory_space<vmem>> -> memref<1x80xi32, #tpu.memory_space<vmem>>
          %dma_wait3A_277 = tpu.memref_squeeze %dma_wait3A_276 : memref<1x80xi32, #tpu.memory_space<vmem>> -> memref<80xi32, #tpu.memory_space<vmem>>
          %dma_wait3A_278 = arith.constant 0 : i32
          %dma_wait3A_279 = arith.constant 0 : i32
          %dma_wait3A_280 = tpu.memref_slice %arg6[%dma_wait3A_278, %dma_wait3A_279] : memref<10000x128xf32, #tpu.memory_space<vmem_shared>> -> memref<10000x128xf32, #tpu.memory_space<vmem_shared>>
          tpu.wait_indirect_dma semaphore(%run_scoped3A_260 : memref<!tpu.dma_semaphore, #tpu.memory_space<semaphore_mem>>) src(%dma_wait3A_274 : memref<80x128xf32, #tpu.memory_space<vmem>>) dst(%dma_wait3A_280 : memref<10000x128xf32, #tpu.memory_space<vmem_shared>>)
          tpu.yield
        }) : () -> ()
      } else {
      }
      %mul3A_234 = arith.constant 3 : i32
      %mul3A_235 = arith.muli %scan3A_216, %mul3A_234 : i32
      %add3A_236 = arith.constant 2 : i32
      %add3A_237 = arith.addi %mul3A_235, %add3A_236 : i32
      %lt3A_238 = arith.constant 50 : i32
      %lt3A_239 = arith.cmpi slt, %add3A_237, %lt3A_238 : i32
      %convert_element_type3A_240 = arith.extui %lt3A_239 : i1 to i32
      %cond3A_241 = arith.constant 0 : i32
      %cond3A_242 = arith.cmpi ne, %convert_element_type3A_240, %cond3A_241 : i32
      scf.if %cond3A_242 {
        %dma_wait3A = arith.constant 2 : i32
        %dma_wait3A_243 = arith.constant 0 : i32
        %dma_wait3A_244 = arith.constant 0 : i32
        %dma_wait3A_245 = tpu.memref_slice %arg9[%dma_wait3A, %dma_wait3A_243, %dma_wait3A_244] : memref<3x80x128xf32, #tpu.memory_space<vmem>> -> memref<1x80x128xf32, #tpu.memory_space<vmem>>
        %dma_wait3A_246 = tpu.memref_squeeze %dma_wait3A_245 : memref<1x80x128xf32, #tpu.memory_space<vmem>> -> memref<80x128xf32, #tpu.memory_space<vmem>>
        %dma_wait3A_247 = arith.constant 0 : i32
        %dma_wait3A_248 = tpu.memref_slice %arg7[%add3A_237, %dma_wait3A_247] : memref<50x80xi32, #tpu.memory_space<vmem>> -> memref<1x80xi32, #tpu.memory_space<vmem>>
        %dma_wait3A_249 = tpu.memref_squeeze %dma_wait3A_248 : memref<1x80xi32, #tpu.memory_space<vmem>> -> memref<80xi32, #tpu.memory_space<vmem>>
        %dma_wait3A_250 = arith.constant 0 : i32
        %dma_wait3A_251 = arith.constant 0 : i32
        %dma_wait3A_252 = tpu.memref_slice %arg2[%dma_wait3A_250, %dma_wait3A_251] : memref<10000x128xf32, #tpu.memory_space<hbm>> -> memref<10000x128xf32, #tpu.memory_space<hbm>>
        tpu.wait_indirect_dma semaphore(%arg12 : memref<!tpu.dma_semaphore, #tpu.memory_space<semaphore_mem>>) src(%dma_wait3A_252 : memref<10000x128xf32, #tpu.memory_space<hbm>>) dst(%dma_wait3A_246 : memref<80x128xf32, #tpu.memory_space<vmem>>)
        %add3A_253 = arith.constant 2 : i32
        %add3A_254 = arith.addi %add3A_237, %add3A_253 : i32
        %lt3A_255 = arith.constant 50 : i32
        %lt3A_256 = arith.cmpi slt, %add3A_254, %lt3A_255 : i32
        %convert_element_type3A_257 = arith.extui %lt3A_256 : i1 to i32
        %cond3A_258 = arith.constant 0 : i32
        %cond3A_259 = arith.cmpi ne, %convert_element_type3A_257, %cond3A_258 : i32
        scf.if %cond3A_259 {
          %add3A_260 = arith.constant 2 : i32
          %add3A_261 = arith.addi %add3A_237, %add3A_260 : i32
          %dma_start3A_262 = arith.constant 1 : i32
          %dma_start3A_263 = arith.constant 0 : i32
          %dma_start3A_264 = arith.constant 0 : i32
          %dma_start3A_265 = tpu.memref_slice %arg9[%dma_start3A_262, %dma_start3A_263, %dma_start3A_264] : memref<3x80x128xf32, #tpu.memory_space<vmem>> -> memref<1x80x128xf32, #tpu.memory_space<vmem>>
          %dma_start3A_266 = tpu.memref_squeeze %dma_start3A_265 : memref<1x80x128xf32, #tpu.memory_space<vmem>> -> memref<80x128xf32, #tpu.memory_space<vmem>>
          %dma_start3A_267 = arith.constant 0 : i32
          %dma_start3A_268 = tpu.memref_slice %arg7[%add3A_261, %dma_start3A_267] : memref<50x80xi32, #tpu.memory_space<vmem>> -> memref<1x80xi32, #tpu.memory_space<vmem>>
          %dma_start3A_269 = tpu.memref_squeeze %dma_start3A_268 : memref<1x80xi32, #tpu.memory_space<vmem>> -> memref<80xi32, #tpu.memory_space<vmem>>
          %dma_start3A_270 = arith.constant 0 : i32
          %dma_start3A_271 = arith.constant 0 : i32
          %dma_start3A_272 = tpu.memref_slice %arg2[%dma_start3A_270, %dma_start3A_271] : memref<10000x128xf32, #tpu.memory_space<hbm>> -> memref<10000x128xf32, #tpu.memory_space<hbm>>
          tpu.enqueue_indirect_dma source(%dma_start3A_272 : memref<10000x128xf32, #tpu.memory_space<hbm>>) target(%dma_start3A_266 : memref<80x128xf32, #tpu.memory_space<vmem>>) offsets(%dma_start3A_269 : memref<80xi32, #tpu.memory_space<vmem>>) semaphore(%arg11 : memref<!tpu.dma_semaphore, #tpu.memory_space<semaphore_mem>>)
        } else {
        }
        %run_scoped3A = arith.constant 2 : i32
        "tpu.region"() ({
          %run_scoped3A_260 = tpu.sem_alloc : memref<!tpu.dma_semaphore, #tpu.memory_space<semaphore_mem>>
          %dma_start3A_261 = arith.constant 0 : i32
          %dma_start3A_262 = arith.constant 0 : i32
          %dma_start3A_263 = tpu.memref_slice %arg9[%run_scoped3A, %dma_start3A_261, %dma_start3A_262] : memref<3x80x128xf32, #tpu.memory_space<vmem>> -> memref<1x80x128xf32, #tpu.memory_space<vmem>>
          %dma_start3A_264 = tpu.memref_squeeze %dma_start3A_263 : memref<1x80x128xf32, #tpu.memory_space<vmem>> -> memref<80x128xf32, #tpu.memory_space<vmem>>
          %dma_start3A_265 = arith.constant 0 : i32
          %dma_start3A_266 = tpu.memref_slice %arg8[%add3A_237, %dma_start3A_265] : memref<50x80xi32, #tpu.memory_space<vmem>> -> memref<1x80xi32, #tpu.memory_space<vmem>>
          %dma_start3A_267 = tpu.memref_squeeze %dma_start3A_266 : memref<1x80xi32, #tpu.memory_space<vmem>> -> memref<80xi32, #tpu.memory_space<vmem>>
          %dma_start3A_268 = arith.constant 0 : i32
          %dma_start3A_269 = arith.constant 0 : i32
          %dma_start3A_270 = tpu.memref_slice %arg6[%dma_start3A_268, %dma_start3A_269] : memref<10000x128xf32, #tpu.memory_space<vmem_shared>> -> memref<10000x128xf32, #tpu.memory_space<vmem_shared>>
          tpu.enqueue_indirect_dma source(%dma_start3A_264 : memref<80x128xf32, #tpu.memory_space<vmem>>) target(%dma_start3A_270 : memref<10000x128xf32, #tpu.memory_space<vmem_shared>>) offsets(%dma_start3A_267 : memref<80xi32, #tpu.memory_space<vmem>>) semaphore(%run_scoped3A_260 : memref<!tpu.dma_semaphore, #tpu.memory_space<semaphore_mem>>) {add = true}
          %dma_wait3A_271 = arith.constant 0 : i32
          %dma_wait3A_272 = arith.constant 0 : i32
          %dma_wait3A_273 = tpu.memref_slice %arg9[%run_scoped3A, %dma_wait3A_271, %dma_wait3A_272] : memref<3x80x128xf32, #tpu.memory_space<vmem>> -> memref<1x80x128xf32, #tpu.memory_space<vmem>>
          %dma_wait3A_274 = tpu.memref_squeeze %dma_wait3A_273 : memref<1x80x128xf32, #tpu.memory_space<vmem>> -> memref<80x128xf32, #tpu.memory_space<vmem>>
          %dma_wait3A_275 = arith.constant 0 : i32
          %dma_wait3A_276 = tpu.memref_slice %arg8[%add3A_237, %dma_wait3A_275] : memref<50x80xi32, #tpu.memory_space<vmem>> -> memref<1x80xi32, #tpu.memory_space<vmem>>
          %dma_wait3A_277 = tpu.memref_squeeze %dma_wait3A_276 : memref<1x80xi32, #tpu.memory_space<vmem>> -> memref<80xi32, #tpu.memory_space<vmem>>
          %dma_wait3A_278 = arith.constant 0 : i32
          %dma_wait3A_279 = arith.constant 0 : i32
          %dma_wait3A_280 = tpu.memref_slice %arg6[%dma_wait3A_278, %dma_wait3A_279] : memref<10000x128xf32, #tpu.memory_space<vmem_shared>> -> memref<10000x128xf32, #tpu.memory_space<vmem_shared>>
          tpu.wait_indirect_dma semaphore(%run_scoped3A_260 : memref<!tpu.dma_semaphore, #tpu.memory_space<semaphore_mem>>) src(%dma_wait3A_274 : memref<80x128xf32, #tpu.memory_space<vmem>>) dst(%dma_wait3A_280 : memref<10000x128xf32, #tpu.memory_space<vmem_shared>>)
          tpu.yield
        }) : () -> ()
      } else {
      }
    }
    %scan3A_84 = arith.constant 17 : i32
    %eq3A_85 = arith.constant 0 : i32
    %eq3A_86 = arith.cmpi eq, %arg0, %eq3A_85 : i32
    %convert_element_type3A_87 = arith.extui %eq3A_86 : i1 to i32
    %cond3A_88 = arith.constant 0 : i32
    %cond3A_89 = arith.cmpi ne, %convert_element_type3A_87, %cond3A_88 : i32
    scf.if %cond3A_89 {
      %run_scoped3A = arith.constant 0 : i32
      %run_scoped3A_216 = arith.constant 2 : i32
      "tpu.region"() ({
        %run_scoped3A_219 = tpu.sem_alloc : memref<!tpu.dma_semaphore, #tpu.memory_space<semaphore_mem>>
        %dma_start3A_220 = arith.constant 0 : i32
        %dma_start3A_221 = arith.constant 0 : i32
        %dma_start3A_222 = tpu.memref_slice %arg3[%run_scoped3A, %arg1, %run_scoped3A_216, %dma_start3A_220, %dma_start3A_221] : memref<2x16x5x50x80xi32, #tpu.memory_space<hbm>> -> memref<1x1x1x50x80xi32, #tpu.memory_space<hbm>>
        %dma_start3A_223 = tpu.memref_squeeze %dma_start3A_222 : memref<1x1x1x50x80xi32, #tpu.memory_space<hbm>> -> memref<50x80xi32, #tpu.memory_space<hbm>>
        %dma_start3A_224 = arith.constant 0 : i32
        %dma_start3A_225 = arith.constant 0 : i32
        %dma_start3A_226 = tpu.memref_slice %arg3[%run_scoped3A, %arg1, %run_scoped3A_216, %dma_start3A_224, %dma_start3A_225] : memref<2x16x5x50x80xi32, #tpu.memory_space<hbm>> -> memref<1x1x1x50x80xi32, #tpu.memory_space<hbm>>
        %dma_start3A_227 = tpu.memref_squeeze %dma_start3A_226 : memref<1x1x1x50x80xi32, #tpu.memory_space<hbm>> -> memref<50x80xi32, #tpu.memory_space<hbm>>
        tpu.enqueue_dma source(%dma_start3A_227 : memref<50x80xi32, #tpu.memory_space<hbm>>) target(%arg7 : memref<50x80xi32, #tpu.memory_space<vmem>>) target_semaphore(%run_scoped3A_219 : memref<!tpu.dma_semaphore, #tpu.memory_space<semaphore_mem>>)
        %dma_wait3A = arith.constant 0 : i32
        %dma_wait3A_228 = arith.constant 0 : i32
        %dma_wait3A_229 = tpu.memref_slice %arg3[%run_scoped3A, %arg1, %run_scoped3A_216, %dma_wait3A, %dma_wait3A_228] : memref<2x16x5x50x80xi32, #tpu.memory_space<hbm>> -> memref<1x1x1x50x80xi32, #tpu.memory_space<hbm>>
        %dma_wait3A_230 = tpu.memref_squeeze %dma_wait3A_229 : memref<1x1x1x50x80xi32, #tpu.memory_space<hbm>> -> memref<50x80xi32, #tpu.memory_space<hbm>>
        %dma_wait3A_231 = arith.constant 0 : i32
        %dma_wait3A_232 = arith.constant 0 : i32
        %dma_wait3A_233 = tpu.memref_slice %arg3[%run_scoped3A, %arg1, %run_scoped3A_216, %dma_wait3A_231, %dma_wait3A_232] : memref<2x16x5x50x80xi32, #tpu.memory_space<hbm>> -> memref<1x1x1x50x80xi32, #tpu.memory_space<hbm>>
        %dma_wait3A_234 = tpu.memref_squeeze %dma_wait3A_233 : memref<1x1x1x50x80xi32, #tpu.memory_space<hbm>> -> memref<50x80xi32, #tpu.memory_space<hbm>>
        tpu.wait_dma2 semaphore(%run_scoped3A_219 : memref<!tpu.dma_semaphore, #tpu.memory_space<semaphore_mem>>) src(%dma_wait3A_234 : memref<50x80xi32, #tpu.memory_space<hbm>>) dst(%arg7 : memref<50x80xi32, #tpu.memory_space<vmem>>)
        tpu.yield
      }) : () -> ()
      %run_scoped3A_217 = arith.constant 1 : i32
      %run_scoped3A_218 = arith.constant 2 : i32
      "tpu.region"() ({
        %run_scoped3A_219 = tpu.sem_alloc : memref<!tpu.dma_semaphore, #tpu.memory_space<semaphore_mem>>
        %dma_start3A_220 = arith.constant 0 : i32
        %dma_start3A_221 = arith.constant 0 : i32
        %dma_start3A_222 = tpu.memref_slice %arg3[%run_scoped3A_217, %arg1, %run_scoped3A_218, %dma_start3A_220, %dma_start3A_221] : memref<2x16x5x50x80xi32, #tpu.memory_space<hbm>> -> memref<1x1x1x50x80xi32, #tpu.memory_space<hbm>>
        %dma_start3A_223 = tpu.memref_squeeze %dma_start3A_222 : memref<1x1x1x50x80xi32, #tpu.memory_space<hbm>> -> memref<50x80xi32, #tpu.memory_space<hbm>>
        %dma_start3A_224 = arith.constant 0 : i32
        %dma_start3A_225 = arith.constant 0 : i32
        %dma_start3A_226 = tpu.memref_slice %arg3[%run_scoped3A_217, %arg1, %run_scoped3A_218, %dma_start3A_224, %dma_start3A_225] : memref<2x16x5x50x80xi32, #tpu.memory_space<hbm>> -> memref<1x1x1x50x80xi32, #tpu.memory_space<hbm>>
        %dma_start3A_227 = tpu.memref_squeeze %dma_start3A_226 : memref<1x1x1x50x80xi32, #tpu.memory_space<hbm>> -> memref<50x80xi32, #tpu.memory_space<hbm>>
        tpu.enqueue_dma source(%dma_start3A_227 : memref<50x80xi32, #tpu.memory_space<hbm>>) target(%arg8 : memref<50x80xi32, #tpu.memory_space<vmem>>) target_semaphore(%run_scoped3A_219 : memref<!tpu.dma_semaphore, #tpu.memory_space<semaphore_mem>>)
        %dma_wait3A = arith.constant 0 : i32
        %dma_wait3A_228 = arith.constant 0 : i32
        %dma_wait3A_229 = tpu.memref_slice %arg3[%run_scoped3A_217, %arg1, %run_scoped3A_218, %dma_wait3A, %dma_wait3A_228] : memref<2x16x5x50x80xi32, #tpu.memory_space<hbm>> -> memref<1x1x1x50x80xi32, #tpu.memory_space<hbm>>
        %dma_wait3A_230 = tpu.memref_squeeze %dma_wait3A_229 : memref<1x1x1x50x80xi32, #tpu.memory_space<hbm>> -> memref<50x80xi32, #tpu.memory_space<hbm>>
        %dma_wait3A_231 = arith.constant 0 : i32
        %dma_wait3A_232 = arith.constant 0 : i32
        %dma_wait3A_233 = tpu.memref_slice %arg3[%run_scoped3A_217, %arg1, %run_scoped3A_218, %dma_wait3A_231, %dma_wait3A_232] : memref<2x16x5x50x80xi32, #tpu.memory_space<hbm>> -> memref<1x1x1x50x80xi32, #tpu.memory_space<hbm>>
        %dma_wait3A_234 = tpu.memref_squeeze %dma_wait3A_233 : memref<1x1x1x50x80xi32, #tpu.memory_space<hbm>> -> memref<50x80xi32, #tpu.memory_space<hbm>>
        tpu.wait_dma2 semaphore(%run_scoped3A_219 : memref<!tpu.dma_semaphore, #tpu.memory_space<semaphore_mem>>) src(%dma_wait3A_234 : memref<50x80xi32, #tpu.memory_space<hbm>>) dst(%arg8 : memref<50x80xi32, #tpu.memory_space<vmem>>)
        tpu.yield
      }) : () -> ()
    } else {
    }
    %eq3A_90 = arith.constant 1 : i32
    %eq3A_91 = arith.cmpi eq, %arg0, %eq3A_90 : i32
    %convert_element_type3A_92 = arith.extui %eq3A_91 : i1 to i32
    %cond3A_93 = arith.constant 0 : i32
    %cond3A_94 = arith.cmpi ne, %convert_element_type3A_92, %cond3A_93 : i32
    scf.if %cond3A_94 {
      %run_scoped3A = arith.constant 0 : i32
      %run_scoped3A_216 = arith.constant 2 : i32
      "tpu.region"() ({
        %run_scoped3A_219 = tpu.sem_alloc : memref<!tpu.dma_semaphore, #tpu.memory_space<semaphore_mem>>
        %dma_start3A_220 = arith.constant 0 : i32
        %dma_start3A_221 = arith.constant 0 : i32
        %dma_start3A_222 = tpu.memref_slice %arg4[%run_scoped3A, %arg1, %run_scoped3A_216, %dma_start3A_220, %dma_start3A_221] : memref<2x16x5x50x80xi32, #tpu.memory_space<hbm>> -> memref<1x1x1x50x80xi32, #tpu.memory_space<hbm>>
        %dma_start3A_223 = tpu.memref_squeeze %dma_start3A_222 : memref<1x1x1x50x80xi32, #tpu.memory_space<hbm>> -> memref<50x80xi32, #tpu.memory_space<hbm>>
        %dma_start3A_224 = arith.constant 0 : i32
        %dma_start3A_225 = arith.constant 0 : i32
        %dma_start3A_226 = tpu.memref_slice %arg4[%run_scoped3A, %arg1, %run_scoped3A_216, %dma_start3A_224, %dma_start3A_225] : memref<2x16x5x50x80xi32, #tpu.memory_space<hbm>> -> memref<1x1x1x50x80xi32, #tpu.memory_space<hbm>>
        %dma_start3A_227 = tpu.memref_squeeze %dma_start3A_226 : memref<1x1x1x50x80xi32, #tpu.memory_space<hbm>> -> memref<50x80xi32, #tpu.memory_space<hbm>>
        tpu.enqueue_dma source(%dma_start3A_227 : memref<50x80xi32, #tpu.memory_space<hbm>>) target(%arg7 : memref<50x80xi32, #tpu.memory_space<vmem>>) target_semaphore(%run_scoped3A_219 : memref<!tpu.dma_semaphore, #tpu.memory_space<semaphore_mem>>)
        %dma_wait3A = arith.constant 0 : i32
        %dma_wait3A_228 = arith.constant 0 : i32
        %dma_wait3A_229 = tpu.memref_slice %arg4[%run_scoped3A, %arg1, %run_scoped3A_216, %dma_wait3A, %dma_wait3A_228] : memref<2x16x5x50x80xi32, #tpu.memory_space<hbm>> -> memref<1x1x1x50x80xi32, #tpu.memory_space<hbm>>
        %dma_wait3A_230 = tpu.memref_squeeze %dma_wait3A_229 : memref<1x1x1x50x80xi32, #tpu.memory_space<hbm>> -> memref<50x80xi32, #tpu.memory_space<hbm>>
        %dma_wait3A_231 = arith.constant 0 : i32
        %dma_wait3A_232 = arith.constant 0 : i32
        %dma_wait3A_233 = tpu.memref_slice %arg4[%run_scoped3A, %arg1, %run_scoped3A_216, %dma_wait3A_231, %dma_wait3A_232] : memref<2x16x5x50x80xi32, #tpu.memory_space<hbm>> -> memref<1x1x1x50x80xi32, #tpu.memory_space<hbm>>
        %dma_wait3A_234 = tpu.memref_squeeze %dma_wait3A_233 : memref<1x1x1x50x80xi32, #tpu.memory_space<hbm>> -> memref<50x80xi32, #tpu.memory_space<hbm>>
        tpu.wait_dma2 semaphore(%run_scoped3A_219 : memref<!tpu.dma_semaphore, #tpu.memory_space<semaphore_mem>>) src(%dma_wait3A_234 : memref<50x80xi32, #tpu.memory_space<hbm>>) dst(%arg7 : memref<50x80xi32, #tpu.memory_space<vmem>>)
        tpu.yield
      }) : () -> ()
      %run_scoped3A_217 = arith.constant 1 : i32
      %run_scoped3A_218 = arith.constant 2 : i32
      "tpu.region"() ({
        %run_scoped3A_219 = tpu.sem_alloc : memref<!tpu.dma_semaphore, #tpu.memory_space<semaphore_mem>>
        %dma_start3A_220 = arith.constant 0 : i32
        %dma_start3A_221 = arith.constant 0 : i32
        %dma_start3A_222 = tpu.memref_slice %arg4[%run_scoped3A_217, %arg1, %run_scoped3A_218, %dma_start3A_220, %dma_start3A_221] : memref<2x16x5x50x80xi32, #tpu.memory_space<hbm>> -> memref<1x1x1x50x80xi32, #tpu.memory_space<hbm>>
        %dma_start3A_223 = tpu.memref_squeeze %dma_start3A_222 : memref<1x1x1x50x80xi32, #tpu.memory_space<hbm>> -> memref<50x80xi32, #tpu.memory_space<hbm>>
        %dma_start3A_224 = arith.constant 0 : i32
        %dma_start3A_225 = arith.constant 0 : i32
        %dma_start3A_226 = tpu.memref_slice %arg4[%run_scoped3A_217, %arg1, %run_scoped3A_218, %dma_start3A_224, %dma_start3A_225] : memref<2x16x5x50x80xi32, #tpu.memory_space<hbm>> -> memref<1x1x1x50x80xi32, #tpu.memory_space<hbm>>
        %dma_start3A_227 = tpu.memref_squeeze %dma_start3A_226 : memref<1x1x1x50x80xi32, #tpu.memory_space<hbm>> -> memref<50x80xi32, #tpu.memory_space<hbm>>
        tpu.enqueue_dma source(%dma_start3A_227 : memref<50x80xi32, #tpu.memory_space<hbm>>) target(%arg8 : memref<50x80xi32, #tpu.memory_space<vmem>>) target_semaphore(%run_scoped3A_219 : memref<!tpu.dma_semaphore, #tpu.memory_space<semaphore_mem>>)
        %dma_wait3A = arith.constant 0 : i32
        %dma_wait3A_228 = arith.constant 0 : i32
        %dma_wait3A_229 = tpu.memref_slice %arg4[%run_scoped3A_217, %arg1, %run_scoped3A_218, %dma_wait3A, %dma_wait3A_228] : memref<2x16x5x50x80xi32, #tpu.memory_space<hbm>> -> memref<1x1x1x50x80xi32, #tpu.memory_space<hbm>>
        %dma_wait3A_230 = tpu.memref_squeeze %dma_wait3A_229 : memref<1x1x1x50x80xi32, #tpu.memory_space<hbm>> -> memref<50x80xi32, #tpu.memory_space<hbm>>
        %dma_wait3A_231 = arith.constant 0 : i32
        %dma_wait3A_232 = arith.constant 0 : i32
        %dma_wait3A_233 = tpu.memref_slice %arg4[%run_scoped3A_217, %arg1, %run_scoped3A_218, %dma_wait3A_231, %dma_wait3A_232] : memref<2x16x5x50x80xi32, #tpu.memory_space<hbm>> -> memref<1x1x1x50x80xi32, #tpu.memory_space<hbm>>
        %dma_wait3A_234 = tpu.memref_squeeze %dma_wait3A_233 : memref<1x1x1x50x80xi32, #tpu.memory_space<hbm>> -> memref<50x80xi32, #tpu.memory_space<hbm>>
        tpu.wait_dma2 semaphore(%run_scoped3A_219 : memref<!tpu.dma_semaphore, #tpu.memory_space<semaphore_mem>>) src(%dma_wait3A_234 : memref<50x80xi32, #tpu.memory_space<hbm>>) dst(%arg8 : memref<50x80xi32, #tpu.memory_space<vmem>>)
        tpu.yield
      }) : () -> ()
    } else {
    }
    %dma_start3A_95 = arith.constant 0 : i32
    %dma_start3A_96 = arith.constant 0 : i32
    %dma_start3A_97 = arith.constant 0 : i32
    %dma_start3A_98 = arith.constant 0 : i32
    %dma_start3A_99 = tpu.memref_slice %arg9[%dma_start3A_96, %dma_start3A_97, %dma_start3A_98] : memref<3x80x128xf32, #tpu.memory_space<vmem>> -> memref<1x80x128xf32, #tpu.memory_space<vmem>>
    %dma_start3A_100 = tpu.memref_squeeze %dma_start3A_99 : memref<1x80x128xf32, #tpu.memory_space<vmem>> -> memref<80x128xf32, #tpu.memory_space<vmem>>
    %dma_start3A_101 = arith.constant 0 : i32
    %dma_start3A_102 = tpu.memref_slice %arg7[%dma_start3A_95, %dma_start3A_101] : memref<50x80xi32, #tpu.memory_space<vmem>> -> memref<1x80xi32, #tpu.memory_space<vmem>>
    %dma_start3A_103 = tpu.memref_squeeze %dma_start3A_102 : memref<1x80xi32, #tpu.memory_space<vmem>> -> memref<80xi32, #tpu.memory_space<vmem>>
    %dma_start3A_104 = arith.constant 0 : i32
    %dma_start3A_105 = arith.constant 0 : i32
    %dma_start3A_106 = tpu.memref_slice %arg2[%dma_start3A_104, %dma_start3A_105] : memref<10000x128xf32, #tpu.memory_space<hbm>> -> memref<10000x128xf32, #tpu.memory_space<hbm>>
    tpu.enqueue_indirect_dma source(%dma_start3A_106 : memref<10000x128xf32, #tpu.memory_space<hbm>>) target(%dma_start3A_100 : memref<80x128xf32, #tpu.memory_space<vmem>>) offsets(%dma_start3A_103 : memref<80xi32, #tpu.memory_space<vmem>>) semaphore(%arg10 : memref<!tpu.dma_semaphore, #tpu.memory_space<semaphore_mem>>)
    %dma_start3A_107 = arith.constant 1 : i32
    %dma_start3A_108 = arith.constant 1 : i32
    %dma_start3A_109 = arith.constant 0 : i32
    %dma_start3A_110 = arith.constant 0 : i32
    %dma_start3A_111 = tpu.memref_slice %arg9[%dma_start3A_108, %dma_start3A_109, %dma_start3A_110] : memref<3x80x128xf32, #tpu.memory_space<vmem>> -> memref<1x80x128xf32, #tpu.memory_space<vmem>>
    %dma_start3A_112 = tpu.memref_squeeze %dma_start3A_111 : memref<1x80x128xf32, #tpu.memory_space<vmem>> -> memref<80x128xf32, #tpu.memory_space<vmem>>
    %dma_start3A_113 = arith.constant 0 : i32
    %dma_start3A_114 = tpu.memref_slice %arg7[%dma_start3A_107, %dma_start3A_113] : memref<50x80xi32, #tpu.memory_space<vmem>> -> memref<1x80xi32, #tpu.memory_space<vmem>>
    %dma_start3A_115 = tpu.memref_squeeze %dma_start3A_114 : memref<1x80xi32, #tpu.memory_space<vmem>> -> memref<80xi32, #tpu.memory_space<vmem>>
    %dma_start3A_116 = arith.constant 0 : i32
    %dma_start3A_117 = arith.constant 0 : i32
    %dma_start3A_118 = tpu.memref_slice %arg2[%dma_start3A_116, %dma_start3A_117] : memref<10000x128xf32, #tpu.memory_space<hbm>> -> memref<10000x128xf32, #tpu.memory_space<hbm>>
    tpu.enqueue_indirect_dma source(%dma_start3A_118 : memref<10000x128xf32, #tpu.memory_space<hbm>>) target(%dma_start3A_112 : memref<80x128xf32, #tpu.memory_space<vmem>>) offsets(%dma_start3A_115 : memref<80xi32, #tpu.memory_space<vmem>>) semaphore(%arg11 : memref<!tpu.dma_semaphore, #tpu.memory_space<semaphore_mem>>)
    %scan3A_119 = arith.constant 0 : i32
    %scan3A_120 = arith.constant 0 : i32
    %scan3A_121 = arith.constant 17 : i32
    %scan3A_122 = arith.addi %scan3A_120, %scan3A_121 : i32
    %scan3A_123 = arith.constant 1 : i32
    scf.for %scan3A_216 = %scan3A_120 to %scan3A_122 step %scan3A_123  : i32 {
      %mul3A_217 = arith.constant 3 : i32
      %mul3A_218 = arith.muli %scan3A_216, %mul3A_217 : i32
      %add3A = arith.constant 0 : i32
      %add3A_219 = arith.addi %mul3A_218, %add3A : i32
      %lt3A_220 = arith.constant 50 : i32
      %lt3A_221 = arith.cmpi slt, %add3A_219, %lt3A_220 : i32
      %convert_element_type3A_222 = arith.extui %lt3A_221 : i1 to i32
      %cond3A_223 = arith.constant 0 : i32
      %cond3A_224 = arith.cmpi ne, %convert_element_type3A_222, %cond3A_223 : i32
      scf.if %cond3A_224 {
        %dma_wait3A = arith.constant 0 : i32
        %dma_wait3A_243 = arith.constant 0 : i32
        %dma_wait3A_244 = arith.constant 0 : i32
        %dma_wait3A_245 = tpu.memref_slice %arg9[%dma_wait3A, %dma_wait3A_243, %dma_wait3A_244] : memref<3x80x128xf32, #tpu.memory_space<vmem>> -> memref<1x80x128xf32, #tpu.memory_space<vmem>>
        %dma_wait3A_246 = tpu.memref_squeeze %dma_wait3A_245 : memref<1x80x128xf32, #tpu.memory_space<vmem>> -> memref<80x128xf32, #tpu.memory_space<vmem>>
        %dma_wait3A_247 = arith.constant 0 : i32
        %dma_wait3A_248 = tpu.memref_slice %arg7[%add3A_219, %dma_wait3A_247] : memref<50x80xi32, #tpu.memory_space<vmem>> -> memref<1x80xi32, #tpu.memory_space<vmem>>
        %dma_wait3A_249 = tpu.memref_squeeze %dma_wait3A_248 : memref<1x80xi32, #tpu.memory_space<vmem>> -> memref<80xi32, #tpu.memory_space<vmem>>
        %dma_wait3A_250 = arith.constant 0 : i32
        %dma_wait3A_251 = arith.constant 0 : i32
        %dma_wait3A_252 = tpu.memref_slice %arg2[%dma_wait3A_250, %dma_wait3A_251] : memref<10000x128xf32, #tpu.memory_space<hbm>> -> memref<10000x128xf32, #tpu.memory_space<hbm>>
        tpu.wait_indirect_dma semaphore(%arg10 : memref<!tpu.dma_semaphore, #tpu.memory_space<semaphore_mem>>) src(%dma_wait3A_252 : memref<10000x128xf32, #tpu.memory_space<hbm>>) dst(%dma_wait3A_246 : memref<80x128xf32, #tpu.memory_space<vmem>>)
        %add3A_253 = arith.constant 2 : i32
        %add3A_254 = arith.addi %add3A_219, %add3A_253 : i32
        %lt3A_255 = arith.constant 50 : i32
        %lt3A_256 = arith.cmpi slt, %add3A_254, %lt3A_255 : i32
        %convert_element_type3A_257 = arith.extui %lt3A_256 : i1 to i32
        %cond3A_258 = arith.constant 0 : i32
        %cond3A_259 = arith.cmpi ne, %convert_element_type3A_257, %cond3A_258 : i32
        scf.if %cond3A_259 {
          %add3A_260 = arith.constant 2 : i32
          %add3A_261 = arith.addi %add3A_219, %add3A_260 : i32
          %dma_start3A_262 = arith.constant 2 : i32
          %dma_start3A_263 = arith.constant 0 : i32
          %dma_start3A_264 = arith.constant 0 : i32
          %dma_start3A_265 = tpu.memref_slice %arg9[%dma_start3A_262, %dma_start3A_263, %dma_start3A_264] : memref<3x80x128xf32, #tpu.memory_space<vmem>> -> memref<1x80x128xf32, #tpu.memory_space<vmem>>
          %dma_start3A_266 = tpu.memref_squeeze %dma_start3A_265 : memref<1x80x128xf32, #tpu.memory_space<vmem>> -> memref<80x128xf32, #tpu.memory_space<vmem>>
          %dma_start3A_267 = arith.constant 0 : i32
          %dma_start3A_268 = tpu.memref_slice %arg7[%add3A_261, %dma_start3A_267] : memref<50x80xi32, #tpu.memory_space<vmem>> -> memref<1x80xi32, #tpu.memory_space<vmem>>
          %dma_start3A_269 = tpu.memref_squeeze %dma_start3A_268 : memref<1x80xi32, #tpu.memory_space<vmem>> -> memref<80xi32, #tpu.memory_space<vmem>>
          %dma_start3A_270 = arith.constant 0 : i32
          %dma_start3A_271 = arith.constant 0 : i32
          %dma_start3A_272 = tpu.memref_slice %arg2[%dma_start3A_270, %dma_start3A_271] : memref<10000x128xf32, #tpu.memory_space<hbm>> -> memref<10000x128xf32, #tpu.memory_space<hbm>>
          tpu.enqueue_indirect_dma source(%dma_start3A_272 : memref<10000x128xf32, #tpu.memory_space<hbm>>) target(%dma_start3A_266 : memref<80x128xf32, #tpu.memory_space<vmem>>) offsets(%dma_start3A_269 : memref<80xi32, #tpu.memory_space<vmem>>) semaphore(%arg12 : memref<!tpu.dma_semaphore, #tpu.memory_space<semaphore_mem>>)
        } else {
        }
        %run_scoped3A = arith.constant 0 : i32
        "tpu.region"() ({
          %run_scoped3A_260 = tpu.sem_alloc : memref<!tpu.dma_semaphore, #tpu.memory_space<semaphore_mem>>
          %dma_start3A_261 = arith.constant 0 : i32
          %dma_start3A_262 = arith.constant 0 : i32
          %dma_start3A_263 = tpu.memref_slice %arg9[%run_scoped3A, %dma_start3A_261, %dma_start3A_262] : memref<3x80x128xf32, #tpu.memory_space<vmem>> -> memref<1x80x128xf32, #tpu.memory_space<vmem>>
          %dma_start3A_264 = tpu.memref_squeeze %dma_start3A_263 : memref<1x80x128xf32, #tpu.memory_space<vmem>> -> memref<80x128xf32, #tpu.memory_space<vmem>>
          %dma_start3A_265 = arith.constant 0 : i32
          %dma_start3A_266 = tpu.memref_slice %arg8[%add3A_219, %dma_start3A_265] : memref<50x80xi32, #tpu.memory_space<vmem>> -> memref<1x80xi32, #tpu.memory_space<vmem>>
          %dma_start3A_267 = tpu.memref_squeeze %dma_start3A_266 : memref<1x80xi32, #tpu.memory_space<vmem>> -> memref<80xi32, #tpu.memory_space<vmem>>
          %dma_start3A_268 = arith.constant 0 : i32
          %dma_start3A_269 = arith.constant 0 : i32
          %dma_start3A_270 = tpu.memref_slice %arg6[%dma_start3A_268, %dma_start3A_269] : memref<10000x128xf32, #tpu.memory_space<vmem_shared>> -> memref<10000x128xf32, #tpu.memory_space<vmem_shared>>
          tpu.enqueue_indirect_dma source(%dma_start3A_264 : memref<80x128xf32, #tpu.memory_space<vmem>>) target(%dma_start3A_270 : memref<10000x128xf32, #tpu.memory_space<vmem_shared>>) offsets(%dma_start3A_267 : memref<80xi32, #tpu.memory_space<vmem>>) semaphore(%run_scoped3A_260 : memref<!tpu.dma_semaphore, #tpu.memory_space<semaphore_mem>>) {add = true}
          %dma_wait3A_271 = arith.constant 0 : i32
          %dma_wait3A_272 = arith.constant 0 : i32
          %dma_wait3A_273 = tpu.memref_slice %arg9[%run_scoped3A, %dma_wait3A_271, %dma_wait3A_272] : memref<3x80x128xf32, #tpu.memory_space<vmem>> -> memref<1x80x128xf32, #tpu.memory_space<vmem>>
          %dma_wait3A_274 = tpu.memref_squeeze %dma_wait3A_273 : memref<1x80x128xf32, #tpu.memory_space<vmem>> -> memref<80x128xf32, #tpu.memory_space<vmem>>
          %dma_wait3A_275 = arith.constant 0 : i32
          %dma_wait3A_276 = tpu.memref_slice %arg8[%add3A_219, %dma_wait3A_275] : memref<50x80xi32, #tpu.memory_space<vmem>> -> memref<1x80xi32, #tpu.memory_space<vmem>>
          %dma_wait3A_277 = tpu.memref_squeeze %dma_wait3A_276 : memref<1x80xi32, #tpu.memory_space<vmem>> -> memref<80xi32, #tpu.memory_space<vmem>>
          %dma_wait3A_278 = arith.constant 0 : i32
          %dma_wait3A_279 = arith.constant 0 : i32
          %dma_wait3A_280 = tpu.memref_slice %arg6[%dma_wait3A_278, %dma_wait3A_279] : memref<10000x128xf32, #tpu.memory_space<vmem_shared>> -> memref<10000x128xf32, #tpu.memory_space<vmem_shared>>
          tpu.wait_indirect_dma semaphore(%run_scoped3A_260 : memref<!tpu.dma_semaphore, #tpu.memory_space<semaphore_mem>>) src(%dma_wait3A_274 : memref<80x128xf32, #tpu.memory_space<vmem>>) dst(%dma_wait3A_280 : memref<10000x128xf32, #tpu.memory_space<vmem_shared>>)
          tpu.yield
        }) : () -> ()
      } else {
      }
      %mul3A_225 = arith.constant 3 : i32
      %mul3A_226 = arith.muli %scan3A_216, %mul3A_225 : i32
      %add3A_227 = arith.constant 1 : i32
      %add3A_228 = arith.addi %mul3A_226, %add3A_227 : i32
      %lt3A_229 = arith.constant 50 : i32
      %lt3A_230 = arith.cmpi slt, %add3A_228, %lt3A_229 : i32
      %convert_element_type3A_231 = arith.extui %lt3A_230 : i1 to i32
      %cond3A_232 = arith.constant 0 : i32
      %cond3A_233 = arith.cmpi ne, %convert_element_type3A_231, %cond3A_232 : i32
      scf.if %cond3A_233 {
        %dma_wait3A = arith.constant 1 : i32
        %dma_wait3A_243 = arith.constant 0 : i32
        %dma_wait3A_244 = arith.constant 0 : i32
        %dma_wait3A_245 = tpu.memref_slice %arg9[%dma_wait3A, %dma_wait3A_243, %dma_wait3A_244] : memref<3x80x128xf32, #tpu.memory_space<vmem>> -> memref<1x80x128xf32, #tpu.memory_space<vmem>>
        %dma_wait3A_246 = tpu.memref_squeeze %dma_wait3A_245 : memref<1x80x128xf32, #tpu.memory_space<vmem>> -> memref<80x128xf32, #tpu.memory_space<vmem>>
        %dma_wait3A_247 = arith.constant 0 : i32
        %dma_wait3A_248 = tpu.memref_slice %arg7[%add3A_228, %dma_wait3A_247] : memref<50x80xi32, #tpu.memory_space<vmem>> -> memref<1x80xi32, #tpu.memory_space<vmem>>
        %dma_wait3A_249 = tpu.memref_squeeze %dma_wait3A_248 : memref<1x80xi32, #tpu.memory_space<vmem>> -> memref<80xi32, #tpu.memory_space<vmem>>
        %dma_wait3A_250 = arith.constant 0 : i32
        %dma_wait3A_251 = arith.constant 0 : i32
        %dma_wait3A_252 = tpu.memref_slice %arg2[%dma_wait3A_250, %dma_wait3A_251] : memref<10000x128xf32, #tpu.memory_space<hbm>> -> memref<10000x128xf32, #tpu.memory_space<hbm>>
        tpu.wait_indirect_dma semaphore(%arg11 : memref<!tpu.dma_semaphore, #tpu.memory_space<semaphore_mem>>) src(%dma_wait3A_252 : memref<10000x128xf32, #tpu.memory_space<hbm>>) dst(%dma_wait3A_246 : memref<80x128xf32, #tpu.memory_space<vmem>>)
        %add3A_253 = arith.constant 2 : i32
        %add3A_254 = arith.addi %add3A_228, %add3A_253 : i32
        %lt3A_255 = arith.constant 50 : i32
        %lt3A_256 = arith.cmpi slt, %add3A_254, %lt3A_255 : i32
        %convert_element_type3A_257 = arith.extui %lt3A_256 : i1 to i32
        %cond3A_258 = arith.constant 0 : i32
        %cond3A_259 = arith.cmpi ne, %convert_element_type3A_257, %cond3A_258 : i32
        scf.if %cond3A_259 {
          %add3A_260 = arith.constant 2 : i32
          %add3A_261 = arith.addi %add3A_228, %add3A_260 : i32
          %dma_start3A_262 = arith.constant 0 : i32
          %dma_start3A_263 = arith.constant 0 : i32
          %dma_start3A_264 = arith.constant 0 : i32
          %dma_start3A_265 = tpu.memref_slice %arg9[%dma_start3A_262, %dma_start3A_263, %dma_start3A_264] : memref<3x80x128xf32, #tpu.memory_space<vmem>> -> memref<1x80x128xf32, #tpu.memory_space<vmem>>
          %dma_start3A_266 = tpu.memref_squeeze %dma_start3A_265 : memref<1x80x128xf32, #tpu.memory_space<vmem>> -> memref<80x128xf32, #tpu.memory_space<vmem>>
          %dma_start3A_267 = arith.constant 0 : i32
          %dma_start3A_268 = tpu.memref_slice %arg7[%add3A_261, %dma_start3A_267] : memref<50x80xi32, #tpu.memory_space<vmem>> -> memref<1x80xi32, #tpu.memory_space<vmem>>
          %dma_start3A_269 = tpu.memref_squeeze %dma_start3A_268 : memref<1x80xi32, #tpu.memory_space<vmem>> -> memref<80xi32, #tpu.memory_space<vmem>>
          %dma_start3A_270 = arith.constant 0 : i32
          %dma_start3A_271 = arith.constant 0 : i32
          %dma_start3A_272 = tpu.memref_slice %arg2[%dma_start3A_270, %dma_start3A_271] : memref<10000x128xf32, #tpu.memory_space<hbm>> -> memref<10000x128xf32, #tpu.memory_space<hbm>>
          tpu.enqueue_indirect_dma source(%dma_start3A_272 : memref<10000x128xf32, #tpu.memory_space<hbm>>) target(%dma_start3A_266 : memref<80x128xf32, #tpu.memory_space<vmem>>) offsets(%dma_start3A_269 : memref<80xi32, #tpu.memory_space<vmem>>) semaphore(%arg10 : memref<!tpu.dma_semaphore, #tpu.memory_space<semaphore_mem>>)
        } else {
        }
        %run_scoped3A = arith.constant 1 : i32
        "tpu.region"() ({
          %run_scoped3A_260 = tpu.sem_alloc : memref<!tpu.dma_semaphore, #tpu.memory_space<semaphore_mem>>
          %dma_start3A_261 = arith.constant 0 : i32
          %dma_start3A_262 = arith.constant 0 : i32
          %dma_start3A_263 = tpu.memref_slice %arg9[%run_scoped3A, %dma_start3A_261, %dma_start3A_262] : memref<3x80x128xf32, #tpu.memory_space<vmem>> -> memref<1x80x128xf32, #tpu.memory_space<vmem>>
          %dma_start3A_264 = tpu.memref_squeeze %dma_start3A_263 : memref<1x80x128xf32, #tpu.memory_space<vmem>> -> memref<80x128xf32, #tpu.memory_space<vmem>>
          %dma_start3A_265 = arith.constant 0 : i32
          %dma_start3A_266 = tpu.memref_slice %arg8[%add3A_228, %dma_start3A_265] : memref<50x80xi32, #tpu.memory_space<vmem>> -> memref<1x80xi32, #tpu.memory_space<vmem>>
          %dma_start3A_267 = tpu.memref_squeeze %dma_start3A_266 : memref<1x80xi32, #tpu.memory_space<vmem>> -> memref<80xi32, #tpu.memory_space<vmem>>
          %dma_start3A_268 = arith.constant 0 : i32
          %dma_start3A_269 = arith.constant 0 : i32
          %dma_start3A_270 = tpu.memref_slice %arg6[%dma_start3A_268, %dma_start3A_269] : memref<10000x128xf32, #tpu.memory_space<vmem_shared>> -> memref<10000x128xf32, #tpu.memory_space<vmem_shared>>
          tpu.enqueue_indirect_dma source(%dma_start3A_264 : memref<80x128xf32, #tpu.memory_space<vmem>>) target(%dma_start3A_270 : memref<10000x128xf32, #tpu.memory_space<vmem_shared>>) offsets(%dma_start3A_267 : memref<80xi32, #tpu.memory_space<vmem>>) semaphore(%run_scoped3A_260 : memref<!tpu.dma_semaphore, #tpu.memory_space<semaphore_mem>>) {add = true}
          %dma_wait3A_271 = arith.constant 0 : i32
          %dma_wait3A_272 = arith.constant 0 : i32
          %dma_wait3A_273 = tpu.memref_slice %arg9[%run_scoped3A, %dma_wait3A_271, %dma_wait3A_272] : memref<3x80x128xf32, #tpu.memory_space<vmem>> -> memref<1x80x128xf32, #tpu.memory_space<vmem>>
          %dma_wait3A_274 = tpu.memref_squeeze %dma_wait3A_273 : memref<1x80x128xf32, #tpu.memory_space<vmem>> -> memref<80x128xf32, #tpu.memory_space<vmem>>
          %dma_wait3A_275 = arith.constant 0 : i32
          %dma_wait3A_276 = tpu.memref_slice %arg8[%add3A_228, %dma_wait3A_275] : memref<50x80xi32, #tpu.memory_space<vmem>> -> memref<1x80xi32, #tpu.memory_space<vmem>>
          %dma_wait3A_277 = tpu.memref_squeeze %dma_wait3A_276 : memref<1x80xi32, #tpu.memory_space<vmem>> -> memref<80xi32, #tpu.memory_space<vmem>>
          %dma_wait3A_278 = arith.constant 0 : i32
          %dma_wait3A_279 = arith.constant 0 : i32
          %dma_wait3A_280 = tpu.memref_slice %arg6[%dma_wait3A_278, %dma_wait3A_279] : memref<10000x128xf32, #tpu.memory_space<vmem_shared>> -> memref<10000x128xf32, #tpu.memory_space<vmem_shared>>
          tpu.wait_indirect_dma semaphore(%run_scoped3A_260 : memref<!tpu.dma_semaphore, #tpu.memory_space<semaphore_mem>>) src(%dma_wait3A_274 : memref<80x128xf32, #tpu.memory_space<vmem>>) dst(%dma_wait3A_280 : memref<10000x128xf32, #tpu.memory_space<vmem_shared>>)
          tpu.yield
        }) : () -> ()
      } else {
      }
      %mul3A_234 = arith.constant 3 : i32
      %mul3A_235 = arith.muli %scan3A_216, %mul3A_234 : i32
      %add3A_236 = arith.constant 2 : i32
      %add3A_237 = arith.addi %mul3A_235, %add3A_236 : i32
      %lt3A_238 = arith.constant 50 : i32
      %lt3A_239 = arith.cmpi slt, %add3A_237, %lt3A_238 : i32
      %convert_element_type3A_240 = arith.extui %lt3A_239 : i1 to i32
      %cond3A_241 = arith.constant 0 : i32
      %cond3A_242 = arith.cmpi ne, %convert_element_type3A_240, %cond3A_241 : i32
      scf.if %cond3A_242 {
        %dma_wait3A = arith.constant 2 : i32
        %dma_wait3A_243 = arith.constant 0 : i32
        %dma_wait3A_244 = arith.constant 0 : i32
        %dma_wait3A_245 = tpu.memref_slice %arg9[%dma_wait3A, %dma_wait3A_243, %dma_wait3A_244] : memref<3x80x128xf32, #tpu.memory_space<vmem>> -> memref<1x80x128xf32, #tpu.memory_space<vmem>>
        %dma_wait3A_246 = tpu.memref_squeeze %dma_wait3A_245 : memref<1x80x128xf32, #tpu.memory_space<vmem>> -> memref<80x128xf32, #tpu.memory_space<vmem>>
        %dma_wait3A_247 = arith.constant 0 : i32
        %dma_wait3A_248 = tpu.memref_slice %arg7[%add3A_237, %dma_wait3A_247] : memref<50x80xi32, #tpu.memory_space<vmem>> -> memref<1x80xi32, #tpu.memory_space<vmem>>
        %dma_wait3A_249 = tpu.memref_squeeze %dma_wait3A_248 : memref<1x80xi32, #tpu.memory_space<vmem>> -> memref<80xi32, #tpu.memory_space<vmem>>
        %dma_wait3A_250 = arith.constant 0 : i32
        %dma_wait3A_251 = arith.constant 0 : i32
        %dma_wait3A_252 = tpu.memref_slice %arg2[%dma_wait3A_250, %dma_wait3A_251] : memref<10000x128xf32, #tpu.memory_space<hbm>> -> memref<10000x128xf32, #tpu.memory_space<hbm>>
        tpu.wait_indirect_dma semaphore(%arg12 : memref<!tpu.dma_semaphore, #tpu.memory_space<semaphore_mem>>) src(%dma_wait3A_252 : memref<10000x128xf32, #tpu.memory_space<hbm>>) dst(%dma_wait3A_246 : memref<80x128xf32, #tpu.memory_space<vmem>>)
        %add3A_253 = arith.constant 2 : i32
        %add3A_254 = arith.addi %add3A_237, %add3A_253 : i32
        %lt3A_255 = arith.constant 50 : i32
        %lt3A_256 = arith.cmpi slt, %add3A_254, %lt3A_255 : i32
        %convert_element_type3A_257 = arith.extui %lt3A_256 : i1 to i32
        %cond3A_258 = arith.constant 0 : i32
        %cond3A_259 = arith.cmpi ne, %convert_element_type3A_257, %cond3A_258 : i32
        scf.if %cond3A_259 {
          %add3A_260 = arith.constant 2 : i32
          %add3A_261 = arith.addi %add3A_237, %add3A_260 : i32
          %dma_start3A_262 = arith.constant 1 : i32
          %dma_start3A_263 = arith.constant 0 : i32
          %dma_start3A_264 = arith.constant 0 : i32
          %dma_start3A_265 = tpu.memref_slice %arg9[%dma_start3A_262, %dma_start3A_263, %dma_start3A_264] : memref<3x80x128xf32, #tpu.memory_space<vmem>> -> memref<1x80x128xf32, #tpu.memory_space<vmem>>
          %dma_start3A_266 = tpu.memref_squeeze %dma_start3A_265 : memref<1x80x128xf32, #tpu.memory_space<vmem>> -> memref<80x128xf32, #tpu.memory_space<vmem>>
          %dma_start3A_267 = arith.constant 0 : i32
          %dma_start3A_268 = tpu.memref_slice %arg7[%add3A_261, %dma_start3A_267] : memref<50x80xi32, #tpu.memory_space<vmem>> -> memref<1x80xi32, #tpu.memory_space<vmem>>
          %dma_start3A_269 = tpu.memref_squeeze %dma_start3A_268 : memref<1x80xi32, #tpu.memory_space<vmem>> -> memref<80xi32, #tpu.memory_space<vmem>>
          %dma_start3A_270 = arith.constant 0 : i32
          %dma_start3A_271 = arith.constant 0 : i32
          %dma_start3A_272 = tpu.memref_slice %arg2[%dma_start3A_270, %dma_start3A_271] : memref<10000x128xf32, #tpu.memory_space<hbm>> -> memref<10000x128xf32, #tpu.memory_space<hbm>>
          tpu.enqueue_indirect_dma source(%dma_start3A_272 : memref<10000x128xf32, #tpu.memory_space<hbm>>) target(%dma_start3A_266 : memref<80x128xf32, #tpu.memory_space<vmem>>) offsets(%dma_start3A_269 : memref<80xi32, #tpu.memory_space<vmem>>) semaphore(%arg11 : memref<!tpu.dma_semaphore, #tpu.memory_space<semaphore_mem>>)
        } else {
        }
        %run_scoped3A = arith.constant 2 : i32
        "tpu.region"() ({
          %run_scoped3A_260 = tpu.sem_alloc : memref<!tpu.dma_semaphore, #tpu.memory_space<semaphore_mem>>
          %dma_start3A_261 = arith.constant 0 : i32
          %dma_start3A_262 = arith.constant 0 : i32
          %dma_start3A_263 = tpu.memref_slice %arg9[%run_scoped3A, %dma_start3A_261, %dma_start3A_262] : memref<3x80x128xf32, #tpu.memory_space<vmem>> -> memref<1x80x128xf32, #tpu.memory_space<vmem>>
          %dma_start3A_264 = tpu.memref_squeeze %dma_start3A_263 : memref<1x80x128xf32, #tpu.memory_space<vmem>> -> memref<80x128xf32, #tpu.memory_space<vmem>>
          %dma_start3A_265 = arith.constant 0 : i32
          %dma_start3A_266 = tpu.memref_slice %arg8[%add3A_237, %dma_start3A_265] : memref<50x80xi32, #tpu.memory_space<vmem>> -> memref<1x80xi32, #tpu.memory_space<vmem>>
          %dma_start3A_267 = tpu.memref_squeeze %dma_start3A_266 : memref<1x80xi32, #tpu.memory_space<vmem>> -> memref<80xi32, #tpu.memory_space<vmem>>
          %dma_start3A_268 = arith.constant 0 : i32
          %dma_start3A_269 = arith.constant 0 : i32
          %dma_start3A_270 = tpu.memref_slice %arg6[%dma_start3A_268, %dma_start3A_269] : memref<10000x128xf32, #tpu.memory_space<vmem_shared>> -> memref<10000x128xf32, #tpu.memory_space<vmem_shared>>
          tpu.enqueue_indirect_dma source(%dma_start3A_264 : memref<80x128xf32, #tpu.memory_space<vmem>>) target(%dma_start3A_270 : memref<10000x128xf32, #tpu.memory_space<vmem_shared>>) offsets(%dma_start3A_267 : memref<80xi32, #tpu.memory_space<vmem>>) semaphore(%run_scoped3A_260 : memref<!tpu.dma_semaphore, #tpu.memory_space<semaphore_mem>>) {add = true}
          %dma_wait3A_271 = arith.constant 0 : i32
          %dma_wait3A_272 = arith.constant 0 : i32
          %dma_wait3A_273 = tpu.memref_slice %arg9[%run_scoped3A, %dma_wait3A_271, %dma_wait3A_272] : memref<3x80x128xf32, #tpu.memory_space<vmem>> -> memref<1x80x128xf32, #tpu.memory_space<vmem>>
          %dma_wait3A_274 = tpu.memref_squeeze %dma_wait3A_273 : memref<1x80x128xf32, #tpu.memory_space<vmem>> -> memref<80x128xf32, #tpu.memory_space<vmem>>
          %dma_wait3A_275 = arith.constant 0 : i32
          %dma_wait3A_276 = tpu.memref_slice %arg8[%add3A_237, %dma_wait3A_275] : memref<50x80xi32, #tpu.memory_space<vmem>> -> memref<1x80xi32, #tpu.memory_space<vmem>>
          %dma_wait3A_277 = tpu.memref_squeeze %dma_wait3A_276 : memref<1x80xi32, #tpu.memory_space<vmem>> -> memref<80xi32, #tpu.memory_space<vmem>>
          %dma_wait3A_278 = arith.constant 0 : i32
          %dma_wait3A_279 = arith.constant 0 : i32
          %dma_wait3A_280 = tpu.memref_slice %arg6[%dma_wait3A_278, %dma_wait3A_279] : memref<10000x128xf32, #tpu.memory_space<vmem_shared>> -> memref<10000x128xf32, #tpu.memory_space<vmem_shared>>
          tpu.wait_indirect_dma semaphore(%run_scoped3A_260 : memref<!tpu.dma_semaphore, #tpu.memory_space<semaphore_mem>>) src(%dma_wait3A_274 : memref<80x128xf32, #tpu.memory_space<vmem>>) dst(%dma_wait3A_280 : memref<10000x128xf32, #tpu.memory_space<vmem_shared>>)
          tpu.yield
        }) : () -> ()
      } else {
      }
    }
    %scan3A_124 = arith.constant 17 : i32
    %eq3A_125 = arith.constant 0 : i32
    %eq3A_126 = arith.cmpi eq, %arg0, %eq3A_125 : i32
    %convert_element_type3A_127 = arith.extui %eq3A_126 : i1 to i32
    %cond3A_128 = arith.constant 0 : i32
    %cond3A_129 = arith.cmpi ne, %convert_element_type3A_127, %cond3A_128 : i32
    scf.if %cond3A_129 {
      %run_scoped3A = arith.constant 0 : i32
      %run_scoped3A_216 = arith.constant 3 : i32
      "tpu.region"() ({
        %run_scoped3A_219 = tpu.sem_alloc : memref<!tpu.dma_semaphore, #tpu.memory_space<semaphore_mem>>
        %dma_start3A_220 = arith.constant 0 : i32
        %dma_start3A_221 = arith.constant 0 : i32
        %dma_start3A_222 = tpu.memref_slice %arg3[%run_scoped3A, %arg1, %run_scoped3A_216, %dma_start3A_220, %dma_start3A_221] : memref<2x16x5x50x80xi32, #tpu.memory_space<hbm>> -> memref<1x1x1x50x80xi32, #tpu.memory_space<hbm>>
        %dma_start3A_223 = tpu.memref_squeeze %dma_start3A_222 : memref<1x1x1x50x80xi32, #tpu.memory_space<hbm>> -> memref<50x80xi32, #tpu.memory_space<hbm>>
        %dma_start3A_224 = arith.constant 0 : i32
        %dma_start3A_225 = arith.constant 0 : i32
        %dma_start3A_226 = tpu.memref_slice %arg3[%run_scoped3A, %arg1, %run_scoped3A_216, %dma_start3A_224, %dma_start3A_225] : memref<2x16x5x50x80xi32, #tpu.memory_space<hbm>> -> memref<1x1x1x50x80xi32, #tpu.memory_space<hbm>>
        %dma_start3A_227 = tpu.memref_squeeze %dma_start3A_226 : memref<1x1x1x50x80xi32, #tpu.memory_space<hbm>> -> memref<50x80xi32, #tpu.memory_space<hbm>>
        tpu.enqueue_dma source(%dma_start3A_227 : memref<50x80xi32, #tpu.memory_space<hbm>>) target(%arg7 : memref<50x80xi32, #tpu.memory_space<vmem>>) target_semaphore(%run_scoped3A_219 : memref<!tpu.dma_semaphore, #tpu.memory_space<semaphore_mem>>)
        %dma_wait3A = arith.constant 0 : i32
        %dma_wait3A_228 = arith.constant 0 : i32
        %dma_wait3A_229 = tpu.memref_slice %arg3[%run_scoped3A, %arg1, %run_scoped3A_216, %dma_wait3A, %dma_wait3A_228] : memref<2x16x5x50x80xi32, #tpu.memory_space<hbm>> -> memref<1x1x1x50x80xi32, #tpu.memory_space<hbm>>
        %dma_wait3A_230 = tpu.memref_squeeze %dma_wait3A_229 : memref<1x1x1x50x80xi32, #tpu.memory_space<hbm>> -> memref<50x80xi32, #tpu.memory_space<hbm>>
        %dma_wait3A_231 = arith.constant 0 : i32
        %dma_wait3A_232 = arith.constant 0 : i32
        %dma_wait3A_233 = tpu.memref_slice %arg3[%run_scoped3A, %arg1, %run_scoped3A_216, %dma_wait3A_231, %dma_wait3A_232] : memref<2x16x5x50x80xi32, #tpu.memory_space<hbm>> -> memref<1x1x1x50x80xi32, #tpu.memory_space<hbm>>
        %dma_wait3A_234 = tpu.memref_squeeze %dma_wait3A_233 : memref<1x1x1x50x80xi32, #tpu.memory_space<hbm>> -> memref<50x80xi32, #tpu.memory_space<hbm>>
        tpu.wait_dma2 semaphore(%run_scoped3A_219 : memref<!tpu.dma_semaphore, #tpu.memory_space<semaphore_mem>>) src(%dma_wait3A_234 : memref<50x80xi32, #tpu.memory_space<hbm>>) dst(%arg7 : memref<50x80xi32, #tpu.memory_space<vmem>>)
        tpu.yield
      }) : () -> ()
      %run_scoped3A_217 = arith.constant 1 : i32
      %run_scoped3A_218 = arith.constant 3 : i32
      "tpu.region"() ({
        %run_scoped3A_219 = tpu.sem_alloc : memref<!tpu.dma_semaphore, #tpu.memory_space<semaphore_mem>>
        %dma_start3A_220 = arith.constant 0 : i32
        %dma_start3A_221 = arith.constant 0 : i32
        %dma_start3A_222 = tpu.memref_slice %arg3[%run_scoped3A_217, %arg1, %run_scoped3A_218, %dma_start3A_220, %dma_start3A_221] : memref<2x16x5x50x80xi32, #tpu.memory_space<hbm>> -> memref<1x1x1x50x80xi32, #tpu.memory_space<hbm>>
        %dma_start3A_223 = tpu.memref_squeeze %dma_start3A_222 : memref<1x1x1x50x80xi32, #tpu.memory_space<hbm>> -> memref<50x80xi32, #tpu.memory_space<hbm>>
        %dma_start3A_224 = arith.constant 0 : i32
        %dma_start3A_225 = arith.constant 0 : i32
        %dma_start3A_226 = tpu.memref_slice %arg3[%run_scoped3A_217, %arg1, %run_scoped3A_218, %dma_start3A_224, %dma_start3A_225] : memref<2x16x5x50x80xi32, #tpu.memory_space<hbm>> -> memref<1x1x1x50x80xi32, #tpu.memory_space<hbm>>
        %dma_start3A_227 = tpu.memref_squeeze %dma_start3A_226 : memref<1x1x1x50x80xi32, #tpu.memory_space<hbm>> -> memref<50x80xi32, #tpu.memory_space<hbm>>
        tpu.enqueue_dma source(%dma_start3A_227 : memref<50x80xi32, #tpu.memory_space<hbm>>) target(%arg8 : memref<50x80xi32, #tpu.memory_space<vmem>>) target_semaphore(%run_scoped3A_219 : memref<!tpu.dma_semaphore, #tpu.memory_space<semaphore_mem>>)
        %dma_wait3A = arith.constant 0 : i32
        %dma_wait3A_228 = arith.constant 0 : i32
        %dma_wait3A_229 = tpu.memref_slice %arg3[%run_scoped3A_217, %arg1, %run_scoped3A_218, %dma_wait3A, %dma_wait3A_228] : memref<2x16x5x50x80xi32, #tpu.memory_space<hbm>> -> memref<1x1x1x50x80xi32, #tpu.memory_space<hbm>>
        %dma_wait3A_230 = tpu.memref_squeeze %dma_wait3A_229 : memref<1x1x1x50x80xi32, #tpu.memory_space<hbm>> -> memref<50x80xi32, #tpu.memory_space<hbm>>
        %dma_wait3A_231 = arith.constant 0 : i32
        %dma_wait3A_232 = arith.constant 0 : i32
        %dma_wait3A_233 = tpu.memref_slice %arg3[%run_scoped3A_217, %arg1, %run_scoped3A_218, %dma_wait3A_231, %dma_wait3A_232] : memref<2x16x5x50x80xi32, #tpu.memory_space<hbm>> -> memref<1x1x1x50x80xi32, #tpu.memory_space<hbm>>
        %dma_wait3A_234 = tpu.memref_squeeze %dma_wait3A_233 : memref<1x1x1x50x80xi32, #tpu.memory_space<hbm>> -> memref<50x80xi32, #tpu.memory_space<hbm>>
        tpu.wait_dma2 semaphore(%run_scoped3A_219 : memref<!tpu.dma_semaphore, #tpu.memory_space<semaphore_mem>>) src(%dma_wait3A_234 : memref<50x80xi32, #tpu.memory_space<hbm>>) dst(%arg8 : memref<50x80xi32, #tpu.memory_space<vmem>>)
        tpu.yield
      }) : () -> ()
    } else {
    }
    %eq3A_130 = arith.constant 1 : i32
    %eq3A_131 = arith.cmpi eq, %arg0, %eq3A_130 : i32
    %convert_element_type3A_132 = arith.extui %eq3A_131 : i1 to i32
    %cond3A_133 = arith.constant 0 : i32
    %cond3A_134 = arith.cmpi ne, %convert_element_type3A_132, %cond3A_133 : i32
    scf.if %cond3A_134 {
      %run_scoped3A = arith.constant 0 : i32
      %run_scoped3A_216 = arith.constant 3 : i32
      "tpu.region"() ({
        %run_scoped3A_219 = tpu.sem_alloc : memref<!tpu.dma_semaphore, #tpu.memory_space<semaphore_mem>>
        %dma_start3A_220 = arith.constant 0 : i32
        %dma_start3A_221 = arith.constant 0 : i32
        %dma_start3A_222 = tpu.memref_slice %arg4[%run_scoped3A, %arg1, %run_scoped3A_216, %dma_start3A_220, %dma_start3A_221] : memref<2x16x5x50x80xi32, #tpu.memory_space<hbm>> -> memref<1x1x1x50x80xi32, #tpu.memory_space<hbm>>
        %dma_start3A_223 = tpu.memref_squeeze %dma_start3A_222 : memref<1x1x1x50x80xi32, #tpu.memory_space<hbm>> -> memref<50x80xi32, #tpu.memory_space<hbm>>
        %dma_start3A_224 = arith.constant 0 : i32
        %dma_start3A_225 = arith.constant 0 : i32
        %dma_start3A_226 = tpu.memref_slice %arg4[%run_scoped3A, %arg1, %run_scoped3A_216, %dma_start3A_224, %dma_start3A_225] : memref<2x16x5x50x80xi32, #tpu.memory_space<hbm>> -> memref<1x1x1x50x80xi32, #tpu.memory_space<hbm>>
        %dma_start3A_227 = tpu.memref_squeeze %dma_start3A_226 : memref<1x1x1x50x80xi32, #tpu.memory_space<hbm>> -> memref<50x80xi32, #tpu.memory_space<hbm>>
        tpu.enqueue_dma source(%dma_start3A_227 : memref<50x80xi32, #tpu.memory_space<hbm>>) target(%arg7 : memref<50x80xi32, #tpu.memory_space<vmem>>) target_semaphore(%run_scoped3A_219 : memref<!tpu.dma_semaphore, #tpu.memory_space<semaphore_mem>>)
        %dma_wait3A = arith.constant 0 : i32
        %dma_wait3A_228 = arith.constant 0 : i32
        %dma_wait3A_229 = tpu.memref_slice %arg4[%run_scoped3A, %arg1, %run_scoped3A_216, %dma_wait3A, %dma_wait3A_228] : memref<2x16x5x50x80xi32, #tpu.memory_space<hbm>> -> memref<1x1x1x50x80xi32, #tpu.memory_space<hbm>>
        %dma_wait3A_230 = tpu.memref_squeeze %dma_wait3A_229 : memref<1x1x1x50x80xi32, #tpu.memory_space<hbm>> -> memref<50x80xi32, #tpu.memory_space<hbm>>
        %dma_wait3A_231 = arith.constant 0 : i32
        %dma_wait3A_232 = arith.constant 0 : i32
        %dma_wait3A_233 = tpu.memref_slice %arg4[%run_scoped3A, %arg1, %run_scoped3A_216, %dma_wait3A_231, %dma_wait3A_232] : memref<2x16x5x50x80xi32, #tpu.memory_space<hbm>> -> memref<1x1x1x50x80xi32, #tpu.memory_space<hbm>>
        %dma_wait3A_234 = tpu.memref_squeeze %dma_wait3A_233 : memref<1x1x1x50x80xi32, #tpu.memory_space<hbm>> -> memref<50x80xi32, #tpu.memory_space<hbm>>
        tpu.wait_dma2 semaphore(%run_scoped3A_219 : memref<!tpu.dma_semaphore, #tpu.memory_space<semaphore_mem>>) src(%dma_wait3A_234 : memref<50x80xi32, #tpu.memory_space<hbm>>) dst(%arg7 : memref<50x80xi32, #tpu.memory_space<vmem>>)
        tpu.yield
      }) : () -> ()
      %run_scoped3A_217 = arith.constant 1 : i32
      %run_scoped3A_218 = arith.constant 3 : i32
      "tpu.region"() ({
        %run_scoped3A_219 = tpu.sem_alloc : memref<!tpu.dma_semaphore, #tpu.memory_space<semaphore_mem>>
        %dma_start3A_220 = arith.constant 0 : i32
        %dma_start3A_221 = arith.constant 0 : i32
        %dma_start3A_222 = tpu.memref_slice %arg4[%run_scoped3A_217, %arg1, %run_scoped3A_218, %dma_start3A_220, %dma_start3A_221] : memref<2x16x5x50x80xi32, #tpu.memory_space<hbm>> -> memref<1x1x1x50x80xi32, #tpu.memory_space<hbm>>
        %dma_start3A_223 = tpu.memref_squeeze %dma_start3A_222 : memref<1x1x1x50x80xi32, #tpu.memory_space<hbm>> -> memref<50x80xi32, #tpu.memory_space<hbm>>
        %dma_start3A_224 = arith.constant 0 : i32
        %dma_start3A_225 = arith.constant 0 : i32
        %dma_start3A_226 = tpu.memref_slice %arg4[%run_scoped3A_217, %arg1, %run_scoped3A_218, %dma_start3A_224, %dma_start3A_225] : memref<2x16x5x50x80xi32, #tpu.memory_space<hbm>> -> memref<1x1x1x50x80xi32, #tpu.memory_space<hbm>>
        %dma_start3A_227 = tpu.memref_squeeze %dma_start3A_226 : memref<1x1x1x50x80xi32, #tpu.memory_space<hbm>> -> memref<50x80xi32, #tpu.memory_space<hbm>>
        tpu.enqueue_dma source(%dma_start3A_227 : memref<50x80xi32, #tpu.memory_space<hbm>>) target(%arg8 : memref<50x80xi32, #tpu.memory_space<vmem>>) target_semaphore(%run_scoped3A_219 : memref<!tpu.dma_semaphore, #tpu.memory_space<semaphore_mem>>)
        %dma_wait3A = arith.constant 0 : i32
        %dma_wait3A_228 = arith.constant 0 : i32
        %dma_wait3A_229 = tpu.memref_slice %arg4[%run_scoped3A_217, %arg1, %run_scoped3A_218, %dma_wait3A, %dma_wait3A_228] : memref<2x16x5x50x80xi32, #tpu.memory_space<hbm>> -> memref<1x1x1x50x80xi32, #tpu.memory_space<hbm>>
        %dma_wait3A_230 = tpu.memref_squeeze %dma_wait3A_229 : memref<1x1x1x50x80xi32, #tpu.memory_space<hbm>> -> memref<50x80xi32, #tpu.memory_space<hbm>>
        %dma_wait3A_231 = arith.constant 0 : i32
        %dma_wait3A_232 = arith.constant 0 : i32
        %dma_wait3A_233 = tpu.memref_slice %arg4[%run_scoped3A_217, %arg1, %run_scoped3A_218, %dma_wait3A_231, %dma_wait3A_232] : memref<2x16x5x50x80xi32, #tpu.memory_space<hbm>> -> memref<1x1x1x50x80xi32, #tpu.memory_space<hbm>>
        %dma_wait3A_234 = tpu.memref_squeeze %dma_wait3A_233 : memref<1x1x1x50x80xi32, #tpu.memory_space<hbm>> -> memref<50x80xi32, #tpu.memory_space<hbm>>
        tpu.wait_dma2 semaphore(%run_scoped3A_219 : memref<!tpu.dma_semaphore, #tpu.memory_space<semaphore_mem>>) src(%dma_wait3A_234 : memref<50x80xi32, #tpu.memory_space<hbm>>) dst(%arg8 : memref<50x80xi32, #tpu.memory_space<vmem>>)
        tpu.yield
      }) : () -> ()
    } else {
    }
    %dma_start3A_135 = arith.constant 0 : i32
    %dma_start3A_136 = arith.constant 0 : i32
    %dma_start3A_137 = arith.constant 0 : i32
    %dma_start3A_138 = arith.constant 0 : i32
    %dma_start3A_139 = tpu.memref_slice %arg9[%dma_start3A_136, %dma_start3A_137, %dma_start3A_138] : memref<3x80x128xf32, #tpu.memory_space<vmem>> -> memref<1x80x128xf32, #tpu.memory_space<vmem>>
    %dma_start3A_140 = tpu.memref_squeeze %dma_start3A_139 : memref<1x80x128xf32, #tpu.memory_space<vmem>> -> memref<80x128xf32, #tpu.memory_space<vmem>>
    %dma_start3A_141 = arith.constant 0 : i32
    %dma_start3A_142 = tpu.memref_slice %arg7[%dma_start3A_135, %dma_start3A_141] : memref<50x80xi32, #tpu.memory_space<vmem>> -> memref<1x80xi32, #tpu.memory_space<vmem>>
    %dma_start3A_143 = tpu.memref_squeeze %dma_start3A_142 : memref<1x80xi32, #tpu.memory_space<vmem>> -> memref<80xi32, #tpu.memory_space<vmem>>
    %dma_start3A_144 = arith.constant 0 : i32
    %dma_start3A_145 = arith.constant 0 : i32
    %dma_start3A_146 = tpu.memref_slice %arg2[%dma_start3A_144, %dma_start3A_145] : memref<10000x128xf32, #tpu.memory_space<hbm>> -> memref<10000x128xf32, #tpu.memory_space<hbm>>
    tpu.enqueue_indirect_dma source(%dma_start3A_146 : memref<10000x128xf32, #tpu.memory_space<hbm>>) target(%dma_start3A_140 : memref<80x128xf32, #tpu.memory_space<vmem>>) offsets(%dma_start3A_143 : memref<80xi32, #tpu.memory_space<vmem>>) semaphore(%arg10 : memref<!tpu.dma_semaphore, #tpu.memory_space<semaphore_mem>>)
    %dma_start3A_147 = arith.constant 1 : i32
    %dma_start3A_148 = arith.constant 1 : i32
    %dma_start3A_149 = arith.constant 0 : i32
    %dma_start3A_150 = arith.constant 0 : i32
    %dma_start3A_151 = tpu.memref_slice %arg9[%dma_start3A_148, %dma_start3A_149, %dma_start3A_150] : memref<3x80x128xf32, #tpu.memory_space<vmem>> -> memref<1x80x128xf32, #tpu.memory_space<vmem>>
    %dma_start3A_152 = tpu.memref_squeeze %dma_start3A_151 : memref<1x80x128xf32, #tpu.memory_space<vmem>> -> memref<80x128xf32, #tpu.memory_space<vmem>>
    %dma_start3A_153 = arith.constant 0 : i32
    %dma_start3A_154 = tpu.memref_slice %arg7[%dma_start3A_147, %dma_start3A_153] : memref<50x80xi32, #tpu.memory_space<vmem>> -> memref<1x80xi32, #tpu.memory_space<vmem>>
    %dma_start3A_155 = tpu.memref_squeeze %dma_start3A_154 : memref<1x80xi32, #tpu.memory_space<vmem>> -> memref<80xi32, #tpu.memory_space<vmem>>
    %dma_start3A_156 = arith.constant 0 : i32
    %dma_start3A_157 = arith.constant 0 : i32
    %dma_start3A_158 = tpu.memref_slice %arg2[%dma_start3A_156, %dma_start3A_157] : memref<10000x128xf32, #tpu.memory_space<hbm>> -> memref<10000x128xf32, #tpu.memory_space<hbm>>
    tpu.enqueue_indirect_dma source(%dma_start3A_158 : memref<10000x128xf32, #tpu.memory_space<hbm>>) target(%dma_start3A_152 : memref<80x128xf32, #tpu.memory_space<vmem>>) offsets(%dma_start3A_155 : memref<80xi32, #tpu.memory_space<vmem>>) semaphore(%arg11 : memref<!tpu.dma_semaphore, #tpu.memory_space<semaphore_mem>>)
    %scan3A_159 = arith.constant 0 : i32
    %scan3A_160 = arith.constant 0 : i32
    %scan3A_161 = arith.constant 17 : i32
    %scan3A_162 = arith.addi %scan3A_160, %scan3A_161 : i32
    %scan3A_163 = arith.constant 1 : i32
    scf.for %scan3A_216 = %scan3A_160 to %scan3A_162 step %scan3A_163  : i32 {
      %mul3A_217 = arith.constant 3 : i32
      %mul3A_218 = arith.muli %scan3A_216, %mul3A_217 : i32
      %add3A = arith.constant 0 : i32
      %add3A_219 = arith.addi %mul3A_218, %add3A : i32
      %lt3A_220 = arith.constant 50 : i32
      %lt3A_221 = arith.cmpi slt, %add3A_219, %lt3A_220 : i32
      %convert_element_type3A_222 = arith.extui %lt3A_221 : i1 to i32
      %cond3A_223 = arith.constant 0 : i32
      %cond3A_224 = arith.cmpi ne, %convert_element_type3A_222, %cond3A_223 : i32
      scf.if %cond3A_224 {
        %dma_wait3A = arith.constant 0 : i32
        %dma_wait3A_243 = arith.constant 0 : i32
        %dma_wait3A_244 = arith.constant 0 : i32
        %dma_wait3A_245 = tpu.memref_slice %arg9[%dma_wait3A, %dma_wait3A_243, %dma_wait3A_244] : memref<3x80x128xf32, #tpu.memory_space<vmem>> -> memref<1x80x128xf32, #tpu.memory_space<vmem>>
        %dma_wait3A_246 = tpu.memref_squeeze %dma_wait3A_245 : memref<1x80x128xf32, #tpu.memory_space<vmem>> -> memref<80x128xf32, #tpu.memory_space<vmem>>
        %dma_wait3A_247 = arith.constant 0 : i32
        %dma_wait3A_248 = tpu.memref_slice %arg7[%add3A_219, %dma_wait3A_247] : memref<50x80xi32, #tpu.memory_space<vmem>> -> memref<1x80xi32, #tpu.memory_space<vmem>>
        %dma_wait3A_249 = tpu.memref_squeeze %dma_wait3A_248 : memref<1x80xi32, #tpu.memory_space<vmem>> -> memref<80xi32, #tpu.memory_space<vmem>>
        %dma_wait3A_250 = arith.constant 0 : i32
        %dma_wait3A_251 = arith.constant 0 : i32
        %dma_wait3A_252 = tpu.memref_slice %arg2[%dma_wait3A_250, %dma_wait3A_251] : memref<10000x128xf32, #tpu.memory_space<hbm>> -> memref<10000x128xf32, #tpu.memory_space<hbm>>
        tpu.wait_indirect_dma semaphore(%arg10 : memref<!tpu.dma_semaphore, #tpu.memory_space<semaphore_mem>>) src(%dma_wait3A_252 : memref<10000x128xf32, #tpu.memory_space<hbm>>) dst(%dma_wait3A_246 : memref<80x128xf32, #tpu.memory_space<vmem>>)
        %add3A_253 = arith.constant 2 : i32
        %add3A_254 = arith.addi %add3A_219, %add3A_253 : i32
        %lt3A_255 = arith.constant 50 : i32
        %lt3A_256 = arith.cmpi slt, %add3A_254, %lt3A_255 : i32
        %convert_element_type3A_257 = arith.extui %lt3A_256 : i1 to i32
        %cond3A_258 = arith.constant 0 : i32
        %cond3A_259 = arith.cmpi ne, %convert_element_type3A_257, %cond3A_258 : i32
        scf.if %cond3A_259 {
          %add3A_260 = arith.constant 2 : i32
          %add3A_261 = arith.addi %add3A_219, %add3A_260 : i32
          %dma_start3A_262 = arith.constant 2 : i32
          %dma_start3A_263 = arith.constant 0 : i32
          %dma_start3A_264 = arith.constant 0 : i32
          %dma_start3A_265 = tpu.memref_slice %arg9[%dma_start3A_262, %dma_start3A_263, %dma_start3A_264] : memref<3x80x128xf32, #tpu.memory_space<vmem>> -> memref<1x80x128xf32, #tpu.memory_space<vmem>>
          %dma_start3A_266 = tpu.memref_squeeze %dma_start3A_265 : memref<1x80x128xf32, #tpu.memory_space<vmem>> -> memref<80x128xf32, #tpu.memory_space<vmem>>
          %dma_start3A_267 = arith.constant 0 : i32
          %dma_start3A_268 = tpu.memref_slice %arg7[%add3A_261, %dma_start3A_267] : memref<50x80xi32, #tpu.memory_space<vmem>> -> memref<1x80xi32, #tpu.memory_space<vmem>>
          %dma_start3A_269 = tpu.memref_squeeze %dma_start3A_268 : memref<1x80xi32, #tpu.memory_space<vmem>> -> memref<80xi32, #tpu.memory_space<vmem>>
          %dma_start3A_270 = arith.constant 0 : i32
          %dma_start3A_271 = arith.constant 0 : i32
          %dma_start3A_272 = tpu.memref_slice %arg2[%dma_start3A_270, %dma_start3A_271] : memref<10000x128xf32, #tpu.memory_space<hbm>> -> memref<10000x128xf32, #tpu.memory_space<hbm>>
          tpu.enqueue_indirect_dma source(%dma_start3A_272 : memref<10000x128xf32, #tpu.memory_space<hbm>>) target(%dma_start3A_266 : memref<80x128xf32, #tpu.memory_space<vmem>>) offsets(%dma_start3A_269 : memref<80xi32, #tpu.memory_space<vmem>>) semaphore(%arg12 : memref<!tpu.dma_semaphore, #tpu.memory_space<semaphore_mem>>)
        } else {
        }
        %run_scoped3A = arith.constant 0 : i32
        "tpu.region"() ({
          %run_scoped3A_260 = tpu.sem_alloc : memref<!tpu.dma_semaphore, #tpu.memory_space<semaphore_mem>>
          %dma_start3A_261 = arith.constant 0 : i32
          %dma_start3A_262 = arith.constant 0 : i32
          %dma_start3A_263 = tpu.memref_slice %arg9[%run_scoped3A, %dma_start3A_261, %dma_start3A_262] : memref<3x80x128xf32, #tpu.memory_space<vmem>> -> memref<1x80x128xf32, #tpu.memory_space<vmem>>
          %dma_start3A_264 = tpu.memref_squeeze %dma_start3A_263 : memref<1x80x128xf32, #tpu.memory_space<vmem>> -> memref<80x128xf32, #tpu.memory_space<vmem>>
          %dma_start3A_265 = arith.constant 0 : i32
          %dma_start3A_266 = tpu.memref_slice %arg8[%add3A_219, %dma_start3A_265] : memref<50x80xi32, #tpu.memory_space<vmem>> -> memref<1x80xi32, #tpu.memory_space<vmem>>
          %dma_start3A_267 = tpu.memref_squeeze %dma_start3A_266 : memref<1x80xi32, #tpu.memory_space<vmem>> -> memref<80xi32, #tpu.memory_space<vmem>>
          %dma_start3A_268 = arith.constant 0 : i32
          %dma_start3A_269 = arith.constant 0 : i32
          %dma_start3A_270 = tpu.memref_slice %arg6[%dma_start3A_268, %dma_start3A_269] : memref<10000x128xf32, #tpu.memory_space<vmem_shared>> -> memref<10000x128xf32, #tpu.memory_space<vmem_shared>>
          tpu.enqueue_indirect_dma source(%dma_start3A_264 : memref<80x128xf32, #tpu.memory_space<vmem>>) target(%dma_start3A_270 : memref<10000x128xf32, #tpu.memory_space<vmem_shared>>) offsets(%dma_start3A_267 : memref<80xi32, #tpu.memory_space<vmem>>) semaphore(%run_scoped3A_260 : memref<!tpu.dma_semaphore, #tpu.memory_space<semaphore_mem>>) {add = true}
          %dma_wait3A_271 = arith.constant 0 : i32
          %dma_wait3A_272 = arith.constant 0 : i32
          %dma_wait3A_273 = tpu.memref_slice %arg9[%run_scoped3A, %dma_wait3A_271, %dma_wait3A_272] : memref<3x80x128xf32, #tpu.memory_space<vmem>> -> memref<1x80x128xf32, #tpu.memory_space<vmem>>
          %dma_wait3A_274 = tpu.memref_squeeze %dma_wait3A_273 : memref<1x80x128xf32, #tpu.memory_space<vmem>> -> memref<80x128xf32, #tpu.memory_space<vmem>>
          %dma_wait3A_275 = arith.constant 0 : i32
          %dma_wait3A_276 = tpu.memref_slice %arg8[%add3A_219, %dma_wait3A_275] : memref<50x80xi32, #tpu.memory_space<vmem>> -> memref<1x80xi32, #tpu.memory_space<vmem>>
          %dma_wait3A_277 = tpu.memref_squeeze %dma_wait3A_276 : memref<1x80xi32, #tpu.memory_space<vmem>> -> memref<80xi32, #tpu.memory_space<vmem>>
          %dma_wait3A_278 = arith.constant 0 : i32
          %dma_wait3A_279 = arith.constant 0 : i32
          %dma_wait3A_280 = tpu.memref_slice %arg6[%dma_wait3A_278, %dma_wait3A_279] : memref<10000x128xf32, #tpu.memory_space<vmem_shared>> -> memref<10000x128xf32, #tpu.memory_space<vmem_shared>>
          tpu.wait_indirect_dma semaphore(%run_scoped3A_260 : memref<!tpu.dma_semaphore, #tpu.memory_space<semaphore_mem>>) src(%dma_wait3A_274 : memref<80x128xf32, #tpu.memory_space<vmem>>) dst(%dma_wait3A_280 : memref<10000x128xf32, #tpu.memory_space<vmem_shared>>)
          tpu.yield
        }) : () -> ()
      } else {
      }
      %mul3A_225 = arith.constant 3 : i32
      %mul3A_226 = arith.muli %scan3A_216, %mul3A_225 : i32
      %add3A_227 = arith.constant 1 : i32
      %add3A_228 = arith.addi %mul3A_226, %add3A_227 : i32
      %lt3A_229 = arith.constant 50 : i32
      %lt3A_230 = arith.cmpi slt, %add3A_228, %lt3A_229 : i32
      %convert_element_type3A_231 = arith.extui %lt3A_230 : i1 to i32
      %cond3A_232 = arith.constant 0 : i32
      %cond3A_233 = arith.cmpi ne, %convert_element_type3A_231, %cond3A_232 : i32
      scf.if %cond3A_233 {
        %dma_wait3A = arith.constant 1 : i32
        %dma_wait3A_243 = arith.constant 0 : i32
        %dma_wait3A_244 = arith.constant 0 : i32
        %dma_wait3A_245 = tpu.memref_slice %arg9[%dma_wait3A, %dma_wait3A_243, %dma_wait3A_244] : memref<3x80x128xf32, #tpu.memory_space<vmem>> -> memref<1x80x128xf32, #tpu.memory_space<vmem>>
        %dma_wait3A_246 = tpu.memref_squeeze %dma_wait3A_245 : memref<1x80x128xf32, #tpu.memory_space<vmem>> -> memref<80x128xf32, #tpu.memory_space<vmem>>
        %dma_wait3A_247 = arith.constant 0 : i32
        %dma_wait3A_248 = tpu.memref_slice %arg7[%add3A_228, %dma_wait3A_247] : memref<50x80xi32, #tpu.memory_space<vmem>> -> memref<1x80xi32, #tpu.memory_space<vmem>>
        %dma_wait3A_249 = tpu.memref_squeeze %dma_wait3A_248 : memref<1x80xi32, #tpu.memory_space<vmem>> -> memref<80xi32, #tpu.memory_space<vmem>>
        %dma_wait3A_250 = arith.constant 0 : i32
        %dma_wait3A_251 = arith.constant 0 : i32
        %dma_wait3A_252 = tpu.memref_slice %arg2[%dma_wait3A_250, %dma_wait3A_251] : memref<10000x128xf32, #tpu.memory_space<hbm>> -> memref<10000x128xf32, #tpu.memory_space<hbm>>
        tpu.wait_indirect_dma semaphore(%arg11 : memref<!tpu.dma_semaphore, #tpu.memory_space<semaphore_mem>>) src(%dma_wait3A_252 : memref<10000x128xf32, #tpu.memory_space<hbm>>) dst(%dma_wait3A_246 : memref<80x128xf32, #tpu.memory_space<vmem>>)
        %add3A_253 = arith.constant 2 : i32
        %add3A_254 = arith.addi %add3A_228, %add3A_253 : i32
        %lt3A_255 = arith.constant 50 : i32
        %lt3A_256 = arith.cmpi slt, %add3A_254, %lt3A_255 : i32
        %convert_element_type3A_257 = arith.extui %lt3A_256 : i1 to i32
        %cond3A_258 = arith.constant 0 : i32
        %cond3A_259 = arith.cmpi ne, %convert_element_type3A_257, %cond3A_258 : i32
        scf.if %cond3A_259 {
          %add3A_260 = arith.constant 2 : i32
          %add3A_261 = arith.addi %add3A_228, %add3A_260 : i32
          %dma_start3A_262 = arith.constant 0 : i32
          %dma_start3A_263 = arith.constant 0 : i32
          %dma_start3A_264 = arith.constant 0 : i32
          %dma_start3A_265 = tpu.memref_slice %arg9[%dma_start3A_262, %dma_start3A_263, %dma_start3A_264] : memref<3x80x128xf32, #tpu.memory_space<vmem>> -> memref<1x80x128xf32, #tpu.memory_space<vmem>>
          %dma_start3A_266 = tpu.memref_squeeze %dma_start3A_265 : memref<1x80x128xf32, #tpu.memory_space<vmem>> -> memref<80x128xf32, #tpu.memory_space<vmem>>
          %dma_start3A_267 = arith.constant 0 : i32
          %dma_start3A_268 = tpu.memref_slice %arg7[%add3A_261, %dma_start3A_267] : memref<50x80xi32, #tpu.memory_space<vmem>> -> memref<1x80xi32, #tpu.memory_space<vmem>>
          %dma_start3A_269 = tpu.memref_squeeze %dma_start3A_268 : memref<1x80xi32, #tpu.memory_space<vmem>> -> memref<80xi32, #tpu.memory_space<vmem>>
          %dma_start3A_270 = arith.constant 0 : i32
          %dma_start3A_271 = arith.constant 0 : i32
          %dma_start3A_272 = tpu.memref_slice %arg2[%dma_start3A_270, %dma_start3A_271] : memref<10000x128xf32, #tpu.memory_space<hbm>> -> memref<10000x128xf32, #tpu.memory_space<hbm>>
          tpu.enqueue_indirect_dma source(%dma_start3A_272 : memref<10000x128xf32, #tpu.memory_space<hbm>>) target(%dma_start3A_266 : memref<80x128xf32, #tpu.memory_space<vmem>>) offsets(%dma_start3A_269 : memref<80xi32, #tpu.memory_space<vmem>>) semaphore(%arg10 : memref<!tpu.dma_semaphore, #tpu.memory_space<semaphore_mem>>)
        } else {
        }
        %run_scoped3A = arith.constant 1 : i32
        "tpu.region"() ({
          %run_scoped3A_260 = tpu.sem_alloc : memref<!tpu.dma_semaphore, #tpu.memory_space<semaphore_mem>>
          %dma_start3A_261 = arith.constant 0 : i32
          %dma_start3A_262 = arith.constant 0 : i32
          %dma_start3A_263 = tpu.memref_slice %arg9[%run_scoped3A, %dma_start3A_261, %dma_start3A_262] : memref<3x80x128xf32, #tpu.memory_space<vmem>> -> memref<1x80x128xf32, #tpu.memory_space<vmem>>
          %dma_start3A_264 = tpu.memref_squeeze %dma_start3A_263 : memref<1x80x128xf32, #tpu.memory_space<vmem>> -> memref<80x128xf32, #tpu.memory_space<vmem>>
          %dma_start3A_265 = arith.constant 0 : i32
          %dma_start3A_266 = tpu.memref_slice %arg8[%add3A_228, %dma_start3A_265] : memref<50x80xi32, #tpu.memory_space<vmem>> -> memref<1x80xi32, #tpu.memory_space<vmem>>
          %dma_start3A_267 = tpu.memref_squeeze %dma_start3A_266 : memref<1x80xi32, #tpu.memory_space<vmem>> -> memref<80xi32, #tpu.memory_space<vmem>>
          %dma_start3A_268 = arith.constant 0 : i32
          %dma_start3A_269 = arith.constant 0 : i32
          %dma_start3A_270 = tpu.memref_slice %arg6[%dma_start3A_268, %dma_start3A_269] : memref<10000x128xf32, #tpu.memory_space<vmem_shared>> -> memref<10000x128xf32, #tpu.memory_space<vmem_shared>>
          tpu.enqueue_indirect_dma source(%dma_start3A_264 : memref<80x128xf32, #tpu.memory_space<vmem>>) target(%dma_start3A_270 : memref<10000x128xf32, #tpu.memory_space<vmem_shared>>) offsets(%dma_start3A_267 : memref<80xi32, #tpu.memory_space<vmem>>) semaphore(%run_scoped3A_260 : memref<!tpu.dma_semaphore, #tpu.memory_space<semaphore_mem>>) {add = true}
          %dma_wait3A_271 = arith.constant 0 : i32
          %dma_wait3A_272 = arith.constant 0 : i32
          %dma_wait3A_273 = tpu.memref_slice %arg9[%run_scoped3A, %dma_wait3A_271, %dma_wait3A_272] : memref<3x80x128xf32, #tpu.memory_space<vmem>> -> memref<1x80x128xf32, #tpu.memory_space<vmem>>
          %dma_wait3A_274 = tpu.memref_squeeze %dma_wait3A_273 : memref<1x80x128xf32, #tpu.memory_space<vmem>> -> memref<80x128xf32, #tpu.memory_space<vmem>>
          %dma_wait3A_275 = arith.constant 0 : i32
          %dma_wait3A_276 = tpu.memref_slice %arg8[%add3A_228, %dma_wait3A_275] : memref<50x80xi32, #tpu.memory_space<vmem>> -> memref<1x80xi32, #tpu.memory_space<vmem>>
          %dma_wait3A_277 = tpu.memref_squeeze %dma_wait3A_276 : memref<1x80xi32, #tpu.memory_space<vmem>> -> memref<80xi32, #tpu.memory_space<vmem>>
          %dma_wait3A_278 = arith.constant 0 : i32
          %dma_wait3A_279 = arith.constant 0 : i32
          %dma_wait3A_280 = tpu.memref_slice %arg6[%dma_wait3A_278, %dma_wait3A_279] : memref<10000x128xf32, #tpu.memory_space<vmem_shared>> -> memref<10000x128xf32, #tpu.memory_space<vmem_shared>>
          tpu.wait_indirect_dma semaphore(%run_scoped3A_260 : memref<!tpu.dma_semaphore, #tpu.memory_space<semaphore_mem>>) src(%dma_wait3A_274 : memref<80x128xf32, #tpu.memory_space<vmem>>) dst(%dma_wait3A_280 : memref<10000x128xf32, #tpu.memory_space<vmem_shared>>)
          tpu.yield
        }) : () -> ()
      } else {
      }
      %mul3A_234 = arith.constant 3 : i32
      %mul3A_235 = arith.muli %scan3A_216, %mul3A_234 : i32
      %add3A_236 = arith.constant 2 : i32
      %add3A_237 = arith.addi %mul3A_235, %add3A_236 : i32
      %lt3A_238 = arith.constant 50 : i32
      %lt3A_239 = arith.cmpi slt, %add3A_237, %lt3A_238 : i32
      %convert_element_type3A_240 = arith.extui %lt3A_239 : i1 to i32
      %cond3A_241 = arith.constant 0 : i32
      %cond3A_242 = arith.cmpi ne, %convert_element_type3A_240, %cond3A_241 : i32
      scf.if %cond3A_242 {
        %dma_wait3A = arith.constant 2 : i32
        %dma_wait3A_243 = arith.constant 0 : i32
        %dma_wait3A_244 = arith.constant 0 : i32
        %dma_wait3A_245 = tpu.memref_slice %arg9[%dma_wait3A, %dma_wait3A_243, %dma_wait3A_244] : memref<3x80x128xf32, #tpu.memory_space<vmem>> -> memref<1x80x128xf32, #tpu.memory_space<vmem>>
        %dma_wait3A_246 = tpu.memref_squeeze %dma_wait3A_245 : memref<1x80x128xf32, #tpu.memory_space<vmem>> -> memref<80x128xf32, #tpu.memory_space<vmem>>
        %dma_wait3A_247 = arith.constant 0 : i32
        %dma_wait3A_248 = tpu.memref_slice %arg7[%add3A_237, %dma_wait3A_247] : memref<50x80xi32, #tpu.memory_space<vmem>> -> memref<1x80xi32, #tpu.memory_space<vmem>>
        %dma_wait3A_249 = tpu.memref_squeeze %dma_wait3A_248 : memref<1x80xi32, #tpu.memory_space<vmem>> -> memref<80xi32, #tpu.memory_space<vmem>>
        %dma_wait3A_250 = arith.constant 0 : i32
        %dma_wait3A_251 = arith.constant 0 : i32
        %dma_wait3A_252 = tpu.memref_slice %arg2[%dma_wait3A_250, %dma_wait3A_251] : memref<10000x128xf32, #tpu.memory_space<hbm>> -> memref<10000x128xf32, #tpu.memory_space<hbm>>
        tpu.wait_indirect_dma semaphore(%arg12 : memref<!tpu.dma_semaphore, #tpu.memory_space<semaphore_mem>>) src(%dma_wait3A_252 : memref<10000x128xf32, #tpu.memory_space<hbm>>) dst(%dma_wait3A_246 : memref<80x128xf32, #tpu.memory_space<vmem>>)
        %add3A_253 = arith.constant 2 : i32
        %add3A_254 = arith.addi %add3A_237, %add3A_253 : i32
        %lt3A_255 = arith.constant 50 : i32
        %lt3A_256 = arith.cmpi slt, %add3A_254, %lt3A_255 : i32
        %convert_element_type3A_257 = arith.extui %lt3A_256 : i1 to i32
        %cond3A_258 = arith.constant 0 : i32
        %cond3A_259 = arith.cmpi ne, %convert_element_type3A_257, %cond3A_258 : i32
        scf.if %cond3A_259 {
          %add3A_260 = arith.constant 2 : i32
          %add3A_261 = arith.addi %add3A_237, %add3A_260 : i32
          %dma_start3A_262 = arith.constant 1 : i32
          %dma_start3A_263 = arith.constant 0 : i32
          %dma_start3A_264 = arith.constant 0 : i32
          %dma_start3A_265 = tpu.memref_slice %arg9[%dma_start3A_262, %dma_start3A_263, %dma_start3A_264] : memref<3x80x128xf32, #tpu.memory_space<vmem>> -> memref<1x80x128xf32, #tpu.memory_space<vmem>>
          %dma_start3A_266 = tpu.memref_squeeze %dma_start3A_265 : memref<1x80x128xf32, #tpu.memory_space<vmem>> -> memref<80x128xf32, #tpu.memory_space<vmem>>
          %dma_start3A_267 = arith.constant 0 : i32
          %dma_start3A_268 = tpu.memref_slice %arg7[%add3A_261, %dma_start3A_267] : memref<50x80xi32, #tpu.memory_space<vmem>> -> memref<1x80xi32, #tpu.memory_space<vmem>>
          %dma_start3A_269 = tpu.memref_squeeze %dma_start3A_268 : memref<1x80xi32, #tpu.memory_space<vmem>> -> memref<80xi32, #tpu.memory_space<vmem>>
          %dma_start3A_270 = arith.constant 0 : i32
          %dma_start3A_271 = arith.constant 0 : i32
          %dma_start3A_272 = tpu.memref_slice %arg2[%dma_start3A_270, %dma_start3A_271] : memref<10000x128xf32, #tpu.memory_space<hbm>> -> memref<10000x128xf32, #tpu.memory_space<hbm>>
          tpu.enqueue_indirect_dma source(%dma_start3A_272 : memref<10000x128xf32, #tpu.memory_space<hbm>>) target(%dma_start3A_266 : memref<80x128xf32, #tpu.memory_space<vmem>>) offsets(%dma_start3A_269 : memref<80xi32, #tpu.memory_space<vmem>>) semaphore(%arg11 : memref<!tpu.dma_semaphore, #tpu.memory_space<semaphore_mem>>)
        } else {
        }
        %run_scoped3A = arith.constant 2 : i32
        "tpu.region"() ({
          %run_scoped3A_260 = tpu.sem_alloc : memref<!tpu.dma_semaphore, #tpu.memory_space<semaphore_mem>>
          %dma_start3A_261 = arith.constant 0 : i32
          %dma_start3A_262 = arith.constant 0 : i32
          %dma_start3A_263 = tpu.memref_slice %arg9[%run_scoped3A, %dma_start3A_261, %dma_start3A_262] : memref<3x80x128xf32, #tpu.memory_space<vmem>> -> memref<1x80x128xf32, #tpu.memory_space<vmem>>
          %dma_start3A_264 = tpu.memref_squeeze %dma_start3A_263 : memref<1x80x128xf32, #tpu.memory_space<vmem>> -> memref<80x128xf32, #tpu.memory_space<vmem>>
          %dma_start3A_265 = arith.constant 0 : i32
          %dma_start3A_266 = tpu.memref_slice %arg8[%add3A_237, %dma_start3A_265] : memref<50x80xi32, #tpu.memory_space<vmem>> -> memref<1x80xi32, #tpu.memory_space<vmem>>
          %dma_start3A_267 = tpu.memref_squeeze %dma_start3A_266 : memref<1x80xi32, #tpu.memory_space<vmem>> -> memref<80xi32, #tpu.memory_space<vmem>>
          %dma_start3A_268 = arith.constant 0 : i32
          %dma_start3A_269 = arith.constant 0 : i32
          %dma_start3A_270 = tpu.memref_slice %arg6[%dma_start3A_268, %dma_start3A_269] : memref<10000x128xf32, #tpu.memory_space<vmem_shared>> -> memref<10000x128xf32, #tpu.memory_space<vmem_shared>>
          tpu.enqueue_indirect_dma source(%dma_start3A_264 : memref<80x128xf32, #tpu.memory_space<vmem>>) target(%dma_start3A_270 : memref<10000x128xf32, #tpu.memory_space<vmem_shared>>) offsets(%dma_start3A_267 : memref<80xi32, #tpu.memory_space<vmem>>) semaphore(%run_scoped3A_260 : memref<!tpu.dma_semaphore, #tpu.memory_space<semaphore_mem>>) {add = true}
          %dma_wait3A_271 = arith.constant 0 : i32
          %dma_wait3A_272 = arith.constant 0 : i32
          %dma_wait3A_273 = tpu.memref_slice %arg9[%run_scoped3A, %dma_wait3A_271, %dma_wait3A_272] : memref<3x80x128xf32, #tpu.memory_space<vmem>> -> memref<1x80x128xf32, #tpu.memory_space<vmem>>
          %dma_wait3A_274 = tpu.memref_squeeze %dma_wait3A_273 : memref<1x80x128xf32, #tpu.memory_space<vmem>> -> memref<80x128xf32, #tpu.memory_space<vmem>>
          %dma_wait3A_275 = arith.constant 0 : i32
          %dma_wait3A_276 = tpu.memref_slice %arg8[%add3A_237, %dma_wait3A_275] : memref<50x80xi32, #tpu.memory_space<vmem>> -> memref<1x80xi32, #tpu.memory_space<vmem>>
          %dma_wait3A_277 = tpu.memref_squeeze %dma_wait3A_276 : memref<1x80xi32, #tpu.memory_space<vmem>> -> memref<80xi32, #tpu.memory_space<vmem>>
          %dma_wait3A_278 = arith.constant 0 : i32
          %dma_wait3A_279 = arith.constant 0 : i32
          %dma_wait3A_280 = tpu.memref_slice %arg6[%dma_wait3A_278, %dma_wait3A_279] : memref<10000x128xf32, #tpu.memory_space<vmem_shared>> -> memref<10000x128xf32, #tpu.memory_space<vmem_shared>>
          tpu.wait_indirect_dma semaphore(%run_scoped3A_260 : memref<!tpu.dma_semaphore, #tpu.memory_space<semaphore_mem>>) src(%dma_wait3A_274 : memref<80x128xf32, #tpu.memory_space<vmem>>) dst(%dma_wait3A_280 : memref<10000x128xf32, #tpu.memory_space<vmem_shared>>)
          tpu.yield
        }) : () -> ()
      } else {
      }
    }
    %scan3A_164 = arith.constant 17 : i32
    %eq3A_165 = arith.constant 0 : i32
    %eq3A_166 = arith.cmpi eq, %arg0, %eq3A_165 : i32
    %convert_element_type3A_167 = arith.extui %eq3A_166 : i1 to i32
    %cond3A_168 = arith.constant 0 : i32
    %cond3A_169 = arith.cmpi ne, %convert_element_type3A_167, %cond3A_168 : i32
    scf.if %cond3A_169 {
      %run_scoped3A = arith.constant 0 : i32
      %run_scoped3A_216 = arith.constant 4 : i32
      "tpu.region"() ({
        %run_scoped3A_219 = tpu.sem_alloc : memref<!tpu.dma_semaphore, #tpu.memory_space<semaphore_mem>>
        %dma_start3A_220 = arith.constant 0 : i32
        %dma_start3A_221 = arith.constant 0 : i32
        %dma_start3A_222 = tpu.memref_slice %arg3[%run_scoped3A, %arg1, %run_scoped3A_216, %dma_start3A_220, %dma_start3A_221] : memref<2x16x5x50x80xi32, #tpu.memory_space<hbm>> -> memref<1x1x1x50x80xi32, #tpu.memory_space<hbm>>
        %dma_start3A_223 = tpu.memref_squeeze %dma_start3A_222 : memref<1x1x1x50x80xi32, #tpu.memory_space<hbm>> -> memref<50x80xi32, #tpu.memory_space<hbm>>
        %dma_start3A_224 = arith.constant 0 : i32
        %dma_start3A_225 = arith.constant 0 : i32
        %dma_start3A_226 = tpu.memref_slice %arg3[%run_scoped3A, %arg1, %run_scoped3A_216, %dma_start3A_224, %dma_start3A_225] : memref<2x16x5x50x80xi32, #tpu.memory_space<hbm>> -> memref<1x1x1x50x80xi32, #tpu.memory_space<hbm>>
        %dma_start3A_227 = tpu.memref_squeeze %dma_start3A_226 : memref<1x1x1x50x80xi32, #tpu.memory_space<hbm>> -> memref<50x80xi32, #tpu.memory_space<hbm>>
        tpu.enqueue_dma source(%dma_start3A_227 : memref<50x80xi32, #tpu.memory_space<hbm>>) target(%arg7 : memref<50x80xi32, #tpu.memory_space<vmem>>) target_semaphore(%run_scoped3A_219 : memref<!tpu.dma_semaphore, #tpu.memory_space<semaphore_mem>>)
        %dma_wait3A = arith.constant 0 : i32
        %dma_wait3A_228 = arith.constant 0 : i32
        %dma_wait3A_229 = tpu.memref_slice %arg3[%run_scoped3A, %arg1, %run_scoped3A_216, %dma_wait3A, %dma_wait3A_228] : memref<2x16x5x50x80xi32, #tpu.memory_space<hbm>> -> memref<1x1x1x50x80xi32, #tpu.memory_space<hbm>>
        %dma_wait3A_230 = tpu.memref_squeeze %dma_wait3A_229 : memref<1x1x1x50x80xi32, #tpu.memory_space<hbm>> -> memref<50x80xi32, #tpu.memory_space<hbm>>
        %dma_wait3A_231 = arith.constant 0 : i32
        %dma_wait3A_232 = arith.constant 0 : i32
        %dma_wait3A_233 = tpu.memref_slice %arg3[%run_scoped3A, %arg1, %run_scoped3A_216, %dma_wait3A_231, %dma_wait3A_232] : memref<2x16x5x50x80xi32, #tpu.memory_space<hbm>> -> memref<1x1x1x50x80xi32, #tpu.memory_space<hbm>>
        %dma_wait3A_234 = tpu.memref_squeeze %dma_wait3A_233 : memref<1x1x1x50x80xi32, #tpu.memory_space<hbm>> -> memref<50x80xi32, #tpu.memory_space<hbm>>
        tpu.wait_dma2 semaphore(%run_scoped3A_219 : memref<!tpu.dma_semaphore, #tpu.memory_space<semaphore_mem>>) src(%dma_wait3A_234 : memref<50x80xi32, #tpu.memory_space<hbm>>) dst(%arg7 : memref<50x80xi32, #tpu.memory_space<vmem>>)
        tpu.yield
      }) : () -> ()
      %run_scoped3A_217 = arith.constant 1 : i32
      %run_scoped3A_218 = arith.constant 4 : i32
      "tpu.region"() ({
        %run_scoped3A_219 = tpu.sem_alloc : memref<!tpu.dma_semaphore, #tpu.memory_space<semaphore_mem>>
        %dma_start3A_220 = arith.constant 0 : i32
        %dma_start3A_221 = arith.constant 0 : i32
        %dma_start3A_222 = tpu.memref_slice %arg3[%run_scoped3A_217, %arg1, %run_scoped3A_218, %dma_start3A_220, %dma_start3A_221] : memref<2x16x5x50x80xi32, #tpu.memory_space<hbm>> -> memref<1x1x1x50x80xi32, #tpu.memory_space<hbm>>
        %dma_start3A_223 = tpu.memref_squeeze %dma_start3A_222 : memref<1x1x1x50x80xi32, #tpu.memory_space<hbm>> -> memref<50x80xi32, #tpu.memory_space<hbm>>
        %dma_start3A_224 = arith.constant 0 : i32
        %dma_start3A_225 = arith.constant 0 : i32
        %dma_start3A_226 = tpu.memref_slice %arg3[%run_scoped3A_217, %arg1, %run_scoped3A_218, %dma_start3A_224, %dma_start3A_225] : memref<2x16x5x50x80xi32, #tpu.memory_space<hbm>> -> memref<1x1x1x50x80xi32, #tpu.memory_space<hbm>>
        %dma_start3A_227 = tpu.memref_squeeze %dma_start3A_226 : memref<1x1x1x50x80xi32, #tpu.memory_space<hbm>> -> memref<50x80xi32, #tpu.memory_space<hbm>>
        tpu.enqueue_dma source(%dma_start3A_227 : memref<50x80xi32, #tpu.memory_space<hbm>>) target(%arg8 : memref<50x80xi32, #tpu.memory_space<vmem>>) target_semaphore(%run_scoped3A_219 : memref<!tpu.dma_semaphore, #tpu.memory_space<semaphore_mem>>)
        %dma_wait3A = arith.constant 0 : i32
        %dma_wait3A_228 = arith.constant 0 : i32
        %dma_wait3A_229 = tpu.memref_slice %arg3[%run_scoped3A_217, %arg1, %run_scoped3A_218, %dma_wait3A, %dma_wait3A_228] : memref<2x16x5x50x80xi32, #tpu.memory_space<hbm>> -> memref<1x1x1x50x80xi32, #tpu.memory_space<hbm>>
        %dma_wait3A_230 = tpu.memref_squeeze %dma_wait3A_229 : memref<1x1x1x50x80xi32, #tpu.memory_space<hbm>> -> memref<50x80xi32, #tpu.memory_space<hbm>>
        %dma_wait3A_231 = arith.constant 0 : i32
        %dma_wait3A_232 = arith.constant 0 : i32
        %dma_wait3A_233 = tpu.memref_slice %arg3[%run_scoped3A_217, %arg1, %run_scoped3A_218, %dma_wait3A_231, %dma_wait3A_232] : memref<2x16x5x50x80xi32, #tpu.memory_space<hbm>> -> memref<1x1x1x50x80xi32, #tpu.memory_space<hbm>>
        %dma_wait3A_234 = tpu.memref_squeeze %dma_wait3A_233 : memref<1x1x1x50x80xi32, #tpu.memory_space<hbm>> -> memref<50x80xi32, #tpu.memory_space<hbm>>
        tpu.wait_dma2 semaphore(%run_scoped3A_219 : memref<!tpu.dma_semaphore, #tpu.memory_space<semaphore_mem>>) src(%dma_wait3A_234 : memref<50x80xi32, #tpu.memory_space<hbm>>) dst(%arg8 : memref<50x80xi32, #tpu.memory_space<vmem>>)
        tpu.yield
      }) : () -> ()
    } else {
    }
    %eq3A_170 = arith.constant 1 : i32
    %eq3A_171 = arith.cmpi eq, %arg0, %eq3A_170 : i32
    %convert_element_type3A_172 = arith.extui %eq3A_171 : i1 to i32
    %cond3A_173 = arith.constant 0 : i32
    %cond3A_174 = arith.cmpi ne, %convert_element_type3A_172, %cond3A_173 : i32
    scf.if %cond3A_174 {
      %run_scoped3A = arith.constant 0 : i32
      %run_scoped3A_216 = arith.constant 4 : i32
      "tpu.region"() ({
        %run_scoped3A_219 = tpu.sem_alloc : memref<!tpu.dma_semaphore, #tpu.memory_space<semaphore_mem>>
        %dma_start3A_220 = arith.constant 0 : i32
        %dma_start3A_221 = arith.constant 0 : i32
        %dma_start3A_222 = tpu.memref_slice %arg4[%run_scoped3A, %arg1, %run_scoped3A_216, %dma_start3A_220, %dma_start3A_221] : memref<2x16x5x50x80xi32, #tpu.memory_space<hbm>> -> memref<1x1x1x50x80xi32, #tpu.memory_space<hbm>>
        %dma_start3A_223 = tpu.memref_squeeze %dma_start3A_222 : memref<1x1x1x50x80xi32, #tpu.memory_space<hbm>> -> memref<50x80xi32, #tpu.memory_space<hbm>>
        %dma_start3A_224 = arith.constant 0 : i32
        %dma_start3A_225 = arith.constant 0 : i32
        %dma_start3A_226 = tpu.memref_slice %arg4[%run_scoped3A, %arg1, %run_scoped3A_216, %dma_start3A_224, %dma_start3A_225] : memref<2x16x5x50x80xi32, #tpu.memory_space<hbm>> -> memref<1x1x1x50x80xi32, #tpu.memory_space<hbm>>
        %dma_start3A_227 = tpu.memref_squeeze %dma_start3A_226 : memref<1x1x1x50x80xi32, #tpu.memory_space<hbm>> -> memref<50x80xi32, #tpu.memory_space<hbm>>
        tpu.enqueue_dma source(%dma_start3A_227 : memref<50x80xi32, #tpu.memory_space<hbm>>) target(%arg7 : memref<50x80xi32, #tpu.memory_space<vmem>>) target_semaphore(%run_scoped3A_219 : memref<!tpu.dma_semaphore, #tpu.memory_space<semaphore_mem>>)
        %dma_wait3A = arith.constant 0 : i32
        %dma_wait3A_228 = arith.constant 0 : i32
        %dma_wait3A_229 = tpu.memref_slice %arg4[%run_scoped3A, %arg1, %run_scoped3A_216, %dma_wait3A, %dma_wait3A_228] : memref<2x16x5x50x80xi32, #tpu.memory_space<hbm>> -> memref<1x1x1x50x80xi32, #tpu.memory_space<hbm>>
        %dma_wait3A_230 = tpu.memref_squeeze %dma_wait3A_229 : memref<1x1x1x50x80xi32, #tpu.memory_space<hbm>> -> memref<50x80xi32, #tpu.memory_space<hbm>>
        %dma_wait3A_231 = arith.constant 0 : i32
        %dma_wait3A_232 = arith.constant 0 : i32
        %dma_wait3A_233 = tpu.memref_slice %arg4[%run_scoped3A, %arg1, %run_scoped3A_216, %dma_wait3A_231, %dma_wait3A_232] : memref<2x16x5x50x80xi32, #tpu.memory_space<hbm>> -> memref<1x1x1x50x80xi32, #tpu.memory_space<hbm>>
        %dma_wait3A_234 = tpu.memref_squeeze %dma_wait3A_233 : memref<1x1x1x50x80xi32, #tpu.memory_space<hbm>> -> memref<50x80xi32, #tpu.memory_space<hbm>>
        tpu.wait_dma2 semaphore(%run_scoped3A_219 : memref<!tpu.dma_semaphore, #tpu.memory_space<semaphore_mem>>) src(%dma_wait3A_234 : memref<50x80xi32, #tpu.memory_space<hbm>>) dst(%arg7 : memref<50x80xi32, #tpu.memory_space<vmem>>)
        tpu.yield
      }) : () -> ()
      %run_scoped3A_217 = arith.constant 1 : i32
      %run_scoped3A_218 = arith.constant 4 : i32
      "tpu.region"() ({
        %run_scoped3A_219 = tpu.sem_alloc : memref<!tpu.dma_semaphore, #tpu.memory_space<semaphore_mem>>
        %dma_start3A_220 = arith.constant 0 : i32
        %dma_start3A_221 = arith.constant 0 : i32
        %dma_start3A_222 = tpu.memref_slice %arg4[%run_scoped3A_217, %arg1, %run_scoped3A_218, %dma_start3A_220, %dma_start3A_221] : memref<2x16x5x50x80xi32, #tpu.memory_space<hbm>> -> memref<1x1x1x50x80xi32, #tpu.memory_space<hbm>>
        %dma_start3A_223 = tpu.memref_squeeze %dma_start3A_222 : memref<1x1x1x50x80xi32, #tpu.memory_space<hbm>> -> memref<50x80xi32, #tpu.memory_space<hbm>>
        %dma_start3A_224 = arith.constant 0 : i32
        %dma_start3A_225 = arith.constant 0 : i32
        %dma_start3A_226 = tpu.memref_slice %arg4[%run_scoped3A_217, %arg1, %run_scoped3A_218, %dma_start3A_224, %dma_start3A_225] : memref<2x16x5x50x80xi32, #tpu.memory_space<hbm>> -> memref<1x1x1x50x80xi32, #tpu.memory_space<hbm>>
        %dma_start3A_227 = tpu.memref_squeeze %dma_start3A_226 : memref<1x1x1x50x80xi32, #tpu.memory_space<hbm>> -> memref<50x80xi32, #tpu.memory_space<hbm>>
        tpu.enqueue_dma source(%dma_start3A_227 : memref<50x80xi32, #tpu.memory_space<hbm>>) target(%arg8 : memref<50x80xi32, #tpu.memory_space<vmem>>) target_semaphore(%run_scoped3A_219 : memref<!tpu.dma_semaphore, #tpu.memory_space<semaphore_mem>>)
        %dma_wait3A = arith.constant 0 : i32
        %dma_wait3A_228 = arith.constant 0 : i32
        %dma_wait3A_229 = tpu.memref_slice %arg4[%run_scoped3A_217, %arg1, %run_scoped3A_218, %dma_wait3A, %dma_wait3A_228] : memref<2x16x5x50x80xi32, #tpu.memory_space<hbm>> -> memref<1x1x1x50x80xi32, #tpu.memory_space<hbm>>
        %dma_wait3A_230 = tpu.memref_squeeze %dma_wait3A_229 : memref<1x1x1x50x80xi32, #tpu.memory_space<hbm>> -> memref<50x80xi32, #tpu.memory_space<hbm>>
        %dma_wait3A_231 = arith.constant 0 : i32
        %dma_wait3A_232 = arith.constant 0 : i32
        %dma_wait3A_233 = tpu.memref_slice %arg4[%run_scoped3A_217, %arg1, %run_scoped3A_218, %dma_wait3A_231, %dma_wait3A_232] : memref<2x16x5x50x80xi32, #tpu.memory_space<hbm>> -> memref<1x1x1x50x80xi32, #tpu.memory_space<hbm>>
        %dma_wait3A_234 = tpu.memref_squeeze %dma_wait3A_233 : memref<1x1x1x50x80xi32, #tpu.memory_space<hbm>> -> memref<50x80xi32, #tpu.memory_space<hbm>>
        tpu.wait_dma2 semaphore(%run_scoped3A_219 : memref<!tpu.dma_semaphore, #tpu.memory_space<semaphore_mem>>) src(%dma_wait3A_234 : memref<50x80xi32, #tpu.memory_space<hbm>>) dst(%arg8 : memref<50x80xi32, #tpu.memory_space<vmem>>)
        tpu.yield
      }) : () -> ()
    } else {
    }
    %dma_start3A_175 = arith.constant 0 : i32
    %dma_start3A_176 = arith.constant 0 : i32
    %dma_start3A_177 = arith.constant 0 : i32
    %dma_start3A_178 = arith.constant 0 : i32
    %dma_start3A_179 = tpu.memref_slice %arg9[%dma_start3A_176, %dma_start3A_177, %dma_start3A_178] : memref<3x80x128xf32, #tpu.memory_space<vmem>> -> memref<1x80x128xf32, #tpu.memory_space<vmem>>
    %dma_start3A_180 = tpu.memref_squeeze %dma_start3A_179 : memref<1x80x128xf32, #tpu.memory_space<vmem>> -> memref<80x128xf32, #tpu.memory_space<vmem>>
    %dma_start3A_181 = arith.constant 0 : i32
    %dma_start3A_182 = tpu.memref_slice %arg7[%dma_start3A_175, %dma_start3A_181] : memref<50x80xi32, #tpu.memory_space<vmem>> -> memref<1x80xi32, #tpu.memory_space<vmem>>
    %dma_start3A_183 = tpu.memref_squeeze %dma_start3A_182 : memref<1x80xi32, #tpu.memory_space<vmem>> -> memref<80xi32, #tpu.memory_space<vmem>>
    %dma_start3A_184 = arith.constant 0 : i32
    %dma_start3A_185 = arith.constant 0 : i32
    %dma_start3A_186 = tpu.memref_slice %arg2[%dma_start3A_184, %dma_start3A_185] : memref<10000x128xf32, #tpu.memory_space<hbm>> -> memref<10000x128xf32, #tpu.memory_space<hbm>>
    tpu.enqueue_indirect_dma source(%dma_start3A_186 : memref<10000x128xf32, #tpu.memory_space<hbm>>) target(%dma_start3A_180 : memref<80x128xf32, #tpu.memory_space<vmem>>) offsets(%dma_start3A_183 : memref<80xi32, #tpu.memory_space<vmem>>) semaphore(%arg10 : memref<!tpu.dma_semaphore, #tpu.memory_space<semaphore_mem>>)
    %dma_start3A_187 = arith.constant 1 : i32
    %dma_start3A_188 = arith.constant 1 : i32
    %dma_start3A_189 = arith.constant 0 : i32
    %dma_start3A_190 = arith.constant 0 : i32
    %dma_start3A_191 = tpu.memref_slice %arg9[%dma_start3A_188, %dma_start3A_189, %dma_start3A_190] : memref<3x80x128xf32, #tpu.memory_space<vmem>> -> memref<1x80x128xf32, #tpu.memory_space<vmem>>
    %dma_start3A_192 = tpu.memref_squeeze %dma_start3A_191 : memref<1x80x128xf32, #tpu.memory_space<vmem>> -> memref<80x128xf32, #tpu.memory_space<vmem>>
    %dma_start3A_193 = arith.constant 0 : i32
    %dma_start3A_194 = tpu.memref_slice %arg7[%dma_start3A_187, %dma_start3A_193] : memref<50x80xi32, #tpu.memory_space<vmem>> -> memref<1x80xi32, #tpu.memory_space<vmem>>
    %dma_start3A_195 = tpu.memref_squeeze %dma_start3A_194 : memref<1x80xi32, #tpu.memory_space<vmem>> -> memref<80xi32, #tpu.memory_space<vmem>>
    %dma_start3A_196 = arith.constant 0 : i32
    %dma_start3A_197 = arith.constant 0 : i32
    %dma_start3A_198 = tpu.memref_slice %arg2[%dma_start3A_196, %dma_start3A_197] : memref<10000x128xf32, #tpu.memory_space<hbm>> -> memref<10000x128xf32, #tpu.memory_space<hbm>>
    tpu.enqueue_indirect_dma source(%dma_start3A_198 : memref<10000x128xf32, #tpu.memory_space<hbm>>) target(%dma_start3A_192 : memref<80x128xf32, #tpu.memory_space<vmem>>) offsets(%dma_start3A_195 : memref<80xi32, #tpu.memory_space<vmem>>) semaphore(%arg11 : memref<!tpu.dma_semaphore, #tpu.memory_space<semaphore_mem>>)
    %scan3A_199 = arith.constant 0 : i32
    %scan3A_200 = arith.constant 0 : i32
    %scan3A_201 = arith.constant 17 : i32
    %scan3A_202 = arith.addi %scan3A_200, %scan3A_201 : i32
    %scan3A_203 = arith.constant 1 : i32
    scf.for %scan3A_216 = %scan3A_200 to %scan3A_202 step %scan3A_203  : i32 {
      %mul3A_217 = arith.constant 3 : i32
      %mul3A_218 = arith.muli %scan3A_216, %mul3A_217 : i32
      %add3A = arith.constant 0 : i32
      %add3A_219 = arith.addi %mul3A_218, %add3A : i32
      %lt3A_220 = arith.constant 50 : i32
      %lt3A_221 = arith.cmpi slt, %add3A_219, %lt3A_220 : i32
      %convert_element_type3A_222 = arith.extui %lt3A_221 : i1 to i32
      %cond3A_223 = arith.constant 0 : i32
      %cond3A_224 = arith.cmpi ne, %convert_element_type3A_222, %cond3A_223 : i32
      scf.if %cond3A_224 {
        %dma_wait3A = arith.constant 0 : i32
        %dma_wait3A_243 = arith.constant 0 : i32
        %dma_wait3A_244 = arith.constant 0 : i32
        %dma_wait3A_245 = tpu.memref_slice %arg9[%dma_wait3A, %dma_wait3A_243, %dma_wait3A_244] : memref<3x80x128xf32, #tpu.memory_space<vmem>> -> memref<1x80x128xf32, #tpu.memory_space<vmem>>
        %dma_wait3A_246 = tpu.memref_squeeze %dma_wait3A_245 : memref<1x80x128xf32, #tpu.memory_space<vmem>> -> memref<80x128xf32, #tpu.memory_space<vmem>>
        %dma_wait3A_247 = arith.constant 0 : i32
        %dma_wait3A_248 = tpu.memref_slice %arg7[%add3A_219, %dma_wait3A_247] : memref<50x80xi32, #tpu.memory_space<vmem>> -> memref<1x80xi32, #tpu.memory_space<vmem>>
        %dma_wait3A_249 = tpu.memref_squeeze %dma_wait3A_248 : memref<1x80xi32, #tpu.memory_space<vmem>> -> memref<80xi32, #tpu.memory_space<vmem>>
        %dma_wait3A_250 = arith.constant 0 : i32
        %dma_wait3A_251 = arith.constant 0 : i32
        %dma_wait3A_252 = tpu.memref_slice %arg2[%dma_wait3A_250, %dma_wait3A_251] : memref<10000x128xf32, #tpu.memory_space<hbm>> -> memref<10000x128xf32, #tpu.memory_space<hbm>>
        tpu.wait_indirect_dma semaphore(%arg10 : memref<!tpu.dma_semaphore, #tpu.memory_space<semaphore_mem>>) src(%dma_wait3A_252 : memref<10000x128xf32, #tpu.memory_space<hbm>>) dst(%dma_wait3A_246 : memref<80x128xf32, #tpu.memory_space<vmem>>)
        %add3A_253 = arith.constant 2 : i32
        %add3A_254 = arith.addi %add3A_219, %add3A_253 : i32
        %lt3A_255 = arith.constant 50 : i32
        %lt3A_256 = arith.cmpi slt, %add3A_254, %lt3A_255 : i32
        %convert_element_type3A_257 = arith.extui %lt3A_256 : i1 to i32
        %cond3A_258 = arith.constant 0 : i32
        %cond3A_259 = arith.cmpi ne, %convert_element_type3A_257, %cond3A_258 : i32
        scf.if %cond3A_259 {
          %add3A_260 = arith.constant 2 : i32
          %add3A_261 = arith.addi %add3A_219, %add3A_260 : i32
          %dma_start3A_262 = arith.constant 2 : i32
          %dma_start3A_263 = arith.constant 0 : i32
          %dma_start3A_264 = arith.constant 0 : i32
          %dma_start3A_265 = tpu.memref_slice %arg9[%dma_start3A_262, %dma_start3A_263, %dma_start3A_264] : memref<3x80x128xf32, #tpu.memory_space<vmem>> -> memref<1x80x128xf32, #tpu.memory_space<vmem>>
          %dma_start3A_266 = tpu.memref_squeeze %dma_start3A_265 : memref<1x80x128xf32, #tpu.memory_space<vmem>> -> memref<80x128xf32, #tpu.memory_space<vmem>>
          %dma_start3A_267 = arith.constant 0 : i32
          %dma_start3A_268 = tpu.memref_slice %arg7[%add3A_261, %dma_start3A_267] : memref<50x80xi32, #tpu.memory_space<vmem>> -> memref<1x80xi32, #tpu.memory_space<vmem>>
          %dma_start3A_269 = tpu.memref_squeeze %dma_start3A_268 : memref<1x80xi32, #tpu.memory_space<vmem>> -> memref<80xi32, #tpu.memory_space<vmem>>
          %dma_start3A_270 = arith.constant 0 : i32
          %dma_start3A_271 = arith.constant 0 : i32
          %dma_start3A_272 = tpu.memref_slice %arg2[%dma_start3A_270, %dma_start3A_271] : memref<10000x128xf32, #tpu.memory_space<hbm>> -> memref<10000x128xf32, #tpu.memory_space<hbm>>
          tpu.enqueue_indirect_dma source(%dma_start3A_272 : memref<10000x128xf32, #tpu.memory_space<hbm>>) target(%dma_start3A_266 : memref<80x128xf32, #tpu.memory_space<vmem>>) offsets(%dma_start3A_269 : memref<80xi32, #tpu.memory_space<vmem>>) semaphore(%arg12 : memref<!tpu.dma_semaphore, #tpu.memory_space<semaphore_mem>>)
        } else {
        }
        %run_scoped3A = arith.constant 0 : i32
        "tpu.region"() ({
          %run_scoped3A_260 = tpu.sem_alloc : memref<!tpu.dma_semaphore, #tpu.memory_space<semaphore_mem>>
          %dma_start3A_261 = arith.constant 0 : i32
          %dma_start3A_262 = arith.constant 0 : i32
          %dma_start3A_263 = tpu.memref_slice %arg9[%run_scoped3A, %dma_start3A_261, %dma_start3A_262] : memref<3x80x128xf32, #tpu.memory_space<vmem>> -> memref<1x80x128xf32, #tpu.memory_space<vmem>>
          %dma_start3A_264 = tpu.memref_squeeze %dma_start3A_263 : memref<1x80x128xf32, #tpu.memory_space<vmem>> -> memref<80x128xf32, #tpu.memory_space<vmem>>
          %dma_start3A_265 = arith.constant 0 : i32
          %dma_start3A_266 = tpu.memref_slice %arg8[%add3A_219, %dma_start3A_265] : memref<50x80xi32, #tpu.memory_space<vmem>> -> memref<1x80xi32, #tpu.memory_space<vmem>>
          %dma_start3A_267 = tpu.memref_squeeze %dma_start3A_266 : memref<1x80xi32, #tpu.memory_space<vmem>> -> memref<80xi32, #tpu.memory_space<vmem>>
          %dma_start3A_268 = arith.constant 0 : i32
          %dma_start3A_269 = arith.constant 0 : i32
          %dma_start3A_270 = tpu.memref_slice %arg6[%dma_start3A_268, %dma_start3A_269] : memref<10000x128xf32, #tpu.memory_space<vmem_shared>> -> memref<10000x128xf32, #tpu.memory_space<vmem_shared>>
          tpu.enqueue_indirect_dma source(%dma_start3A_264 : memref<80x128xf32, #tpu.memory_space<vmem>>) target(%dma_start3A_270 : memref<10000x128xf32, #tpu.memory_space<vmem_shared>>) offsets(%dma_start3A_267 : memref<80xi32, #tpu.memory_space<vmem>>) semaphore(%run_scoped3A_260 : memref<!tpu.dma_semaphore, #tpu.memory_space<semaphore_mem>>) {add = true}
          %dma_wait3A_271 = arith.constant 0 : i32
          %dma_wait3A_272 = arith.constant 0 : i32
          %dma_wait3A_273 = tpu.memref_slice %arg9[%run_scoped3A, %dma_wait3A_271, %dma_wait3A_272] : memref<3x80x128xf32, #tpu.memory_space<vmem>> -> memref<1x80x128xf32, #tpu.memory_space<vmem>>
          %dma_wait3A_274 = tpu.memref_squeeze %dma_wait3A_273 : memref<1x80x128xf32, #tpu.memory_space<vmem>> -> memref<80x128xf32, #tpu.memory_space<vmem>>
          %dma_wait3A_275 = arith.constant 0 : i32
          %dma_wait3A_276 = tpu.memref_slice %arg8[%add3A_219, %dma_wait3A_275] : memref<50x80xi32, #tpu.memory_space<vmem>> -> memref<1x80xi32, #tpu.memory_space<vmem>>
          %dma_wait3A_277 = tpu.memref_squeeze %dma_wait3A_276 : memref<1x80xi32, #tpu.memory_space<vmem>> -> memref<80xi32, #tpu.memory_space<vmem>>
          %dma_wait3A_278 = arith.constant 0 : i32
          %dma_wait3A_279 = arith.constant 0 : i32
          %dma_wait3A_280 = tpu.memref_slice %arg6[%dma_wait3A_278, %dma_wait3A_279] : memref<10000x128xf32, #tpu.memory_space<vmem_shared>> -> memref<10000x128xf32, #tpu.memory_space<vmem_shared>>
          tpu.wait_indirect_dma semaphore(%run_scoped3A_260 : memref<!tpu.dma_semaphore, #tpu.memory_space<semaphore_mem>>) src(%dma_wait3A_274 : memref<80x128xf32, #tpu.memory_space<vmem>>) dst(%dma_wait3A_280 : memref<10000x128xf32, #tpu.memory_space<vmem_shared>>)
          tpu.yield
        }) : () -> ()
      } else {
      }
      %mul3A_225 = arith.constant 3 : i32
      %mul3A_226 = arith.muli %scan3A_216, %mul3A_225 : i32
      %add3A_227 = arith.constant 1 : i32
      %add3A_228 = arith.addi %mul3A_226, %add3A_227 : i32
      %lt3A_229 = arith.constant 50 : i32
      %lt3A_230 = arith.cmpi slt, %add3A_228, %lt3A_229 : i32
      %convert_element_type3A_231 = arith.extui %lt3A_230 : i1 to i32
      %cond3A_232 = arith.constant 0 : i32
      %cond3A_233 = arith.cmpi ne, %convert_element_type3A_231, %cond3A_232 : i32
      scf.if %cond3A_233 {
        %dma_wait3A = arith.constant 1 : i32
        %dma_wait3A_243 = arith.constant 0 : i32
        %dma_wait3A_244 = arith.constant 0 : i32
        %dma_wait3A_245 = tpu.memref_slice %arg9[%dma_wait3A, %dma_wait3A_243, %dma_wait3A_244] : memref<3x80x128xf32, #tpu.memory_space<vmem>> -> memref<1x80x128xf32, #tpu.memory_space<vmem>>
        %dma_wait3A_246 = tpu.memref_squeeze %dma_wait3A_245 : memref<1x80x128xf32, #tpu.memory_space<vmem>> -> memref<80x128xf32, #tpu.memory_space<vmem>>
        %dma_wait3A_247 = arith.constant 0 : i32
        %dma_wait3A_248 = tpu.memref_slice %arg7[%add3A_228, %dma_wait3A_247] : memref<50x80xi32, #tpu.memory_space<vmem>> -> memref<1x80xi32, #tpu.memory_space<vmem>>
        %dma_wait3A_249 = tpu.memref_squeeze %dma_wait3A_248 : memref<1x80xi32, #tpu.memory_space<vmem>> -> memref<80xi32, #tpu.memory_space<vmem>>
        %dma_wait3A_250 = arith.constant 0 : i32
        %dma_wait3A_251 = arith.constant 0 : i32
        %dma_wait3A_252 = tpu.memref_slice %arg2[%dma_wait3A_250, %dma_wait3A_251] : memref<10000x128xf32, #tpu.memory_space<hbm>> -> memref<10000x128xf32, #tpu.memory_space<hbm>>
        tpu.wait_indirect_dma semaphore(%arg11 : memref<!tpu.dma_semaphore, #tpu.memory_space<semaphore_mem>>) src(%dma_wait3A_252 : memref<10000x128xf32, #tpu.memory_space<hbm>>) dst(%dma_wait3A_246 : memref<80x128xf32, #tpu.memory_space<vmem>>)
        %add3A_253 = arith.constant 2 : i32
        %add3A_254 = arith.addi %add3A_228, %add3A_253 : i32
        %lt3A_255 = arith.constant 50 : i32
        %lt3A_256 = arith.cmpi slt, %add3A_254, %lt3A_255 : i32
        %convert_element_type3A_257 = arith.extui %lt3A_256 : i1 to i32
        %cond3A_258 = arith.constant 0 : i32
        %cond3A_259 = arith.cmpi ne, %convert_element_type3A_257, %cond3A_258 : i32
        scf.if %cond3A_259 {
          %add3A_260 = arith.constant 2 : i32
          %add3A_261 = arith.addi %add3A_228, %add3A_260 : i32
          %dma_start3A_262 = arith.constant 0 : i32
          %dma_start3A_263 = arith.constant 0 : i32
          %dma_start3A_264 = arith.constant 0 : i32
          %dma_start3A_265 = tpu.memref_slice %arg9[%dma_start3A_262, %dma_start3A_263, %dma_start3A_264] : memref<3x80x128xf32, #tpu.memory_space<vmem>> -> memref<1x80x128xf32, #tpu.memory_space<vmem>>
          %dma_start3A_266 = tpu.memref_squeeze %dma_start3A_265 : memref<1x80x128xf32, #tpu.memory_space<vmem>> -> memref<80x128xf32, #tpu.memory_space<vmem>>
          %dma_start3A_267 = arith.constant 0 : i32
          %dma_start3A_268 = tpu.memref_slice %arg7[%add3A_261, %dma_start3A_267] : memref<50x80xi32, #tpu.memory_space<vmem>> -> memref<1x80xi32, #tpu.memory_space<vmem>>
          %dma_start3A_269 = tpu.memref_squeeze %dma_start3A_268 : memref<1x80xi32, #tpu.memory_space<vmem>> -> memref<80xi32, #tpu.memory_space<vmem>>
          %dma_start3A_270 = arith.constant 0 : i32
          %dma_start3A_271 = arith.constant 0 : i32
          %dma_start3A_272 = tpu.memref_slice %arg2[%dma_start3A_270, %dma_start3A_271] : memref<10000x128xf32, #tpu.memory_space<hbm>> -> memref<10000x128xf32, #tpu.memory_space<hbm>>
          tpu.enqueue_indirect_dma source(%dma_start3A_272 : memref<10000x128xf32, #tpu.memory_space<hbm>>) target(%dma_start3A_266 : memref<80x128xf32, #tpu.memory_space<vmem>>) offsets(%dma_start3A_269 : memref<80xi32, #tpu.memory_space<vmem>>) semaphore(%arg10 : memref<!tpu.dma_semaphore, #tpu.memory_space<semaphore_mem>>)
        } else {
        }
        %run_scoped3A = arith.constant 1 : i32
        "tpu.region"() ({
          %run_scoped3A_260 = tpu.sem_alloc : memref<!tpu.dma_semaphore, #tpu.memory_space<semaphore_mem>>
          %dma_start3A_261 = arith.constant 0 : i32
          %dma_start3A_262 = arith.constant 0 : i32
          %dma_start3A_263 = tpu.memref_slice %arg9[%run_scoped3A, %dma_start3A_261, %dma_start3A_262] : memref<3x80x128xf32, #tpu.memory_space<vmem>> -> memref<1x80x128xf32, #tpu.memory_space<vmem>>
          %dma_start3A_264 = tpu.memref_squeeze %dma_start3A_263 : memref<1x80x128xf32, #tpu.memory_space<vmem>> -> memref<80x128xf32, #tpu.memory_space<vmem>>
          %dma_start3A_265 = arith.constant 0 : i32
          %dma_start3A_266 = tpu.memref_slice %arg8[%add3A_228, %dma_start3A_265] : memref<50x80xi32, #tpu.memory_space<vmem>> -> memref<1x80xi32, #tpu.memory_space<vmem>>
          %dma_start3A_267 = tpu.memref_squeeze %dma_start3A_266 : memref<1x80xi32, #tpu.memory_space<vmem>> -> memref<80xi32, #tpu.memory_space<vmem>>
          %dma_start3A_268 = arith.constant 0 : i32
          %dma_start3A_269 = arith.constant 0 : i32
          %dma_start3A_270 = tpu.memref_slice %arg6[%dma_start3A_268, %dma_start3A_269] : memref<10000x128xf32, #tpu.memory_space<vmem_shared>> -> memref<10000x128xf32, #tpu.memory_space<vmem_shared>>
          tpu.enqueue_indirect_dma source(%dma_start3A_264 : memref<80x128xf32, #tpu.memory_space<vmem>>) target(%dma_start3A_270 : memref<10000x128xf32, #tpu.memory_space<vmem_shared>>) offsets(%dma_start3A_267 : memref<80xi32, #tpu.memory_space<vmem>>) semaphore(%run_scoped3A_260 : memref<!tpu.dma_semaphore, #tpu.memory_space<semaphore_mem>>) {add = true}
          %dma_wait3A_271 = arith.constant 0 : i32
          %dma_wait3A_272 = arith.constant 0 : i32
          %dma_wait3A_273 = tpu.memref_slice %arg9[%run_scoped3A, %dma_wait3A_271, %dma_wait3A_272] : memref<3x80x128xf32, #tpu.memory_space<vmem>> -> memref<1x80x128xf32, #tpu.memory_space<vmem>>
          %dma_wait3A_274 = tpu.memref_squeeze %dma_wait3A_273 : memref<1x80x128xf32, #tpu.memory_space<vmem>> -> memref<80x128xf32, #tpu.memory_space<vmem>>
          %dma_wait3A_275 = arith.constant 0 : i32
          %dma_wait3A_276 = tpu.memref_slice %arg8[%add3A_228, %dma_wait3A_275] : memref<50x80xi32, #tpu.memory_space<vmem>> -> memref<1x80xi32, #tpu.memory_space<vmem>>
          %dma_wait3A_277 = tpu.memref_squeeze %dma_wait3A_276 : memref<1x80xi32, #tpu.memory_space<vmem>> -> memref<80xi32, #tpu.memory_space<vmem>>
          %dma_wait3A_278 = arith.constant 0 : i32
          %dma_wait3A_279 = arith.constant 0 : i32
          %dma_wait3A_280 = tpu.memref_slice %arg6[%dma_wait3A_278, %dma_wait3A_279] : memref<10000x128xf32, #tpu.memory_space<vmem_shared>> -> memref<10000x128xf32, #tpu.memory_space<vmem_shared>>
          tpu.wait_indirect_dma semaphore(%run_scoped3A_260 : memref<!tpu.dma_semaphore, #tpu.memory_space<semaphore_mem>>) src(%dma_wait3A_274 : memref<80x128xf32, #tpu.memory_space<vmem>>) dst(%dma_wait3A_280 : memref<10000x128xf32, #tpu.memory_space<vmem_shared>>)
          tpu.yield
        }) : () -> ()
      } else {
      }
      %mul3A_234 = arith.constant 3 : i32
      %mul3A_235 = arith.muli %scan3A_216, %mul3A_234 : i32
      %add3A_236 = arith.constant 2 : i32
      %add3A_237 = arith.addi %mul3A_235, %add3A_236 : i32
      %lt3A_238 = arith.constant 50 : i32
      %lt3A_239 = arith.cmpi slt, %add3A_237, %lt3A_238 : i32
      %convert_element_type3A_240 = arith.extui %lt3A_239 : i1 to i32
      %cond3A_241 = arith.constant 0 : i32
      %cond3A_242 = arith.cmpi ne, %convert_element_type3A_240, %cond3A_241 : i32
      scf.if %cond3A_242 {
        %dma_wait3A = arith.constant 2 : i32
        %dma_wait3A_243 = arith.constant 0 : i32
        %dma_wait3A_244 = arith.constant 0 : i32
        %dma_wait3A_245 = tpu.memref_slice %arg9[%dma_wait3A, %dma_wait3A_243, %dma_wait3A_244] : memref<3x80x128xf32, #tpu.memory_space<vmem>> -> memref<1x80x128xf32, #tpu.memory_space<vmem>>
        %dma_wait3A_246 = tpu.memref_squeeze %dma_wait3A_245 : memref<1x80x128xf32, #tpu.memory_space<vmem>> -> memref<80x128xf32, #tpu.memory_space<vmem>>
        %dma_wait3A_247 = arith.constant 0 : i32
        %dma_wait3A_248 = tpu.memref_slice %arg7[%add3A_237, %dma_wait3A_247] : memref<50x80xi32, #tpu.memory_space<vmem>> -> memref<1x80xi32, #tpu.memory_space<vmem>>
        %dma_wait3A_249 = tpu.memref_squeeze %dma_wait3A_248 : memref<1x80xi32, #tpu.memory_space<vmem>> -> memref<80xi32, #tpu.memory_space<vmem>>
        %dma_wait3A_250 = arith.constant 0 : i32
        %dma_wait3A_251 = arith.constant 0 : i32
        %dma_wait3A_252 = tpu.memref_slice %arg2[%dma_wait3A_250, %dma_wait3A_251] : memref<10000x128xf32, #tpu.memory_space<hbm>> -> memref<10000x128xf32, #tpu.memory_space<hbm>>
        tpu.wait_indirect_dma semaphore(%arg12 : memref<!tpu.dma_semaphore, #tpu.memory_space<semaphore_mem>>) src(%dma_wait3A_252 : memref<10000x128xf32, #tpu.memory_space<hbm>>) dst(%dma_wait3A_246 : memref<80x128xf32, #tpu.memory_space<vmem>>)
        %add3A_253 = arith.constant 2 : i32
        %add3A_254 = arith.addi %add3A_237, %add3A_253 : i32
        %lt3A_255 = arith.constant 50 : i32
        %lt3A_256 = arith.cmpi slt, %add3A_254, %lt3A_255 : i32
        %convert_element_type3A_257 = arith.extui %lt3A_256 : i1 to i32
        %cond3A_258 = arith.constant 0 : i32
        %cond3A_259 = arith.cmpi ne, %convert_element_type3A_257, %cond3A_258 : i32
        scf.if %cond3A_259 {
          %add3A_260 = arith.constant 2 : i32
          %add3A_261 = arith.addi %add3A_237, %add3A_260 : i32
          %dma_start3A_262 = arith.constant 1 : i32
          %dma_start3A_263 = arith.constant 0 : i32
          %dma_start3A_264 = arith.constant 0 : i32
          %dma_start3A_265 = tpu.memref_slice %arg9[%dma_start3A_262, %dma_start3A_263, %dma_start3A_264] : memref<3x80x128xf32, #tpu.memory_space<vmem>> -> memref<1x80x128xf32, #tpu.memory_space<vmem>>
          %dma_start3A_266 = tpu.memref_squeeze %dma_start3A_265 : memref<1x80x128xf32, #tpu.memory_space<vmem>> -> memref<80x128xf32, #tpu.memory_space<vmem>>
          %dma_start3A_267 = arith.constant 0 : i32
          %dma_start3A_268 = tpu.memref_slice %arg7[%add3A_261, %dma_start3A_267] : memref<50x80xi32, #tpu.memory_space<vmem>> -> memref<1x80xi32, #tpu.memory_space<vmem>>
          %dma_start3A_269 = tpu.memref_squeeze %dma_start3A_268 : memref<1x80xi32, #tpu.memory_space<vmem>> -> memref<80xi32, #tpu.memory_space<vmem>>
          %dma_start3A_270 = arith.constant 0 : i32
          %dma_start3A_271 = arith.constant 0 : i32
          %dma_start3A_272 = tpu.memref_slice %arg2[%dma_start3A_270, %dma_start3A_271] : memref<10000x128xf32, #tpu.memory_space<hbm>> -> memref<10000x128xf32, #tpu.memory_space<hbm>>
          tpu.enqueue_indirect_dma source(%dma_start3A_272 : memref<10000x128xf32, #tpu.memory_space<hbm>>) target(%dma_start3A_266 : memref<80x128xf32, #tpu.memory_space<vmem>>) offsets(%dma_start3A_269 : memref<80xi32, #tpu.memory_space<vmem>>) semaphore(%arg11 : memref<!tpu.dma_semaphore, #tpu.memory_space<semaphore_mem>>)
        } else {
        }
        %run_scoped3A = arith.constant 2 : i32
        "tpu.region"() ({
          %run_scoped3A_260 = tpu.sem_alloc : memref<!tpu.dma_semaphore, #tpu.memory_space<semaphore_mem>>
          %dma_start3A_261 = arith.constant 0 : i32
          %dma_start3A_262 = arith.constant 0 : i32
          %dma_start3A_263 = tpu.memref_slice %arg9[%run_scoped3A, %dma_start3A_261, %dma_start3A_262] : memref<3x80x128xf32, #tpu.memory_space<vmem>> -> memref<1x80x128xf32, #tpu.memory_space<vmem>>
          %dma_start3A_264 = tpu.memref_squeeze %dma_start3A_263 : memref<1x80x128xf32, #tpu.memory_space<vmem>> -> memref<80x128xf32, #tpu.memory_space<vmem>>
          %dma_start3A_265 = arith.constant 0 : i32
          %dma_start3A_266 = tpu.memref_slice %arg8[%add3A_237, %dma_start3A_265] : memref<50x80xi32, #tpu.memory_space<vmem>> -> memref<1x80xi32, #tpu.memory_space<vmem>>
          %dma_start3A_267 = tpu.memref_squeeze %dma_start3A_266 : memref<1x80xi32, #tpu.memory_space<vmem>> -> memref<80xi32, #tpu.memory_space<vmem>>
          %dma_start3A_268 = arith.constant 0 : i32
          %dma_start3A_269 = arith.constant 0 : i32
          %dma_start3A_270 = tpu.memref_slice %arg6[%dma_start3A_268, %dma_start3A_269] : memref<10000x128xf32, #tpu.memory_space<vmem_shared>> -> memref<10000x128xf32, #tpu.memory_space<vmem_shared>>
          tpu.enqueue_indirect_dma source(%dma_start3A_264 : memref<80x128xf32, #tpu.memory_space<vmem>>) target(%dma_start3A_270 : memref<10000x128xf32, #tpu.memory_space<vmem_shared>>) offsets(%dma_start3A_267 : memref<80xi32, #tpu.memory_space<vmem>>) semaphore(%run_scoped3A_260 : memref<!tpu.dma_semaphore, #tpu.memory_space<semaphore_mem>>) {add = true}
          %dma_wait3A_271 = arith.constant 0 : i32
          %dma_wait3A_272 = arith.constant 0 : i32
          %dma_wait3A_273 = tpu.memref_slice %arg9[%run_scoped3A, %dma_wait3A_271, %dma_wait3A_272] : memref<3x80x128xf32, #tpu.memory_space<vmem>> -> memref<1x80x128xf32, #tpu.memory_space<vmem>>
          %dma_wait3A_274 = tpu.memref_squeeze %dma_wait3A_273 : memref<1x80x128xf32, #tpu.memory_space<vmem>> -> memref<80x128xf32, #tpu.memory_space<vmem>>
          %dma_wait3A_275 = arith.constant 0 : i32
          %dma_wait3A_276 = tpu.memref_slice %arg8[%add3A_237, %dma_wait3A_275] : memref<50x80xi32, #tpu.memory_space<vmem>> -> memref<1x80xi32, #tpu.memory_space<vmem>>
          %dma_wait3A_277 = tpu.memref_squeeze %dma_wait3A_276 : memref<1x80xi32, #tpu.memory_space<vmem>> -> memref<80xi32, #tpu.memory_space<vmem>>
          %dma_wait3A_278 = arith.constant 0 : i32
          %dma_wait3A_279 = arith.constant 0 : i32
          %dma_wait3A_280 = tpu.memref_slice %arg6[%dma_wait3A_278, %dma_wait3A_279] : memref<10000x128xf32, #tpu.memory_space<vmem_shared>> -> memref<10000x128xf32, #tpu.memory_space<vmem_shared>>
          tpu.wait_indirect_dma semaphore(%run_scoped3A_260 : memref<!tpu.dma_semaphore, #tpu.memory_space<semaphore_mem>>) src(%dma_wait3A_274 : memref<80x128xf32, #tpu.memory_space<vmem>>) dst(%dma_wait3A_280 : memref<10000x128xf32, #tpu.memory_space<vmem_shared>>)
          tpu.yield
        }) : () -> ()
      } else {
      }
    }
    %scan3A_204 = arith.constant 17 : i32
    %barrier3A_205 = arith.constant 0 : index
    tpu.barrier barrier_id(%barrier3A_205)
    %lt3A_206 = arith.constant 15 : i32
    %lt3A_207 = arith.cmpi slt, %arg1, %lt3A_206 : i32
    %convert_element_type3A_208 = arith.extui %lt3A_207 : i1 to i32
    %cond3A_209 = arith.constant 0 : i32
    %cond3A_210 = arith.cmpi ne, %convert_element_type3A_208, %cond3A_209 : i32
    scf.if %cond3A_210 {
      "tpu.region"() ({
        %run_scoped3A = tpu.sem_alloc : memref<!tpu.dma_semaphore, #tpu.memory_space<semaphore_mem>>
        %dma_start3A_216 = arith.constant 0 : i32
        %dma_start3A_217 = tpu.memref_slice %arg5[%arg0, %multiple_of3A, %dma_start3A_216] : memref<2x10000x128xf32, #tpu.memory_space<hbm>> -> memref<1x640x128xf32, #tpu.memory_space<hbm>>
        %dma_start3A_218 = tpu.memref_squeeze %dma_start3A_217 : memref<1x640x128xf32, #tpu.memory_space<hbm>> -> memref<640x128xf32, #tpu.memory_space<hbm>>
        %dma_start3A_219 = arith.constant 0 : i32
        %dma_start3A_220 = tpu.memref_slice %arg6[%multiple_of3A, %dma_start3A_219] : memref<10000x128xf32, #tpu.memory_space<vmem_shared>> -> memref<640x128xf32, #tpu.memory_space<vmem_shared>>
        tpu.enqueue_dma source(%dma_start3A_220 : memref<640x128xf32, #tpu.memory_space<vmem_shared>>) target(%dma_start3A_218 : memref<640x128xf32, #tpu.memory_space<hbm>>) target_semaphore(%run_scoped3A : memref<!tpu.dma_semaphore, #tpu.memory_space<semaphore_mem>>)
        %dma_wait3A = arith.constant 0 : i32
        %dma_wait3A_221 = tpu.memref_slice %arg5[%arg0, %multiple_of3A, %dma_wait3A] : memref<2x10000x128xf32, #tpu.memory_space<hbm>> -> memref<1x640x128xf32, #tpu.memory_space<hbm>>
        %dma_wait3A_222 = tpu.memref_squeeze %dma_wait3A_221 : memref<1x640x128xf32, #tpu.memory_space<hbm>> -> memref<640x128xf32, #tpu.memory_space<hbm>>
        %dma_wait3A_223 = arith.constant 0 : i32
        %dma_wait3A_224 = tpu.memref_slice %arg6[%multiple_of3A, %dma_wait3A_223] : memref<10000x128xf32, #tpu.memory_space<vmem_shared>> -> memref<640x128xf32, #tpu.memory_space<vmem_shared>>
        tpu.wait_dma2 semaphore(%run_scoped3A : memref<!tpu.dma_semaphore, #tpu.memory_space<semaphore_mem>>) src(%dma_wait3A_224 : memref<640x128xf32, #tpu.memory_space<vmem_shared>>) dst(%dma_wait3A_222 : memref<640x128xf32, #tpu.memory_space<hbm>>)
        tpu.yield
      }) : () -> ()
    } else {
    }
    %eq3A_211 = arith.constant 15 : i32
    %eq3A_212 = arith.cmpi eq, %arg1, %eq3A_211 : i32
    %convert_element_type3A_213 = arith.extui %eq3A_212 : i1 to i32
    %cond3A_214 = arith.constant 0 : i32
    %cond3A_215 = arith.cmpi ne, %convert_element_type3A_213, %cond3A_214 : i32
    scf.if %cond3A_215 {
      "tpu.region"() ({
        %run_scoped3A = tpu.sem_alloc : memref<!tpu.dma_semaphore, #tpu.memory_space<semaphore_mem>>
        %dma_start3A_216 = arith.constant 9600 : i32
        %dma_start3A_217 = arith.constant 0 : i32
        %dma_start3A_218 = tpu.memref_slice %arg5[%arg0, %dma_start3A_216, %dma_start3A_217] : memref<2x10000x128xf32, #tpu.memory_space<hbm>> -> memref<1x400x128xf32, #tpu.memory_space<hbm>>
        %dma_start3A_219 = tpu.memref_squeeze %dma_start3A_218 : memref<1x400x128xf32, #tpu.memory_space<hbm>> -> memref<400x128xf32, #tpu.memory_space<hbm>>
        %dma_start3A_220 = arith.constant 9600 : i32
        %dma_start3A_221 = arith.constant 0 : i32
        %dma_start3A_222 = tpu.memref_slice %arg6[%dma_start3A_220, %dma_start3A_221] : memref<10000x128xf32, #tpu.memory_space<vmem_shared>> -> memref<400x128xf32, #tpu.memory_space<vmem_shared>>
        tpu.enqueue_dma source(%dma_start3A_222 : memref<400x128xf32, #tpu.memory_space<vmem_shared>>) target(%dma_start3A_219 : memref<400x128xf32, #tpu.memory_space<hbm>>) target_semaphore(%run_scoped3A : memref<!tpu.dma_semaphore, #tpu.memory_space<semaphore_mem>>)
        %dma_wait3A = arith.constant 9600 : i32
        %dma_wait3A_223 = arith.constant 0 : i32
        %dma_wait3A_224 = tpu.memref_slice %arg5[%arg0, %dma_wait3A, %dma_wait3A_223] : memref<2x10000x128xf32, #tpu.memory_space<hbm>> -> memref<1x400x128xf32, #tpu.memory_space<hbm>>
        %dma_wait3A_225 = tpu.memref_squeeze %dma_wait3A_224 : memref<1x400x128xf32, #tpu.memory_space<hbm>> -> memref<400x128xf32, #tpu.memory_space<hbm>>
        %dma_wait3A_226 = arith.constant 9600 : i32
        %dma_wait3A_227 = arith.constant 0 : i32
        %dma_wait3A_228 = tpu.memref_slice %arg6[%dma_wait3A_226, %dma_wait3A_227] : memref<10000x128xf32, #tpu.memory_space<vmem_shared>> -> memref<400x128xf32, #tpu.memory_space<vmem_shared>>
        tpu.wait_dma2 semaphore(%run_scoped3A : memref<!tpu.dma_semaphore, #tpu.memory_space<semaphore_mem>>) src(%dma_wait3A_228 : memref<400x128xf32, #tpu.memory_space<vmem_shared>>) dst(%dma_wait3A_225 : memref<400x128xf32, #tpu.memory_space<hbm>>)
        tpu.yield
      }) : () -> ()
    } else {
    }
    return
  }
}

#map = affine_map<(d0, d1) -> (0, 0)>
#map1 = affine_map<(d0, d1) -> (0, 0, 0, 0, 0)>
#map2 = affine_map<(d0, d1) -> (0, 0, 0)>
module attributes {stable_mosaic.version = 14 : i64} {
  func.func @_sc_pair_body(%arg0: i32, %arg1: i32, %arg2: memref<10000x128xf32, #tpu.memory_space<hbm>>, %arg3: memref<2x16x5x50x80xi32, #tpu.memory_space<hbm>>, %arg4: memref<2x16x5x50x80xi32, #tpu.memory_space<hbm>>, %arg5: memref<2x10000x128xf32, #tpu.memory_space<hbm>>, %arg6: memref<10000x128xf32, #tpu.memory_space<vmem_shared>>, %arg7: memref<50x80xi32, #tpu.memory_space<vmem>>, %arg8: memref<50x80xi32, #tpu.memory_space<vmem>>, %arg9: memref<3x80x128xf32, #tpu.memory_space<vmem>>, %arg10: memref<!tpu.dma_semaphore, #tpu.memory_space<semaphore_mem>>, %arg11: memref<!tpu.dma_semaphore, #tpu.memory_space<semaphore_mem>>, %arg12: memref<!tpu.dma_semaphore, #tpu.memory_space<semaphore_mem>>) attributes {dimension_semantics = [#tpu.dimension_semantics<core_parallel>, #tpu.dimension_semantics<subcore_parallel>], iteration_bounds = array<i64: 2, 16>, scalar_prefetch = 0 : i64, scratch_operands = 7 : i64, tpu.core_type = #tpu.core_type<sc_vector_subcore>, window_params = [{transform_indices = #map}, {transform_indices = #map1}, {transform_indices = #map1}, {transform_indices = #map2}]} {
    %mul3A = arith.constant 640 : i32
    %mul3A_0 = arith.muli %arg1, %mul3A : i32
    %multiple_of3A = tpu.assume_multiple %mul3A_0, 8 : i32
    %lt3A = arith.constant 15 : i32
    %lt3A_1 = arith.cmpi slt, %arg1, %lt3A : i32
    %convert_element_type3A = arith.extui %lt3A_1 : i1 to i32
    %cond3A = arith.constant 0 : i32
    %cond3A_2 = arith.cmpi ne, %convert_element_type3A, %cond3A : i32
    scf.if %cond3A_2 {
      "tpu.region"() ({
        %run_scoped3A = tpu.sem_alloc : memref<!tpu.dma_semaphore, #tpu.memory_space<semaphore_mem>>
        %dma_start3A_216 = arith.constant 0 : i32
        %dma_start3A_217 = tpu.memref_slice %arg6[%multiple_of3A, %dma_start3A_216] : memref<10000x128xf32, #tpu.memory_space<vmem_shared>> -> memref<640x128xf32, #tpu.memory_space<vmem_shared>>
        %dma_start3A_218 = arith.constant 0 : i32
        %dma_start3A_219 = tpu.memref_slice %arg2[%multiple_of3A, %dma_start3A_218] : memref<10000x128xf32, #tpu.memory_space<hbm>> -> memref<640x128xf32, #tpu.memory_space<hbm>>
        tpu.enqueue_dma source(%dma_start3A_219 : memref<640x128xf32, #tpu.memory_space<hbm>>) target(%dma_start3A_217 : memref<640x128xf32, #tpu.memory_space<vmem_shared>>) target_semaphore(%run_scoped3A : memref<!tpu.dma_semaphore, #tpu.memory_space<semaphore_mem>>)
        %dma_wait3A = arith.constant 0 : i32
        %dma_wait3A_220 = tpu.memref_slice %arg6[%multiple_of3A, %dma_wait3A] : memref<10000x128xf32, #tpu.memory_space<vmem_shared>> -> memref<640x128xf32, #tpu.memory_space<vmem_shared>>
        %dma_wait3A_221 = arith.constant 0 : i32
        %dma_wait3A_222 = tpu.memref_slice %arg2[%multiple_of3A, %dma_wait3A_221] : memref<10000x128xf32, #tpu.memory_space<hbm>> -> memref<640x128xf32, #tpu.memory_space<hbm>>
        tpu.wait_dma2 semaphore(%run_scoped3A : memref<!tpu.dma_semaphore, #tpu.memory_space<semaphore_mem>>) src(%dma_wait3A_222 : memref<640x128xf32, #tpu.memory_space<hbm>>) dst(%dma_wait3A_220 : memref<640x128xf32, #tpu.memory_space<vmem_shared>>)
        tpu.yield
      }) : () -> ()
    } else {
    }
    %eq3A = arith.constant 15 : i32
    %eq3A_3 = arith.cmpi eq, %arg1, %eq3A : i32
    %convert_element_type3A_4 = arith.extui %eq3A_3 : i1 to i32
    %cond3A_5 = arith.constant 0 : i32
    %cond3A_6 = arith.cmpi ne, %convert_element_type3A_4, %cond3A_5 : i32
    scf.if %cond3A_6 {
      "tpu.region"() ({
        %run_scoped3A = tpu.sem_alloc : memref<!tpu.dma_semaphore, #tpu.memory_space<semaphore_mem>>
        %dma_start3A_216 = arith.constant 9600 : i32
        %dma_start3A_217 = arith.constant 0 : i32
        %dma_start3A_218 = tpu.memref_slice %arg6[%dma_start3A_216, %dma_start3A_217] : memref<10000x128xf32, #tpu.memory_space<vmem_shared>> -> memref<400x128xf32, #tpu.memory_space<vmem_shared>>
        %dma_start3A_219 = arith.constant 9600 : i32
        %dma_start3A_220 = arith.constant 0 : i32
        %dma_start3A_221 = tpu.memref_slice %arg2[%dma_start3A_219, %dma_start3A_220] : memref<10000x128xf32, #tpu.memory_space<hbm>> -> memref<400x128xf32, #tpu.memory_space<hbm>>
        tpu.enqueue_dma source(%dma_start3A_221 : memref<400x128xf32, #tpu.memory_space<hbm>>) target(%dma_start3A_218 : memref<400x128xf32, #tpu.memory_space<vmem_shared>>) target_semaphore(%run_scoped3A : memref<!tpu.dma_semaphore, #tpu.memory_space<semaphore_mem>>)
        %dma_wait3A = arith.constant 9600 : i32
        %dma_wait3A_222 = arith.constant 0 : i32
        %dma_wait3A_223 = tpu.memref_slice %arg6[%dma_wait3A, %dma_wait3A_222] : memref<10000x128xf32, #tpu.memory_space<vmem_shared>> -> memref<400x128xf32, #tpu.memory_space<vmem_shared>>
        %dma_wait3A_224 = arith.constant 9600 : i32
        %dma_wait3A_225 = arith.constant 0 : i32
        %dma_wait3A_226 = tpu.memref_slice %arg2[%dma_wait3A_224, %dma_wait3A_225] : memref<10000x128xf32, #tpu.memory_space<hbm>> -> memref<400x128xf32, #tpu.memory_space<hbm>>
        tpu.wait_dma2 semaphore(%run_scoped3A : memref<!tpu.dma_semaphore, #tpu.memory_space<semaphore_mem>>) src(%dma_wait3A_226 : memref<400x128xf32, #tpu.memory_space<hbm>>) dst(%dma_wait3A_223 : memref<400x128xf32, #tpu.memory_space<vmem_shared>>)
        tpu.yield
      }) : () -> ()
    } else {
    }
    %barrier3A = arith.constant 0 : index
    tpu.barrier barrier_id(%barrier3A)
    %eq3A_7 = arith.constant 0 : i32
    %eq3A_8 = arith.cmpi eq, %arg0, %eq3A_7 : i32
    %convert_element_type3A_9 = arith.extui %eq3A_8 : i1 to i32
    %cond3A_10 = arith.constant 0 : i32
    %cond3A_11 = arith.cmpi ne, %convert_element_type3A_9, %cond3A_10 : i32
    scf.if %cond3A_11 {
      %run_scoped3A = arith.constant 0 : i32
      %run_scoped3A_216 = arith.constant 0 : i32
      "tpu.region"() ({
        %run_scoped3A_219 = tpu.sem_alloc : memref<!tpu.dma_semaphore, #tpu.memory_space<semaphore_mem>>
        %dma_start3A_220 = arith.constant 0 : i32
        %dma_start3A_221 = arith.constant 0 : i32
        %dma_start3A_222 = tpu.memref_slice %arg3[%run_scoped3A, %arg1, %run_scoped3A_216, %dma_start3A_220, %dma_start3A_221] : memref<2x16x5x50x80xi32, #tpu.memory_space<hbm>> -> memref<1x1x1x50x80xi32, #tpu.memory_space<hbm>>
        %dma_start3A_223 = tpu.memref_squeeze %dma_start3A_222 : memref<1x1x1x50x80xi32, #tpu.memory_space<hbm>> -> memref<50x80xi32, #tpu.memory_space<hbm>>
        %dma_start3A_224 = arith.constant 0 : i32
        %dma_start3A_225 = arith.constant 0 : i32
        %dma_start3A_226 = tpu.memref_slice %arg3[%run_scoped3A, %arg1, %run_scoped3A_216, %dma_start3A_224, %dma_start3A_225] : memref<2x16x5x50x80xi32, #tpu.memory_space<hbm>> -> memref<1x1x1x50x80xi32, #tpu.memory_space<hbm>>
        %dma_start3A_227 = tpu.memref_squeeze %dma_start3A_226 : memref<1x1x1x50x80xi32, #tpu.memory_space<hbm>> -> memref<50x80xi32, #tpu.memory_space<hbm>>
        tpu.enqueue_dma source(%dma_start3A_227 : memref<50x80xi32, #tpu.memory_space<hbm>>) target(%arg7 : memref<50x80xi32, #tpu.memory_space<vmem>>) target_semaphore(%run_scoped3A_219 : memref<!tpu.dma_semaphore, #tpu.memory_space<semaphore_mem>>)
        %dma_wait3A = arith.constant 0 : i32
        %dma_wait3A_228 = arith.constant 0 : i32
        %dma_wait3A_229 = tpu.memref_slice %arg3[%run_scoped3A, %arg1, %run_scoped3A_216, %dma_wait3A, %dma_wait3A_228] : memref<2x16x5x50x80xi32, #tpu.memory_space<hbm>> -> memref<1x1x1x50x80xi32, #tpu.memory_space<hbm>>
        %dma_wait3A_230 = tpu.memref_squeeze %dma_wait3A_229 : memref<1x1x1x50x80xi32, #tpu.memory_space<hbm>> -> memref<50x80xi32, #tpu.memory_space<hbm>>
        %dma_wait3A_231 = arith.constant 0 : i32
        %dma_wait3A_232 = arith.constant 0 : i32
        %dma_wait3A_233 = tpu.memref_slice %arg3[%run_scoped3A, %arg1, %run_scoped3A_216, %dma_wait3A_231, %dma_wait3A_232] : memref<2x16x5x50x80xi32, #tpu.memory_space<hbm>> -> memref<1x1x1x50x80xi32, #tpu.memory_space<hbm>>
        %dma_wait3A_234 = tpu.memref_squeeze %dma_wait3A_233 : memref<1x1x1x50x80xi32, #tpu.memory_space<hbm>> -> memref<50x80xi32, #tpu.memory_space<hbm>>
        tpu.wait_dma2 semaphore(%run_scoped3A_219 : memref<!tpu.dma_semaphore, #tpu.memory_space<semaphore_mem>>) src(%dma_wait3A_234 : memref<50x80xi32, #tpu.memory_space<hbm>>) dst(%arg7 : memref<50x80xi32, #tpu.memory_space<vmem>>)
        tpu.yield
      }) : () -> ()
      %run_scoped3A_217 = arith.constant 1 : i32
      %run_scoped3A_218 = arith.constant 0 : i32
      "tpu.region"() ({
        %run_scoped3A_219 = tpu.sem_alloc : memref<!tpu.dma_semaphore, #tpu.memory_space<semaphore_mem>>
        %dma_start3A_220 = arith.constant 0 : i32
        %dma_start3A_221 = arith.constant 0 : i32
        %dma_start3A_222 = tpu.memref_slice %arg3[%run_scoped3A_217, %arg1, %run_scoped3A_218, %dma_start3A_220, %dma_start3A_221] : memref<2x16x5x50x80xi32, #tpu.memory_space<hbm>> -> memref<1x1x1x50x80xi32, #tpu.memory_space<hbm>>
        %dma_start3A_223 = tpu.memref_squeeze %dma_start3A_222 : memref<1x1x1x50x80xi32, #tpu.memory_space<hbm>> -> memref<50x80xi32, #tpu.memory_space<hbm>>
        %dma_start3A_224 = arith.constant 0 : i32
        %dma_start3A_225 = arith.constant 0 : i32
        %dma_start3A_226 = tpu.memref_slice %arg3[%run_scoped3A_217, %arg1, %run_scoped3A_218, %dma_start3A_224, %dma_start3A_225] : memref<2x16x5x50x80xi32, #tpu.memory_space<hbm>> -> memref<1x1x1x50x80xi32, #tpu.memory_space<hbm>>
        %dma_start3A_227 = tpu.memref_squeeze %dma_start3A_226 : memref<1x1x1x50x80xi32, #tpu.memory_space<hbm>> -> memref<50x80xi32, #tpu.memory_space<hbm>>
        tpu.enqueue_dma source(%dma_start3A_227 : memref<50x80xi32, #tpu.memory_space<hbm>>) target(%arg8 : memref<50x80xi32, #tpu.memory_space<vmem>>) target_semaphore(%run_scoped3A_219 : memref<!tpu.dma_semaphore, #tpu.memory_space<semaphore_mem>>)
        %dma_wait3A = arith.constant 0 : i32
        %dma_wait3A_228 = arith.constant 0 : i32
        %dma_wait3A_229 = tpu.memref_slice %arg3[%run_scoped3A_217, %arg1, %run_scoped3A_218, %dma_wait3A, %dma_wait3A_228] : memref<2x16x5x50x80xi32, #tpu.memory_space<hbm>> -> memref<1x1x1x50x80xi32, #tpu.memory_space<hbm>>
        %dma_wait3A_230 = tpu.memref_squeeze %dma_wait3A_229 : memref<1x1x1x50x80xi32, #tpu.memory_space<hbm>> -> memref<50x80xi32, #tpu.memory_space<hbm>>
        %dma_wait3A_231 = arith.constant 0 : i32
        %dma_wait3A_232 = arith.constant 0 : i32
        %dma_wait3A_233 = tpu.memref_slice %arg3[%run_scoped3A_217, %arg1, %run_scoped3A_218, %dma_wait3A_231, %dma_wait3A_232] : memref<2x16x5x50x80xi32, #tpu.memory_space<hbm>> -> memref<1x1x1x50x80xi32, #tpu.memory_space<hbm>>
        %dma_wait3A_234 = tpu.memref_squeeze %dma_wait3A_233 : memref<1x1x1x50x80xi32, #tpu.memory_space<hbm>> -> memref<50x80xi32, #tpu.memory_space<hbm>>
        tpu.wait_dma2 semaphore(%run_scoped3A_219 : memref<!tpu.dma_semaphore, #tpu.memory_space<semaphore_mem>>) src(%dma_wait3A_234 : memref<50x80xi32, #tpu.memory_space<hbm>>) dst(%arg8 : memref<50x80xi32, #tpu.memory_space<vmem>>)
        tpu.yield
      }) : () -> ()
    } else {
    }
    %eq3A_12 = arith.constant 1 : i32
    %eq3A_13 = arith.cmpi eq, %arg0, %eq3A_12 : i32
    %convert_element_type3A_14 = arith.extui %eq3A_13 : i1 to i32
    %cond3A_15 = arith.constant 0 : i32
    %cond3A_16 = arith.cmpi ne, %convert_element_type3A_14, %cond3A_15 : i32
    scf.if %cond3A_16 {
      %run_scoped3A = arith.constant 0 : i32
      %run_scoped3A_216 = arith.constant 0 : i32
      "tpu.region"() ({
        %run_scoped3A_219 = tpu.sem_alloc : memref<!tpu.dma_semaphore, #tpu.memory_space<semaphore_mem>>
        %dma_start3A_220 = arith.constant 0 : i32
        %dma_start3A_221 = arith.constant 0 : i32
        %dma_start3A_222 = tpu.memref_slice %arg4[%run_scoped3A, %arg1, %run_scoped3A_216, %dma_start3A_220, %dma_start3A_221] : memref<2x16x5x50x80xi32, #tpu.memory_space<hbm>> -> memref<1x1x1x50x80xi32, #tpu.memory_space<hbm>>
        %dma_start3A_223 = tpu.memref_squeeze %dma_start3A_222 : memref<1x1x1x50x80xi32, #tpu.memory_space<hbm>> -> memref<50x80xi32, #tpu.memory_space<hbm>>
        %dma_start3A_224 = arith.constant 0 : i32
        %dma_start3A_225 = arith.constant 0 : i32
        %dma_start3A_226 = tpu.memref_slice %arg4[%run_scoped3A, %arg1, %run_scoped3A_216, %dma_start3A_224, %dma_start3A_225] : memref<2x16x5x50x80xi32, #tpu.memory_space<hbm>> -> memref<1x1x1x50x80xi32, #tpu.memory_space<hbm>>
        %dma_start3A_227 = tpu.memref_squeeze %dma_start3A_226 : memref<1x1x1x50x80xi32, #tpu.memory_space<hbm>> -> memref<50x80xi32, #tpu.memory_space<hbm>>
        tpu.enqueue_dma source(%dma_start3A_227 : memref<50x80xi32, #tpu.memory_space<hbm>>) target(%arg7 : memref<50x80xi32, #tpu.memory_space<vmem>>) target_semaphore(%run_scoped3A_219 : memref<!tpu.dma_semaphore, #tpu.memory_space<semaphore_mem>>)
        %dma_wait3A = arith.constant 0 : i32
        %dma_wait3A_228 = arith.constant 0 : i32
        %dma_wait3A_229 = tpu.memref_slice %arg4[%run_scoped3A, %arg1, %run_scoped3A_216, %dma_wait3A, %dma_wait3A_228] : memref<2x16x5x50x80xi32, #tpu.memory_space<hbm>> -> memref<1x1x1x50x80xi32, #tpu.memory_space<hbm>>
        %dma_wait3A_230 = tpu.memref_squeeze %dma_wait3A_229 : memref<1x1x1x50x80xi32, #tpu.memory_space<hbm>> -> memref<50x80xi32, #tpu.memory_space<hbm>>
        %dma_wait3A_231 = arith.constant 0 : i32
        %dma_wait3A_232 = arith.constant 0 : i32
        %dma_wait3A_233 = tpu.memref_slice %arg4[%run_scoped3A, %arg1, %run_scoped3A_216, %dma_wait3A_231, %dma_wait3A_232] : memref<2x16x5x50x80xi32, #tpu.memory_space<hbm>> -> memref<1x1x1x50x80xi32, #tpu.memory_space<hbm>>
        %dma_wait3A_234 = tpu.memref_squeeze %dma_wait3A_233 : memref<1x1x1x50x80xi32, #tpu.memory_space<hbm>> -> memref<50x80xi32, #tpu.memory_space<hbm>>
        tpu.wait_dma2 semaphore(%run_scoped3A_219 : memref<!tpu.dma_semaphore, #tpu.memory_space<semaphore_mem>>) src(%dma_wait3A_234 : memref<50x80xi32, #tpu.memory_space<hbm>>) dst(%arg7 : memref<50x80xi32, #tpu.memory_space<vmem>>)
        tpu.yield
      }) : () -> ()
      %run_scoped3A_217 = arith.constant 1 : i32
      %run_scoped3A_218 = arith.constant 0 : i32
      "tpu.region"() ({
        %run_scoped3A_219 = tpu.sem_alloc : memref<!tpu.dma_semaphore, #tpu.memory_space<semaphore_mem>>
        %dma_start3A_220 = arith.constant 0 : i32
        %dma_start3A_221 = arith.constant 0 : i32
        %dma_start3A_222 = tpu.memref_slice %arg4[%run_scoped3A_217, %arg1, %run_scoped3A_218, %dma_start3A_220, %dma_start3A_221] : memref<2x16x5x50x80xi32, #tpu.memory_space<hbm>> -> memref<1x1x1x50x80xi32, #tpu.memory_space<hbm>>
        %dma_start3A_223 = tpu.memref_squeeze %dma_start3A_222 : memref<1x1x1x50x80xi32, #tpu.memory_space<hbm>> -> memref<50x80xi32, #tpu.memory_space<hbm>>
        %dma_start3A_224 = arith.constant 0 : i32
        %dma_start3A_225 = arith.constant 0 : i32
        %dma_start3A_226 = tpu.memref_slice %arg4[%run_scoped3A_217, %arg1, %run_scoped3A_218, %dma_start3A_224, %dma_start3A_225] : memref<2x16x5x50x80xi32, #tpu.memory_space<hbm>> -> memref<1x1x1x50x80xi32, #tpu.memory_space<hbm>>
        %dma_start3A_227 = tpu.memref_squeeze %dma_start3A_226 : memref<1x1x1x50x80xi32, #tpu.memory_space<hbm>> -> memref<50x80xi32, #tpu.memory_space<hbm>>
        tpu.enqueue_dma source(%dma_start3A_227 : memref<50x80xi32, #tpu.memory_space<hbm>>) target(%arg8 : memref<50x80xi32, #tpu.memory_space<vmem>>) target_semaphore(%run_scoped3A_219 : memref<!tpu.dma_semaphore, #tpu.memory_space<semaphore_mem>>)
        %dma_wait3A = arith.constant 0 : i32
        %dma_wait3A_228 = arith.constant 0 : i32
        %dma_wait3A_229 = tpu.memref_slice %arg4[%run_scoped3A_217, %arg1, %run_scoped3A_218, %dma_wait3A, %dma_wait3A_228] : memref<2x16x5x50x80xi32, #tpu.memory_space<hbm>> -> memref<1x1x1x50x80xi32, #tpu.memory_space<hbm>>
        %dma_wait3A_230 = tpu.memref_squeeze %dma_wait3A_229 : memref<1x1x1x50x80xi32, #tpu.memory_space<hbm>> -> memref<50x80xi32, #tpu.memory_space<hbm>>
        %dma_wait3A_231 = arith.constant 0 : i32
        %dma_wait3A_232 = arith.constant 0 : i32
        %dma_wait3A_233 = tpu.memref_slice %arg4[%run_scoped3A_217, %arg1, %run_scoped3A_218, %dma_wait3A_231, %dma_wait3A_232] : memref<2x16x5x50x80xi32, #tpu.memory_space<hbm>> -> memref<1x1x1x50x80xi32, #tpu.memory_space<hbm>>
        %dma_wait3A_234 = tpu.memref_squeeze %dma_wait3A_233 : memref<1x1x1x50x80xi32, #tpu.memory_space<hbm>> -> memref<50x80xi32, #tpu.memory_space<hbm>>
        tpu.wait_dma2 semaphore(%run_scoped3A_219 : memref<!tpu.dma_semaphore, #tpu.memory_space<semaphore_mem>>) src(%dma_wait3A_234 : memref<50x80xi32, #tpu.memory_space<hbm>>) dst(%arg8 : memref<50x80xi32, #tpu.memory_space<vmem>>)
        tpu.yield
      }) : () -> ()
    } else {
    }
    %dma_start3A = arith.constant 0 : i32
    %dma_start3A_17 = arith.constant 0 : i32
    %dma_start3A_18 = arith.constant 0 : i32
    %dma_start3A_19 = arith.constant 0 : i32
    %dma_start3A_20 = tpu.memref_slice %arg9[%dma_start3A_17, %dma_start3A_18, %dma_start3A_19] : memref<3x80x128xf32, #tpu.memory_space<vmem>> -> memref<1x80x128xf32, #tpu.memory_space<vmem>>
    %dma_start3A_21 = tpu.memref_squeeze %dma_start3A_20 : memref<1x80x128xf32, #tpu.memory_space<vmem>> -> memref<80x128xf32, #tpu.memory_space<vmem>>
    %dma_start3A_22 = arith.constant 0 : i32
    %dma_start3A_23 = tpu.memref_slice %arg7[%dma_start3A, %dma_start3A_22] : memref<50x80xi32, #tpu.memory_space<vmem>> -> memref<1x80xi32, #tpu.memory_space<vmem>>
    %dma_start3A_24 = tpu.memref_squeeze %dma_start3A_23 : memref<1x80xi32, #tpu.memory_space<vmem>> -> memref<80xi32, #tpu.memory_space<vmem>>
    %dma_start3A_25 = arith.constant 0 : i32
    %dma_start3A_26 = arith.constant 0 : i32
    %dma_start3A_27 = tpu.memref_slice %arg2[%dma_start3A_25, %dma_start3A_26] : memref<10000x128xf32, #tpu.memory_space<hbm>> -> memref<10000x128xf32, #tpu.memory_space<hbm>>
    tpu.enqueue_indirect_dma source(%dma_start3A_27 : memref<10000x128xf32, #tpu.memory_space<hbm>>) target(%dma_start3A_21 : memref<80x128xf32, #tpu.memory_space<vmem>>) offsets(%dma_start3A_24 : memref<80xi32, #tpu.memory_space<vmem>>) semaphore(%arg10 : memref<!tpu.dma_semaphore, #tpu.memory_space<semaphore_mem>>)
    %dma_start3A_28 = arith.constant 1 : i32
    %dma_start3A_29 = arith.constant 1 : i32
    %dma_start3A_30 = arith.constant 0 : i32
    %dma_start3A_31 = arith.constant 0 : i32
    %dma_start3A_32 = tpu.memref_slice %arg9[%dma_start3A_29, %dma_start3A_30, %dma_start3A_31] : memref<3x80x128xf32, #tpu.memory_space<vmem>> -> memref<1x80x128xf32, #tpu.memory_space<vmem>>
    %dma_start3A_33 = tpu.memref_squeeze %dma_start3A_32 : memref<1x80x128xf32, #tpu.memory_space<vmem>> -> memref<80x128xf32, #tpu.memory_space<vmem>>
    %dma_start3A_34 = arith.constant 0 : i32
    %dma_start3A_35 = tpu.memref_slice %arg7[%dma_start3A_28, %dma_start3A_34] : memref<50x80xi32, #tpu.memory_space<vmem>> -> memref<1x80xi32, #tpu.memory_space<vmem>>
    %dma_start3A_36 = tpu.memref_squeeze %dma_start3A_35 : memref<1x80xi32, #tpu.memory_space<vmem>> -> memref<80xi32, #tpu.memory_space<vmem>>
    %dma_start3A_37 = arith.constant 0 : i32
    %dma_start3A_38 = arith.constant 0 : i32
    %dma_start3A_39 = tpu.memref_slice %arg2[%dma_start3A_37, %dma_start3A_38] : memref<10000x128xf32, #tpu.memory_space<hbm>> -> memref<10000x128xf32, #tpu.memory_space<hbm>>
    tpu.enqueue_indirect_dma source(%dma_start3A_39 : memref<10000x128xf32, #tpu.memory_space<hbm>>) target(%dma_start3A_33 : memref<80x128xf32, #tpu.memory_space<vmem>>) offsets(%dma_start3A_36 : memref<80xi32, #tpu.memory_space<vmem>>) semaphore(%arg11 : memref<!tpu.dma_semaphore, #tpu.memory_space<semaphore_mem>>)
    %scan3A = arith.constant 0 : i32
    %scan3A_40 = arith.constant 0 : i32
    %scan3A_41 = arith.constant 17 : i32
    %scan3A_42 = arith.addi %scan3A_40, %scan3A_41 : i32
    %scan3A_43 = arith.constant 1 : i32
    scf.for %scan3A_216 = %scan3A_40 to %scan3A_42 step %scan3A_43  : i32 {
      %mul3A_217 = arith.constant 3 : i32
      %mul3A_218 = arith.muli %scan3A_216, %mul3A_217 : i32
      %add3A = arith.constant 0 : i32
      %add3A_219 = arith.addi %mul3A_218, %add3A : i32
      %lt3A_220 = arith.constant 50 : i32
      %lt3A_221 = arith.cmpi slt, %add3A_219, %lt3A_220 : i32
      %convert_element_type3A_222 = arith.extui %lt3A_221 : i1 to i32
      %cond3A_223 = arith.constant 0 : i32
      %cond3A_224 = arith.cmpi ne, %convert_element_type3A_222, %cond3A_223 : i32
      scf.if %cond3A_224 {
        %dma_wait3A = arith.constant 0 : i32
        %dma_wait3A_243 = arith.constant 0 : i32
        %dma_wait3A_244 = arith.constant 0 : i32
        %dma_wait3A_245 = tpu.memref_slice %arg9[%dma_wait3A, %dma_wait3A_243, %dma_wait3A_244] : memref<3x80x128xf32, #tpu.memory_space<vmem>> -> memref<1x80x128xf32, #tpu.memory_space<vmem>>
        %dma_wait3A_246 = tpu.memref_squeeze %dma_wait3A_245 : memref<1x80x128xf32, #tpu.memory_space<vmem>> -> memref<80x128xf32, #tpu.memory_space<vmem>>
        %dma_wait3A_247 = arith.constant 0 : i32
        %dma_wait3A_248 = tpu.memref_slice %arg7[%add3A_219, %dma_wait3A_247] : memref<50x80xi32, #tpu.memory_space<vmem>> -> memref<1x80xi32, #tpu.memory_space<vmem>>
        %dma_wait3A_249 = tpu.memref_squeeze %dma_wait3A_248 : memref<1x80xi32, #tpu.memory_space<vmem>> -> memref<80xi32, #tpu.memory_space<vmem>>
        %dma_wait3A_250 = arith.constant 0 : i32
        %dma_wait3A_251 = arith.constant 0 : i32
        %dma_wait3A_252 = tpu.memref_slice %arg2[%dma_wait3A_250, %dma_wait3A_251] : memref<10000x128xf32, #tpu.memory_space<hbm>> -> memref<10000x128xf32, #tpu.memory_space<hbm>>
        tpu.wait_indirect_dma semaphore(%arg10 : memref<!tpu.dma_semaphore, #tpu.memory_space<semaphore_mem>>) src(%dma_wait3A_252 : memref<10000x128xf32, #tpu.memory_space<hbm>>) dst(%dma_wait3A_246 : memref<80x128xf32, #tpu.memory_space<vmem>>)
        %add3A_253 = arith.constant 2 : i32
        %add3A_254 = arith.addi %add3A_219, %add3A_253 : i32
        %lt3A_255 = arith.constant 50 : i32
        %lt3A_256 = arith.cmpi slt, %add3A_254, %lt3A_255 : i32
        %convert_element_type3A_257 = arith.extui %lt3A_256 : i1 to i32
        %cond3A_258 = arith.constant 0 : i32
        %cond3A_259 = arith.cmpi ne, %convert_element_type3A_257, %cond3A_258 : i32
        scf.if %cond3A_259 {
          %add3A_260 = arith.constant 2 : i32
          %add3A_261 = arith.addi %add3A_219, %add3A_260 : i32
          %dma_start3A_262 = arith.constant 2 : i32
          %dma_start3A_263 = arith.constant 0 : i32
          %dma_start3A_264 = arith.constant 0 : i32
          %dma_start3A_265 = tpu.memref_slice %arg9[%dma_start3A_262, %dma_start3A_263, %dma_start3A_264] : memref<3x80x128xf32, #tpu.memory_space<vmem>> -> memref<1x80x128xf32, #tpu.memory_space<vmem>>
          %dma_start3A_266 = tpu.memref_squeeze %dma_start3A_265 : memref<1x80x128xf32, #tpu.memory_space<vmem>> -> memref<80x128xf32, #tpu.memory_space<vmem>>
          %dma_start3A_267 = arith.constant 0 : i32
          %dma_start3A_268 = tpu.memref_slice %arg7[%add3A_261, %dma_start3A_267] : memref<50x80xi32, #tpu.memory_space<vmem>> -> memref<1x80xi32, #tpu.memory_space<vmem>>
          %dma_start3A_269 = tpu.memref_squeeze %dma_start3A_268 : memref<1x80xi32, #tpu.memory_space<vmem>> -> memref<80xi32, #tpu.memory_space<vmem>>
          %dma_start3A_270 = arith.constant 0 : i32
          %dma_start3A_271 = arith.constant 0 : i32
          %dma_start3A_272 = tpu.memref_slice %arg2[%dma_start3A_270, %dma_start3A_271] : memref<10000x128xf32, #tpu.memory_space<hbm>> -> memref<10000x128xf32, #tpu.memory_space<hbm>>
          tpu.enqueue_indirect_dma source(%dma_start3A_272 : memref<10000x128xf32, #tpu.memory_space<hbm>>) target(%dma_start3A_266 : memref<80x128xf32, #tpu.memory_space<vmem>>) offsets(%dma_start3A_269 : memref<80xi32, #tpu.memory_space<vmem>>) semaphore(%arg12 : memref<!tpu.dma_semaphore, #tpu.memory_space<semaphore_mem>>)
        } else {
        }
        %run_scoped3A = arith.constant 0 : i32
        "tpu.region"() ({
          %run_scoped3A_260 = tpu.sem_alloc : memref<!tpu.dma_semaphore, #tpu.memory_space<semaphore_mem>>
          %dma_start3A_261 = arith.constant 0 : i32
          %dma_start3A_262 = arith.constant 0 : i32
          %dma_start3A_263 = tpu.memref_slice %arg9[%run_scoped3A, %dma_start3A_261, %dma_start3A_262] : memref<3x80x128xf32, #tpu.memory_space<vmem>> -> memref<1x80x128xf32, #tpu.memory_space<vmem>>
          %dma_start3A_264 = tpu.memref_squeeze %dma_start3A_263 : memref<1x80x128xf32, #tpu.memory_space<vmem>> -> memref<80x128xf32, #tpu.memory_space<vmem>>
          %dma_start3A_265 = arith.constant 0 : i32
          %dma_start3A_266 = tpu.memref_slice %arg8[%add3A_219, %dma_start3A_265] : memref<50x80xi32, #tpu.memory_space<vmem>> -> memref<1x80xi32, #tpu.memory_space<vmem>>
          %dma_start3A_267 = tpu.memref_squeeze %dma_start3A_266 : memref<1x80xi32, #tpu.memory_space<vmem>> -> memref<80xi32, #tpu.memory_space<vmem>>
          %dma_start3A_268 = arith.constant 0 : i32
          %dma_start3A_269 = arith.constant 0 : i32
          %dma_start3A_270 = tpu.memref_slice %arg6[%dma_start3A_268, %dma_start3A_269] : memref<10000x128xf32, #tpu.memory_space<vmem_shared>> -> memref<10000x128xf32, #tpu.memory_space<vmem_shared>>
          tpu.enqueue_indirect_dma source(%dma_start3A_264 : memref<80x128xf32, #tpu.memory_space<vmem>>) target(%dma_start3A_270 : memref<10000x128xf32, #tpu.memory_space<vmem_shared>>) offsets(%dma_start3A_267 : memref<80xi32, #tpu.memory_space<vmem>>) semaphore(%run_scoped3A_260 : memref<!tpu.dma_semaphore, #tpu.memory_space<semaphore_mem>>) {add = true}
          %dma_wait3A_271 = arith.constant 0 : i32
          %dma_wait3A_272 = arith.constant 0 : i32
          %dma_wait3A_273 = tpu.memref_slice %arg9[%run_scoped3A, %dma_wait3A_271, %dma_wait3A_272] : memref<3x80x128xf32, #tpu.memory_space<vmem>> -> memref<1x80x128xf32, #tpu.memory_space<vmem>>
          %dma_wait3A_274 = tpu.memref_squeeze %dma_wait3A_273 : memref<1x80x128xf32, #tpu.memory_space<vmem>> -> memref<80x128xf32, #tpu.memory_space<vmem>>
          %dma_wait3A_275 = arith.constant 0 : i32
          %dma_wait3A_276 = tpu.memref_slice %arg8[%add3A_219, %dma_wait3A_275] : memref<50x80xi32, #tpu.memory_space<vmem>> -> memref<1x80xi32, #tpu.memory_space<vmem>>
          %dma_wait3A_277 = tpu.memref_squeeze %dma_wait3A_276 : memref<1x80xi32, #tpu.memory_space<vmem>> -> memref<80xi32, #tpu.memory_space<vmem>>
          %dma_wait3A_278 = arith.constant 0 : i32
          %dma_wait3A_279 = arith.constant 0 : i32
          %dma_wait3A_280 = tpu.memref_slice %arg6[%dma_wait3A_278, %dma_wait3A_279] : memref<10000x128xf32, #tpu.memory_space<vmem_shared>> -> memref<10000x128xf32, #tpu.memory_space<vmem_shared>>
          tpu.wait_indirect_dma semaphore(%run_scoped3A_260 : memref<!tpu.dma_semaphore, #tpu.memory_space<semaphore_mem>>) src(%dma_wait3A_274 : memref<80x128xf32, #tpu.memory_space<vmem>>) dst(%dma_wait3A_280 : memref<10000x128xf32, #tpu.memory_space<vmem_shared>>)
          tpu.yield
        }) : () -> ()
      } else {
      }
      %mul3A_225 = arith.constant 3 : i32
      %mul3A_226 = arith.muli %scan3A_216, %mul3A_225 : i32
      %add3A_227 = arith.constant 1 : i32
      %add3A_228 = arith.addi %mul3A_226, %add3A_227 : i32
      %lt3A_229 = arith.constant 50 : i32
      %lt3A_230 = arith.cmpi slt, %add3A_228, %lt3A_229 : i32
      %convert_element_type3A_231 = arith.extui %lt3A_230 : i1 to i32
      %cond3A_232 = arith.constant 0 : i32
      %cond3A_233 = arith.cmpi ne, %convert_element_type3A_231, %cond3A_232 : i32
      scf.if %cond3A_233 {
        %dma_wait3A = arith.constant 1 : i32
        %dma_wait3A_243 = arith.constant 0 : i32
        %dma_wait3A_244 = arith.constant 0 : i32
        %dma_wait3A_245 = tpu.memref_slice %arg9[%dma_wait3A, %dma_wait3A_243, %dma_wait3A_244] : memref<3x80x128xf32, #tpu.memory_space<vmem>> -> memref<1x80x128xf32, #tpu.memory_space<vmem>>
        %dma_wait3A_246 = tpu.memref_squeeze %dma_wait3A_245 : memref<1x80x128xf32, #tpu.memory_space<vmem>> -> memref<80x128xf32, #tpu.memory_space<vmem>>
        %dma_wait3A_247 = arith.constant 0 : i32
        %dma_wait3A_248 = tpu.memref_slice %arg7[%add3A_228, %dma_wait3A_247] : memref<50x80xi32, #tpu.memory_space<vmem>> -> memref<1x80xi32, #tpu.memory_space<vmem>>
        %dma_wait3A_249 = tpu.memref_squeeze %dma_wait3A_248 : memref<1x80xi32, #tpu.memory_space<vmem>> -> memref<80xi32, #tpu.memory_space<vmem>>
        %dma_wait3A_250 = arith.constant 0 : i32
        %dma_wait3A_251 = arith.constant 0 : i32
        %dma_wait3A_252 = tpu.memref_slice %arg2[%dma_wait3A_250, %dma_wait3A_251] : memref<10000x128xf32, #tpu.memory_space<hbm>> -> memref<10000x128xf32, #tpu.memory_space<hbm>>
        tpu.wait_indirect_dma semaphore(%arg11 : memref<!tpu.dma_semaphore, #tpu.memory_space<semaphore_mem>>) src(%dma_wait3A_252 : memref<10000x128xf32, #tpu.memory_space<hbm>>) dst(%dma_wait3A_246 : memref<80x128xf32, #tpu.memory_space<vmem>>)
        %add3A_253 = arith.constant 2 : i32
        %add3A_254 = arith.addi %add3A_228, %add3A_253 : i32
        %lt3A_255 = arith.constant 50 : i32
        %lt3A_256 = arith.cmpi slt, %add3A_254, %lt3A_255 : i32
        %convert_element_type3A_257 = arith.extui %lt3A_256 : i1 to i32
        %cond3A_258 = arith.constant 0 : i32
        %cond3A_259 = arith.cmpi ne, %convert_element_type3A_257, %cond3A_258 : i32
        scf.if %cond3A_259 {
          %add3A_260 = arith.constant 2 : i32
          %add3A_261 = arith.addi %add3A_228, %add3A_260 : i32
          %dma_start3A_262 = arith.constant 0 : i32
          %dma_start3A_263 = arith.constant 0 : i32
          %dma_start3A_264 = arith.constant 0 : i32
          %dma_start3A_265 = tpu.memref_slice %arg9[%dma_start3A_262, %dma_start3A_263, %dma_start3A_264] : memref<3x80x128xf32, #tpu.memory_space<vmem>> -> memref<1x80x128xf32, #tpu.memory_space<vmem>>
          %dma_start3A_266 = tpu.memref_squeeze %dma_start3A_265 : memref<1x80x128xf32, #tpu.memory_space<vmem>> -> memref<80x128xf32, #tpu.memory_space<vmem>>
          %dma_start3A_267 = arith.constant 0 : i32
          %dma_start3A_268 = tpu.memref_slice %arg7[%add3A_261, %dma_start3A_267] : memref<50x80xi32, #tpu.memory_space<vmem>> -> memref<1x80xi32, #tpu.memory_space<vmem>>
          %dma_start3A_269 = tpu.memref_squeeze %dma_start3A_268 : memref<1x80xi32, #tpu.memory_space<vmem>> -> memref<80xi32, #tpu.memory_space<vmem>>
          %dma_start3A_270 = arith.constant 0 : i32
          %dma_start3A_271 = arith.constant 0 : i32
          %dma_start3A_272 = tpu.memref_slice %arg2[%dma_start3A_270, %dma_start3A_271] : memref<10000x128xf32, #tpu.memory_space<hbm>> -> memref<10000x128xf32, #tpu.memory_space<hbm>>
          tpu.enqueue_indirect_dma source(%dma_start3A_272 : memref<10000x128xf32, #tpu.memory_space<hbm>>) target(%dma_start3A_266 : memref<80x128xf32, #tpu.memory_space<vmem>>) offsets(%dma_start3A_269 : memref<80xi32, #tpu.memory_space<vmem>>) semaphore(%arg10 : memref<!tpu.dma_semaphore, #tpu.memory_space<semaphore_mem>>)
        } else {
        }
        %run_scoped3A = arith.constant 1 : i32
        "tpu.region"() ({
          %run_scoped3A_260 = tpu.sem_alloc : memref<!tpu.dma_semaphore, #tpu.memory_space<semaphore_mem>>
          %dma_start3A_261 = arith.constant 0 : i32
          %dma_start3A_262 = arith.constant 0 : i32
          %dma_start3A_263 = tpu.memref_slice %arg9[%run_scoped3A, %dma_start3A_261, %dma_start3A_262] : memref<3x80x128xf32, #tpu.memory_space<vmem>> -> memref<1x80x128xf32, #tpu.memory_space<vmem>>
          %dma_start3A_264 = tpu.memref_squeeze %dma_start3A_263 : memref<1x80x128xf32, #tpu.memory_space<vmem>> -> memref<80x128xf32, #tpu.memory_space<vmem>>
          %dma_start3A_265 = arith.constant 0 : i32
          %dma_start3A_266 = tpu.memref_slice %arg8[%add3A_228, %dma_start3A_265] : memref<50x80xi32, #tpu.memory_space<vmem>> -> memref<1x80xi32, #tpu.memory_space<vmem>>
          %dma_start3A_267 = tpu.memref_squeeze %dma_start3A_266 : memref<1x80xi32, #tpu.memory_space<vmem>> -> memref<80xi32, #tpu.memory_space<vmem>>
          %dma_start3A_268 = arith.constant 0 : i32
          %dma_start3A_269 = arith.constant 0 : i32
          %dma_start3A_270 = tpu.memref_slice %arg6[%dma_start3A_268, %dma_start3A_269] : memref<10000x128xf32, #tpu.memory_space<vmem_shared>> -> memref<10000x128xf32, #tpu.memory_space<vmem_shared>>
          tpu.enqueue_indirect_dma source(%dma_start3A_264 : memref<80x128xf32, #tpu.memory_space<vmem>>) target(%dma_start3A_270 : memref<10000x128xf32, #tpu.memory_space<vmem_shared>>) offsets(%dma_start3A_267 : memref<80xi32, #tpu.memory_space<vmem>>) semaphore(%run_scoped3A_260 : memref<!tpu.dma_semaphore, #tpu.memory_space<semaphore_mem>>) {add = true}
          %dma_wait3A_271 = arith.constant 0 : i32
          %dma_wait3A_272 = arith.constant 0 : i32
          %dma_wait3A_273 = tpu.memref_slice %arg9[%run_scoped3A, %dma_wait3A_271, %dma_wait3A_272] : memref<3x80x128xf32, #tpu.memory_space<vmem>> -> memref<1x80x128xf32, #tpu.memory_space<vmem>>
          %dma_wait3A_274 = tpu.memref_squeeze %dma_wait3A_273 : memref<1x80x128xf32, #tpu.memory_space<vmem>> -> memref<80x128xf32, #tpu.memory_space<vmem>>
          %dma_wait3A_275 = arith.constant 0 : i32
          %dma_wait3A_276 = tpu.memref_slice %arg8[%add3A_228, %dma_wait3A_275] : memref<50x80xi32, #tpu.memory_space<vmem>> -> memref<1x80xi32, #tpu.memory_space<vmem>>
          %dma_wait3A_277 = tpu.memref_squeeze %dma_wait3A_276 : memref<1x80xi32, #tpu.memory_space<vmem>> -> memref<80xi32, #tpu.memory_space<vmem>>
          %dma_wait3A_278 = arith.constant 0 : i32
          %dma_wait3A_279 = arith.constant 0 : i32
          %dma_wait3A_280 = tpu.memref_slice %arg6[%dma_wait3A_278, %dma_wait3A_279] : memref<10000x128xf32, #tpu.memory_space<vmem_shared>> -> memref<10000x128xf32, #tpu.memory_space<vmem_shared>>
          tpu.wait_indirect_dma semaphore(%run_scoped3A_260 : memref<!tpu.dma_semaphore, #tpu.memory_space<semaphore_mem>>) src(%dma_wait3A_274 : memref<80x128xf32, #tpu.memory_space<vmem>>) dst(%dma_wait3A_280 : memref<10000x128xf32, #tpu.memory_space<vmem_shared>>)
          tpu.yield
        }) : () -> ()
      } else {
      }
      %mul3A_234 = arith.constant 3 : i32
      %mul3A_235 = arith.muli %scan3A_216, %mul3A_234 : i32
      %add3A_236 = arith.constant 2 : i32
      %add3A_237 = arith.addi %mul3A_235, %add3A_236 : i32
      %lt3A_238 = arith.constant 50 : i32
      %lt3A_239 = arith.cmpi slt, %add3A_237, %lt3A_238 : i32
      %convert_element_type3A_240 = arith.extui %lt3A_239 : i1 to i32
      %cond3A_241 = arith.constant 0 : i32
      %cond3A_242 = arith.cmpi ne, %convert_element_type3A_240, %cond3A_241 : i32
      scf.if %cond3A_242 {
        %dma_wait3A = arith.constant 2 : i32
        %dma_wait3A_243 = arith.constant 0 : i32
        %dma_wait3A_244 = arith.constant 0 : i32
        %dma_wait3A_245 = tpu.memref_slice %arg9[%dma_wait3A, %dma_wait3A_243, %dma_wait3A_244] : memref<3x80x128xf32, #tpu.memory_space<vmem>> -> memref<1x80x128xf32, #tpu.memory_space<vmem>>
        %dma_wait3A_246 = tpu.memref_squeeze %dma_wait3A_245 : memref<1x80x128xf32, #tpu.memory_space<vmem>> -> memref<80x128xf32, #tpu.memory_space<vmem>>
        %dma_wait3A_247 = arith.constant 0 : i32
        %dma_wait3A_248 = tpu.memref_slice %arg7[%add3A_237, %dma_wait3A_247] : memref<50x80xi32, #tpu.memory_space<vmem>> -> memref<1x80xi32, #tpu.memory_space<vmem>>
        %dma_wait3A_249 = tpu.memref_squeeze %dma_wait3A_248 : memref<1x80xi32, #tpu.memory_space<vmem>> -> memref<80xi32, #tpu.memory_space<vmem>>
        %dma_wait3A_250 = arith.constant 0 : i32
        %dma_wait3A_251 = arith.constant 0 : i32
        %dma_wait3A_252 = tpu.memref_slice %arg2[%dma_wait3A_250, %dma_wait3A_251] : memref<10000x128xf32, #tpu.memory_space<hbm>> -> memref<10000x128xf32, #tpu.memory_space<hbm>>
        tpu.wait_indirect_dma semaphore(%arg12 : memref<!tpu.dma_semaphore, #tpu.memory_space<semaphore_mem>>) src(%dma_wait3A_252 : memref<10000x128xf32, #tpu.memory_space<hbm>>) dst(%dma_wait3A_246 : memref<80x128xf32, #tpu.memory_space<vmem>>)
        %add3A_253 = arith.constant 2 : i32
        %add3A_254 = arith.addi %add3A_237, %add3A_253 : i32
        %lt3A_255 = arith.constant 50 : i32
        %lt3A_256 = arith.cmpi slt, %add3A_254, %lt3A_255 : i32
        %convert_element_type3A_257 = arith.extui %lt3A_256 : i1 to i32
        %cond3A_258 = arith.constant 0 : i32
        %cond3A_259 = arith.cmpi ne, %convert_element_type3A_257, %cond3A_258 : i32
        scf.if %cond3A_259 {
          %add3A_260 = arith.constant 2 : i32
          %add3A_261 = arith.addi %add3A_237, %add3A_260 : i32
          %dma_start3A_262 = arith.constant 1 : i32
          %dma_start3A_263 = arith.constant 0 : i32
          %dma_start3A_264 = arith.constant 0 : i32
          %dma_start3A_265 = tpu.memref_slice %arg9[%dma_start3A_262, %dma_start3A_263, %dma_start3A_264] : memref<3x80x128xf32, #tpu.memory_space<vmem>> -> memref<1x80x128xf32, #tpu.memory_space<vmem>>
          %dma_start3A_266 = tpu.memref_squeeze %dma_start3A_265 : memref<1x80x128xf32, #tpu.memory_space<vmem>> -> memref<80x128xf32, #tpu.memory_space<vmem>>
          %dma_start3A_267 = arith.constant 0 : i32
          %dma_start3A_268 = tpu.memref_slice %arg7[%add3A_261, %dma_start3A_267] : memref<50x80xi32, #tpu.memory_space<vmem>> -> memref<1x80xi32, #tpu.memory_space<vmem>>
          %dma_start3A_269 = tpu.memref_squeeze %dma_start3A_268 : memref<1x80xi32, #tpu.memory_space<vmem>> -> memref<80xi32, #tpu.memory_space<vmem>>
          %dma_start3A_270 = arith.constant 0 : i32
          %dma_start3A_271 = arith.constant 0 : i32
          %dma_start3A_272 = tpu.memref_slice %arg2[%dma_start3A_270, %dma_start3A_271] : memref<10000x128xf32, #tpu.memory_space<hbm>> -> memref<10000x128xf32, #tpu.memory_space<hbm>>
          tpu.enqueue_indirect_dma source(%dma_start3A_272 : memref<10000x128xf32, #tpu.memory_space<hbm>>) target(%dma_start3A_266 : memref<80x128xf32, #tpu.memory_space<vmem>>) offsets(%dma_start3A_269 : memref<80xi32, #tpu.memory_space<vmem>>) semaphore(%arg11 : memref<!tpu.dma_semaphore, #tpu.memory_space<semaphore_mem>>)
        } else {
        }
        %run_scoped3A = arith.constant 2 : i32
        "tpu.region"() ({
          %run_scoped3A_260 = tpu.sem_alloc : memref<!tpu.dma_semaphore, #tpu.memory_space<semaphore_mem>>
          %dma_start3A_261 = arith.constant 0 : i32
          %dma_start3A_262 = arith.constant 0 : i32
          %dma_start3A_263 = tpu.memref_slice %arg9[%run_scoped3A, %dma_start3A_261, %dma_start3A_262] : memref<3x80x128xf32, #tpu.memory_space<vmem>> -> memref<1x80x128xf32, #tpu.memory_space<vmem>>
          %dma_start3A_264 = tpu.memref_squeeze %dma_start3A_263 : memref<1x80x128xf32, #tpu.memory_space<vmem>> -> memref<80x128xf32, #tpu.memory_space<vmem>>
          %dma_start3A_265 = arith.constant 0 : i32
          %dma_start3A_266 = tpu.memref_slice %arg8[%add3A_237, %dma_start3A_265] : memref<50x80xi32, #tpu.memory_space<vmem>> -> memref<1x80xi32, #tpu.memory_space<vmem>>
          %dma_start3A_267 = tpu.memref_squeeze %dma_start3A_266 : memref<1x80xi32, #tpu.memory_space<vmem>> -> memref<80xi32, #tpu.memory_space<vmem>>
          %dma_start3A_268 = arith.constant 0 : i32
          %dma_start3A_269 = arith.constant 0 : i32
          %dma_start3A_270 = tpu.memref_slice %arg6[%dma_start3A_268, %dma_start3A_269] : memref<10000x128xf32, #tpu.memory_space<vmem_shared>> -> memref<10000x128xf32, #tpu.memory_space<vmem_shared>>
          tpu.enqueue_indirect_dma source(%dma_start3A_264 : memref<80x128xf32, #tpu.memory_space<vmem>>) target(%dma_start3A_270 : memref<10000x128xf32, #tpu.memory_space<vmem_shared>>) offsets(%dma_start3A_267 : memref<80xi32, #tpu.memory_space<vmem>>) semaphore(%run_scoped3A_260 : memref<!tpu.dma_semaphore, #tpu.memory_space<semaphore_mem>>) {add = true}
          %dma_wait3A_271 = arith.constant 0 : i32
          %dma_wait3A_272 = arith.constant 0 : i32
          %dma_wait3A_273 = tpu.memref_slice %arg9[%run_scoped3A, %dma_wait3A_271, %dma_wait3A_272] : memref<3x80x128xf32, #tpu.memory_space<vmem>> -> memref<1x80x128xf32, #tpu.memory_space<vmem>>
          %dma_wait3A_274 = tpu.memref_squeeze %dma_wait3A_273 : memref<1x80x128xf32, #tpu.memory_space<vmem>> -> memref<80x128xf32, #tpu.memory_space<vmem>>
          %dma_wait3A_275 = arith.constant 0 : i32
          %dma_wait3A_276 = tpu.memref_slice %arg8[%add3A_237, %dma_wait3A_275] : memref<50x80xi32, #tpu.memory_space<vmem>> -> memref<1x80xi32, #tpu.memory_space<vmem>>
          %dma_wait3A_277 = tpu.memref_squeeze %dma_wait3A_276 : memref<1x80xi32, #tpu.memory_space<vmem>> -> memref<80xi32, #tpu.memory_space<vmem>>
          %dma_wait3A_278 = arith.constant 0 : i32
          %dma_wait3A_279 = arith.constant 0 : i32
          %dma_wait3A_280 = tpu.memref_slice %arg6[%dma_wait3A_278, %dma_wait3A_279] : memref<10000x128xf32, #tpu.memory_space<vmem_shared>> -> memref<10000x128xf32, #tpu.memory_space<vmem_shared>>
          tpu.wait_indirect_dma semaphore(%run_scoped3A_260 : memref<!tpu.dma_semaphore, #tpu.memory_space<semaphore_mem>>) src(%dma_wait3A_274 : memref<80x128xf32, #tpu.memory_space<vmem>>) dst(%dma_wait3A_280 : memref<10000x128xf32, #tpu.memory_space<vmem_shared>>)
          tpu.yield
        }) : () -> ()
      } else {
      }
    }
    %scan3A_44 = arith.constant 17 : i32
    %eq3A_45 = arith.constant 0 : i32
    %eq3A_46 = arith.cmpi eq, %arg0, %eq3A_45 : i32
    %convert_element_type3A_47 = arith.extui %eq3A_46 : i1 to i32
    %cond3A_48 = arith.constant 0 : i32
    %cond3A_49 = arith.cmpi ne, %convert_element_type3A_47, %cond3A_48 : i32
    scf.if %cond3A_49 {
      %run_scoped3A = arith.constant 0 : i32
      %run_scoped3A_216 = arith.constant 1 : i32
      "tpu.region"() ({
        %run_scoped3A_219 = tpu.sem_alloc : memref<!tpu.dma_semaphore, #tpu.memory_space<semaphore_mem>>
        %dma_start3A_220 = arith.constant 0 : i32
        %dma_start3A_221 = arith.constant 0 : i32
        %dma_start3A_222 = tpu.memref_slice %arg3[%run_scoped3A, %arg1, %run_scoped3A_216, %dma_start3A_220, %dma_start3A_221] : memref<2x16x5x50x80xi32, #tpu.memory_space<hbm>> -> memref<1x1x1x50x80xi32, #tpu.memory_space<hbm>>
        %dma_start3A_223 = tpu.memref_squeeze %dma_start3A_222 : memref<1x1x1x50x80xi32, #tpu.memory_space<hbm>> -> memref<50x80xi32, #tpu.memory_space<hbm>>
        %dma_start3A_224 = arith.constant 0 : i32
        %dma_start3A_225 = arith.constant 0 : i32
        %dma_start3A_226 = tpu.memref_slice %arg3[%run_scoped3A, %arg1, %run_scoped3A_216, %dma_start3A_224, %dma_start3A_225] : memref<2x16x5x50x80xi32, #tpu.memory_space<hbm>> -> memref<1x1x1x50x80xi32, #tpu.memory_space<hbm>>
        %dma_start3A_227 = tpu.memref_squeeze %dma_start3A_226 : memref<1x1x1x50x80xi32, #tpu.memory_space<hbm>> -> memref<50x80xi32, #tpu.memory_space<hbm>>
        tpu.enqueue_dma source(%dma_start3A_227 : memref<50x80xi32, #tpu.memory_space<hbm>>) target(%arg7 : memref<50x80xi32, #tpu.memory_space<vmem>>) target_semaphore(%run_scoped3A_219 : memref<!tpu.dma_semaphore, #tpu.memory_space<semaphore_mem>>)
        %dma_wait3A = arith.constant 0 : i32
        %dma_wait3A_228 = arith.constant 0 : i32
        %dma_wait3A_229 = tpu.memref_slice %arg3[%run_scoped3A, %arg1, %run_scoped3A_216, %dma_wait3A, %dma_wait3A_228] : memref<2x16x5x50x80xi32, #tpu.memory_space<hbm>> -> memref<1x1x1x50x80xi32, #tpu.memory_space<hbm>>
        %dma_wait3A_230 = tpu.memref_squeeze %dma_wait3A_229 : memref<1x1x1x50x80xi32, #tpu.memory_space<hbm>> -> memref<50x80xi32, #tpu.memory_space<hbm>>
        %dma_wait3A_231 = arith.constant 0 : i32
        %dma_wait3A_232 = arith.constant 0 : i32
        %dma_wait3A_233 = tpu.memref_slice %arg3[%run_scoped3A, %arg1, %run_scoped3A_216, %dma_wait3A_231, %dma_wait3A_232] : memref<2x16x5x50x80xi32, #tpu.memory_space<hbm>> -> memref<1x1x1x50x80xi32, #tpu.memory_space<hbm>>
        %dma_wait3A_234 = tpu.memref_squeeze %dma_wait3A_233 : memref<1x1x1x50x80xi32, #tpu.memory_space<hbm>> -> memref<50x80xi32, #tpu.memory_space<hbm>>
        tpu.wait_dma2 semaphore(%run_scoped3A_219 : memref<!tpu.dma_semaphore, #tpu.memory_space<semaphore_mem>>) src(%dma_wait3A_234 : memref<50x80xi32, #tpu.memory_space<hbm>>) dst(%arg7 : memref<50x80xi32, #tpu.memory_space<vmem>>)
        tpu.yield
      }) : () -> ()
      %run_scoped3A_217 = arith.constant 1 : i32
      %run_scoped3A_218 = arith.constant 1 : i32
      "tpu.region"() ({
        %run_scoped3A_219 = tpu.sem_alloc : memref<!tpu.dma_semaphore, #tpu.memory_space<semaphore_mem>>
        %dma_start3A_220 = arith.constant 0 : i32
        %dma_start3A_221 = arith.constant 0 : i32
        %dma_start3A_222 = tpu.memref_slice %arg3[%run_scoped3A_217, %arg1, %run_scoped3A_218, %dma_start3A_220, %dma_start3A_221] : memref<2x16x5x50x80xi32, #tpu.memory_space<hbm>> -> memref<1x1x1x50x80xi32, #tpu.memory_space<hbm>>
        %dma_start3A_223 = tpu.memref_squeeze %dma_start3A_222 : memref<1x1x1x50x80xi32, #tpu.memory_space<hbm>> -> memref<50x80xi32, #tpu.memory_space<hbm>>
        %dma_start3A_224 = arith.constant 0 : i32
        %dma_start3A_225 = arith.constant 0 : i32
        %dma_start3A_226 = tpu.memref_slice %arg3[%run_scoped3A_217, %arg1, %run_scoped3A_218, %dma_start3A_224, %dma_start3A_225] : memref<2x16x5x50x80xi32, #tpu.memory_space<hbm>> -> memref<1x1x1x50x80xi32, #tpu.memory_space<hbm>>
        %dma_start3A_227 = tpu.memref_squeeze %dma_start3A_226 : memref<1x1x1x50x80xi32, #tpu.memory_space<hbm>> -> memref<50x80xi32, #tpu.memory_space<hbm>>
        tpu.enqueue_dma source(%dma_start3A_227 : memref<50x80xi32, #tpu.memory_space<hbm>>) target(%arg8 : memref<50x80xi32, #tpu.memory_space<vmem>>) target_semaphore(%run_scoped3A_219 : memref<!tpu.dma_semaphore, #tpu.memory_space<semaphore_mem>>)
        %dma_wait3A = arith.constant 0 : i32
        %dma_wait3A_228 = arith.constant 0 : i32
        %dma_wait3A_229 = tpu.memref_slice %arg3[%run_scoped3A_217, %arg1, %run_scoped3A_218, %dma_wait3A, %dma_wait3A_228] : memref<2x16x5x50x80xi32, #tpu.memory_space<hbm>> -> memref<1x1x1x50x80xi32, #tpu.memory_space<hbm>>
        %dma_wait3A_230 = tpu.memref_squeeze %dma_wait3A_229 : memref<1x1x1x50x80xi32, #tpu.memory_space<hbm>> -> memref<50x80xi32, #tpu.memory_space<hbm>>
        %dma_wait3A_231 = arith.constant 0 : i32
        %dma_wait3A_232 = arith.constant 0 : i32
        %dma_wait3A_233 = tpu.memref_slice %arg3[%run_scoped3A_217, %arg1, %run_scoped3A_218, %dma_wait3A_231, %dma_wait3A_232] : memref<2x16x5x50x80xi32, #tpu.memory_space<hbm>> -> memref<1x1x1x50x80xi32, #tpu.memory_space<hbm>>
        %dma_wait3A_234 = tpu.memref_squeeze %dma_wait3A_233 : memref<1x1x1x50x80xi32, #tpu.memory_space<hbm>> -> memref<50x80xi32, #tpu.memory_space<hbm>>
        tpu.wait_dma2 semaphore(%run_scoped3A_219 : memref<!tpu.dma_semaphore, #tpu.memory_space<semaphore_mem>>) src(%dma_wait3A_234 : memref<50x80xi32, #tpu.memory_space<hbm>>) dst(%arg8 : memref<50x80xi32, #tpu.memory_space<vmem>>)
        tpu.yield
      }) : () -> ()
    } else {
    }
    %eq3A_50 = arith.constant 1 : i32
    %eq3A_51 = arith.cmpi eq, %arg0, %eq3A_50 : i32
    %convert_element_type3A_52 = arith.extui %eq3A_51 : i1 to i32
    %cond3A_53 = arith.constant 0 : i32
    %cond3A_54 = arith.cmpi ne, %convert_element_type3A_52, %cond3A_53 : i32
    scf.if %cond3A_54 {
      %run_scoped3A = arith.constant 0 : i32
      %run_scoped3A_216 = arith.constant 1 : i32
      "tpu.region"() ({
        %run_scoped3A_219 = tpu.sem_alloc : memref<!tpu.dma_semaphore, #tpu.memory_space<semaphore_mem>>
        %dma_start3A_220 = arith.constant 0 : i32
        %dma_start3A_221 = arith.constant 0 : i32
        %dma_start3A_222 = tpu.memref_slice %arg4[%run_scoped3A, %arg1, %run_scoped3A_216, %dma_start3A_220, %dma_start3A_221] : memref<2x16x5x50x80xi32, #tpu.memory_space<hbm>> -> memref<1x1x1x50x80xi32, #tpu.memory_space<hbm>>
        %dma_start3A_223 = tpu.memref_squeeze %dma_start3A_222 : memref<1x1x1x50x80xi32, #tpu.memory_space<hbm>> -> memref<50x80xi32, #tpu.memory_space<hbm>>
        %dma_start3A_224 = arith.constant 0 : i32
        %dma_start3A_225 = arith.constant 0 : i32
        %dma_start3A_226 = tpu.memref_slice %arg4[%run_scoped3A, %arg1, %run_scoped3A_216, %dma_start3A_224, %dma_start3A_225] : memref<2x16x5x50x80xi32, #tpu.memory_space<hbm>> -> memref<1x1x1x50x80xi32, #tpu.memory_space<hbm>>
        %dma_start3A_227 = tpu.memref_squeeze %dma_start3A_226 : memref<1x1x1x50x80xi32, #tpu.memory_space<hbm>> -> memref<50x80xi32, #tpu.memory_space<hbm>>
        tpu.enqueue_dma source(%dma_start3A_227 : memref<50x80xi32, #tpu.memory_space<hbm>>) target(%arg7 : memref<50x80xi32, #tpu.memory_space<vmem>>) target_semaphore(%run_scoped3A_219 : memref<!tpu.dma_semaphore, #tpu.memory_space<semaphore_mem>>)
        %dma_wait3A = arith.constant 0 : i32
        %dma_wait3A_228 = arith.constant 0 : i32
        %dma_wait3A_229 = tpu.memref_slice %arg4[%run_scoped3A, %arg1, %run_scoped3A_216, %dma_wait3A, %dma_wait3A_228] : memref<2x16x5x50x80xi32, #tpu.memory_space<hbm>> -> memref<1x1x1x50x80xi32, #tpu.memory_space<hbm>>
        %dma_wait3A_230 = tpu.memref_squeeze %dma_wait3A_229 : memref<1x1x1x50x80xi32, #tpu.memory_space<hbm>> -> memref<50x80xi32, #tpu.memory_space<hbm>>
        %dma_wait3A_231 = arith.constant 0 : i32
        %dma_wait3A_232 = arith.constant 0 : i32
        %dma_wait3A_233 = tpu.memref_slice %arg4[%run_scoped3A, %arg1, %run_scoped3A_216, %dma_wait3A_231, %dma_wait3A_232] : memref<2x16x5x50x80xi32, #tpu.memory_space<hbm>> -> memref<1x1x1x50x80xi32, #tpu.memory_space<hbm>>
        %dma_wait3A_234 = tpu.memref_squeeze %dma_wait3A_233 : memref<1x1x1x50x80xi32, #tpu.memory_space<hbm>> -> memref<50x80xi32, #tpu.memory_space<hbm>>
        tpu.wait_dma2 semaphore(%run_scoped3A_219 : memref<!tpu.dma_semaphore, #tpu.memory_space<semaphore_mem>>) src(%dma_wait3A_234 : memref<50x80xi32, #tpu.memory_space<hbm>>) dst(%arg7 : memref<50x80xi32, #tpu.memory_space<vmem>>)
        tpu.yield
      }) : () -> ()
      %run_scoped3A_217 = arith.constant 1 : i32
      %run_scoped3A_218 = arith.constant 1 : i32
      "tpu.region"() ({
        %run_scoped3A_219 = tpu.sem_alloc : memref<!tpu.dma_semaphore, #tpu.memory_space<semaphore_mem>>
        %dma_start3A_220 = arith.constant 0 : i32
        %dma_start3A_221 = arith.constant 0 : i32
        %dma_start3A_222 = tpu.memref_slice %arg4[%run_scoped3A_217, %arg1, %run_scoped3A_218, %dma_start3A_220, %dma_start3A_221] : memref<2x16x5x50x80xi32, #tpu.memory_space<hbm>> -> memref<1x1x1x50x80xi32, #tpu.memory_space<hbm>>
        %dma_start3A_223 = tpu.memref_squeeze %dma_start3A_222 : memref<1x1x1x50x80xi32, #tpu.memory_space<hbm>> -> memref<50x80xi32, #tpu.memory_space<hbm>>
        %dma_start3A_224 = arith.constant 0 : i32
        %dma_start3A_225 = arith.constant 0 : i32
        %dma_start3A_226 = tpu.memref_slice %arg4[%run_scoped3A_217, %arg1, %run_scoped3A_218, %dma_start3A_224, %dma_start3A_225] : memref<2x16x5x50x80xi32, #tpu.memory_space<hbm>> -> memref<1x1x1x50x80xi32, #tpu.memory_space<hbm>>
        %dma_start3A_227 = tpu.memref_squeeze %dma_start3A_226 : memref<1x1x1x50x80xi32, #tpu.memory_space<hbm>> -> memref<50x80xi32, #tpu.memory_space<hbm>>
        tpu.enqueue_dma source(%dma_start3A_227 : memref<50x80xi32, #tpu.memory_space<hbm>>) target(%arg8 : memref<50x80xi32, #tpu.memory_space<vmem>>) target_semaphore(%run_scoped3A_219 : memref<!tpu.dma_semaphore, #tpu.memory_space<semaphore_mem>>)
        %dma_wait3A = arith.constant 0 : i32
        %dma_wait3A_228 = arith.constant 0 : i32
        %dma_wait3A_229 = tpu.memref_slice %arg4[%run_scoped3A_217, %arg1, %run_scoped3A_218, %dma_wait3A, %dma_wait3A_228] : memref<2x16x5x50x80xi32, #tpu.memory_space<hbm>> -> memref<1x1x1x50x80xi32, #tpu.memory_space<hbm>>
        %dma_wait3A_230 = tpu.memref_squeeze %dma_wait3A_229 : memref<1x1x1x50x80xi32, #tpu.memory_space<hbm>> -> memref<50x80xi32, #tpu.memory_space<hbm>>
        %dma_wait3A_231 = arith.constant 0 : i32
        %dma_wait3A_232 = arith.constant 0 : i32
        %dma_wait3A_233 = tpu.memref_slice %arg4[%run_scoped3A_217, %arg1, %run_scoped3A_218, %dma_wait3A_231, %dma_wait3A_232] : memref<2x16x5x50x80xi32, #tpu.memory_space<hbm>> -> memref<1x1x1x50x80xi32, #tpu.memory_space<hbm>>
        %dma_wait3A_234 = tpu.memref_squeeze %dma_wait3A_233 : memref<1x1x1x50x80xi32, #tpu.memory_space<hbm>> -> memref<50x80xi32, #tpu.memory_space<hbm>>
        tpu.wait_dma2 semaphore(%run_scoped3A_219 : memref<!tpu.dma_semaphore, #tpu.memory_space<semaphore_mem>>) src(%dma_wait3A_234 : memref<50x80xi32, #tpu.memory_space<hbm>>) dst(%arg8 : memref<50x80xi32, #tpu.memory_space<vmem>>)
        tpu.yield
      }) : () -> ()
    } else {
    }
    %dma_start3A_55 = arith.constant 0 : i32
    %dma_start3A_56 = arith.constant 0 : i32
    %dma_start3A_57 = arith.constant 0 : i32
    %dma_start3A_58 = arith.constant 0 : i32
    %dma_start3A_59 = tpu.memref_slice %arg9[%dma_start3A_56, %dma_start3A_57, %dma_start3A_58] : memref<3x80x128xf32, #tpu.memory_space<vmem>> -> memref<1x80x128xf32, #tpu.memory_space<vmem>>
    %dma_start3A_60 = tpu.memref_squeeze %dma_start3A_59 : memref<1x80x128xf32, #tpu.memory_space<vmem>> -> memref<80x128xf32, #tpu.memory_space<vmem>>
    %dma_start3A_61 = arith.constant 0 : i32
    %dma_start3A_62 = tpu.memref_slice %arg7[%dma_start3A_55, %dma_start3A_61] : memref<50x80xi32, #tpu.memory_space<vmem>> -> memref<1x80xi32, #tpu.memory_space<vmem>>
    %dma_start3A_63 = tpu.memref_squeeze %dma_start3A_62 : memref<1x80xi32, #tpu.memory_space<vmem>> -> memref<80xi32, #tpu.memory_space<vmem>>
    %dma_start3A_64 = arith.constant 0 : i32
    %dma_start3A_65 = arith.constant 0 : i32
    %dma_start3A_66 = tpu.memref_slice %arg2[%dma_start3A_64, %dma_start3A_65] : memref<10000x128xf32, #tpu.memory_space<hbm>> -> memref<10000x128xf32, #tpu.memory_space<hbm>>
    tpu.enqueue_indirect_dma source(%dma_start3A_66 : memref<10000x128xf32, #tpu.memory_space<hbm>>) target(%dma_start3A_60 : memref<80x128xf32, #tpu.memory_space<vmem>>) offsets(%dma_start3A_63 : memref<80xi32, #tpu.memory_space<vmem>>) semaphore(%arg10 : memref<!tpu.dma_semaphore, #tpu.memory_space<semaphore_mem>>)
    %dma_start3A_67 = arith.constant 1 : i32
    %dma_start3A_68 = arith.constant 1 : i32
    %dma_start3A_69 = arith.constant 0 : i32
    %dma_start3A_70 = arith.constant 0 : i32
    %dma_start3A_71 = tpu.memref_slice %arg9[%dma_start3A_68, %dma_start3A_69, %dma_start3A_70] : memref<3x80x128xf32, #tpu.memory_space<vmem>> -> memref<1x80x128xf32, #tpu.memory_space<vmem>>
    %dma_start3A_72 = tpu.memref_squeeze %dma_start3A_71 : memref<1x80x128xf32, #tpu.memory_space<vmem>> -> memref<80x128xf32, #tpu.memory_space<vmem>>
    %dma_start3A_73 = arith.constant 0 : i32
    %dma_start3A_74 = tpu.memref_slice %arg7[%dma_start3A_67, %dma_start3A_73] : memref<50x80xi32, #tpu.memory_space<vmem>> -> memref<1x80xi32, #tpu.memory_space<vmem>>
    %dma_start3A_75 = tpu.memref_squeeze %dma_start3A_74 : memref<1x80xi32, #tpu.memory_space<vmem>> -> memref<80xi32, #tpu.memory_space<vmem>>
    %dma_start3A_76 = arith.constant 0 : i32
    %dma_start3A_77 = arith.constant 0 : i32
    %dma_start3A_78 = tpu.memref_slice %arg2[%dma_start3A_76, %dma_start3A_77] : memref<10000x128xf32, #tpu.memory_space<hbm>> -> memref<10000x128xf32, #tpu.memory_space<hbm>>
    tpu.enqueue_indirect_dma source(%dma_start3A_78 : memref<10000x128xf32, #tpu.memory_space<hbm>>) target(%dma_start3A_72 : memref<80x128xf32, #tpu.memory_space<vmem>>) offsets(%dma_start3A_75 : memref<80xi32, #tpu.memory_space<vmem>>) semaphore(%arg11 : memref<!tpu.dma_semaphore, #tpu.memory_space<semaphore_mem>>)
    %scan3A_79 = arith.constant 0 : i32
    %scan3A_80 = arith.constant 0 : i32
    %scan3A_81 = arith.constant 17 : i32
    %scan3A_82 = arith.addi %scan3A_80, %scan3A_81 : i32
    %scan3A_83 = arith.constant 1 : i32
    scf.for %scan3A_216 = %scan3A_80 to %scan3A_82 step %scan3A_83  : i32 {
      %mul3A_217 = arith.constant 3 : i32
      %mul3A_218 = arith.muli %scan3A_216, %mul3A_217 : i32
      %add3A = arith.constant 0 : i32
      %add3A_219 = arith.addi %mul3A_218, %add3A : i32
      %lt3A_220 = arith.constant 50 : i32
      %lt3A_221 = arith.cmpi slt, %add3A_219, %lt3A_220 : i32
      %convert_element_type3A_222 = arith.extui %lt3A_221 : i1 to i32
      %cond3A_223 = arith.constant 0 : i32
      %cond3A_224 = arith.cmpi ne, %convert_element_type3A_222, %cond3A_223 : i32
      scf.if %cond3A_224 {
        %dma_wait3A = arith.constant 0 : i32
        %dma_wait3A_243 = arith.constant 0 : i32
        %dma_wait3A_244 = arith.constant 0 : i32
        %dma_wait3A_245 = tpu.memref_slice %arg9[%dma_wait3A, %dma_wait3A_243, %dma_wait3A_244] : memref<3x80x128xf32, #tpu.memory_space<vmem>> -> memref<1x80x128xf32, #tpu.memory_space<vmem>>
        %dma_wait3A_246 = tpu.memref_squeeze %dma_wait3A_245 : memref<1x80x128xf32, #tpu.memory_space<vmem>> -> memref<80x128xf32, #tpu.memory_space<vmem>>
        %dma_wait3A_247 = arith.constant 0 : i32
        %dma_wait3A_248 = tpu.memref_slice %arg7[%add3A_219, %dma_wait3A_247] : memref<50x80xi32, #tpu.memory_space<vmem>> -> memref<1x80xi32, #tpu.memory_space<vmem>>
        %dma_wait3A_249 = tpu.memref_squeeze %dma_wait3A_248 : memref<1x80xi32, #tpu.memory_space<vmem>> -> memref<80xi32, #tpu.memory_space<vmem>>
        %dma_wait3A_250 = arith.constant 0 : i32
        %dma_wait3A_251 = arith.constant 0 : i32
        %dma_wait3A_252 = tpu.memref_slice %arg2[%dma_wait3A_250, %dma_wait3A_251] : memref<10000x128xf32, #tpu.memory_space<hbm>> -> memref<10000x128xf32, #tpu.memory_space<hbm>>
        tpu.wait_indirect_dma semaphore(%arg10 : memref<!tpu.dma_semaphore, #tpu.memory_space<semaphore_mem>>) src(%dma_wait3A_252 : memref<10000x128xf32, #tpu.memory_space<hbm>>) dst(%dma_wait3A_246 : memref<80x128xf32, #tpu.memory_space<vmem>>)
        %add3A_253 = arith.constant 2 : i32
        %add3A_254 = arith.addi %add3A_219, %add3A_253 : i32
        %lt3A_255 = arith.constant 50 : i32
        %lt3A_256 = arith.cmpi slt, %add3A_254, %lt3A_255 : i32
        %convert_element_type3A_257 = arith.extui %lt3A_256 : i1 to i32
        %cond3A_258 = arith.constant 0 : i32
        %cond3A_259 = arith.cmpi ne, %convert_element_type3A_257, %cond3A_258 : i32
        scf.if %cond3A_259 {
          %add3A_260 = arith.constant 2 : i32
          %add3A_261 = arith.addi %add3A_219, %add3A_260 : i32
          %dma_start3A_262 = arith.constant 2 : i32
          %dma_start3A_263 = arith.constant 0 : i32
          %dma_start3A_264 = arith.constant 0 : i32
          %dma_start3A_265 = tpu.memref_slice %arg9[%dma_start3A_262, %dma_start3A_263, %dma_start3A_264] : memref<3x80x128xf32, #tpu.memory_space<vmem>> -> memref<1x80x128xf32, #tpu.memory_space<vmem>>
          %dma_start3A_266 = tpu.memref_squeeze %dma_start3A_265 : memref<1x80x128xf32, #tpu.memory_space<vmem>> -> memref<80x128xf32, #tpu.memory_space<vmem>>
          %dma_start3A_267 = arith.constant 0 : i32
          %dma_start3A_268 = tpu.memref_slice %arg7[%add3A_261, %dma_start3A_267] : memref<50x80xi32, #tpu.memory_space<vmem>> -> memref<1x80xi32, #tpu.memory_space<vmem>>
          %dma_start3A_269 = tpu.memref_squeeze %dma_start3A_268 : memref<1x80xi32, #tpu.memory_space<vmem>> -> memref<80xi32, #tpu.memory_space<vmem>>
          %dma_start3A_270 = arith.constant 0 : i32
          %dma_start3A_271 = arith.constant 0 : i32
          %dma_start3A_272 = tpu.memref_slice %arg2[%dma_start3A_270, %dma_start3A_271] : memref<10000x128xf32, #tpu.memory_space<hbm>> -> memref<10000x128xf32, #tpu.memory_space<hbm>>
          tpu.enqueue_indirect_dma source(%dma_start3A_272 : memref<10000x128xf32, #tpu.memory_space<hbm>>) target(%dma_start3A_266 : memref<80x128xf32, #tpu.memory_space<vmem>>) offsets(%dma_start3A_269 : memref<80xi32, #tpu.memory_space<vmem>>) semaphore(%arg12 : memref<!tpu.dma_semaphore, #tpu.memory_space<semaphore_mem>>)
        } else {
        }
        %run_scoped3A = arith.constant 0 : i32
        "tpu.region"() ({
          %run_scoped3A_260 = tpu.sem_alloc : memref<!tpu.dma_semaphore, #tpu.memory_space<semaphore_mem>>
          %dma_start3A_261 = arith.constant 0 : i32
          %dma_start3A_262 = arith.constant 0 : i32
          %dma_start3A_263 = tpu.memref_slice %arg9[%run_scoped3A, %dma_start3A_261, %dma_start3A_262] : memref<3x80x128xf32, #tpu.memory_space<vmem>> -> memref<1x80x128xf32, #tpu.memory_space<vmem>>
          %dma_start3A_264 = tpu.memref_squeeze %dma_start3A_263 : memref<1x80x128xf32, #tpu.memory_space<vmem>> -> memref<80x128xf32, #tpu.memory_space<vmem>>
          %dma_start3A_265 = arith.constant 0 : i32
          %dma_start3A_266 = tpu.memref_slice %arg8[%add3A_219, %dma_start3A_265] : memref<50x80xi32, #tpu.memory_space<vmem>> -> memref<1x80xi32, #tpu.memory_space<vmem>>
          %dma_start3A_267 = tpu.memref_squeeze %dma_start3A_266 : memref<1x80xi32, #tpu.memory_space<vmem>> -> memref<80xi32, #tpu.memory_space<vmem>>
          %dma_start3A_268 = arith.constant 0 : i32
          %dma_start3A_269 = arith.constant 0 : i32
          %dma_start3A_270 = tpu.memref_slice %arg6[%dma_start3A_268, %dma_start3A_269] : memref<10000x128xf32, #tpu.memory_space<vmem_shared>> -> memref<10000x128xf32, #tpu.memory_space<vmem_shared>>
          tpu.enqueue_indirect_dma source(%dma_start3A_264 : memref<80x128xf32, #tpu.memory_space<vmem>>) target(%dma_start3A_270 : memref<10000x128xf32, #tpu.memory_space<vmem_shared>>) offsets(%dma_start3A_267 : memref<80xi32, #tpu.memory_space<vmem>>) semaphore(%run_scoped3A_260 : memref<!tpu.dma_semaphore, #tpu.memory_space<semaphore_mem>>) {add = true}
          %dma_wait3A_271 = arith.constant 0 : i32
          %dma_wait3A_272 = arith.constant 0 : i32
          %dma_wait3A_273 = tpu.memref_slice %arg9[%run_scoped3A, %dma_wait3A_271, %dma_wait3A_272] : memref<3x80x128xf32, #tpu.memory_space<vmem>> -> memref<1x80x128xf32, #tpu.memory_space<vmem>>
          %dma_wait3A_274 = tpu.memref_squeeze %dma_wait3A_273 : memref<1x80x128xf32, #tpu.memory_space<vmem>> -> memref<80x128xf32, #tpu.memory_space<vmem>>
          %dma_wait3A_275 = arith.constant 0 : i32
          %dma_wait3A_276 = tpu.memref_slice %arg8[%add3A_219, %dma_wait3A_275] : memref<50x80xi32, #tpu.memory_space<vmem>> -> memref<1x80xi32, #tpu.memory_space<vmem>>
          %dma_wait3A_277 = tpu.memref_squeeze %dma_wait3A_276 : memref<1x80xi32, #tpu.memory_space<vmem>> -> memref<80xi32, #tpu.memory_space<vmem>>
          %dma_wait3A_278 = arith.constant 0 : i32
          %dma_wait3A_279 = arith.constant 0 : i32
          %dma_wait3A_280 = tpu.memref_slice %arg6[%dma_wait3A_278, %dma_wait3A_279] : memref<10000x128xf32, #tpu.memory_space<vmem_shared>> -> memref<10000x128xf32, #tpu.memory_space<vmem_shared>>
          tpu.wait_indirect_dma semaphore(%run_scoped3A_260 : memref<!tpu.dma_semaphore, #tpu.memory_space<semaphore_mem>>) src(%dma_wait3A_274 : memref<80x128xf32, #tpu.memory_space<vmem>>) dst(%dma_wait3A_280 : memref<10000x128xf32, #tpu.memory_space<vmem_shared>>)
          tpu.yield
        }) : () -> ()
      } else {
      }
      %mul3A_225 = arith.constant 3 : i32
      %mul3A_226 = arith.muli %scan3A_216, %mul3A_225 : i32
      %add3A_227 = arith.constant 1 : i32
      %add3A_228 = arith.addi %mul3A_226, %add3A_227 : i32
      %lt3A_229 = arith.constant 50 : i32
      %lt3A_230 = arith.cmpi slt, %add3A_228, %lt3A_229 : i32
      %convert_element_type3A_231 = arith.extui %lt3A_230 : i1 to i32
      %cond3A_232 = arith.constant 0 : i32
      %cond3A_233 = arith.cmpi ne, %convert_element_type3A_231, %cond3A_232 : i32
      scf.if %cond3A_233 {
        %dma_wait3A = arith.constant 1 : i32
        %dma_wait3A_243 = arith.constant 0 : i32
        %dma_wait3A_244 = arith.constant 0 : i32
        %dma_wait3A_245 = tpu.memref_slice %arg9[%dma_wait3A, %dma_wait3A_243, %dma_wait3A_244] : memref<3x80x128xf32, #tpu.memory_space<vmem>> -> memref<1x80x128xf32, #tpu.memory_space<vmem>>
        %dma_wait3A_246 = tpu.memref_squeeze %dma_wait3A_245 : memref<1x80x128xf32, #tpu.memory_space<vmem>> -> memref<80x128xf32, #tpu.memory_space<vmem>>
        %dma_wait3A_247 = arith.constant 0 : i32
        %dma_wait3A_248 = tpu.memref_slice %arg7[%add3A_228, %dma_wait3A_247] : memref<50x80xi32, #tpu.memory_space<vmem>> -> memref<1x80xi32, #tpu.memory_space<vmem>>
        %dma_wait3A_249 = tpu.memref_squeeze %dma_wait3A_248 : memref<1x80xi32, #tpu.memory_space<vmem>> -> memref<80xi32, #tpu.memory_space<vmem>>
        %dma_wait3A_250 = arith.constant 0 : i32
        %dma_wait3A_251 = arith.constant 0 : i32
        %dma_wait3A_252 = tpu.memref_slice %arg2[%dma_wait3A_250, %dma_wait3A_251] : memref<10000x128xf32, #tpu.memory_space<hbm>> -> memref<10000x128xf32, #tpu.memory_space<hbm>>
        tpu.wait_indirect_dma semaphore(%arg11 : memref<!tpu.dma_semaphore, #tpu.memory_space<semaphore_mem>>) src(%dma_wait3A_252 : memref<10000x128xf32, #tpu.memory_space<hbm>>) dst(%dma_wait3A_246 : memref<80x128xf32, #tpu.memory_space<vmem>>)
        %add3A_253 = arith.constant 2 : i32
        %add3A_254 = arith.addi %add3A_228, %add3A_253 : i32
        %lt3A_255 = arith.constant 50 : i32
        %lt3A_256 = arith.cmpi slt, %add3A_254, %lt3A_255 : i32
        %convert_element_type3A_257 = arith.extui %lt3A_256 : i1 to i32
        %cond3A_258 = arith.constant 0 : i32
        %cond3A_259 = arith.cmpi ne, %convert_element_type3A_257, %cond3A_258 : i32
        scf.if %cond3A_259 {
          %add3A_260 = arith.constant 2 : i32
          %add3A_261 = arith.addi %add3A_228, %add3A_260 : i32
          %dma_start3A_262 = arith.constant 0 : i32
          %dma_start3A_263 = arith.constant 0 : i32
          %dma_start3A_264 = arith.constant 0 : i32
          %dma_start3A_265 = tpu.memref_slice %arg9[%dma_start3A_262, %dma_start3A_263, %dma_start3A_264] : memref<3x80x128xf32, #tpu.memory_space<vmem>> -> memref<1x80x128xf32, #tpu.memory_space<vmem>>
          %dma_start3A_266 = tpu.memref_squeeze %dma_start3A_265 : memref<1x80x128xf32, #tpu.memory_space<vmem>> -> memref<80x128xf32, #tpu.memory_space<vmem>>
          %dma_start3A_267 = arith.constant 0 : i32
          %dma_start3A_268 = tpu.memref_slice %arg7[%add3A_261, %dma_start3A_267] : memref<50x80xi32, #tpu.memory_space<vmem>> -> memref<1x80xi32, #tpu.memory_space<vmem>>
          %dma_start3A_269 = tpu.memref_squeeze %dma_start3A_268 : memref<1x80xi32, #tpu.memory_space<vmem>> -> memref<80xi32, #tpu.memory_space<vmem>>
          %dma_start3A_270 = arith.constant 0 : i32
          %dma_start3A_271 = arith.constant 0 : i32
          %dma_start3A_272 = tpu.memref_slice %arg2[%dma_start3A_270, %dma_start3A_271] : memref<10000x128xf32, #tpu.memory_space<hbm>> -> memref<10000x128xf32, #tpu.memory_space<hbm>>
          tpu.enqueue_indirect_dma source(%dma_start3A_272 : memref<10000x128xf32, #tpu.memory_space<hbm>>) target(%dma_start3A_266 : memref<80x128xf32, #tpu.memory_space<vmem>>) offsets(%dma_start3A_269 : memref<80xi32, #tpu.memory_space<vmem>>) semaphore(%arg10 : memref<!tpu.dma_semaphore, #tpu.memory_space<semaphore_mem>>)
        } else {
        }
        %run_scoped3A = arith.constant 1 : i32
        "tpu.region"() ({
          %run_scoped3A_260 = tpu.sem_alloc : memref<!tpu.dma_semaphore, #tpu.memory_space<semaphore_mem>>
          %dma_start3A_261 = arith.constant 0 : i32
          %dma_start3A_262 = arith.constant 0 : i32
          %dma_start3A_263 = tpu.memref_slice %arg9[%run_scoped3A, %dma_start3A_261, %dma_start3A_262] : memref<3x80x128xf32, #tpu.memory_space<vmem>> -> memref<1x80x128xf32, #tpu.memory_space<vmem>>
          %dma_start3A_264 = tpu.memref_squeeze %dma_start3A_263 : memref<1x80x128xf32, #tpu.memory_space<vmem>> -> memref<80x128xf32, #tpu.memory_space<vmem>>
          %dma_start3A_265 = arith.constant 0 : i32
          %dma_start3A_266 = tpu.memref_slice %arg8[%add3A_228, %dma_start3A_265] : memref<50x80xi32, #tpu.memory_space<vmem>> -> memref<1x80xi32, #tpu.memory_space<vmem>>
          %dma_start3A_267 = tpu.memref_squeeze %dma_start3A_266 : memref<1x80xi32, #tpu.memory_space<vmem>> -> memref<80xi32, #tpu.memory_space<vmem>>
          %dma_start3A_268 = arith.constant 0 : i32
          %dma_start3A_269 = arith.constant 0 : i32
          %dma_start3A_270 = tpu.memref_slice %arg6[%dma_start3A_268, %dma_start3A_269] : memref<10000x128xf32, #tpu.memory_space<vmem_shared>> -> memref<10000x128xf32, #tpu.memory_space<vmem_shared>>
          tpu.enqueue_indirect_dma source(%dma_start3A_264 : memref<80x128xf32, #tpu.memory_space<vmem>>) target(%dma_start3A_270 : memref<10000x128xf32, #tpu.memory_space<vmem_shared>>) offsets(%dma_start3A_267 : memref<80xi32, #tpu.memory_space<vmem>>) semaphore(%run_scoped3A_260 : memref<!tpu.dma_semaphore, #tpu.memory_space<semaphore_mem>>) {add = true}
          %dma_wait3A_271 = arith.constant 0 : i32
          %dma_wait3A_272 = arith.constant 0 : i32
          %dma_wait3A_273 = tpu.memref_slice %arg9[%run_scoped3A, %dma_wait3A_271, %dma_wait3A_272] : memref<3x80x128xf32, #tpu.memory_space<vmem>> -> memref<1x80x128xf32, #tpu.memory_space<vmem>>
          %dma_wait3A_274 = tpu.memref_squeeze %dma_wait3A_273 : memref<1x80x128xf32, #tpu.memory_space<vmem>> -> memref<80x128xf32, #tpu.memory_space<vmem>>
          %dma_wait3A_275 = arith.constant 0 : i32
          %dma_wait3A_276 = tpu.memref_slice %arg8[%add3A_228, %dma_wait3A_275] : memref<50x80xi32, #tpu.memory_space<vmem>> -> memref<1x80xi32, #tpu.memory_space<vmem>>
          %dma_wait3A_277 = tpu.memref_squeeze %dma_wait3A_276 : memref<1x80xi32, #tpu.memory_space<vmem>> -> memref<80xi32, #tpu.memory_space<vmem>>
          %dma_wait3A_278 = arith.constant 0 : i32
          %dma_wait3A_279 = arith.constant 0 : i32
          %dma_wait3A_280 = tpu.memref_slice %arg6[%dma_wait3A_278, %dma_wait3A_279] : memref<10000x128xf32, #tpu.memory_space<vmem_shared>> -> memref<10000x128xf32, #tpu.memory_space<vmem_shared>>
          tpu.wait_indirect_dma semaphore(%run_scoped3A_260 : memref<!tpu.dma_semaphore, #tpu.memory_space<semaphore_mem>>) src(%dma_wait3A_274 : memref<80x128xf32, #tpu.memory_space<vmem>>) dst(%dma_wait3A_280 : memref<10000x128xf32, #tpu.memory_space<vmem_shared>>)
          tpu.yield
        }) : () -> ()
      } else {
      }
      %mul3A_234 = arith.constant 3 : i32
      %mul3A_235 = arith.muli %scan3A_216, %mul3A_234 : i32
      %add3A_236 = arith.constant 2 : i32
      %add3A_237 = arith.addi %mul3A_235, %add3A_236 : i32
      %lt3A_238 = arith.constant 50 : i32
      %lt3A_239 = arith.cmpi slt, %add3A_237, %lt3A_238 : i32
      %convert_element_type3A_240 = arith.extui %lt3A_239 : i1 to i32
      %cond3A_241 = arith.constant 0 : i32
      %cond3A_242 = arith.cmpi ne, %convert_element_type3A_240, %cond3A_241 : i32
      scf.if %cond3A_242 {
        %dma_wait3A = arith.constant 2 : i32
        %dma_wait3A_243 = arith.constant 0 : i32
        %dma_wait3A_244 = arith.constant 0 : i32
        %dma_wait3A_245 = tpu.memref_slice %arg9[%dma_wait3A, %dma_wait3A_243, %dma_wait3A_244] : memref<3x80x128xf32, #tpu.memory_space<vmem>> -> memref<1x80x128xf32, #tpu.memory_space<vmem>>
        %dma_wait3A_246 = tpu.memref_squeeze %dma_wait3A_245 : memref<1x80x128xf32, #tpu.memory_space<vmem>> -> memref<80x128xf32, #tpu.memory_space<vmem>>
        %dma_wait3A_247 = arith.constant 0 : i32
        %dma_wait3A_248 = tpu.memref_slice %arg7[%add3A_237, %dma_wait3A_247] : memref<50x80xi32, #tpu.memory_space<vmem>> -> memref<1x80xi32, #tpu.memory_space<vmem>>
        %dma_wait3A_249 = tpu.memref_squeeze %dma_wait3A_248 : memref<1x80xi32, #tpu.memory_space<vmem>> -> memref<80xi32, #tpu.memory_space<vmem>>
        %dma_wait3A_250 = arith.constant 0 : i32
        %dma_wait3A_251 = arith.constant 0 : i32
        %dma_wait3A_252 = tpu.memref_slice %arg2[%dma_wait3A_250, %dma_wait3A_251] : memref<10000x128xf32, #tpu.memory_space<hbm>> -> memref<10000x128xf32, #tpu.memory_space<hbm>>
        tpu.wait_indirect_dma semaphore(%arg12 : memref<!tpu.dma_semaphore, #tpu.memory_space<semaphore_mem>>) src(%dma_wait3A_252 : memref<10000x128xf32, #tpu.memory_space<hbm>>) dst(%dma_wait3A_246 : memref<80x128xf32, #tpu.memory_space<vmem>>)
        %add3A_253 = arith.constant 2 : i32
        %add3A_254 = arith.addi %add3A_237, %add3A_253 : i32
        %lt3A_255 = arith.constant 50 : i32
        %lt3A_256 = arith.cmpi slt, %add3A_254, %lt3A_255 : i32
        %convert_element_type3A_257 = arith.extui %lt3A_256 : i1 to i32
        %cond3A_258 = arith.constant 0 : i32
        %cond3A_259 = arith.cmpi ne, %convert_element_type3A_257, %cond3A_258 : i32
        scf.if %cond3A_259 {
          %add3A_260 = arith.constant 2 : i32
          %add3A_261 = arith.addi %add3A_237, %add3A_260 : i32
          %dma_start3A_262 = arith.constant 1 : i32
          %dma_start3A_263 = arith.constant 0 : i32
          %dma_start3A_264 = arith.constant 0 : i32
          %dma_start3A_265 = tpu.memref_slice %arg9[%dma_start3A_262, %dma_start3A_263, %dma_start3A_264] : memref<3x80x128xf32, #tpu.memory_space<vmem>> -> memref<1x80x128xf32, #tpu.memory_space<vmem>>
          %dma_start3A_266 = tpu.memref_squeeze %dma_start3A_265 : memref<1x80x128xf32, #tpu.memory_space<vmem>> -> memref<80x128xf32, #tpu.memory_space<vmem>>
          %dma_start3A_267 = arith.constant 0 : i32
          %dma_start3A_268 = tpu.memref_slice %arg7[%add3A_261, %dma_start3A_267] : memref<50x80xi32, #tpu.memory_space<vmem>> -> memref<1x80xi32, #tpu.memory_space<vmem>>
          %dma_start3A_269 = tpu.memref_squeeze %dma_start3A_268 : memref<1x80xi32, #tpu.memory_space<vmem>> -> memref<80xi32, #tpu.memory_space<vmem>>
          %dma_start3A_270 = arith.constant 0 : i32
          %dma_start3A_271 = arith.constant 0 : i32
          %dma_start3A_272 = tpu.memref_slice %arg2[%dma_start3A_270, %dma_start3A_271] : memref<10000x128xf32, #tpu.memory_space<hbm>> -> memref<10000x128xf32, #tpu.memory_space<hbm>>
          tpu.enqueue_indirect_dma source(%dma_start3A_272 : memref<10000x128xf32, #tpu.memory_space<hbm>>) target(%dma_start3A_266 : memref<80x128xf32, #tpu.memory_space<vmem>>) offsets(%dma_start3A_269 : memref<80xi32, #tpu.memory_space<vmem>>) semaphore(%arg11 : memref<!tpu.dma_semaphore, #tpu.memory_space<semaphore_mem>>)
        } else {
        }
        %run_scoped3A = arith.constant 2 : i32
        "tpu.region"() ({
          %run_scoped3A_260 = tpu.sem_alloc : memref<!tpu.dma_semaphore, #tpu.memory_space<semaphore_mem>>
          %dma_start3A_261 = arith.constant 0 : i32
          %dma_start3A_262 = arith.constant 0 : i32
          %dma_start3A_263 = tpu.memref_slice %arg9[%run_scoped3A, %dma_start3A_261, %dma_start3A_262] : memref<3x80x128xf32, #tpu.memory_space<vmem>> -> memref<1x80x128xf32, #tpu.memory_space<vmem>>
          %dma_start3A_264 = tpu.memref_squeeze %dma_start3A_263 : memref<1x80x128xf32, #tpu.memory_space<vmem>> -> memref<80x128xf32, #tpu.memory_space<vmem>>
          %dma_start3A_265 = arith.constant 0 : i32
          %dma_start3A_266 = tpu.memref_slice %arg8[%add3A_237, %dma_start3A_265] : memref<50x80xi32, #tpu.memory_space<vmem>> -> memref<1x80xi32, #tpu.memory_space<vmem>>
          %dma_start3A_267 = tpu.memref_squeeze %dma_start3A_266 : memref<1x80xi32, #tpu.memory_space<vmem>> -> memref<80xi32, #tpu.memory_space<vmem>>
          %dma_start3A_268 = arith.constant 0 : i32
          %dma_start3A_269 = arith.constant 0 : i32
          %dma_start3A_270 = tpu.memref_slice %arg6[%dma_start3A_268, %dma_start3A_269] : memref<10000x128xf32, #tpu.memory_space<vmem_shared>> -> memref<10000x128xf32, #tpu.memory_space<vmem_shared>>
          tpu.enqueue_indirect_dma source(%dma_start3A_264 : memref<80x128xf32, #tpu.memory_space<vmem>>) target(%dma_start3A_270 : memref<10000x128xf32, #tpu.memory_space<vmem_shared>>) offsets(%dma_start3A_267 : memref<80xi32, #tpu.memory_space<vmem>>) semaphore(%run_scoped3A_260 : memref<!tpu.dma_semaphore, #tpu.memory_space<semaphore_mem>>) {add = true}
          %dma_wait3A_271 = arith.constant 0 : i32
          %dma_wait3A_272 = arith.constant 0 : i32
          %dma_wait3A_273 = tpu.memref_slice %arg9[%run_scoped3A, %dma_wait3A_271, %dma_wait3A_272] : memref<3x80x128xf32, #tpu.memory_space<vmem>> -> memref<1x80x128xf32, #tpu.memory_space<vmem>>
          %dma_wait3A_274 = tpu.memref_squeeze %dma_wait3A_273 : memref<1x80x128xf32, #tpu.memory_space<vmem>> -> memref<80x128xf32, #tpu.memory_space<vmem>>
          %dma_wait3A_275 = arith.constant 0 : i32
          %dma_wait3A_276 = tpu.memref_slice %arg8[%add3A_237, %dma_wait3A_275] : memref<50x80xi32, #tpu.memory_space<vmem>> -> memref<1x80xi32, #tpu.memory_space<vmem>>
          %dma_wait3A_277 = tpu.memref_squeeze %dma_wait3A_276 : memref<1x80xi32, #tpu.memory_space<vmem>> -> memref<80xi32, #tpu.memory_space<vmem>>
          %dma_wait3A_278 = arith.constant 0 : i32
          %dma_wait3A_279 = arith.constant 0 : i32
          %dma_wait3A_280 = tpu.memref_slice %arg6[%dma_wait3A_278, %dma_wait3A_279] : memref<10000x128xf32, #tpu.memory_space<vmem_shared>> -> memref<10000x128xf32, #tpu.memory_space<vmem_shared>>
          tpu.wait_indirect_dma semaphore(%run_scoped3A_260 : memref<!tpu.dma_semaphore, #tpu.memory_space<semaphore_mem>>) src(%dma_wait3A_274 : memref<80x128xf32, #tpu.memory_space<vmem>>) dst(%dma_wait3A_280 : memref<10000x128xf32, #tpu.memory_space<vmem_shared>>)
          tpu.yield
        }) : () -> ()
      } else {
      }
    }
    %scan3A_84 = arith.constant 17 : i32
    %eq3A_85 = arith.constant 0 : i32
    %eq3A_86 = arith.cmpi eq, %arg0, %eq3A_85 : i32
    %convert_element_type3A_87 = arith.extui %eq3A_86 : i1 to i32
    %cond3A_88 = arith.constant 0 : i32
    %cond3A_89 = arith.cmpi ne, %convert_element_type3A_87, %cond3A_88 : i32
    scf.if %cond3A_89 {
      %run_scoped3A = arith.constant 0 : i32
      %run_scoped3A_216 = arith.constant 2 : i32
      "tpu.region"() ({
        %run_scoped3A_219 = tpu.sem_alloc : memref<!tpu.dma_semaphore, #tpu.memory_space<semaphore_mem>>
        %dma_start3A_220 = arith.constant 0 : i32
        %dma_start3A_221 = arith.constant 0 : i32
        %dma_start3A_222 = tpu.memref_slice %arg3[%run_scoped3A, %arg1, %run_scoped3A_216, %dma_start3A_220, %dma_start3A_221] : memref<2x16x5x50x80xi32, #tpu.memory_space<hbm>> -> memref<1x1x1x50x80xi32, #tpu.memory_space<hbm>>
        %dma_start3A_223 = tpu.memref_squeeze %dma_start3A_222 : memref<1x1x1x50x80xi32, #tpu.memory_space<hbm>> -> memref<50x80xi32, #tpu.memory_space<hbm>>
        %dma_start3A_224 = arith.constant 0 : i32
        %dma_start3A_225 = arith.constant 0 : i32
        %dma_start3A_226 = tpu.memref_slice %arg3[%run_scoped3A, %arg1, %run_scoped3A_216, %dma_start3A_224, %dma_start3A_225] : memref<2x16x5x50x80xi32, #tpu.memory_space<hbm>> -> memref<1x1x1x50x80xi32, #tpu.memory_space<hbm>>
        %dma_start3A_227 = tpu.memref_squeeze %dma_start3A_226 : memref<1x1x1x50x80xi32, #tpu.memory_space<hbm>> -> memref<50x80xi32, #tpu.memory_space<hbm>>
        tpu.enqueue_dma source(%dma_start3A_227 : memref<50x80xi32, #tpu.memory_space<hbm>>) target(%arg7 : memref<50x80xi32, #tpu.memory_space<vmem>>) target_semaphore(%run_scoped3A_219 : memref<!tpu.dma_semaphore, #tpu.memory_space<semaphore_mem>>)
        %dma_wait3A = arith.constant 0 : i32
        %dma_wait3A_228 = arith.constant 0 : i32
        %dma_wait3A_229 = tpu.memref_slice %arg3[%run_scoped3A, %arg1, %run_scoped3A_216, %dma_wait3A, %dma_wait3A_228] : memref<2x16x5x50x80xi32, #tpu.memory_space<hbm>> -> memref<1x1x1x50x80xi32, #tpu.memory_space<hbm>>
        %dma_wait3A_230 = tpu.memref_squeeze %dma_wait3A_229 : memref<1x1x1x50x80xi32, #tpu.memory_space<hbm>> -> memref<50x80xi32, #tpu.memory_space<hbm>>
        %dma_wait3A_231 = arith.constant 0 : i32
        %dma_wait3A_232 = arith.constant 0 : i32
        %dma_wait3A_233 = tpu.memref_slice %arg3[%run_scoped3A, %arg1, %run_scoped3A_216, %dma_wait3A_231, %dma_wait3A_232] : memref<2x16x5x50x80xi32, #tpu.memory_space<hbm>> -> memref<1x1x1x50x80xi32, #tpu.memory_space<hbm>>
        %dma_wait3A_234 = tpu.memref_squeeze %dma_wait3A_233 : memref<1x1x1x50x80xi32, #tpu.memory_space<hbm>> -> memref<50x80xi32, #tpu.memory_space<hbm>>
        tpu.wait_dma2 semaphore(%run_scoped3A_219 : memref<!tpu.dma_semaphore, #tpu.memory_space<semaphore_mem>>) src(%dma_wait3A_234 : memref<50x80xi32, #tpu.memory_space<hbm>>) dst(%arg7 : memref<50x80xi32, #tpu.memory_space<vmem>>)
        tpu.yield
      }) : () -> ()
      %run_scoped3A_217 = arith.constant 1 : i32
      %run_scoped3A_218 = arith.constant 2 : i32
      "tpu.region"() ({
        %run_scoped3A_219 = tpu.sem_alloc : memref<!tpu.dma_semaphore, #tpu.memory_space<semaphore_mem>>
        %dma_start3A_220 = arith.constant 0 : i32
        %dma_start3A_221 = arith.constant 0 : i32
        %dma_start3A_222 = tpu.memref_slice %arg3[%run_scoped3A_217, %arg1, %run_scoped3A_218, %dma_start3A_220, %dma_start3A_221] : memref<2x16x5x50x80xi32, #tpu.memory_space<hbm>> -> memref<1x1x1x50x80xi32, #tpu.memory_space<hbm>>
        %dma_start3A_223 = tpu.memref_squeeze %dma_start3A_222 : memref<1x1x1x50x80xi32, #tpu.memory_space<hbm>> -> memref<50x80xi32, #tpu.memory_space<hbm>>
        %dma_start3A_224 = arith.constant 0 : i32
        %dma_start3A_225 = arith.constant 0 : i32
        %dma_start3A_226 = tpu.memref_slice %arg3[%run_scoped3A_217, %arg1, %run_scoped3A_218, %dma_start3A_224, %dma_start3A_225] : memref<2x16x5x50x80xi32, #tpu.memory_space<hbm>> -> memref<1x1x1x50x80xi32, #tpu.memory_space<hbm>>
        %dma_start3A_227 = tpu.memref_squeeze %dma_start3A_226 : memref<1x1x1x50x80xi32, #tpu.memory_space<hbm>> -> memref<50x80xi32, #tpu.memory_space<hbm>>
        tpu.enqueue_dma source(%dma_start3A_227 : memref<50x80xi32, #tpu.memory_space<hbm>>) target(%arg8 : memref<50x80xi32, #tpu.memory_space<vmem>>) target_semaphore(%run_scoped3A_219 : memref<!tpu.dma_semaphore, #tpu.memory_space<semaphore_mem>>)
        %dma_wait3A = arith.constant 0 : i32
        %dma_wait3A_228 = arith.constant 0 : i32
        %dma_wait3A_229 = tpu.memref_slice %arg3[%run_scoped3A_217, %arg1, %run_scoped3A_218, %dma_wait3A, %dma_wait3A_228] : memref<2x16x5x50x80xi32, #tpu.memory_space<hbm>> -> memref<1x1x1x50x80xi32, #tpu.memory_space<hbm>>
        %dma_wait3A_230 = tpu.memref_squeeze %dma_wait3A_229 : memref<1x1x1x50x80xi32, #tpu.memory_space<hbm>> -> memref<50x80xi32, #tpu.memory_space<hbm>>
        %dma_wait3A_231 = arith.constant 0 : i32
        %dma_wait3A_232 = arith.constant 0 : i32
        %dma_wait3A_233 = tpu.memref_slice %arg3[%run_scoped3A_217, %arg1, %run_scoped3A_218, %dma_wait3A_231, %dma_wait3A_232] : memref<2x16x5x50x80xi32, #tpu.memory_space<hbm>> -> memref<1x1x1x50x80xi32, #tpu.memory_space<hbm>>
        %dma_wait3A_234 = tpu.memref_squeeze %dma_wait3A_233 : memref<1x1x1x50x80xi32, #tpu.memory_space<hbm>> -> memref<50x80xi32, #tpu.memory_space<hbm>>
        tpu.wait_dma2 semaphore(%run_scoped3A_219 : memref<!tpu.dma_semaphore, #tpu.memory_space<semaphore_mem>>) src(%dma_wait3A_234 : memref<50x80xi32, #tpu.memory_space<hbm>>) dst(%arg8 : memref<50x80xi32, #tpu.memory_space<vmem>>)
        tpu.yield
      }) : () -> ()
    } else {
    }
    %eq3A_90 = arith.constant 1 : i32
    %eq3A_91 = arith.cmpi eq, %arg0, %eq3A_90 : i32
    %convert_element_type3A_92 = arith.extui %eq3A_91 : i1 to i32
    %cond3A_93 = arith.constant 0 : i32
    %cond3A_94 = arith.cmpi ne, %convert_element_type3A_92, %cond3A_93 : i32
    scf.if %cond3A_94 {
      %run_scoped3A = arith.constant 0 : i32
      %run_scoped3A_216 = arith.constant 2 : i32
      "tpu.region"() ({
        %run_scoped3A_219 = tpu.sem_alloc : memref<!tpu.dma_semaphore, #tpu.memory_space<semaphore_mem>>
        %dma_start3A_220 = arith.constant 0 : i32
        %dma_start3A_221 = arith.constant 0 : i32
        %dma_start3A_222 = tpu.memref_slice %arg4[%run_scoped3A, %arg1, %run_scoped3A_216, %dma_start3A_220, %dma_start3A_221] : memref<2x16x5x50x80xi32, #tpu.memory_space<hbm>> -> memref<1x1x1x50x80xi32, #tpu.memory_space<hbm>>
        %dma_start3A_223 = tpu.memref_squeeze %dma_start3A_222 : memref<1x1x1x50x80xi32, #tpu.memory_space<hbm>> -> memref<50x80xi32, #tpu.memory_space<hbm>>
        %dma_start3A_224 = arith.constant 0 : i32
        %dma_start3A_225 = arith.constant 0 : i32
        %dma_start3A_226 = tpu.memref_slice %arg4[%run_scoped3A, %arg1, %run_scoped3A_216, %dma_start3A_224, %dma_start3A_225] : memref<2x16x5x50x80xi32, #tpu.memory_space<hbm>> -> memref<1x1x1x50x80xi32, #tpu.memory_space<hbm>>
        %dma_start3A_227 = tpu.memref_squeeze %dma_start3A_226 : memref<1x1x1x50x80xi32, #tpu.memory_space<hbm>> -> memref<50x80xi32, #tpu.memory_space<hbm>>
        tpu.enqueue_dma source(%dma_start3A_227 : memref<50x80xi32, #tpu.memory_space<hbm>>) target(%arg7 : memref<50x80xi32, #tpu.memory_space<vmem>>) target_semaphore(%run_scoped3A_219 : memref<!tpu.dma_semaphore, #tpu.memory_space<semaphore_mem>>)
        %dma_wait3A = arith.constant 0 : i32
        %dma_wait3A_228 = arith.constant 0 : i32
        %dma_wait3A_229 = tpu.memref_slice %arg4[%run_scoped3A, %arg1, %run_scoped3A_216, %dma_wait3A, %dma_wait3A_228] : memref<2x16x5x50x80xi32, #tpu.memory_space<hbm>> -> memref<1x1x1x50x80xi32, #tpu.memory_space<hbm>>
        %dma_wait3A_230 = tpu.memref_squeeze %dma_wait3A_229 : memref<1x1x1x50x80xi32, #tpu.memory_space<hbm>> -> memref<50x80xi32, #tpu.memory_space<hbm>>
        %dma_wait3A_231 = arith.constant 0 : i32
        %dma_wait3A_232 = arith.constant 0 : i32
        %dma_wait3A_233 = tpu.memref_slice %arg4[%run_scoped3A, %arg1, %run_scoped3A_216, %dma_wait3A_231, %dma_wait3A_232] : memref<2x16x5x50x80xi32, #tpu.memory_space<hbm>> -> memref<1x1x1x50x80xi32, #tpu.memory_space<hbm>>
        %dma_wait3A_234 = tpu.memref_squeeze %dma_wait3A_233 : memref<1x1x1x50x80xi32, #tpu.memory_space<hbm>> -> memref<50x80xi32, #tpu.memory_space<hbm>>
        tpu.wait_dma2 semaphore(%run_scoped3A_219 : memref<!tpu.dma_semaphore, #tpu.memory_space<semaphore_mem>>) src(%dma_wait3A_234 : memref<50x80xi32, #tpu.memory_space<hbm>>) dst(%arg7 : memref<50x80xi32, #tpu.memory_space<vmem>>)
        tpu.yield
      }) : () -> ()
      %run_scoped3A_217 = arith.constant 1 : i32
      %run_scoped3A_218 = arith.constant 2 : i32
      "tpu.region"() ({
        %run_scoped3A_219 = tpu.sem_alloc : memref<!tpu.dma_semaphore, #tpu.memory_space<semaphore_mem>>
        %dma_start3A_220 = arith.constant 0 : i32
        %dma_start3A_221 = arith.constant 0 : i32
        %dma_start3A_222 = tpu.memref_slice %arg4[%run_scoped3A_217, %arg1, %run_scoped3A_218, %dma_start3A_220, %dma_start3A_221] : memref<2x16x5x50x80xi32, #tpu.memory_space<hbm>> -> memref<1x1x1x50x80xi32, #tpu.memory_space<hbm>>
        %dma_start3A_223 = tpu.memref_squeeze %dma_start3A_222 : memref<1x1x1x50x80xi32, #tpu.memory_space<hbm>> -> memref<50x80xi32, #tpu.memory_space<hbm>>
        %dma_start3A_224 = arith.constant 0 : i32
        %dma_start3A_225 = arith.constant 0 : i32
        %dma_start3A_226 = tpu.memref_slice %arg4[%run_scoped3A_217, %arg1, %run_scoped3A_218, %dma_start3A_224, %dma_start3A_225] : memref<2x16x5x50x80xi32, #tpu.memory_space<hbm>> -> memref<1x1x1x50x80xi32, #tpu.memory_space<hbm>>
        %dma_start3A_227 = tpu.memref_squeeze %dma_start3A_226 : memref<1x1x1x50x80xi32, #tpu.memory_space<hbm>> -> memref<50x80xi32, #tpu.memory_space<hbm>>
        tpu.enqueue_dma source(%dma_start3A_227 : memref<50x80xi32, #tpu.memory_space<hbm>>) target(%arg8 : memref<50x80xi32, #tpu.memory_space<vmem>>) target_semaphore(%run_scoped3A_219 : memref<!tpu.dma_semaphore, #tpu.memory_space<semaphore_mem>>)
        %dma_wait3A = arith.constant 0 : i32
        %dma_wait3A_228 = arith.constant 0 : i32
        %dma_wait3A_229 = tpu.memref_slice %arg4[%run_scoped3A_217, %arg1, %run_scoped3A_218, %dma_wait3A, %dma_wait3A_228] : memref<2x16x5x50x80xi32, #tpu.memory_space<hbm>> -> memref<1x1x1x50x80xi32, #tpu.memory_space<hbm>>
        %dma_wait3A_230 = tpu.memref_squeeze %dma_wait3A_229 : memref<1x1x1x50x80xi32, #tpu.memory_space<hbm>> -> memref<50x80xi32, #tpu.memory_space<hbm>>
        %dma_wait3A_231 = arith.constant 0 : i32
        %dma_wait3A_232 = arith.constant 0 : i32
        %dma_wait3A_233 = tpu.memref_slice %arg4[%run_scoped3A_217, %arg1, %run_scoped3A_218, %dma_wait3A_231, %dma_wait3A_232] : memref<2x16x5x50x80xi32, #tpu.memory_space<hbm>> -> memref<1x1x1x50x80xi32, #tpu.memory_space<hbm>>
        %dma_wait3A_234 = tpu.memref_squeeze %dma_wait3A_233 : memref<1x1x1x50x80xi32, #tpu.memory_space<hbm>> -> memref<50x80xi32, #tpu.memory_space<hbm>>
        tpu.wait_dma2 semaphore(%run_scoped3A_219 : memref<!tpu.dma_semaphore, #tpu.memory_space<semaphore_mem>>) src(%dma_wait3A_234 : memref<50x80xi32, #tpu.memory_space<hbm>>) dst(%arg8 : memref<50x80xi32, #tpu.memory_space<vmem>>)
        tpu.yield
      }) : () -> ()
    } else {
    }
    %dma_start3A_95 = arith.constant 0 : i32
    %dma_start3A_96 = arith.constant 0 : i32
    %dma_start3A_97 = arith.constant 0 : i32
    %dma_start3A_98 = arith.constant 0 : i32
    %dma_start3A_99 = tpu.memref_slice %arg9[%dma_start3A_96, %dma_start3A_97, %dma_start3A_98] : memref<3x80x128xf32, #tpu.memory_space<vmem>> -> memref<1x80x128xf32, #tpu.memory_space<vmem>>
    %dma_start3A_100 = tpu.memref_squeeze %dma_start3A_99 : memref<1x80x128xf32, #tpu.memory_space<vmem>> -> memref<80x128xf32, #tpu.memory_space<vmem>>
    %dma_start3A_101 = arith.constant 0 : i32
    %dma_start3A_102 = tpu.memref_slice %arg7[%dma_start3A_95, %dma_start3A_101] : memref<50x80xi32, #tpu.memory_space<vmem>> -> memref<1x80xi32, #tpu.memory_space<vmem>>
    %dma_start3A_103 = tpu.memref_squeeze %dma_start3A_102 : memref<1x80xi32, #tpu.memory_space<vmem>> -> memref<80xi32, #tpu.memory_space<vmem>>
    %dma_start3A_104 = arith.constant 0 : i32
    %dma_start3A_105 = arith.constant 0 : i32
    %dma_start3A_106 = tpu.memref_slice %arg2[%dma_start3A_104, %dma_start3A_105] : memref<10000x128xf32, #tpu.memory_space<hbm>> -> memref<10000x128xf32, #tpu.memory_space<hbm>>
    tpu.enqueue_indirect_dma source(%dma_start3A_106 : memref<10000x128xf32, #tpu.memory_space<hbm>>) target(%dma_start3A_100 : memref<80x128xf32, #tpu.memory_space<vmem>>) offsets(%dma_start3A_103 : memref<80xi32, #tpu.memory_space<vmem>>) semaphore(%arg10 : memref<!tpu.dma_semaphore, #tpu.memory_space<semaphore_mem>>)
    %dma_start3A_107 = arith.constant 1 : i32
    %dma_start3A_108 = arith.constant 1 : i32
    %dma_start3A_109 = arith.constant 0 : i32
    %dma_start3A_110 = arith.constant 0 : i32
    %dma_start3A_111 = tpu.memref_slice %arg9[%dma_start3A_108, %dma_start3A_109, %dma_start3A_110] : memref<3x80x128xf32, #tpu.memory_space<vmem>> -> memref<1x80x128xf32, #tpu.memory_space<vmem>>
    %dma_start3A_112 = tpu.memref_squeeze %dma_start3A_111 : memref<1x80x128xf32, #tpu.memory_space<vmem>> -> memref<80x128xf32, #tpu.memory_space<vmem>>
    %dma_start3A_113 = arith.constant 0 : i32
    %dma_start3A_114 = tpu.memref_slice %arg7[%dma_start3A_107, %dma_start3A_113] : memref<50x80xi32, #tpu.memory_space<vmem>> -> memref<1x80xi32, #tpu.memory_space<vmem>>
    %dma_start3A_115 = tpu.memref_squeeze %dma_start3A_114 : memref<1x80xi32, #tpu.memory_space<vmem>> -> memref<80xi32, #tpu.memory_space<vmem>>
    %dma_start3A_116 = arith.constant 0 : i32
    %dma_start3A_117 = arith.constant 0 : i32
    %dma_start3A_118 = tpu.memref_slice %arg2[%dma_start3A_116, %dma_start3A_117] : memref<10000x128xf32, #tpu.memory_space<hbm>> -> memref<10000x128xf32, #tpu.memory_space<hbm>>
    tpu.enqueue_indirect_dma source(%dma_start3A_118 : memref<10000x128xf32, #tpu.memory_space<hbm>>) target(%dma_start3A_112 : memref<80x128xf32, #tpu.memory_space<vmem>>) offsets(%dma_start3A_115 : memref<80xi32, #tpu.memory_space<vmem>>) semaphore(%arg11 : memref<!tpu.dma_semaphore, #tpu.memory_space<semaphore_mem>>)
    %scan3A_119 = arith.constant 0 : i32
    %scan3A_120 = arith.constant 0 : i32
    %scan3A_121 = arith.constant 17 : i32
    %scan3A_122 = arith.addi %scan3A_120, %scan3A_121 : i32
    %scan3A_123 = arith.constant 1 : i32
    scf.for %scan3A_216 = %scan3A_120 to %scan3A_122 step %scan3A_123  : i32 {
      %mul3A_217 = arith.constant 3 : i32
      %mul3A_218 = arith.muli %scan3A_216, %mul3A_217 : i32
      %add3A = arith.constant 0 : i32
      %add3A_219 = arith.addi %mul3A_218, %add3A : i32
      %lt3A_220 = arith.constant 50 : i32
      %lt3A_221 = arith.cmpi slt, %add3A_219, %lt3A_220 : i32
      %convert_element_type3A_222 = arith.extui %lt3A_221 : i1 to i32
      %cond3A_223 = arith.constant 0 : i32
      %cond3A_224 = arith.cmpi ne, %convert_element_type3A_222, %cond3A_223 : i32
      scf.if %cond3A_224 {
        %dma_wait3A = arith.constant 0 : i32
        %dma_wait3A_243 = arith.constant 0 : i32
        %dma_wait3A_244 = arith.constant 0 : i32
        %dma_wait3A_245 = tpu.memref_slice %arg9[%dma_wait3A, %dma_wait3A_243, %dma_wait3A_244] : memref<3x80x128xf32, #tpu.memory_space<vmem>> -> memref<1x80x128xf32, #tpu.memory_space<vmem>>
        %dma_wait3A_246 = tpu.memref_squeeze %dma_wait3A_245 : memref<1x80x128xf32, #tpu.memory_space<vmem>> -> memref<80x128xf32, #tpu.memory_space<vmem>>
        %dma_wait3A_247 = arith.constant 0 : i32
        %dma_wait3A_248 = tpu.memref_slice %arg7[%add3A_219, %dma_wait3A_247] : memref<50x80xi32, #tpu.memory_space<vmem>> -> memref<1x80xi32, #tpu.memory_space<vmem>>
        %dma_wait3A_249 = tpu.memref_squeeze %dma_wait3A_248 : memref<1x80xi32, #tpu.memory_space<vmem>> -> memref<80xi32, #tpu.memory_space<vmem>>
        %dma_wait3A_250 = arith.constant 0 : i32
        %dma_wait3A_251 = arith.constant 0 : i32
        %dma_wait3A_252 = tpu.memref_slice %arg2[%dma_wait3A_250, %dma_wait3A_251] : memref<10000x128xf32, #tpu.memory_space<hbm>> -> memref<10000x128xf32, #tpu.memory_space<hbm>>
        tpu.wait_indirect_dma semaphore(%arg10 : memref<!tpu.dma_semaphore, #tpu.memory_space<semaphore_mem>>) src(%dma_wait3A_252 : memref<10000x128xf32, #tpu.memory_space<hbm>>) dst(%dma_wait3A_246 : memref<80x128xf32, #tpu.memory_space<vmem>>)
        %add3A_253 = arith.constant 2 : i32
        %add3A_254 = arith.addi %add3A_219, %add3A_253 : i32
        %lt3A_255 = arith.constant 50 : i32
        %lt3A_256 = arith.cmpi slt, %add3A_254, %lt3A_255 : i32
        %convert_element_type3A_257 = arith.extui %lt3A_256 : i1 to i32
        %cond3A_258 = arith.constant 0 : i32
        %cond3A_259 = arith.cmpi ne, %convert_element_type3A_257, %cond3A_258 : i32
        scf.if %cond3A_259 {
          %add3A_260 = arith.constant 2 : i32
          %add3A_261 = arith.addi %add3A_219, %add3A_260 : i32
          %dma_start3A_262 = arith.constant 2 : i32
          %dma_start3A_263 = arith.constant 0 : i32
          %dma_start3A_264 = arith.constant 0 : i32
          %dma_start3A_265 = tpu.memref_slice %arg9[%dma_start3A_262, %dma_start3A_263, %dma_start3A_264] : memref<3x80x128xf32, #tpu.memory_space<vmem>> -> memref<1x80x128xf32, #tpu.memory_space<vmem>>
          %dma_start3A_266 = tpu.memref_squeeze %dma_start3A_265 : memref<1x80x128xf32, #tpu.memory_space<vmem>> -> memref<80x128xf32, #tpu.memory_space<vmem>>
          %dma_start3A_267 = arith.constant 0 : i32
          %dma_start3A_268 = tpu.memref_slice %arg7[%add3A_261, %dma_start3A_267] : memref<50x80xi32, #tpu.memory_space<vmem>> -> memref<1x80xi32, #tpu.memory_space<vmem>>
          %dma_start3A_269 = tpu.memref_squeeze %dma_start3A_268 : memref<1x80xi32, #tpu.memory_space<vmem>> -> memref<80xi32, #tpu.memory_space<vmem>>
          %dma_start3A_270 = arith.constant 0 : i32
          %dma_start3A_271 = arith.constant 0 : i32
          %dma_start3A_272 = tpu.memref_slice %arg2[%dma_start3A_270, %dma_start3A_271] : memref<10000x128xf32, #tpu.memory_space<hbm>> -> memref<10000x128xf32, #tpu.memory_space<hbm>>
          tpu.enqueue_indirect_dma source(%dma_start3A_272 : memref<10000x128xf32, #tpu.memory_space<hbm>>) target(%dma_start3A_266 : memref<80x128xf32, #tpu.memory_space<vmem>>) offsets(%dma_start3A_269 : memref<80xi32, #tpu.memory_space<vmem>>) semaphore(%arg12 : memref<!tpu.dma_semaphore, #tpu.memory_space<semaphore_mem>>)
        } else {
        }
        %run_scoped3A = arith.constant 0 : i32
        "tpu.region"() ({
          %run_scoped3A_260 = tpu.sem_alloc : memref<!tpu.dma_semaphore, #tpu.memory_space<semaphore_mem>>
          %dma_start3A_261 = arith.constant 0 : i32
          %dma_start3A_262 = arith.constant 0 : i32
          %dma_start3A_263 = tpu.memref_slice %arg9[%run_scoped3A, %dma_start3A_261, %dma_start3A_262] : memref<3x80x128xf32, #tpu.memory_space<vmem>> -> memref<1x80x128xf32, #tpu.memory_space<vmem>>
          %dma_start3A_264 = tpu.memref_squeeze %dma_start3A_263 : memref<1x80x128xf32, #tpu.memory_space<vmem>> -> memref<80x128xf32, #tpu.memory_space<vmem>>
          %dma_start3A_265 = arith.constant 0 : i32
          %dma_start3A_266 = tpu.memref_slice %arg8[%add3A_219, %dma_start3A_265] : memref<50x80xi32, #tpu.memory_space<vmem>> -> memref<1x80xi32, #tpu.memory_space<vmem>>
          %dma_start3A_267 = tpu.memref_squeeze %dma_start3A_266 : memref<1x80xi32, #tpu.memory_space<vmem>> -> memref<80xi32, #tpu.memory_space<vmem>>
          %dma_start3A_268 = arith.constant 0 : i32
          %dma_start3A_269 = arith.constant 0 : i32
          %dma_start3A_270 = tpu.memref_slice %arg6[%dma_start3A_268, %dma_start3A_269] : memref<10000x128xf32, #tpu.memory_space<vmem_shared>> -> memref<10000x128xf32, #tpu.memory_space<vmem_shared>>
          tpu.enqueue_indirect_dma source(%dma_start3A_264 : memref<80x128xf32, #tpu.memory_space<vmem>>) target(%dma_start3A_270 : memref<10000x128xf32, #tpu.memory_space<vmem_shared>>) offsets(%dma_start3A_267 : memref<80xi32, #tpu.memory_space<vmem>>) semaphore(%run_scoped3A_260 : memref<!tpu.dma_semaphore, #tpu.memory_space<semaphore_mem>>) {add = true}
          %dma_wait3A_271 = arith.constant 0 : i32
          %dma_wait3A_272 = arith.constant 0 : i32
          %dma_wait3A_273 = tpu.memref_slice %arg9[%run_scoped3A, %dma_wait3A_271, %dma_wait3A_272] : memref<3x80x128xf32, #tpu.memory_space<vmem>> -> memref<1x80x128xf32, #tpu.memory_space<vmem>>
          %dma_wait3A_274 = tpu.memref_squeeze %dma_wait3A_273 : memref<1x80x128xf32, #tpu.memory_space<vmem>> -> memref<80x128xf32, #tpu.memory_space<vmem>>
          %dma_wait3A_275 = arith.constant 0 : i32
          %dma_wait3A_276 = tpu.memref_slice %arg8[%add3A_219, %dma_wait3A_275] : memref<50x80xi32, #tpu.memory_space<vmem>> -> memref<1x80xi32, #tpu.memory_space<vmem>>
          %dma_wait3A_277 = tpu.memref_squeeze %dma_wait3A_276 : memref<1x80xi32, #tpu.memory_space<vmem>> -> memref<80xi32, #tpu.memory_space<vmem>>
          %dma_wait3A_278 = arith.constant 0 : i32
          %dma_wait3A_279 = arith.constant 0 : i32
          %dma_wait3A_280 = tpu.memref_slice %arg6[%dma_wait3A_278, %dma_wait3A_279] : memref<10000x128xf32, #tpu.memory_space<vmem_shared>> -> memref<10000x128xf32, #tpu.memory_space<vmem_shared>>
          tpu.wait_indirect_dma semaphore(%run_scoped3A_260 : memref<!tpu.dma_semaphore, #tpu.memory_space<semaphore_mem>>) src(%dma_wait3A_274 : memref<80x128xf32, #tpu.memory_space<vmem>>) dst(%dma_wait3A_280 : memref<10000x128xf32, #tpu.memory_space<vmem_shared>>)
          tpu.yield
        }) : () -> ()
      } else {
      }
      %mul3A_225 = arith.constant 3 : i32
      %mul3A_226 = arith.muli %scan3A_216, %mul3A_225 : i32
      %add3A_227 = arith.constant 1 : i32
      %add3A_228 = arith.addi %mul3A_226, %add3A_227 : i32
      %lt3A_229 = arith.constant 50 : i32
      %lt3A_230 = arith.cmpi slt, %add3A_228, %lt3A_229 : i32
      %convert_element_type3A_231 = arith.extui %lt3A_230 : i1 to i32
      %cond3A_232 = arith.constant 0 : i32
      %cond3A_233 = arith.cmpi ne, %convert_element_type3A_231, %cond3A_232 : i32
      scf.if %cond3A_233 {
        %dma_wait3A = arith.constant 1 : i32
        %dma_wait3A_243 = arith.constant 0 : i32
        %dma_wait3A_244 = arith.constant 0 : i32
        %dma_wait3A_245 = tpu.memref_slice %arg9[%dma_wait3A, %dma_wait3A_243, %dma_wait3A_244] : memref<3x80x128xf32, #tpu.memory_space<vmem>> -> memref<1x80x128xf32, #tpu.memory_space<vmem>>
        %dma_wait3A_246 = tpu.memref_squeeze %dma_wait3A_245 : memref<1x80x128xf32, #tpu.memory_space<vmem>> -> memref<80x128xf32, #tpu.memory_space<vmem>>
        %dma_wait3A_247 = arith.constant 0 : i32
        %dma_wait3A_248 = tpu.memref_slice %arg7[%add3A_228, %dma_wait3A_247] : memref<50x80xi32, #tpu.memory_space<vmem>> -> memref<1x80xi32, #tpu.memory_space<vmem>>
        %dma_wait3A_249 = tpu.memref_squeeze %dma_wait3A_248 : memref<1x80xi32, #tpu.memory_space<vmem>> -> memref<80xi32, #tpu.memory_space<vmem>>
        %dma_wait3A_250 = arith.constant 0 : i32
        %dma_wait3A_251 = arith.constant 0 : i32
        %dma_wait3A_252 = tpu.memref_slice %arg2[%dma_wait3A_250, %dma_wait3A_251] : memref<10000x128xf32, #tpu.memory_space<hbm>> -> memref<10000x128xf32, #tpu.memory_space<hbm>>
        tpu.wait_indirect_dma semaphore(%arg11 : memref<!tpu.dma_semaphore, #tpu.memory_space<semaphore_mem>>) src(%dma_wait3A_252 : memref<10000x128xf32, #tpu.memory_space<hbm>>) dst(%dma_wait3A_246 : memref<80x128xf32, #tpu.memory_space<vmem>>)
        %add3A_253 = arith.constant 2 : i32
        %add3A_254 = arith.addi %add3A_228, %add3A_253 : i32
        %lt3A_255 = arith.constant 50 : i32
        %lt3A_256 = arith.cmpi slt, %add3A_254, %lt3A_255 : i32
        %convert_element_type3A_257 = arith.extui %lt3A_256 : i1 to i32
        %cond3A_258 = arith.constant 0 : i32
        %cond3A_259 = arith.cmpi ne, %convert_element_type3A_257, %cond3A_258 : i32
        scf.if %cond3A_259 {
          %add3A_260 = arith.constant 2 : i32
          %add3A_261 = arith.addi %add3A_228, %add3A_260 : i32
          %dma_start3A_262 = arith.constant 0 : i32
          %dma_start3A_263 = arith.constant 0 : i32
          %dma_start3A_264 = arith.constant 0 : i32
          %dma_start3A_265 = tpu.memref_slice %arg9[%dma_start3A_262, %dma_start3A_263, %dma_start3A_264] : memref<3x80x128xf32, #tpu.memory_space<vmem>> -> memref<1x80x128xf32, #tpu.memory_space<vmem>>
          %dma_start3A_266 = tpu.memref_squeeze %dma_start3A_265 : memref<1x80x128xf32, #tpu.memory_space<vmem>> -> memref<80x128xf32, #tpu.memory_space<vmem>>
          %dma_start3A_267 = arith.constant 0 : i32
          %dma_start3A_268 = tpu.memref_slice %arg7[%add3A_261, %dma_start3A_267] : memref<50x80xi32, #tpu.memory_space<vmem>> -> memref<1x80xi32, #tpu.memory_space<vmem>>
          %dma_start3A_269 = tpu.memref_squeeze %dma_start3A_268 : memref<1x80xi32, #tpu.memory_space<vmem>> -> memref<80xi32, #tpu.memory_space<vmem>>
          %dma_start3A_270 = arith.constant 0 : i32
          %dma_start3A_271 = arith.constant 0 : i32
          %dma_start3A_272 = tpu.memref_slice %arg2[%dma_start3A_270, %dma_start3A_271] : memref<10000x128xf32, #tpu.memory_space<hbm>> -> memref<10000x128xf32, #tpu.memory_space<hbm>>
          tpu.enqueue_indirect_dma source(%dma_start3A_272 : memref<10000x128xf32, #tpu.memory_space<hbm>>) target(%dma_start3A_266 : memref<80x128xf32, #tpu.memory_space<vmem>>) offsets(%dma_start3A_269 : memref<80xi32, #tpu.memory_space<vmem>>) semaphore(%arg10 : memref<!tpu.dma_semaphore, #tpu.memory_space<semaphore_mem>>)
        } else {
        }
        %run_scoped3A = arith.constant 1 : i32
        "tpu.region"() ({
          %run_scoped3A_260 = tpu.sem_alloc : memref<!tpu.dma_semaphore, #tpu.memory_space<semaphore_mem>>
          %dma_start3A_261 = arith.constant 0 : i32
          %dma_start3A_262 = arith.constant 0 : i32
          %dma_start3A_263 = tpu.memref_slice %arg9[%run_scoped3A, %dma_start3A_261, %dma_start3A_262] : memref<3x80x128xf32, #tpu.memory_space<vmem>> -> memref<1x80x128xf32, #tpu.memory_space<vmem>>
          %dma_start3A_264 = tpu.memref_squeeze %dma_start3A_263 : memref<1x80x128xf32, #tpu.memory_space<vmem>> -> memref<80x128xf32, #tpu.memory_space<vmem>>
          %dma_start3A_265 = arith.constant 0 : i32
          %dma_start3A_266 = tpu.memref_slice %arg8[%add3A_228, %dma_start3A_265] : memref<50x80xi32, #tpu.memory_space<vmem>> -> memref<1x80xi32, #tpu.memory_space<vmem>>
          %dma_start3A_267 = tpu.memref_squeeze %dma_start3A_266 : memref<1x80xi32, #tpu.memory_space<vmem>> -> memref<80xi32, #tpu.memory_space<vmem>>
          %dma_start3A_268 = arith.constant 0 : i32
          %dma_start3A_269 = arith.constant 0 : i32
          %dma_start3A_270 = tpu.memref_slice %arg6[%dma_start3A_268, %dma_start3A_269] : memref<10000x128xf32, #tpu.memory_space<vmem_shared>> -> memref<10000x128xf32, #tpu.memory_space<vmem_shared>>
          tpu.enqueue_indirect_dma source(%dma_start3A_264 : memref<80x128xf32, #tpu.memory_space<vmem>>) target(%dma_start3A_270 : memref<10000x128xf32, #tpu.memory_space<vmem_shared>>) offsets(%dma_start3A_267 : memref<80xi32, #tpu.memory_space<vmem>>) semaphore(%run_scoped3A_260 : memref<!tpu.dma_semaphore, #tpu.memory_space<semaphore_mem>>) {add = true}
          %dma_wait3A_271 = arith.constant 0 : i32
          %dma_wait3A_272 = arith.constant 0 : i32
          %dma_wait3A_273 = tpu.memref_slice %arg9[%run_scoped3A, %dma_wait3A_271, %dma_wait3A_272] : memref<3x80x128xf32, #tpu.memory_space<vmem>> -> memref<1x80x128xf32, #tpu.memory_space<vmem>>
          %dma_wait3A_274 = tpu.memref_squeeze %dma_wait3A_273 : memref<1x80x128xf32, #tpu.memory_space<vmem>> -> memref<80x128xf32, #tpu.memory_space<vmem>>
          %dma_wait3A_275 = arith.constant 0 : i32
          %dma_wait3A_276 = tpu.memref_slice %arg8[%add3A_228, %dma_wait3A_275] : memref<50x80xi32, #tpu.memory_space<vmem>> -> memref<1x80xi32, #tpu.memory_space<vmem>>
          %dma_wait3A_277 = tpu.memref_squeeze %dma_wait3A_276 : memref<1x80xi32, #tpu.memory_space<vmem>> -> memref<80xi32, #tpu.memory_space<vmem>>
          %dma_wait3A_278 = arith.constant 0 : i32
          %dma_wait3A_279 = arith.constant 0 : i32
          %dma_wait3A_280 = tpu.memref_slice %arg6[%dma_wait3A_278, %dma_wait3A_279] : memref<10000x128xf32, #tpu.memory_space<vmem_shared>> -> memref<10000x128xf32, #tpu.memory_space<vmem_shared>>
          tpu.wait_indirect_dma semaphore(%run_scoped3A_260 : memref<!tpu.dma_semaphore, #tpu.memory_space<semaphore_mem>>) src(%dma_wait3A_274 : memref<80x128xf32, #tpu.memory_space<vmem>>) dst(%dma_wait3A_280 : memref<10000x128xf32, #tpu.memory_space<vmem_shared>>)
          tpu.yield
        }) : () -> ()
      } else {
      }
      %mul3A_234 = arith.constant 3 : i32
      %mul3A_235 = arith.muli %scan3A_216, %mul3A_234 : i32
      %add3A_236 = arith.constant 2 : i32
      %add3A_237 = arith.addi %mul3A_235, %add3A_236 : i32
      %lt3A_238 = arith.constant 50 : i32
      %lt3A_239 = arith.cmpi slt, %add3A_237, %lt3A_238 : i32
      %convert_element_type3A_240 = arith.extui %lt3A_239 : i1 to i32
      %cond3A_241 = arith.constant 0 : i32
      %cond3A_242 = arith.cmpi ne, %convert_element_type3A_240, %cond3A_241 : i32
      scf.if %cond3A_242 {
        %dma_wait3A = arith.constant 2 : i32
        %dma_wait3A_243 = arith.constant 0 : i32
        %dma_wait3A_244 = arith.constant 0 : i32
        %dma_wait3A_245 = tpu.memref_slice %arg9[%dma_wait3A, %dma_wait3A_243, %dma_wait3A_244] : memref<3x80x128xf32, #tpu.memory_space<vmem>> -> memref<1x80x128xf32, #tpu.memory_space<vmem>>
        %dma_wait3A_246 = tpu.memref_squeeze %dma_wait3A_245 : memref<1x80x128xf32, #tpu.memory_space<vmem>> -> memref<80x128xf32, #tpu.memory_space<vmem>>
        %dma_wait3A_247 = arith.constant 0 : i32
        %dma_wait3A_248 = tpu.memref_slice %arg7[%add3A_237, %dma_wait3A_247] : memref<50x80xi32, #tpu.memory_space<vmem>> -> memref<1x80xi32, #tpu.memory_space<vmem>>
        %dma_wait3A_249 = tpu.memref_squeeze %dma_wait3A_248 : memref<1x80xi32, #tpu.memory_space<vmem>> -> memref<80xi32, #tpu.memory_space<vmem>>
        %dma_wait3A_250 = arith.constant 0 : i32
        %dma_wait3A_251 = arith.constant 0 : i32
        %dma_wait3A_252 = tpu.memref_slice %arg2[%dma_wait3A_250, %dma_wait3A_251] : memref<10000x128xf32, #tpu.memory_space<hbm>> -> memref<10000x128xf32, #tpu.memory_space<hbm>>
        tpu.wait_indirect_dma semaphore(%arg12 : memref<!tpu.dma_semaphore, #tpu.memory_space<semaphore_mem>>) src(%dma_wait3A_252 : memref<10000x128xf32, #tpu.memory_space<hbm>>) dst(%dma_wait3A_246 : memref<80x128xf32, #tpu.memory_space<vmem>>)
        %add3A_253 = arith.constant 2 : i32
        %add3A_254 = arith.addi %add3A_237, %add3A_253 : i32
        %lt3A_255 = arith.constant 50 : i32
        %lt3A_256 = arith.cmpi slt, %add3A_254, %lt3A_255 : i32
        %convert_element_type3A_257 = arith.extui %lt3A_256 : i1 to i32
        %cond3A_258 = arith.constant 0 : i32
        %cond3A_259 = arith.cmpi ne, %convert_element_type3A_257, %cond3A_258 : i32
        scf.if %cond3A_259 {
          %add3A_260 = arith.constant 2 : i32
          %add3A_261 = arith.addi %add3A_237, %add3A_260 : i32
          %dma_start3A_262 = arith.constant 1 : i32
          %dma_start3A_263 = arith.constant 0 : i32
          %dma_start3A_264 = arith.constant 0 : i32
          %dma_start3A_265 = tpu.memref_slice %arg9[%dma_start3A_262, %dma_start3A_263, %dma_start3A_264] : memref<3x80x128xf32, #tpu.memory_space<vmem>> -> memref<1x80x128xf32, #tpu.memory_space<vmem>>
          %dma_start3A_266 = tpu.memref_squeeze %dma_start3A_265 : memref<1x80x128xf32, #tpu.memory_space<vmem>> -> memref<80x128xf32, #tpu.memory_space<vmem>>
          %dma_start3A_267 = arith.constant 0 : i32
          %dma_start3A_268 = tpu.memref_slice %arg7[%add3A_261, %dma_start3A_267] : memref<50x80xi32, #tpu.memory_space<vmem>> -> memref<1x80xi32, #tpu.memory_space<vmem>>
          %dma_start3A_269 = tpu.memref_squeeze %dma_start3A_268 : memref<1x80xi32, #tpu.memory_space<vmem>> -> memref<80xi32, #tpu.memory_space<vmem>>
          %dma_start3A_270 = arith.constant 0 : i32
          %dma_start3A_271 = arith.constant 0 : i32
          %dma_start3A_272 = tpu.memref_slice %arg2[%dma_start3A_270, %dma_start3A_271] : memref<10000x128xf32, #tpu.memory_space<hbm>> -> memref<10000x128xf32, #tpu.memory_space<hbm>>
          tpu.enqueue_indirect_dma source(%dma_start3A_272 : memref<10000x128xf32, #tpu.memory_space<hbm>>) target(%dma_start3A_266 : memref<80x128xf32, #tpu.memory_space<vmem>>) offsets(%dma_start3A_269 : memref<80xi32, #tpu.memory_space<vmem>>) semaphore(%arg11 : memref<!tpu.dma_semaphore, #tpu.memory_space<semaphore_mem>>)
        } else {
        }
        %run_scoped3A = arith.constant 2 : i32
        "tpu.region"() ({
          %run_scoped3A_260 = tpu.sem_alloc : memref<!tpu.dma_semaphore, #tpu.memory_space<semaphore_mem>>
          %dma_start3A_261 = arith.constant 0 : i32
          %dma_start3A_262 = arith.constant 0 : i32
          %dma_start3A_263 = tpu.memref_slice %arg9[%run_scoped3A, %dma_start3A_261, %dma_start3A_262] : memref<3x80x128xf32, #tpu.memory_space<vmem>> -> memref<1x80x128xf32, #tpu.memory_space<vmem>>
          %dma_start3A_264 = tpu.memref_squeeze %dma_start3A_263 : memref<1x80x128xf32, #tpu.memory_space<vmem>> -> memref<80x128xf32, #tpu.memory_space<vmem>>
          %dma_start3A_265 = arith.constant 0 : i32
          %dma_start3A_266 = tpu.memref_slice %arg8[%add3A_237, %dma_start3A_265] : memref<50x80xi32, #tpu.memory_space<vmem>> -> memref<1x80xi32, #tpu.memory_space<vmem>>
          %dma_start3A_267 = tpu.memref_squeeze %dma_start3A_266 : memref<1x80xi32, #tpu.memory_space<vmem>> -> memref<80xi32, #tpu.memory_space<vmem>>
          %dma_start3A_268 = arith.constant 0 : i32
          %dma_start3A_269 = arith.constant 0 : i32
          %dma_start3A_270 = tpu.memref_slice %arg6[%dma_start3A_268, %dma_start3A_269] : memref<10000x128xf32, #tpu.memory_space<vmem_shared>> -> memref<10000x128xf32, #tpu.memory_space<vmem_shared>>
          tpu.enqueue_indirect_dma source(%dma_start3A_264 : memref<80x128xf32, #tpu.memory_space<vmem>>) target(%dma_start3A_270 : memref<10000x128xf32, #tpu.memory_space<vmem_shared>>) offsets(%dma_start3A_267 : memref<80xi32, #tpu.memory_space<vmem>>) semaphore(%run_scoped3A_260 : memref<!tpu.dma_semaphore, #tpu.memory_space<semaphore_mem>>) {add = true}
          %dma_wait3A_271 = arith.constant 0 : i32
          %dma_wait3A_272 = arith.constant 0 : i32
          %dma_wait3A_273 = tpu.memref_slice %arg9[%run_scoped3A, %dma_wait3A_271, %dma_wait3A_272] : memref<3x80x128xf32, #tpu.memory_space<vmem>> -> memref<1x80x128xf32, #tpu.memory_space<vmem>>
          %dma_wait3A_274 = tpu.memref_squeeze %dma_wait3A_273 : memref<1x80x128xf32, #tpu.memory_space<vmem>> -> memref<80x128xf32, #tpu.memory_space<vmem>>
          %dma_wait3A_275 = arith.constant 0 : i32
          %dma_wait3A_276 = tpu.memref_slice %arg8[%add3A_237, %dma_wait3A_275] : memref<50x80xi32, #tpu.memory_space<vmem>> -> memref<1x80xi32, #tpu.memory_space<vmem>>
          %dma_wait3A_277 = tpu.memref_squeeze %dma_wait3A_276 : memref<1x80xi32, #tpu.memory_space<vmem>> -> memref<80xi32, #tpu.memory_space<vmem>>
          %dma_wait3A_278 = arith.constant 0 : i32
          %dma_wait3A_279 = arith.constant 0 : i32
          %dma_wait3A_280 = tpu.memref_slice %arg6[%dma_wait3A_278, %dma_wait3A_279] : memref<10000x128xf32, #tpu.memory_space<vmem_shared>> -> memref<10000x128xf32, #tpu.memory_space<vmem_shared>>
          tpu.wait_indirect_dma semaphore(%run_scoped3A_260 : memref<!tpu.dma_semaphore, #tpu.memory_space<semaphore_mem>>) src(%dma_wait3A_274 : memref<80x128xf32, #tpu.memory_space<vmem>>) dst(%dma_wait3A_280 : memref<10000x128xf32, #tpu.memory_space<vmem_shared>>)
          tpu.yield
        }) : () -> ()
      } else {
      }
    }
    %scan3A_124 = arith.constant 17 : i32
    %eq3A_125 = arith.constant 0 : i32
    %eq3A_126 = arith.cmpi eq, %arg0, %eq3A_125 : i32
    %convert_element_type3A_127 = arith.extui %eq3A_126 : i1 to i32
    %cond3A_128 = arith.constant 0 : i32
    %cond3A_129 = arith.cmpi ne, %convert_element_type3A_127, %cond3A_128 : i32
    scf.if %cond3A_129 {
      %run_scoped3A = arith.constant 0 : i32
      %run_scoped3A_216 = arith.constant 3 : i32
      "tpu.region"() ({
        %run_scoped3A_219 = tpu.sem_alloc : memref<!tpu.dma_semaphore, #tpu.memory_space<semaphore_mem>>
        %dma_start3A_220 = arith.constant 0 : i32
        %dma_start3A_221 = arith.constant 0 : i32
        %dma_start3A_222 = tpu.memref_slice %arg3[%run_scoped3A, %arg1, %run_scoped3A_216, %dma_start3A_220, %dma_start3A_221] : memref<2x16x5x50x80xi32, #tpu.memory_space<hbm>> -> memref<1x1x1x50x80xi32, #tpu.memory_space<hbm>>
        %dma_start3A_223 = tpu.memref_squeeze %dma_start3A_222 : memref<1x1x1x50x80xi32, #tpu.memory_space<hbm>> -> memref<50x80xi32, #tpu.memory_space<hbm>>
        %dma_start3A_224 = arith.constant 0 : i32
        %dma_start3A_225 = arith.constant 0 : i32
        %dma_start3A_226 = tpu.memref_slice %arg3[%run_scoped3A, %arg1, %run_scoped3A_216, %dma_start3A_224, %dma_start3A_225] : memref<2x16x5x50x80xi32, #tpu.memory_space<hbm>> -> memref<1x1x1x50x80xi32, #tpu.memory_space<hbm>>
        %dma_start3A_227 = tpu.memref_squeeze %dma_start3A_226 : memref<1x1x1x50x80xi32, #tpu.memory_space<hbm>> -> memref<50x80xi32, #tpu.memory_space<hbm>>
        tpu.enqueue_dma source(%dma_start3A_227 : memref<50x80xi32, #tpu.memory_space<hbm>>) target(%arg7 : memref<50x80xi32, #tpu.memory_space<vmem>>) target_semaphore(%run_scoped3A_219 : memref<!tpu.dma_semaphore, #tpu.memory_space<semaphore_mem>>)
        %dma_wait3A = arith.constant 0 : i32
        %dma_wait3A_228 = arith.constant 0 : i32
        %dma_wait3A_229 = tpu.memref_slice %arg3[%run_scoped3A, %arg1, %run_scoped3A_216, %dma_wait3A, %dma_wait3A_228] : memref<2x16x5x50x80xi32, #tpu.memory_space<hbm>> -> memref<1x1x1x50x80xi32, #tpu.memory_space<hbm>>
        %dma_wait3A_230 = tpu.memref_squeeze %dma_wait3A_229 : memref<1x1x1x50x80xi32, #tpu.memory_space<hbm>> -> memref<50x80xi32, #tpu.memory_space<hbm>>
        %dma_wait3A_231 = arith.constant 0 : i32
        %dma_wait3A_232 = arith.constant 0 : i32
        %dma_wait3A_233 = tpu.memref_slice %arg3[%run_scoped3A, %arg1, %run_scoped3A_216, %dma_wait3A_231, %dma_wait3A_232] : memref<2x16x5x50x80xi32, #tpu.memory_space<hbm>> -> memref<1x1x1x50x80xi32, #tpu.memory_space<hbm>>
        %dma_wait3A_234 = tpu.memref_squeeze %dma_wait3A_233 : memref<1x1x1x50x80xi32, #tpu.memory_space<hbm>> -> memref<50x80xi32, #tpu.memory_space<hbm>>
        tpu.wait_dma2 semaphore(%run_scoped3A_219 : memref<!tpu.dma_semaphore, #tpu.memory_space<semaphore_mem>>) src(%dma_wait3A_234 : memref<50x80xi32, #tpu.memory_space<hbm>>) dst(%arg7 : memref<50x80xi32, #tpu.memory_space<vmem>>)
        tpu.yield
      }) : () -> ()
      %run_scoped3A_217 = arith.constant 1 : i32
      %run_scoped3A_218 = arith.constant 3 : i32
      "tpu.region"() ({
        %run_scoped3A_219 = tpu.sem_alloc : memref<!tpu.dma_semaphore, #tpu.memory_space<semaphore_mem>>
        %dma_start3A_220 = arith.constant 0 : i32
        %dma_start3A_221 = arith.constant 0 : i32
        %dma_start3A_222 = tpu.memref_slice %arg3[%run_scoped3A_217, %arg1, %run_scoped3A_218, %dma_start3A_220, %dma_start3A_221] : memref<2x16x5x50x80xi32, #tpu.memory_space<hbm>> -> memref<1x1x1x50x80xi32, #tpu.memory_space<hbm>>
        %dma_start3A_223 = tpu.memref_squeeze %dma_start3A_222 : memref<1x1x1x50x80xi32, #tpu.memory_space<hbm>> -> memref<50x80xi32, #tpu.memory_space<hbm>>
        %dma_start3A_224 = arith.constant 0 : i32
        %dma_start3A_225 = arith.constant 0 : i32
        %dma_start3A_226 = tpu.memref_slice %arg3[%run_scoped3A_217, %arg1, %run_scoped3A_218, %dma_start3A_224, %dma_start3A_225] : memref<2x16x5x50x80xi32, #tpu.memory_space<hbm>> -> memref<1x1x1x50x80xi32, #tpu.memory_space<hbm>>
        %dma_start3A_227 = tpu.memref_squeeze %dma_start3A_226 : memref<1x1x1x50x80xi32, #tpu.memory_space<hbm>> -> memref<50x80xi32, #tpu.memory_space<hbm>>
        tpu.enqueue_dma source(%dma_start3A_227 : memref<50x80xi32, #tpu.memory_space<hbm>>) target(%arg8 : memref<50x80xi32, #tpu.memory_space<vmem>>) target_semaphore(%run_scoped3A_219 : memref<!tpu.dma_semaphore, #tpu.memory_space<semaphore_mem>>)
        %dma_wait3A = arith.constant 0 : i32
        %dma_wait3A_228 = arith.constant 0 : i32
        %dma_wait3A_229 = tpu.memref_slice %arg3[%run_scoped3A_217, %arg1, %run_scoped3A_218, %dma_wait3A, %dma_wait3A_228] : memref<2x16x5x50x80xi32, #tpu.memory_space<hbm>> -> memref<1x1x1x50x80xi32, #tpu.memory_space<hbm>>
        %dma_wait3A_230 = tpu.memref_squeeze %dma_wait3A_229 : memref<1x1x1x50x80xi32, #tpu.memory_space<hbm>> -> memref<50x80xi32, #tpu.memory_space<hbm>>
        %dma_wait3A_231 = arith.constant 0 : i32
        %dma_wait3A_232 = arith.constant 0 : i32
        %dma_wait3A_233 = tpu.memref_slice %arg3[%run_scoped3A_217, %arg1, %run_scoped3A_218, %dma_wait3A_231, %dma_wait3A_232] : memref<2x16x5x50x80xi32, #tpu.memory_space<hbm>> -> memref<1x1x1x50x80xi32, #tpu.memory_space<hbm>>
        %dma_wait3A_234 = tpu.memref_squeeze %dma_wait3A_233 : memref<1x1x1x50x80xi32, #tpu.memory_space<hbm>> -> memref<50x80xi32, #tpu.memory_space<hbm>>
        tpu.wait_dma2 semaphore(%run_scoped3A_219 : memref<!tpu.dma_semaphore, #tpu.memory_space<semaphore_mem>>) src(%dma_wait3A_234 : memref<50x80xi32, #tpu.memory_space<hbm>>) dst(%arg8 : memref<50x80xi32, #tpu.memory_space<vmem>>)
        tpu.yield
      }) : () -> ()
    } else {
    }
    %eq3A_130 = arith.constant 1 : i32
    %eq3A_131 = arith.cmpi eq, %arg0, %eq3A_130 : i32
    %convert_element_type3A_132 = arith.extui %eq3A_131 : i1 to i32
    %cond3A_133 = arith.constant 0 : i32
    %cond3A_134 = arith.cmpi ne, %convert_element_type3A_132, %cond3A_133 : i32
    scf.if %cond3A_134 {
      %run_scoped3A = arith.constant 0 : i32
      %run_scoped3A_216 = arith.constant 3 : i32
      "tpu.region"() ({
        %run_scoped3A_219 = tpu.sem_alloc : memref<!tpu.dma_semaphore, #tpu.memory_space<semaphore_mem>>
        %dma_start3A_220 = arith.constant 0 : i32
        %dma_start3A_221 = arith.constant 0 : i32
        %dma_start3A_222 = tpu.memref_slice %arg4[%run_scoped3A, %arg1, %run_scoped3A_216, %dma_start3A_220, %dma_start3A_221] : memref<2x16x5x50x80xi32, #tpu.memory_space<hbm>> -> memref<1x1x1x50x80xi32, #tpu.memory_space<hbm>>
        %dma_start3A_223 = tpu.memref_squeeze %dma_start3A_222 : memref<1x1x1x50x80xi32, #tpu.memory_space<hbm>> -> memref<50x80xi32, #tpu.memory_space<hbm>>
        %dma_start3A_224 = arith.constant 0 : i32
        %dma_start3A_225 = arith.constant 0 : i32
        %dma_start3A_226 = tpu.memref_slice %arg4[%run_scoped3A, %arg1, %run_scoped3A_216, %dma_start3A_224, %dma_start3A_225] : memref<2x16x5x50x80xi32, #tpu.memory_space<hbm>> -> memref<1x1x1x50x80xi32, #tpu.memory_space<hbm>>
        %dma_start3A_227 = tpu.memref_squeeze %dma_start3A_226 : memref<1x1x1x50x80xi32, #tpu.memory_space<hbm>> -> memref<50x80xi32, #tpu.memory_space<hbm>>
        tpu.enqueue_dma source(%dma_start3A_227 : memref<50x80xi32, #tpu.memory_space<hbm>>) target(%arg7 : memref<50x80xi32, #tpu.memory_space<vmem>>) target_semaphore(%run_scoped3A_219 : memref<!tpu.dma_semaphore, #tpu.memory_space<semaphore_mem>>)
        %dma_wait3A = arith.constant 0 : i32
        %dma_wait3A_228 = arith.constant 0 : i32
        %dma_wait3A_229 = tpu.memref_slice %arg4[%run_scoped3A, %arg1, %run_scoped3A_216, %dma_wait3A, %dma_wait3A_228] : memref<2x16x5x50x80xi32, #tpu.memory_space<hbm>> -> memref<1x1x1x50x80xi32, #tpu.memory_space<hbm>>
        %dma_wait3A_230 = tpu.memref_squeeze %dma_wait3A_229 : memref<1x1x1x50x80xi32, #tpu.memory_space<hbm>> -> memref<50x80xi32, #tpu.memory_space<hbm>>
        %dma_wait3A_231 = arith.constant 0 : i32
        %dma_wait3A_232 = arith.constant 0 : i32
        %dma_wait3A_233 = tpu.memref_slice %arg4[%run_scoped3A, %arg1, %run_scoped3A_216, %dma_wait3A_231, %dma_wait3A_232] : memref<2x16x5x50x80xi32, #tpu.memory_space<hbm>> -> memref<1x1x1x50x80xi32, #tpu.memory_space<hbm>>
        %dma_wait3A_234 = tpu.memref_squeeze %dma_wait3A_233 : memref<1x1x1x50x80xi32, #tpu.memory_space<hbm>> -> memref<50x80xi32, #tpu.memory_space<hbm>>
        tpu.wait_dma2 semaphore(%run_scoped3A_219 : memref<!tpu.dma_semaphore, #tpu.memory_space<semaphore_mem>>) src(%dma_wait3A_234 : memref<50x80xi32, #tpu.memory_space<hbm>>) dst(%arg7 : memref<50x80xi32, #tpu.memory_space<vmem>>)
        tpu.yield
      }) : () -> ()
      %run_scoped3A_217 = arith.constant 1 : i32
      %run_scoped3A_218 = arith.constant 3 : i32
      "tpu.region"() ({
        %run_scoped3A_219 = tpu.sem_alloc : memref<!tpu.dma_semaphore, #tpu.memory_space<semaphore_mem>>
        %dma_start3A_220 = arith.constant 0 : i32
        %dma_start3A_221 = arith.constant 0 : i32
        %dma_start3A_222 = tpu.memref_slice %arg4[%run_scoped3A_217, %arg1, %run_scoped3A_218, %dma_start3A_220, %dma_start3A_221] : memref<2x16x5x50x80xi32, #tpu.memory_space<hbm>> -> memref<1x1x1x50x80xi32, #tpu.memory_space<hbm>>
        %dma_start3A_223 = tpu.memref_squeeze %dma_start3A_222 : memref<1x1x1x50x80xi32, #tpu.memory_space<hbm>> -> memref<50x80xi32, #tpu.memory_space<hbm>>
        %dma_start3A_224 = arith.constant 0 : i32
        %dma_start3A_225 = arith.constant 0 : i32
        %dma_start3A_226 = tpu.memref_slice %arg4[%run_scoped3A_217, %arg1, %run_scoped3A_218, %dma_start3A_224, %dma_start3A_225] : memref<2x16x5x50x80xi32, #tpu.memory_space<hbm>> -> memref<1x1x1x50x80xi32, #tpu.memory_space<hbm>>
        %dma_start3A_227 = tpu.memref_squeeze %dma_start3A_226 : memref<1x1x1x50x80xi32, #tpu.memory_space<hbm>> -> memref<50x80xi32, #tpu.memory_space<hbm>>
        tpu.enqueue_dma source(%dma_start3A_227 : memref<50x80xi32, #tpu.memory_space<hbm>>) target(%arg8 : memref<50x80xi32, #tpu.memory_space<vmem>>) target_semaphore(%run_scoped3A_219 : memref<!tpu.dma_semaphore, #tpu.memory_space<semaphore_mem>>)
        %dma_wait3A = arith.constant 0 : i32
        %dma_wait3A_228 = arith.constant 0 : i32
        %dma_wait3A_229 = tpu.memref_slice %arg4[%run_scoped3A_217, %arg1, %run_scoped3A_218, %dma_wait3A, %dma_wait3A_228] : memref<2x16x5x50x80xi32, #tpu.memory_space<hbm>> -> memref<1x1x1x50x80xi32, #tpu.memory_space<hbm>>
        %dma_wait3A_230 = tpu.memref_squeeze %dma_wait3A_229 : memref<1x1x1x50x80xi32, #tpu.memory_space<hbm>> -> memref<50x80xi32, #tpu.memory_space<hbm>>
        %dma_wait3A_231 = arith.constant 0 : i32
        %dma_wait3A_232 = arith.constant 0 : i32
        %dma_wait3A_233 = tpu.memref_slice %arg4[%run_scoped3A_217, %arg1, %run_scoped3A_218, %dma_wait3A_231, %dma_wait3A_232] : memref<2x16x5x50x80xi32, #tpu.memory_space<hbm>> -> memref<1x1x1x50x80xi32, #tpu.memory_space<hbm>>
        %dma_wait3A_234 = tpu.memref_squeeze %dma_wait3A_233 : memref<1x1x1x50x80xi32, #tpu.memory_space<hbm>> -> memref<50x80xi32, #tpu.memory_space<hbm>>
        tpu.wait_dma2 semaphore(%run_scoped3A_219 : memref<!tpu.dma_semaphore, #tpu.memory_space<semaphore_mem>>) src(%dma_wait3A_234 : memref<50x80xi32, #tpu.memory_space<hbm>>) dst(%arg8 : memref<50x80xi32, #tpu.memory_space<vmem>>)
        tpu.yield
      }) : () -> ()
    } else {
    }
    %dma_start3A_135 = arith.constant 0 : i32
    %dma_start3A_136 = arith.constant 0 : i32
    %dma_start3A_137 = arith.constant 0 : i32
    %dma_start3A_138 = arith.constant 0 : i32
    %dma_start3A_139 = tpu.memref_slice %arg9[%dma_start3A_136, %dma_start3A_137, %dma_start3A_138] : memref<3x80x128xf32, #tpu.memory_space<vmem>> -> memref<1x80x128xf32, #tpu.memory_space<vmem>>
    %dma_start3A_140 = tpu.memref_squeeze %dma_start3A_139 : memref<1x80x128xf32, #tpu.memory_space<vmem>> -> memref<80x128xf32, #tpu.memory_space<vmem>>
    %dma_start3A_141 = arith.constant 0 : i32
    %dma_start3A_142 = tpu.memref_slice %arg7[%dma_start3A_135, %dma_start3A_141] : memref<50x80xi32, #tpu.memory_space<vmem>> -> memref<1x80xi32, #tpu.memory_space<vmem>>
    %dma_start3A_143 = tpu.memref_squeeze %dma_start3A_142 : memref<1x80xi32, #tpu.memory_space<vmem>> -> memref<80xi32, #tpu.memory_space<vmem>>
    %dma_start3A_144 = arith.constant 0 : i32
    %dma_start3A_145 = arith.constant 0 : i32
    %dma_start3A_146 = tpu.memref_slice %arg2[%dma_start3A_144, %dma_start3A_145] : memref<10000x128xf32, #tpu.memory_space<hbm>> -> memref<10000x128xf32, #tpu.memory_space<hbm>>
    tpu.enqueue_indirect_dma source(%dma_start3A_146 : memref<10000x128xf32, #tpu.memory_space<hbm>>) target(%dma_start3A_140 : memref<80x128xf32, #tpu.memory_space<vmem>>) offsets(%dma_start3A_143 : memref<80xi32, #tpu.memory_space<vmem>>) semaphore(%arg10 : memref<!tpu.dma_semaphore, #tpu.memory_space<semaphore_mem>>)
    %dma_start3A_147 = arith.constant 1 : i32
    %dma_start3A_148 = arith.constant 1 : i32
    %dma_start3A_149 = arith.constant 0 : i32
    %dma_start3A_150 = arith.constant 0 : i32
    %dma_start3A_151 = tpu.memref_slice %arg9[%dma_start3A_148, %dma_start3A_149, %dma_start3A_150] : memref<3x80x128xf32, #tpu.memory_space<vmem>> -> memref<1x80x128xf32, #tpu.memory_space<vmem>>
    %dma_start3A_152 = tpu.memref_squeeze %dma_start3A_151 : memref<1x80x128xf32, #tpu.memory_space<vmem>> -> memref<80x128xf32, #tpu.memory_space<vmem>>
    %dma_start3A_153 = arith.constant 0 : i32
    %dma_start3A_154 = tpu.memref_slice %arg7[%dma_start3A_147, %dma_start3A_153] : memref<50x80xi32, #tpu.memory_space<vmem>> -> memref<1x80xi32, #tpu.memory_space<vmem>>
    %dma_start3A_155 = tpu.memref_squeeze %dma_start3A_154 : memref<1x80xi32, #tpu.memory_space<vmem>> -> memref<80xi32, #tpu.memory_space<vmem>>
    %dma_start3A_156 = arith.constant 0 : i32
    %dma_start3A_157 = arith.constant 0 : i32
    %dma_start3A_158 = tpu.memref_slice %arg2[%dma_start3A_156, %dma_start3A_157] : memref<10000x128xf32, #tpu.memory_space<hbm>> -> memref<10000x128xf32, #tpu.memory_space<hbm>>
    tpu.enqueue_indirect_dma source(%dma_start3A_158 : memref<10000x128xf32, #tpu.memory_space<hbm>>) target(%dma_start3A_152 : memref<80x128xf32, #tpu.memory_space<vmem>>) offsets(%dma_start3A_155 : memref<80xi32, #tpu.memory_space<vmem>>) semaphore(%arg11 : memref<!tpu.dma_semaphore, #tpu.memory_space<semaphore_mem>>)
    %scan3A_159 = arith.constant 0 : i32
    %scan3A_160 = arith.constant 0 : i32
    %scan3A_161 = arith.constant 17 : i32
    %scan3A_162 = arith.addi %scan3A_160, %scan3A_161 : i32
    %scan3A_163 = arith.constant 1 : i32
    scf.for %scan3A_216 = %scan3A_160 to %scan3A_162 step %scan3A_163  : i32 {
      %mul3A_217 = arith.constant 3 : i32
      %mul3A_218 = arith.muli %scan3A_216, %mul3A_217 : i32
      %add3A = arith.constant 0 : i32
      %add3A_219 = arith.addi %mul3A_218, %add3A : i32
      %lt3A_220 = arith.constant 50 : i32
      %lt3A_221 = arith.cmpi slt, %add3A_219, %lt3A_220 : i32
      %convert_element_type3A_222 = arith.extui %lt3A_221 : i1 to i32
      %cond3A_223 = arith.constant 0 : i32
      %cond3A_224 = arith.cmpi ne, %convert_element_type3A_222, %cond3A_223 : i32
      scf.if %cond3A_224 {
        %dma_wait3A = arith.constant 0 : i32
        %dma_wait3A_243 = arith.constant 0 : i32
        %dma_wait3A_244 = arith.constant 0 : i32
        %dma_wait3A_245 = tpu.memref_slice %arg9[%dma_wait3A, %dma_wait3A_243, %dma_wait3A_244] : memref<3x80x128xf32, #tpu.memory_space<vmem>> -> memref<1x80x128xf32, #tpu.memory_space<vmem>>
        %dma_wait3A_246 = tpu.memref_squeeze %dma_wait3A_245 : memref<1x80x128xf32, #tpu.memory_space<vmem>> -> memref<80x128xf32, #tpu.memory_space<vmem>>
        %dma_wait3A_247 = arith.constant 0 : i32
        %dma_wait3A_248 = tpu.memref_slice %arg7[%add3A_219, %dma_wait3A_247] : memref<50x80xi32, #tpu.memory_space<vmem>> -> memref<1x80xi32, #tpu.memory_space<vmem>>
        %dma_wait3A_249 = tpu.memref_squeeze %dma_wait3A_248 : memref<1x80xi32, #tpu.memory_space<vmem>> -> memref<80xi32, #tpu.memory_space<vmem>>
        %dma_wait3A_250 = arith.constant 0 : i32
        %dma_wait3A_251 = arith.constant 0 : i32
        %dma_wait3A_252 = tpu.memref_slice %arg2[%dma_wait3A_250, %dma_wait3A_251] : memref<10000x128xf32, #tpu.memory_space<hbm>> -> memref<10000x128xf32, #tpu.memory_space<hbm>>
        tpu.wait_indirect_dma semaphore(%arg10 : memref<!tpu.dma_semaphore, #tpu.memory_space<semaphore_mem>>) src(%dma_wait3A_252 : memref<10000x128xf32, #tpu.memory_space<hbm>>) dst(%dma_wait3A_246 : memref<80x128xf32, #tpu.memory_space<vmem>>)
        %add3A_253 = arith.constant 2 : i32
        %add3A_254 = arith.addi %add3A_219, %add3A_253 : i32
        %lt3A_255 = arith.constant 50 : i32
        %lt3A_256 = arith.cmpi slt, %add3A_254, %lt3A_255 : i32
        %convert_element_type3A_257 = arith.extui %lt3A_256 : i1 to i32
        %cond3A_258 = arith.constant 0 : i32
        %cond3A_259 = arith.cmpi ne, %convert_element_type3A_257, %cond3A_258 : i32
        scf.if %cond3A_259 {
          %add3A_260 = arith.constant 2 : i32
          %add3A_261 = arith.addi %add3A_219, %add3A_260 : i32
          %dma_start3A_262 = arith.constant 2 : i32
          %dma_start3A_263 = arith.constant 0 : i32
          %dma_start3A_264 = arith.constant 0 : i32
          %dma_start3A_265 = tpu.memref_slice %arg9[%dma_start3A_262, %dma_start3A_263, %dma_start3A_264] : memref<3x80x128xf32, #tpu.memory_space<vmem>> -> memref<1x80x128xf32, #tpu.memory_space<vmem>>
          %dma_start3A_266 = tpu.memref_squeeze %dma_start3A_265 : memref<1x80x128xf32, #tpu.memory_space<vmem>> -> memref<80x128xf32, #tpu.memory_space<vmem>>
          %dma_start3A_267 = arith.constant 0 : i32
          %dma_start3A_268 = tpu.memref_slice %arg7[%add3A_261, %dma_start3A_267] : memref<50x80xi32, #tpu.memory_space<vmem>> -> memref<1x80xi32, #tpu.memory_space<vmem>>
          %dma_start3A_269 = tpu.memref_squeeze %dma_start3A_268 : memref<1x80xi32, #tpu.memory_space<vmem>> -> memref<80xi32, #tpu.memory_space<vmem>>
          %dma_start3A_270 = arith.constant 0 : i32
          %dma_start3A_271 = arith.constant 0 : i32
          %dma_start3A_272 = tpu.memref_slice %arg2[%dma_start3A_270, %dma_start3A_271] : memref<10000x128xf32, #tpu.memory_space<hbm>> -> memref<10000x128xf32, #tpu.memory_space<hbm>>
          tpu.enqueue_indirect_dma source(%dma_start3A_272 : memref<10000x128xf32, #tpu.memory_space<hbm>>) target(%dma_start3A_266 : memref<80x128xf32, #tpu.memory_space<vmem>>) offsets(%dma_start3A_269 : memref<80xi32, #tpu.memory_space<vmem>>) semaphore(%arg12 : memref<!tpu.dma_semaphore, #tpu.memory_space<semaphore_mem>>)
        } else {
        }
        %run_scoped3A = arith.constant 0 : i32
        "tpu.region"() ({
          %run_scoped3A_260 = tpu.sem_alloc : memref<!tpu.dma_semaphore, #tpu.memory_space<semaphore_mem>>
          %dma_start3A_261 = arith.constant 0 : i32
          %dma_start3A_262 = arith.constant 0 : i32
          %dma_start3A_263 = tpu.memref_slice %arg9[%run_scoped3A, %dma_start3A_261, %dma_start3A_262] : memref<3x80x128xf32, #tpu.memory_space<vmem>> -> memref<1x80x128xf32, #tpu.memory_space<vmem>>
          %dma_start3A_264 = tpu.memref_squeeze %dma_start3A_263 : memref<1x80x128xf32, #tpu.memory_space<vmem>> -> memref<80x128xf32, #tpu.memory_space<vmem>>
          %dma_start3A_265 = arith.constant 0 : i32
          %dma_start3A_266 = tpu.memref_slice %arg8[%add3A_219, %dma_start3A_265] : memref<50x80xi32, #tpu.memory_space<vmem>> -> memref<1x80xi32, #tpu.memory_space<vmem>>
          %dma_start3A_267 = tpu.memref_squeeze %dma_start3A_266 : memref<1x80xi32, #tpu.memory_space<vmem>> -> memref<80xi32, #tpu.memory_space<vmem>>
          %dma_start3A_268 = arith.constant 0 : i32
          %dma_start3A_269 = arith.constant 0 : i32
          %dma_start3A_270 = tpu.memref_slice %arg6[%dma_start3A_268, %dma_start3A_269] : memref<10000x128xf32, #tpu.memory_space<vmem_shared>> -> memref<10000x128xf32, #tpu.memory_space<vmem_shared>>
          tpu.enqueue_indirect_dma source(%dma_start3A_264 : memref<80x128xf32, #tpu.memory_space<vmem>>) target(%dma_start3A_270 : memref<10000x128xf32, #tpu.memory_space<vmem_shared>>) offsets(%dma_start3A_267 : memref<80xi32, #tpu.memory_space<vmem>>) semaphore(%run_scoped3A_260 : memref<!tpu.dma_semaphore, #tpu.memory_space<semaphore_mem>>) {add = true}
          %dma_wait3A_271 = arith.constant 0 : i32
          %dma_wait3A_272 = arith.constant 0 : i32
          %dma_wait3A_273 = tpu.memref_slice %arg9[%run_scoped3A, %dma_wait3A_271, %dma_wait3A_272] : memref<3x80x128xf32, #tpu.memory_space<vmem>> -> memref<1x80x128xf32, #tpu.memory_space<vmem>>
          %dma_wait3A_274 = tpu.memref_squeeze %dma_wait3A_273 : memref<1x80x128xf32, #tpu.memory_space<vmem>> -> memref<80x128xf32, #tpu.memory_space<vmem>>
          %dma_wait3A_275 = arith.constant 0 : i32
          %dma_wait3A_276 = tpu.memref_slice %arg8[%add3A_219, %dma_wait3A_275] : memref<50x80xi32, #tpu.memory_space<vmem>> -> memref<1x80xi32, #tpu.memory_space<vmem>>
          %dma_wait3A_277 = tpu.memref_squeeze %dma_wait3A_276 : memref<1x80xi32, #tpu.memory_space<vmem>> -> memref<80xi32, #tpu.memory_space<vmem>>
          %dma_wait3A_278 = arith.constant 0 : i32
          %dma_wait3A_279 = arith.constant 0 : i32
          %dma_wait3A_280 = tpu.memref_slice %arg6[%dma_wait3A_278, %dma_wait3A_279] : memref<10000x128xf32, #tpu.memory_space<vmem_shared>> -> memref<10000x128xf32, #tpu.memory_space<vmem_shared>>
          tpu.wait_indirect_dma semaphore(%run_scoped3A_260 : memref<!tpu.dma_semaphore, #tpu.memory_space<semaphore_mem>>) src(%dma_wait3A_274 : memref<80x128xf32, #tpu.memory_space<vmem>>) dst(%dma_wait3A_280 : memref<10000x128xf32, #tpu.memory_space<vmem_shared>>)
          tpu.yield
        }) : () -> ()
      } else {
      }
      %mul3A_225 = arith.constant 3 : i32
      %mul3A_226 = arith.muli %scan3A_216, %mul3A_225 : i32
      %add3A_227 = arith.constant 1 : i32
      %add3A_228 = arith.addi %mul3A_226, %add3A_227 : i32
      %lt3A_229 = arith.constant 50 : i32
      %lt3A_230 = arith.cmpi slt, %add3A_228, %lt3A_229 : i32
      %convert_element_type3A_231 = arith.extui %lt3A_230 : i1 to i32
      %cond3A_232 = arith.constant 0 : i32
      %cond3A_233 = arith.cmpi ne, %convert_element_type3A_231, %cond3A_232 : i32
      scf.if %cond3A_233 {
        %dma_wait3A = arith.constant 1 : i32
        %dma_wait3A_243 = arith.constant 0 : i32
        %dma_wait3A_244 = arith.constant 0 : i32
        %dma_wait3A_245 = tpu.memref_slice %arg9[%dma_wait3A, %dma_wait3A_243, %dma_wait3A_244] : memref<3x80x128xf32, #tpu.memory_space<vmem>> -> memref<1x80x128xf32, #tpu.memory_space<vmem>>
        %dma_wait3A_246 = tpu.memref_squeeze %dma_wait3A_245 : memref<1x80x128xf32, #tpu.memory_space<vmem>> -> memref<80x128xf32, #tpu.memory_space<vmem>>
        %dma_wait3A_247 = arith.constant 0 : i32
        %dma_wait3A_248 = tpu.memref_slice %arg7[%add3A_228, %dma_wait3A_247] : memref<50x80xi32, #tpu.memory_space<vmem>> -> memref<1x80xi32, #tpu.memory_space<vmem>>
        %dma_wait3A_249 = tpu.memref_squeeze %dma_wait3A_248 : memref<1x80xi32, #tpu.memory_space<vmem>> -> memref<80xi32, #tpu.memory_space<vmem>>
        %dma_wait3A_250 = arith.constant 0 : i32
        %dma_wait3A_251 = arith.constant 0 : i32
        %dma_wait3A_252 = tpu.memref_slice %arg2[%dma_wait3A_250, %dma_wait3A_251] : memref<10000x128xf32, #tpu.memory_space<hbm>> -> memref<10000x128xf32, #tpu.memory_space<hbm>>
        tpu.wait_indirect_dma semaphore(%arg11 : memref<!tpu.dma_semaphore, #tpu.memory_space<semaphore_mem>>) src(%dma_wait3A_252 : memref<10000x128xf32, #tpu.memory_space<hbm>>) dst(%dma_wait3A_246 : memref<80x128xf32, #tpu.memory_space<vmem>>)
        %add3A_253 = arith.constant 2 : i32
        %add3A_254 = arith.addi %add3A_228, %add3A_253 : i32
        %lt3A_255 = arith.constant 50 : i32
        %lt3A_256 = arith.cmpi slt, %add3A_254, %lt3A_255 : i32
        %convert_element_type3A_257 = arith.extui %lt3A_256 : i1 to i32
        %cond3A_258 = arith.constant 0 : i32
        %cond3A_259 = arith.cmpi ne, %convert_element_type3A_257, %cond3A_258 : i32
        scf.if %cond3A_259 {
          %add3A_260 = arith.constant 2 : i32
          %add3A_261 = arith.addi %add3A_228, %add3A_260 : i32
          %dma_start3A_262 = arith.constant 0 : i32
          %dma_start3A_263 = arith.constant 0 : i32
          %dma_start3A_264 = arith.constant 0 : i32
          %dma_start3A_265 = tpu.memref_slice %arg9[%dma_start3A_262, %dma_start3A_263, %dma_start3A_264] : memref<3x80x128xf32, #tpu.memory_space<vmem>> -> memref<1x80x128xf32, #tpu.memory_space<vmem>>
          %dma_start3A_266 = tpu.memref_squeeze %dma_start3A_265 : memref<1x80x128xf32, #tpu.memory_space<vmem>> -> memref<80x128xf32, #tpu.memory_space<vmem>>
          %dma_start3A_267 = arith.constant 0 : i32
          %dma_start3A_268 = tpu.memref_slice %arg7[%add3A_261, %dma_start3A_267] : memref<50x80xi32, #tpu.memory_space<vmem>> -> memref<1x80xi32, #tpu.memory_space<vmem>>
          %dma_start3A_269 = tpu.memref_squeeze %dma_start3A_268 : memref<1x80xi32, #tpu.memory_space<vmem>> -> memref<80xi32, #tpu.memory_space<vmem>>
          %dma_start3A_270 = arith.constant 0 : i32
          %dma_start3A_271 = arith.constant 0 : i32
          %dma_start3A_272 = tpu.memref_slice %arg2[%dma_start3A_270, %dma_start3A_271] : memref<10000x128xf32, #tpu.memory_space<hbm>> -> memref<10000x128xf32, #tpu.memory_space<hbm>>
          tpu.enqueue_indirect_dma source(%dma_start3A_272 : memref<10000x128xf32, #tpu.memory_space<hbm>>) target(%dma_start3A_266 : memref<80x128xf32, #tpu.memory_space<vmem>>) offsets(%dma_start3A_269 : memref<80xi32, #tpu.memory_space<vmem>>) semaphore(%arg10 : memref<!tpu.dma_semaphore, #tpu.memory_space<semaphore_mem>>)
        } else {
        }
        %run_scoped3A = arith.constant 1 : i32
        "tpu.region"() ({
          %run_scoped3A_260 = tpu.sem_alloc : memref<!tpu.dma_semaphore, #tpu.memory_space<semaphore_mem>>
          %dma_start3A_261 = arith.constant 0 : i32
          %dma_start3A_262 = arith.constant 0 : i32
          %dma_start3A_263 = tpu.memref_slice %arg9[%run_scoped3A, %dma_start3A_261, %dma_start3A_262] : memref<3x80x128xf32, #tpu.memory_space<vmem>> -> memref<1x80x128xf32, #tpu.memory_space<vmem>>
          %dma_start3A_264 = tpu.memref_squeeze %dma_start3A_263 : memref<1x80x128xf32, #tpu.memory_space<vmem>> -> memref<80x128xf32, #tpu.memory_space<vmem>>
          %dma_start3A_265 = arith.constant 0 : i32
          %dma_start3A_266 = tpu.memref_slice %arg8[%add3A_228, %dma_start3A_265] : memref<50x80xi32, #tpu.memory_space<vmem>> -> memref<1x80xi32, #tpu.memory_space<vmem>>
          %dma_start3A_267 = tpu.memref_squeeze %dma_start3A_266 : memref<1x80xi32, #tpu.memory_space<vmem>> -> memref<80xi32, #tpu.memory_space<vmem>>
          %dma_start3A_268 = arith.constant 0 : i32
          %dma_start3A_269 = arith.constant 0 : i32
          %dma_start3A_270 = tpu.memref_slice %arg6[%dma_start3A_268, %dma_start3A_269] : memref<10000x128xf32, #tpu.memory_space<vmem_shared>> -> memref<10000x128xf32, #tpu.memory_space<vmem_shared>>
          tpu.enqueue_indirect_dma source(%dma_start3A_264 : memref<80x128xf32, #tpu.memory_space<vmem>>) target(%dma_start3A_270 : memref<10000x128xf32, #tpu.memory_space<vmem_shared>>) offsets(%dma_start3A_267 : memref<80xi32, #tpu.memory_space<vmem>>) semaphore(%run_scoped3A_260 : memref<!tpu.dma_semaphore, #tpu.memory_space<semaphore_mem>>) {add = true}
          %dma_wait3A_271 = arith.constant 0 : i32
          %dma_wait3A_272 = arith.constant 0 : i32
          %dma_wait3A_273 = tpu.memref_slice %arg9[%run_scoped3A, %dma_wait3A_271, %dma_wait3A_272] : memref<3x80x128xf32, #tpu.memory_space<vmem>> -> memref<1x80x128xf32, #tpu.memory_space<vmem>>
          %dma_wait3A_274 = tpu.memref_squeeze %dma_wait3A_273 : memref<1x80x128xf32, #tpu.memory_space<vmem>> -> memref<80x128xf32, #tpu.memory_space<vmem>>
          %dma_wait3A_275 = arith.constant 0 : i32
          %dma_wait3A_276 = tpu.memref_slice %arg8[%add3A_228, %dma_wait3A_275] : memref<50x80xi32, #tpu.memory_space<vmem>> -> memref<1x80xi32, #tpu.memory_space<vmem>>
          %dma_wait3A_277 = tpu.memref_squeeze %dma_wait3A_276 : memref<1x80xi32, #tpu.memory_space<vmem>> -> memref<80xi32, #tpu.memory_space<vmem>>
          %dma_wait3A_278 = arith.constant 0 : i32
          %dma_wait3A_279 = arith.constant 0 : i32
          %dma_wait3A_280 = tpu.memref_slice %arg6[%dma_wait3A_278, %dma_wait3A_279] : memref<10000x128xf32, #tpu.memory_space<vmem_shared>> -> memref<10000x128xf32, #tpu.memory_space<vmem_shared>>
          tpu.wait_indirect_dma semaphore(%run_scoped3A_260 : memref<!tpu.dma_semaphore, #tpu.memory_space<semaphore_mem>>) src(%dma_wait3A_274 : memref<80x128xf32, #tpu.memory_space<vmem>>) dst(%dma_wait3A_280 : memref<10000x128xf32, #tpu.memory_space<vmem_shared>>)
          tpu.yield
        }) : () -> ()
      } else {
      }
      %mul3A_234 = arith.constant 3 : i32
      %mul3A_235 = arith.muli %scan3A_216, %mul3A_234 : i32
      %add3A_236 = arith.constant 2 : i32
      %add3A_237 = arith.addi %mul3A_235, %add3A_236 : i32
      %lt3A_238 = arith.constant 50 : i32
      %lt3A_239 = arith.cmpi slt, %add3A_237, %lt3A_238 : i32
      %convert_element_type3A_240 = arith.extui %lt3A_239 : i1 to i32
      %cond3A_241 = arith.constant 0 : i32
      %cond3A_242 = arith.cmpi ne, %convert_element_type3A_240, %cond3A_241 : i32
      scf.if %cond3A_242 {
        %dma_wait3A = arith.constant 2 : i32
        %dma_wait3A_243 = arith.constant 0 : i32
        %dma_wait3A_244 = arith.constant 0 : i32
        %dma_wait3A_245 = tpu.memref_slice %arg9[%dma_wait3A, %dma_wait3A_243, %dma_wait3A_244] : memref<3x80x128xf32, #tpu.memory_space<vmem>> -> memref<1x80x128xf32, #tpu.memory_space<vmem>>
        %dma_wait3A_246 = tpu.memref_squeeze %dma_wait3A_245 : memref<1x80x128xf32, #tpu.memory_space<vmem>> -> memref<80x128xf32, #tpu.memory_space<vmem>>
        %dma_wait3A_247 = arith.constant 0 : i32
        %dma_wait3A_248 = tpu.memref_slice %arg7[%add3A_237, %dma_wait3A_247] : memref<50x80xi32, #tpu.memory_space<vmem>> -> memref<1x80xi32, #tpu.memory_space<vmem>>
        %dma_wait3A_249 = tpu.memref_squeeze %dma_wait3A_248 : memref<1x80xi32, #tpu.memory_space<vmem>> -> memref<80xi32, #tpu.memory_space<vmem>>
        %dma_wait3A_250 = arith.constant 0 : i32
        %dma_wait3A_251 = arith.constant 0 : i32
        %dma_wait3A_252 = tpu.memref_slice %arg2[%dma_wait3A_250, %dma_wait3A_251] : memref<10000x128xf32, #tpu.memory_space<hbm>> -> memref<10000x128xf32, #tpu.memory_space<hbm>>
        tpu.wait_indirect_dma semaphore(%arg12 : memref<!tpu.dma_semaphore, #tpu.memory_space<semaphore_mem>>) src(%dma_wait3A_252 : memref<10000x128xf32, #tpu.memory_space<hbm>>) dst(%dma_wait3A_246 : memref<80x128xf32, #tpu.memory_space<vmem>>)
        %add3A_253 = arith.constant 2 : i32
        %add3A_254 = arith.addi %add3A_237, %add3A_253 : i32
        %lt3A_255 = arith.constant 50 : i32
        %lt3A_256 = arith.cmpi slt, %add3A_254, %lt3A_255 : i32
        %convert_element_type3A_257 = arith.extui %lt3A_256 : i1 to i32
        %cond3A_258 = arith.constant 0 : i32
        %cond3A_259 = arith.cmpi ne, %convert_element_type3A_257, %cond3A_258 : i32
        scf.if %cond3A_259 {
          %add3A_260 = arith.constant 2 : i32
          %add3A_261 = arith.addi %add3A_237, %add3A_260 : i32
          %dma_start3A_262 = arith.constant 1 : i32
          %dma_start3A_263 = arith.constant 0 : i32
          %dma_start3A_264 = arith.constant 0 : i32
          %dma_start3A_265 = tpu.memref_slice %arg9[%dma_start3A_262, %dma_start3A_263, %dma_start3A_264] : memref<3x80x128xf32, #tpu.memory_space<vmem>> -> memref<1x80x128xf32, #tpu.memory_space<vmem>>
          %dma_start3A_266 = tpu.memref_squeeze %dma_start3A_265 : memref<1x80x128xf32, #tpu.memory_space<vmem>> -> memref<80x128xf32, #tpu.memory_space<vmem>>
          %dma_start3A_267 = arith.constant 0 : i32
          %dma_start3A_268 = tpu.memref_slice %arg7[%add3A_261, %dma_start3A_267] : memref<50x80xi32, #tpu.memory_space<vmem>> -> memref<1x80xi32, #tpu.memory_space<vmem>>
          %dma_start3A_269 = tpu.memref_squeeze %dma_start3A_268 : memref<1x80xi32, #tpu.memory_space<vmem>> -> memref<80xi32, #tpu.memory_space<vmem>>
          %dma_start3A_270 = arith.constant 0 : i32
          %dma_start3A_271 = arith.constant 0 : i32
          %dma_start3A_272 = tpu.memref_slice %arg2[%dma_start3A_270, %dma_start3A_271] : memref<10000x128xf32, #tpu.memory_space<hbm>> -> memref<10000x128xf32, #tpu.memory_space<hbm>>
          tpu.enqueue_indirect_dma source(%dma_start3A_272 : memref<10000x128xf32, #tpu.memory_space<hbm>>) target(%dma_start3A_266 : memref<80x128xf32, #tpu.memory_space<vmem>>) offsets(%dma_start3A_269 : memref<80xi32, #tpu.memory_space<vmem>>) semaphore(%arg11 : memref<!tpu.dma_semaphore, #tpu.memory_space<semaphore_mem>>)
        } else {
        }
        %run_scoped3A = arith.constant 2 : i32
        "tpu.region"() ({
          %run_scoped3A_260 = tpu.sem_alloc : memref<!tpu.dma_semaphore, #tpu.memory_space<semaphore_mem>>
          %dma_start3A_261 = arith.constant 0 : i32
          %dma_start3A_262 = arith.constant 0 : i32
          %dma_start3A_263 = tpu.memref_slice %arg9[%run_scoped3A, %dma_start3A_261, %dma_start3A_262] : memref<3x80x128xf32, #tpu.memory_space<vmem>> -> memref<1x80x128xf32, #tpu.memory_space<vmem>>
          %dma_start3A_264 = tpu.memref_squeeze %dma_start3A_263 : memref<1x80x128xf32, #tpu.memory_space<vmem>> -> memref<80x128xf32, #tpu.memory_space<vmem>>
          %dma_start3A_265 = arith.constant 0 : i32
          %dma_start3A_266 = tpu.memref_slice %arg8[%add3A_237, %dma_start3A_265] : memref<50x80xi32, #tpu.memory_space<vmem>> -> memref<1x80xi32, #tpu.memory_space<vmem>>
          %dma_start3A_267 = tpu.memref_squeeze %dma_start3A_266 : memref<1x80xi32, #tpu.memory_space<vmem>> -> memref<80xi32, #tpu.memory_space<vmem>>
          %dma_start3A_268 = arith.constant 0 : i32
          %dma_start3A_269 = arith.constant 0 : i32
          %dma_start3A_270 = tpu.memref_slice %arg6[%dma_start3A_268, %dma_start3A_269] : memref<10000x128xf32, #tpu.memory_space<vmem_shared>> -> memref<10000x128xf32, #tpu.memory_space<vmem_shared>>
          tpu.enqueue_indirect_dma source(%dma_start3A_264 : memref<80x128xf32, #tpu.memory_space<vmem>>) target(%dma_start3A_270 : memref<10000x128xf32, #tpu.memory_space<vmem_shared>>) offsets(%dma_start3A_267 : memref<80xi32, #tpu.memory_space<vmem>>) semaphore(%run_scoped3A_260 : memref<!tpu.dma_semaphore, #tpu.memory_space<semaphore_mem>>) {add = true}
          %dma_wait3A_271 = arith.constant 0 : i32
          %dma_wait3A_272 = arith.constant 0 : i32
          %dma_wait3A_273 = tpu.memref_slice %arg9[%run_scoped3A, %dma_wait3A_271, %dma_wait3A_272] : memref<3x80x128xf32, #tpu.memory_space<vmem>> -> memref<1x80x128xf32, #tpu.memory_space<vmem>>
          %dma_wait3A_274 = tpu.memref_squeeze %dma_wait3A_273 : memref<1x80x128xf32, #tpu.memory_space<vmem>> -> memref<80x128xf32, #tpu.memory_space<vmem>>
          %dma_wait3A_275 = arith.constant 0 : i32
          %dma_wait3A_276 = tpu.memref_slice %arg8[%add3A_237, %dma_wait3A_275] : memref<50x80xi32, #tpu.memory_space<vmem>> -> memref<1x80xi32, #tpu.memory_space<vmem>>
          %dma_wait3A_277 = tpu.memref_squeeze %dma_wait3A_276 : memref<1x80xi32, #tpu.memory_space<vmem>> -> memref<80xi32, #tpu.memory_space<vmem>>
          %dma_wait3A_278 = arith.constant 0 : i32
          %dma_wait3A_279 = arith.constant 0 : i32
          %dma_wait3A_280 = tpu.memref_slice %arg6[%dma_wait3A_278, %dma_wait3A_279] : memref<10000x128xf32, #tpu.memory_space<vmem_shared>> -> memref<10000x128xf32, #tpu.memory_space<vmem_shared>>
          tpu.wait_indirect_dma semaphore(%run_scoped3A_260 : memref<!tpu.dma_semaphore, #tpu.memory_space<semaphore_mem>>) src(%dma_wait3A_274 : memref<80x128xf32, #tpu.memory_space<vmem>>) dst(%dma_wait3A_280 : memref<10000x128xf32, #tpu.memory_space<vmem_shared>>)
          tpu.yield
        }) : () -> ()
      } else {
      }
    }
    %scan3A_164 = arith.constant 17 : i32
    %eq3A_165 = arith.constant 0 : i32
    %eq3A_166 = arith.cmpi eq, %arg0, %eq3A_165 : i32
    %convert_element_type3A_167 = arith.extui %eq3A_166 : i1 to i32
    %cond3A_168 = arith.constant 0 : i32
    %cond3A_169 = arith.cmpi ne, %convert_element_type3A_167, %cond3A_168 : i32
    scf.if %cond3A_169 {
      %run_scoped3A = arith.constant 0 : i32
      %run_scoped3A_216 = arith.constant 4 : i32
      "tpu.region"() ({
        %run_scoped3A_219 = tpu.sem_alloc : memref<!tpu.dma_semaphore, #tpu.memory_space<semaphore_mem>>
        %dma_start3A_220 = arith.constant 0 : i32
        %dma_start3A_221 = arith.constant 0 : i32
        %dma_start3A_222 = tpu.memref_slice %arg3[%run_scoped3A, %arg1, %run_scoped3A_216, %dma_start3A_220, %dma_start3A_221] : memref<2x16x5x50x80xi32, #tpu.memory_space<hbm>> -> memref<1x1x1x50x80xi32, #tpu.memory_space<hbm>>
        %dma_start3A_223 = tpu.memref_squeeze %dma_start3A_222 : memref<1x1x1x50x80xi32, #tpu.memory_space<hbm>> -> memref<50x80xi32, #tpu.memory_space<hbm>>
        %dma_start3A_224 = arith.constant 0 : i32
        %dma_start3A_225 = arith.constant 0 : i32
        %dma_start3A_226 = tpu.memref_slice %arg3[%run_scoped3A, %arg1, %run_scoped3A_216, %dma_start3A_224, %dma_start3A_225] : memref<2x16x5x50x80xi32, #tpu.memory_space<hbm>> -> memref<1x1x1x50x80xi32, #tpu.memory_space<hbm>>
        %dma_start3A_227 = tpu.memref_squeeze %dma_start3A_226 : memref<1x1x1x50x80xi32, #tpu.memory_space<hbm>> -> memref<50x80xi32, #tpu.memory_space<hbm>>
        tpu.enqueue_dma source(%dma_start3A_227 : memref<50x80xi32, #tpu.memory_space<hbm>>) target(%arg7 : memref<50x80xi32, #tpu.memory_space<vmem>>) target_semaphore(%run_scoped3A_219 : memref<!tpu.dma_semaphore, #tpu.memory_space<semaphore_mem>>)
        %dma_wait3A = arith.constant 0 : i32
        %dma_wait3A_228 = arith.constant 0 : i32
        %dma_wait3A_229 = tpu.memref_slice %arg3[%run_scoped3A, %arg1, %run_scoped3A_216, %dma_wait3A, %dma_wait3A_228] : memref<2x16x5x50x80xi32, #tpu.memory_space<hbm>> -> memref<1x1x1x50x80xi32, #tpu.memory_space<hbm>>
        %dma_wait3A_230 = tpu.memref_squeeze %dma_wait3A_229 : memref<1x1x1x50x80xi32, #tpu.memory_space<hbm>> -> memref<50x80xi32, #tpu.memory_space<hbm>>
        %dma_wait3A_231 = arith.constant 0 : i32
        %dma_wait3A_232 = arith.constant 0 : i32
        %dma_wait3A_233 = tpu.memref_slice %arg3[%run_scoped3A, %arg1, %run_scoped3A_216, %dma_wait3A_231, %dma_wait3A_232] : memref<2x16x5x50x80xi32, #tpu.memory_space<hbm>> -> memref<1x1x1x50x80xi32, #tpu.memory_space<hbm>>
        %dma_wait3A_234 = tpu.memref_squeeze %dma_wait3A_233 : memref<1x1x1x50x80xi32, #tpu.memory_space<hbm>> -> memref<50x80xi32, #tpu.memory_space<hbm>>
        tpu.wait_dma2 semaphore(%run_scoped3A_219 : memref<!tpu.dma_semaphore, #tpu.memory_space<semaphore_mem>>) src(%dma_wait3A_234 : memref<50x80xi32, #tpu.memory_space<hbm>>) dst(%arg7 : memref<50x80xi32, #tpu.memory_space<vmem>>)
        tpu.yield
      }) : () -> ()
      %run_scoped3A_217 = arith.constant 1 : i32
      %run_scoped3A_218 = arith.constant 4 : i32
      "tpu.region"() ({
        %run_scoped3A_219 = tpu.sem_alloc : memref<!tpu.dma_semaphore, #tpu.memory_space<semaphore_mem>>
        %dma_start3A_220 = arith.constant 0 : i32
        %dma_start3A_221 = arith.constant 0 : i32
        %dma_start3A_222 = tpu.memref_slice %arg3[%run_scoped3A_217, %arg1, %run_scoped3A_218, %dma_start3A_220, %dma_start3A_221] : memref<2x16x5x50x80xi32, #tpu.memory_space<hbm>> -> memref<1x1x1x50x80xi32, #tpu.memory_space<hbm>>
        %dma_start3A_223 = tpu.memref_squeeze %dma_start3A_222 : memref<1x1x1x50x80xi32, #tpu.memory_space<hbm>> -> memref<50x80xi32, #tpu.memory_space<hbm>>
        %dma_start3A_224 = arith.constant 0 : i32
        %dma_start3A_225 = arith.constant 0 : i32
        %dma_start3A_226 = tpu.memref_slice %arg3[%run_scoped3A_217, %arg1, %run_scoped3A_218, %dma_start3A_224, %dma_start3A_225] : memref<2x16x5x50x80xi32, #tpu.memory_space<hbm>> -> memref<1x1x1x50x80xi32, #tpu.memory_space<hbm>>
        %dma_start3A_227 = tpu.memref_squeeze %dma_start3A_226 : memref<1x1x1x50x80xi32, #tpu.memory_space<hbm>> -> memref<50x80xi32, #tpu.memory_space<hbm>>
        tpu.enqueue_dma source(%dma_start3A_227 : memref<50x80xi32, #tpu.memory_space<hbm>>) target(%arg8 : memref<50x80xi32, #tpu.memory_space<vmem>>) target_semaphore(%run_scoped3A_219 : memref<!tpu.dma_semaphore, #tpu.memory_space<semaphore_mem>>)
        %dma_wait3A = arith.constant 0 : i32
        %dma_wait3A_228 = arith.constant 0 : i32
        %dma_wait3A_229 = tpu.memref_slice %arg3[%run_scoped3A_217, %arg1, %run_scoped3A_218, %dma_wait3A, %dma_wait3A_228] : memref<2x16x5x50x80xi32, #tpu.memory_space<hbm>> -> memref<1x1x1x50x80xi32, #tpu.memory_space<hbm>>
        %dma_wait3A_230 = tpu.memref_squeeze %dma_wait3A_229 : memref<1x1x1x50x80xi32, #tpu.memory_space<hbm>> -> memref<50x80xi32, #tpu.memory_space<hbm>>
        %dma_wait3A_231 = arith.constant 0 : i32
        %dma_wait3A_232 = arith.constant 0 : i32
        %dma_wait3A_233 = tpu.memref_slice %arg3[%run_scoped3A_217, %arg1, %run_scoped3A_218, %dma_wait3A_231, %dma_wait3A_232] : memref<2x16x5x50x80xi32, #tpu.memory_space<hbm>> -> memref<1x1x1x50x80xi32, #tpu.memory_space<hbm>>
        %dma_wait3A_234 = tpu.memref_squeeze %dma_wait3A_233 : memref<1x1x1x50x80xi32, #tpu.memory_space<hbm>> -> memref<50x80xi32, #tpu.memory_space<hbm>>
        tpu.wait_dma2 semaphore(%run_scoped3A_219 : memref<!tpu.dma_semaphore, #tpu.memory_space<semaphore_mem>>) src(%dma_wait3A_234 : memref<50x80xi32, #tpu.memory_space<hbm>>) dst(%arg8 : memref<50x80xi32, #tpu.memory_space<vmem>>)
        tpu.yield
      }) : () -> ()
    } else {
    }
    %eq3A_170 = arith.constant 1 : i32
    %eq3A_171 = arith.cmpi eq, %arg0, %eq3A_170 : i32
    %convert_element_type3A_172 = arith.extui %eq3A_171 : i1 to i32
    %cond3A_173 = arith.constant 0 : i32
    %cond3A_174 = arith.cmpi ne, %convert_element_type3A_172, %cond3A_173 : i32
    scf.if %cond3A_174 {
      %run_scoped3A = arith.constant 0 : i32
      %run_scoped3A_216 = arith.constant 4 : i32
      "tpu.region"() ({
        %run_scoped3A_219 = tpu.sem_alloc : memref<!tpu.dma_semaphore, #tpu.memory_space<semaphore_mem>>
        %dma_start3A_220 = arith.constant 0 : i32
        %dma_start3A_221 = arith.constant 0 : i32
        %dma_start3A_222 = tpu.memref_slice %arg4[%run_scoped3A, %arg1, %run_scoped3A_216, %dma_start3A_220, %dma_start3A_221] : memref<2x16x5x50x80xi32, #tpu.memory_space<hbm>> -> memref<1x1x1x50x80xi32, #tpu.memory_space<hbm>>
        %dma_start3A_223 = tpu.memref_squeeze %dma_start3A_222 : memref<1x1x1x50x80xi32, #tpu.memory_space<hbm>> -> memref<50x80xi32, #tpu.memory_space<hbm>>
        %dma_start3A_224 = arith.constant 0 : i32
        %dma_start3A_225 = arith.constant 0 : i32
        %dma_start3A_226 = tpu.memref_slice %arg4[%run_scoped3A, %arg1, %run_scoped3A_216, %dma_start3A_224, %dma_start3A_225] : memref<2x16x5x50x80xi32, #tpu.memory_space<hbm>> -> memref<1x1x1x50x80xi32, #tpu.memory_space<hbm>>
        %dma_start3A_227 = tpu.memref_squeeze %dma_start3A_226 : memref<1x1x1x50x80xi32, #tpu.memory_space<hbm>> -> memref<50x80xi32, #tpu.memory_space<hbm>>
        tpu.enqueue_dma source(%dma_start3A_227 : memref<50x80xi32, #tpu.memory_space<hbm>>) target(%arg7 : memref<50x80xi32, #tpu.memory_space<vmem>>) target_semaphore(%run_scoped3A_219 : memref<!tpu.dma_semaphore, #tpu.memory_space<semaphore_mem>>)
        %dma_wait3A = arith.constant 0 : i32
        %dma_wait3A_228 = arith.constant 0 : i32
        %dma_wait3A_229 = tpu.memref_slice %arg4[%run_scoped3A, %arg1, %run_scoped3A_216, %dma_wait3A, %dma_wait3A_228] : memref<2x16x5x50x80xi32, #tpu.memory_space<hbm>> -> memref<1x1x1x50x80xi32, #tpu.memory_space<hbm>>
        %dma_wait3A_230 = tpu.memref_squeeze %dma_wait3A_229 : memref<1x1x1x50x80xi32, #tpu.memory_space<hbm>> -> memref<50x80xi32, #tpu.memory_space<hbm>>
        %dma_wait3A_231 = arith.constant 0 : i32
        %dma_wait3A_232 = arith.constant 0 : i32
        %dma_wait3A_233 = tpu.memref_slice %arg4[%run_scoped3A, %arg1, %run_scoped3A_216, %dma_wait3A_231, %dma_wait3A_232] : memref<2x16x5x50x80xi32, #tpu.memory_space<hbm>> -> memref<1x1x1x50x80xi32, #tpu.memory_space<hbm>>
        %dma_wait3A_234 = tpu.memref_squeeze %dma_wait3A_233 : memref<1x1x1x50x80xi32, #tpu.memory_space<hbm>> -> memref<50x80xi32, #tpu.memory_space<hbm>>
        tpu.wait_dma2 semaphore(%run_scoped3A_219 : memref<!tpu.dma_semaphore, #tpu.memory_space<semaphore_mem>>) src(%dma_wait3A_234 : memref<50x80xi32, #tpu.memory_space<hbm>>) dst(%arg7 : memref<50x80xi32, #tpu.memory_space<vmem>>)
        tpu.yield
      }) : () -> ()
      %run_scoped3A_217 = arith.constant 1 : i32
      %run_scoped3A_218 = arith.constant 4 : i32
      "tpu.region"() ({
        %run_scoped3A_219 = tpu.sem_alloc : memref<!tpu.dma_semaphore, #tpu.memory_space<semaphore_mem>>
        %dma_start3A_220 = arith.constant 0 : i32
        %dma_start3A_221 = arith.constant 0 : i32
        %dma_start3A_222 = tpu.memref_slice %arg4[%run_scoped3A_217, %arg1, %run_scoped3A_218, %dma_start3A_220, %dma_start3A_221] : memref<2x16x5x50x80xi32, #tpu.memory_space<hbm>> -> memref<1x1x1x50x80xi32, #tpu.memory_space<hbm>>
        %dma_start3A_223 = tpu.memref_squeeze %dma_start3A_222 : memref<1x1x1x50x80xi32, #tpu.memory_space<hbm>> -> memref<50x80xi32, #tpu.memory_space<hbm>>
        %dma_start3A_224 = arith.constant 0 : i32
        %dma_start3A_225 = arith.constant 0 : i32
        %dma_start3A_226 = tpu.memref_slice %arg4[%run_scoped3A_217, %arg1, %run_scoped3A_218, %dma_start3A_224, %dma_start3A_225] : memref<2x16x5x50x80xi32, #tpu.memory_space<hbm>> -> memref<1x1x1x50x80xi32, #tpu.memory_space<hbm>>
        %dma_start3A_227 = tpu.memref_squeeze %dma_start3A_226 : memref<1x1x1x50x80xi32, #tpu.memory_space<hbm>> -> memref<50x80xi32, #tpu.memory_space<hbm>>
        tpu.enqueue_dma source(%dma_start3A_227 : memref<50x80xi32, #tpu.memory_space<hbm>>) target(%arg8 : memref<50x80xi32, #tpu.memory_space<vmem>>) target_semaphore(%run_scoped3A_219 : memref<!tpu.dma_semaphore, #tpu.memory_space<semaphore_mem>>)
        %dma_wait3A = arith.constant 0 : i32
        %dma_wait3A_228 = arith.constant 0 : i32
        %dma_wait3A_229 = tpu.memref_slice %arg4[%run_scoped3A_217, %arg1, %run_scoped3A_218, %dma_wait3A, %dma_wait3A_228] : memref<2x16x5x50x80xi32, #tpu.memory_space<hbm>> -> memref<1x1x1x50x80xi32, #tpu.memory_space<hbm>>
        %dma_wait3A_230 = tpu.memref_squeeze %dma_wait3A_229 : memref<1x1x1x50x80xi32, #tpu.memory_space<hbm>> -> memref<50x80xi32, #tpu.memory_space<hbm>>
        %dma_wait3A_231 = arith.constant 0 : i32
        %dma_wait3A_232 = arith.constant 0 : i32
        %dma_wait3A_233 = tpu.memref_slice %arg4[%run_scoped3A_217, %arg1, %run_scoped3A_218, %dma_wait3A_231, %dma_wait3A_232] : memref<2x16x5x50x80xi32, #tpu.memory_space<hbm>> -> memref<1x1x1x50x80xi32, #tpu.memory_space<hbm>>
        %dma_wait3A_234 = tpu.memref_squeeze %dma_wait3A_233 : memref<1x1x1x50x80xi32, #tpu.memory_space<hbm>> -> memref<50x80xi32, #tpu.memory_space<hbm>>
        tpu.wait_dma2 semaphore(%run_scoped3A_219 : memref<!tpu.dma_semaphore, #tpu.memory_space<semaphore_mem>>) src(%dma_wait3A_234 : memref<50x80xi32, #tpu.memory_space<hbm>>) dst(%arg8 : memref<50x80xi32, #tpu.memory_space<vmem>>)
        tpu.yield
      }) : () -> ()
    } else {
    }
    %dma_start3A_175 = arith.constant 0 : i32
    %dma_start3A_176 = arith.constant 0 : i32
    %dma_start3A_177 = arith.constant 0 : i32
    %dma_start3A_178 = arith.constant 0 : i32
    %dma_start3A_179 = tpu.memref_slice %arg9[%dma_start3A_176, %dma_start3A_177, %dma_start3A_178] : memref<3x80x128xf32, #tpu.memory_space<vmem>> -> memref<1x80x128xf32, #tpu.memory_space<vmem>>
    %dma_start3A_180 = tpu.memref_squeeze %dma_start3A_179 : memref<1x80x128xf32, #tpu.memory_space<vmem>> -> memref<80x128xf32, #tpu.memory_space<vmem>>
    %dma_start3A_181 = arith.constant 0 : i32
    %dma_start3A_182 = tpu.memref_slice %arg7[%dma_start3A_175, %dma_start3A_181] : memref<50x80xi32, #tpu.memory_space<vmem>> -> memref<1x80xi32, #tpu.memory_space<vmem>>
    %dma_start3A_183 = tpu.memref_squeeze %dma_start3A_182 : memref<1x80xi32, #tpu.memory_space<vmem>> -> memref<80xi32, #tpu.memory_space<vmem>>
    %dma_start3A_184 = arith.constant 0 : i32
    %dma_start3A_185 = arith.constant 0 : i32
    %dma_start3A_186 = tpu.memref_slice %arg2[%dma_start3A_184, %dma_start3A_185] : memref<10000x128xf32, #tpu.memory_space<hbm>> -> memref<10000x128xf32, #tpu.memory_space<hbm>>
    tpu.enqueue_indirect_dma source(%dma_start3A_186 : memref<10000x128xf32, #tpu.memory_space<hbm>>) target(%dma_start3A_180 : memref<80x128xf32, #tpu.memory_space<vmem>>) offsets(%dma_start3A_183 : memref<80xi32, #tpu.memory_space<vmem>>) semaphore(%arg10 : memref<!tpu.dma_semaphore, #tpu.memory_space<semaphore_mem>>)
    %dma_start3A_187 = arith.constant 1 : i32
    %dma_start3A_188 = arith.constant 1 : i32
    %dma_start3A_189 = arith.constant 0 : i32
    %dma_start3A_190 = arith.constant 0 : i32
    %dma_start3A_191 = tpu.memref_slice %arg9[%dma_start3A_188, %dma_start3A_189, %dma_start3A_190] : memref<3x80x128xf32, #tpu.memory_space<vmem>> -> memref<1x80x128xf32, #tpu.memory_space<vmem>>
    %dma_start3A_192 = tpu.memref_squeeze %dma_start3A_191 : memref<1x80x128xf32, #tpu.memory_space<vmem>> -> memref<80x128xf32, #tpu.memory_space<vmem>>
    %dma_start3A_193 = arith.constant 0 : i32
    %dma_start3A_194 = tpu.memref_slice %arg7[%dma_start3A_187, %dma_start3A_193] : memref<50x80xi32, #tpu.memory_space<vmem>> -> memref<1x80xi32, #tpu.memory_space<vmem>>
    %dma_start3A_195 = tpu.memref_squeeze %dma_start3A_194 : memref<1x80xi32, #tpu.memory_space<vmem>> -> memref<80xi32, #tpu.memory_space<vmem>>
    %dma_start3A_196 = arith.constant 0 : i32
    %dma_start3A_197 = arith.constant 0 : i32
    %dma_start3A_198 = tpu.memref_slice %arg2[%dma_start3A_196, %dma_start3A_197] : memref<10000x128xf32, #tpu.memory_space<hbm>> -> memref<10000x128xf32, #tpu.memory_space<hbm>>
    tpu.enqueue_indirect_dma source(%dma_start3A_198 : memref<10000x128xf32, #tpu.memory_space<hbm>>) target(%dma_start3A_192 : memref<80x128xf32, #tpu.memory_space<vmem>>) offsets(%dma_start3A_195 : memref<80xi32, #tpu.memory_space<vmem>>) semaphore(%arg11 : memref<!tpu.dma_semaphore, #tpu.memory_space<semaphore_mem>>)
    %scan3A_199 = arith.constant 0 : i32
    %scan3A_200 = arith.constant 0 : i32
    %scan3A_201 = arith.constant 17 : i32
    %scan3A_202 = arith.addi %scan3A_200, %scan3A_201 : i32
    %scan3A_203 = arith.constant 1 : i32
    scf.for %scan3A_216 = %scan3A_200 to %scan3A_202 step %scan3A_203  : i32 {
      %mul3A_217 = arith.constant 3 : i32
      %mul3A_218 = arith.muli %scan3A_216, %mul3A_217 : i32
      %add3A = arith.constant 0 : i32
      %add3A_219 = arith.addi %mul3A_218, %add3A : i32
      %lt3A_220 = arith.constant 50 : i32
      %lt3A_221 = arith.cmpi slt, %add3A_219, %lt3A_220 : i32
      %convert_element_type3A_222 = arith.extui %lt3A_221 : i1 to i32
      %cond3A_223 = arith.constant 0 : i32
      %cond3A_224 = arith.cmpi ne, %convert_element_type3A_222, %cond3A_223 : i32
      scf.if %cond3A_224 {
        %dma_wait3A = arith.constant 0 : i32
        %dma_wait3A_243 = arith.constant 0 : i32
        %dma_wait3A_244 = arith.constant 0 : i32
        %dma_wait3A_245 = tpu.memref_slice %arg9[%dma_wait3A, %dma_wait3A_243, %dma_wait3A_244] : memref<3x80x128xf32, #tpu.memory_space<vmem>> -> memref<1x80x128xf32, #tpu.memory_space<vmem>>
        %dma_wait3A_246 = tpu.memref_squeeze %dma_wait3A_245 : memref<1x80x128xf32, #tpu.memory_space<vmem>> -> memref<80x128xf32, #tpu.memory_space<vmem>>
        %dma_wait3A_247 = arith.constant 0 : i32
        %dma_wait3A_248 = tpu.memref_slice %arg7[%add3A_219, %dma_wait3A_247] : memref<50x80xi32, #tpu.memory_space<vmem>> -> memref<1x80xi32, #tpu.memory_space<vmem>>
        %dma_wait3A_249 = tpu.memref_squeeze %dma_wait3A_248 : memref<1x80xi32, #tpu.memory_space<vmem>> -> memref<80xi32, #tpu.memory_space<vmem>>
        %dma_wait3A_250 = arith.constant 0 : i32
        %dma_wait3A_251 = arith.constant 0 : i32
        %dma_wait3A_252 = tpu.memref_slice %arg2[%dma_wait3A_250, %dma_wait3A_251] : memref<10000x128xf32, #tpu.memory_space<hbm>> -> memref<10000x128xf32, #tpu.memory_space<hbm>>
        tpu.wait_indirect_dma semaphore(%arg10 : memref<!tpu.dma_semaphore, #tpu.memory_space<semaphore_mem>>) src(%dma_wait3A_252 : memref<10000x128xf32, #tpu.memory_space<hbm>>) dst(%dma_wait3A_246 : memref<80x128xf32, #tpu.memory_space<vmem>>)
        %add3A_253 = arith.constant 2 : i32
        %add3A_254 = arith.addi %add3A_219, %add3A_253 : i32
        %lt3A_255 = arith.constant 50 : i32
        %lt3A_256 = arith.cmpi slt, %add3A_254, %lt3A_255 : i32
        %convert_element_type3A_257 = arith.extui %lt3A_256 : i1 to i32
        %cond3A_258 = arith.constant 0 : i32
        %cond3A_259 = arith.cmpi ne, %convert_element_type3A_257, %cond3A_258 : i32
        scf.if %cond3A_259 {
          %add3A_260 = arith.constant 2 : i32
          %add3A_261 = arith.addi %add3A_219, %add3A_260 : i32
          %dma_start3A_262 = arith.constant 2 : i32
          %dma_start3A_263 = arith.constant 0 : i32
          %dma_start3A_264 = arith.constant 0 : i32
          %dma_start3A_265 = tpu.memref_slice %arg9[%dma_start3A_262, %dma_start3A_263, %dma_start3A_264] : memref<3x80x128xf32, #tpu.memory_space<vmem>> -> memref<1x80x128xf32, #tpu.memory_space<vmem>>
          %dma_start3A_266 = tpu.memref_squeeze %dma_start3A_265 : memref<1x80x128xf32, #tpu.memory_space<vmem>> -> memref<80x128xf32, #tpu.memory_space<vmem>>
          %dma_start3A_267 = arith.constant 0 : i32
          %dma_start3A_268 = tpu.memref_slice %arg7[%add3A_261, %dma_start3A_267] : memref<50x80xi32, #tpu.memory_space<vmem>> -> memref<1x80xi32, #tpu.memory_space<vmem>>
          %dma_start3A_269 = tpu.memref_squeeze %dma_start3A_268 : memref<1x80xi32, #tpu.memory_space<vmem>> -> memref<80xi32, #tpu.memory_space<vmem>>
          %dma_start3A_270 = arith.constant 0 : i32
          %dma_start3A_271 = arith.constant 0 : i32
          %dma_start3A_272 = tpu.memref_slice %arg2[%dma_start3A_270, %dma_start3A_271] : memref<10000x128xf32, #tpu.memory_space<hbm>> -> memref<10000x128xf32, #tpu.memory_space<hbm>>
          tpu.enqueue_indirect_dma source(%dma_start3A_272 : memref<10000x128xf32, #tpu.memory_space<hbm>>) target(%dma_start3A_266 : memref<80x128xf32, #tpu.memory_space<vmem>>) offsets(%dma_start3A_269 : memref<80xi32, #tpu.memory_space<vmem>>) semaphore(%arg12 : memref<!tpu.dma_semaphore, #tpu.memory_space<semaphore_mem>>)
        } else {
        }
        %run_scoped3A = arith.constant 0 : i32
        "tpu.region"() ({
          %run_scoped3A_260 = tpu.sem_alloc : memref<!tpu.dma_semaphore, #tpu.memory_space<semaphore_mem>>
          %dma_start3A_261 = arith.constant 0 : i32
          %dma_start3A_262 = arith.constant 0 : i32
          %dma_start3A_263 = tpu.memref_slice %arg9[%run_scoped3A, %dma_start3A_261, %dma_start3A_262] : memref<3x80x128xf32, #tpu.memory_space<vmem>> -> memref<1x80x128xf32, #tpu.memory_space<vmem>>
          %dma_start3A_264 = tpu.memref_squeeze %dma_start3A_263 : memref<1x80x128xf32, #tpu.memory_space<vmem>> -> memref<80x128xf32, #tpu.memory_space<vmem>>
          %dma_start3A_265 = arith.constant 0 : i32
          %dma_start3A_266 = tpu.memref_slice %arg8[%add3A_219, %dma_start3A_265] : memref<50x80xi32, #tpu.memory_space<vmem>> -> memref<1x80xi32, #tpu.memory_space<vmem>>
          %dma_start3A_267 = tpu.memref_squeeze %dma_start3A_266 : memref<1x80xi32, #tpu.memory_space<vmem>> -> memref<80xi32, #tpu.memory_space<vmem>>
          %dma_start3A_268 = arith.constant 0 : i32
          %dma_start3A_269 = arith.constant 0 : i32
          %dma_start3A_270 = tpu.memref_slice %arg6[%dma_start3A_268, %dma_start3A_269] : memref<10000x128xf32, #tpu.memory_space<vmem_shared>> -> memref<10000x128xf32, #tpu.memory_space<vmem_shared>>
          tpu.enqueue_indirect_dma source(%dma_start3A_264 : memref<80x128xf32, #tpu.memory_space<vmem>>) target(%dma_start3A_270 : memref<10000x128xf32, #tpu.memory_space<vmem_shared>>) offsets(%dma_start3A_267 : memref<80xi32, #tpu.memory_space<vmem>>) semaphore(%run_scoped3A_260 : memref<!tpu.dma_semaphore, #tpu.memory_space<semaphore_mem>>) {add = true}
          %dma_wait3A_271 = arith.constant 0 : i32
          %dma_wait3A_272 = arith.constant 0 : i32
          %dma_wait3A_273 = tpu.memref_slice %arg9[%run_scoped3A, %dma_wait3A_271, %dma_wait3A_272] : memref<3x80x128xf32, #tpu.memory_space<vmem>> -> memref<1x80x128xf32, #tpu.memory_space<vmem>>
          %dma_wait3A_274 = tpu.memref_squeeze %dma_wait3A_273 : memref<1x80x128xf32, #tpu.memory_space<vmem>> -> memref<80x128xf32, #tpu.memory_space<vmem>>
          %dma_wait3A_275 = arith.constant 0 : i32
          %dma_wait3A_276 = tpu.memref_slice %arg8[%add3A_219, %dma_wait3A_275] : memref<50x80xi32, #tpu.memory_space<vmem>> -> memref<1x80xi32, #tpu.memory_space<vmem>>
          %dma_wait3A_277 = tpu.memref_squeeze %dma_wait3A_276 : memref<1x80xi32, #tpu.memory_space<vmem>> -> memref<80xi32, #tpu.memory_space<vmem>>
          %dma_wait3A_278 = arith.constant 0 : i32
          %dma_wait3A_279 = arith.constant 0 : i32
          %dma_wait3A_280 = tpu.memref_slice %arg6[%dma_wait3A_278, %dma_wait3A_279] : memref<10000x128xf32, #tpu.memory_space<vmem_shared>> -> memref<10000x128xf32, #tpu.memory_space<vmem_shared>>
          tpu.wait_indirect_dma semaphore(%run_scoped3A_260 : memref<!tpu.dma_semaphore, #tpu.memory_space<semaphore_mem>>) src(%dma_wait3A_274 : memref<80x128xf32, #tpu.memory_space<vmem>>) dst(%dma_wait3A_280 : memref<10000x128xf32, #tpu.memory_space<vmem_shared>>)
          tpu.yield
        }) : () -> ()
      } else {
      }
      %mul3A_225 = arith.constant 3 : i32
      %mul3A_226 = arith.muli %scan3A_216, %mul3A_225 : i32
      %add3A_227 = arith.constant 1 : i32
      %add3A_228 = arith.addi %mul3A_226, %add3A_227 : i32
      %lt3A_229 = arith.constant 50 : i32
      %lt3A_230 = arith.cmpi slt, %add3A_228, %lt3A_229 : i32
      %convert_element_type3A_231 = arith.extui %lt3A_230 : i1 to i32
      %cond3A_232 = arith.constant 0 : i32
      %cond3A_233 = arith.cmpi ne, %convert_element_type3A_231, %cond3A_232 : i32
      scf.if %cond3A_233 {
        %dma_wait3A = arith.constant 1 : i32
        %dma_wait3A_243 = arith.constant 0 : i32
        %dma_wait3A_244 = arith.constant 0 : i32
        %dma_wait3A_245 = tpu.memref_slice %arg9[%dma_wait3A, %dma_wait3A_243, %dma_wait3A_244] : memref<3x80x128xf32, #tpu.memory_space<vmem>> -> memref<1x80x128xf32, #tpu.memory_space<vmem>>
        %dma_wait3A_246 = tpu.memref_squeeze %dma_wait3A_245 : memref<1x80x128xf32, #tpu.memory_space<vmem>> -> memref<80x128xf32, #tpu.memory_space<vmem>>
        %dma_wait3A_247 = arith.constant 0 : i32
        %dma_wait3A_248 = tpu.memref_slice %arg7[%add3A_228, %dma_wait3A_247] : memref<50x80xi32, #tpu.memory_space<vmem>> -> memref<1x80xi32, #tpu.memory_space<vmem>>
        %dma_wait3A_249 = tpu.memref_squeeze %dma_wait3A_248 : memref<1x80xi32, #tpu.memory_space<vmem>> -> memref<80xi32, #tpu.memory_space<vmem>>
        %dma_wait3A_250 = arith.constant 0 : i32
        %dma_wait3A_251 = arith.constant 0 : i32
        %dma_wait3A_252 = tpu.memref_slice %arg2[%dma_wait3A_250, %dma_wait3A_251] : memref<10000x128xf32, #tpu.memory_space<hbm>> -> memref<10000x128xf32, #tpu.memory_space<hbm>>
        tpu.wait_indirect_dma semaphore(%arg11 : memref<!tpu.dma_semaphore, #tpu.memory_space<semaphore_mem>>) src(%dma_wait3A_252 : memref<10000x128xf32, #tpu.memory_space<hbm>>) dst(%dma_wait3A_246 : memref<80x128xf32, #tpu.memory_space<vmem>>)
        %add3A_253 = arith.constant 2 : i32
        %add3A_254 = arith.addi %add3A_228, %add3A_253 : i32
        %lt3A_255 = arith.constant 50 : i32
        %lt3A_256 = arith.cmpi slt, %add3A_254, %lt3A_255 : i32
        %convert_element_type3A_257 = arith.extui %lt3A_256 : i1 to i32
        %cond3A_258 = arith.constant 0 : i32
        %cond3A_259 = arith.cmpi ne, %convert_element_type3A_257, %cond3A_258 : i32
        scf.if %cond3A_259 {
          %add3A_260 = arith.constant 2 : i32
          %add3A_261 = arith.addi %add3A_228, %add3A_260 : i32
          %dma_start3A_262 = arith.constant 0 : i32
          %dma_start3A_263 = arith.constant 0 : i32
          %dma_start3A_264 = arith.constant 0 : i32
          %dma_start3A_265 = tpu.memref_slice %arg9[%dma_start3A_262, %dma_start3A_263, %dma_start3A_264] : memref<3x80x128xf32, #tpu.memory_space<vmem>> -> memref<1x80x128xf32, #tpu.memory_space<vmem>>
          %dma_start3A_266 = tpu.memref_squeeze %dma_start3A_265 : memref<1x80x128xf32, #tpu.memory_space<vmem>> -> memref<80x128xf32, #tpu.memory_space<vmem>>
          %dma_start3A_267 = arith.constant 0 : i32
          %dma_start3A_268 = tpu.memref_slice %arg7[%add3A_261, %dma_start3A_267] : memref<50x80xi32, #tpu.memory_space<vmem>> -> memref<1x80xi32, #tpu.memory_space<vmem>>
          %dma_start3A_269 = tpu.memref_squeeze %dma_start3A_268 : memref<1x80xi32, #tpu.memory_space<vmem>> -> memref<80xi32, #tpu.memory_space<vmem>>
          %dma_start3A_270 = arith.constant 0 : i32
          %dma_start3A_271 = arith.constant 0 : i32
          %dma_start3A_272 = tpu.memref_slice %arg2[%dma_start3A_270, %dma_start3A_271] : memref<10000x128xf32, #tpu.memory_space<hbm>> -> memref<10000x128xf32, #tpu.memory_space<hbm>>
          tpu.enqueue_indirect_dma source(%dma_start3A_272 : memref<10000x128xf32, #tpu.memory_space<hbm>>) target(%dma_start3A_266 : memref<80x128xf32, #tpu.memory_space<vmem>>) offsets(%dma_start3A_269 : memref<80xi32, #tpu.memory_space<vmem>>) semaphore(%arg10 : memref<!tpu.dma_semaphore, #tpu.memory_space<semaphore_mem>>)
        } else {
        }
        %run_scoped3A = arith.constant 1 : i32
        "tpu.region"() ({
          %run_scoped3A_260 = tpu.sem_alloc : memref<!tpu.dma_semaphore, #tpu.memory_space<semaphore_mem>>
          %dma_start3A_261 = arith.constant 0 : i32
          %dma_start3A_262 = arith.constant 0 : i32
          %dma_start3A_263 = tpu.memref_slice %arg9[%run_scoped3A, %dma_start3A_261, %dma_start3A_262] : memref<3x80x128xf32, #tpu.memory_space<vmem>> -> memref<1x80x128xf32, #tpu.memory_space<vmem>>
          %dma_start3A_264 = tpu.memref_squeeze %dma_start3A_263 : memref<1x80x128xf32, #tpu.memory_space<vmem>> -> memref<80x128xf32, #tpu.memory_space<vmem>>
          %dma_start3A_265 = arith.constant 0 : i32
          %dma_start3A_266 = tpu.memref_slice %arg8[%add3A_228, %dma_start3A_265] : memref<50x80xi32, #tpu.memory_space<vmem>> -> memref<1x80xi32, #tpu.memory_space<vmem>>
          %dma_start3A_267 = tpu.memref_squeeze %dma_start3A_266 : memref<1x80xi32, #tpu.memory_space<vmem>> -> memref<80xi32, #tpu.memory_space<vmem>>
          %dma_start3A_268 = arith.constant 0 : i32
          %dma_start3A_269 = arith.constant 0 : i32
          %dma_start3A_270 = tpu.memref_slice %arg6[%dma_start3A_268, %dma_start3A_269] : memref<10000x128xf32, #tpu.memory_space<vmem_shared>> -> memref<10000x128xf32, #tpu.memory_space<vmem_shared>>
          tpu.enqueue_indirect_dma source(%dma_start3A_264 : memref<80x128xf32, #tpu.memory_space<vmem>>) target(%dma_start3A_270 : memref<10000x128xf32, #tpu.memory_space<vmem_shared>>) offsets(%dma_start3A_267 : memref<80xi32, #tpu.memory_space<vmem>>) semaphore(%run_scoped3A_260 : memref<!tpu.dma_semaphore, #tpu.memory_space<semaphore_mem>>) {add = true}
          %dma_wait3A_271 = arith.constant 0 : i32
          %dma_wait3A_272 = arith.constant 0 : i32
          %dma_wait3A_273 = tpu.memref_slice %arg9[%run_scoped3A, %dma_wait3A_271, %dma_wait3A_272] : memref<3x80x128xf32, #tpu.memory_space<vmem>> -> memref<1x80x128xf32, #tpu.memory_space<vmem>>
          %dma_wait3A_274 = tpu.memref_squeeze %dma_wait3A_273 : memref<1x80x128xf32, #tpu.memory_space<vmem>> -> memref<80x128xf32, #tpu.memory_space<vmem>>
          %dma_wait3A_275 = arith.constant 0 : i32
          %dma_wait3A_276 = tpu.memref_slice %arg8[%add3A_228, %dma_wait3A_275] : memref<50x80xi32, #tpu.memory_space<vmem>> -> memref<1x80xi32, #tpu.memory_space<vmem>>
          %dma_wait3A_277 = tpu.memref_squeeze %dma_wait3A_276 : memref<1x80xi32, #tpu.memory_space<vmem>> -> memref<80xi32, #tpu.memory_space<vmem>>
          %dma_wait3A_278 = arith.constant 0 : i32
          %dma_wait3A_279 = arith.constant 0 : i32
          %dma_wait3A_280 = tpu.memref_slice %arg6[%dma_wait3A_278, %dma_wait3A_279] : memref<10000x128xf32, #tpu.memory_space<vmem_shared>> -> memref<10000x128xf32, #tpu.memory_space<vmem_shared>>
          tpu.wait_indirect_dma semaphore(%run_scoped3A_260 : memref<!tpu.dma_semaphore, #tpu.memory_space<semaphore_mem>>) src(%dma_wait3A_274 : memref<80x128xf32, #tpu.memory_space<vmem>>) dst(%dma_wait3A_280 : memref<10000x128xf32, #tpu.memory_space<vmem_shared>>)
          tpu.yield
        }) : () -> ()
      } else {
      }
      %mul3A_234 = arith.constant 3 : i32
      %mul3A_235 = arith.muli %scan3A_216, %mul3A_234 : i32
      %add3A_236 = arith.constant 2 : i32
      %add3A_237 = arith.addi %mul3A_235, %add3A_236 : i32
      %lt3A_238 = arith.constant 50 : i32
      %lt3A_239 = arith.cmpi slt, %add3A_237, %lt3A_238 : i32
      %convert_element_type3A_240 = arith.extui %lt3A_239 : i1 to i32
      %cond3A_241 = arith.constant 0 : i32
      %cond3A_242 = arith.cmpi ne, %convert_element_type3A_240, %cond3A_241 : i32
      scf.if %cond3A_242 {
        %dma_wait3A = arith.constant 2 : i32
        %dma_wait3A_243 = arith.constant 0 : i32
        %dma_wait3A_244 = arith.constant 0 : i32
        %dma_wait3A_245 = tpu.memref_slice %arg9[%dma_wait3A, %dma_wait3A_243, %dma_wait3A_244] : memref<3x80x128xf32, #tpu.memory_space<vmem>> -> memref<1x80x128xf32, #tpu.memory_space<vmem>>
        %dma_wait3A_246 = tpu.memref_squeeze %dma_wait3A_245 : memref<1x80x128xf32, #tpu.memory_space<vmem>> -> memref<80x128xf32, #tpu.memory_space<vmem>>
        %dma_wait3A_247 = arith.constant 0 : i32
        %dma_wait3A_248 = tpu.memref_slice %arg7[%add3A_237, %dma_wait3A_247] : memref<50x80xi32, #tpu.memory_space<vmem>> -> memref<1x80xi32, #tpu.memory_space<vmem>>
        %dma_wait3A_249 = tpu.memref_squeeze %dma_wait3A_248 : memref<1x80xi32, #tpu.memory_space<vmem>> -> memref<80xi32, #tpu.memory_space<vmem>>
        %dma_wait3A_250 = arith.constant 0 : i32
        %dma_wait3A_251 = arith.constant 0 : i32
        %dma_wait3A_252 = tpu.memref_slice %arg2[%dma_wait3A_250, %dma_wait3A_251] : memref<10000x128xf32, #tpu.memory_space<hbm>> -> memref<10000x128xf32, #tpu.memory_space<hbm>>
        tpu.wait_indirect_dma semaphore(%arg12 : memref<!tpu.dma_semaphore, #tpu.memory_space<semaphore_mem>>) src(%dma_wait3A_252 : memref<10000x128xf32, #tpu.memory_space<hbm>>) dst(%dma_wait3A_246 : memref<80x128xf32, #tpu.memory_space<vmem>>)
        %add3A_253 = arith.constant 2 : i32
        %add3A_254 = arith.addi %add3A_237, %add3A_253 : i32
        %lt3A_255 = arith.constant 50 : i32
        %lt3A_256 = arith.cmpi slt, %add3A_254, %lt3A_255 : i32
        %convert_element_type3A_257 = arith.extui %lt3A_256 : i1 to i32
        %cond3A_258 = arith.constant 0 : i32
        %cond3A_259 = arith.cmpi ne, %convert_element_type3A_257, %cond3A_258 : i32
        scf.if %cond3A_259 {
          %add3A_260 = arith.constant 2 : i32
          %add3A_261 = arith.addi %add3A_237, %add3A_260 : i32
          %dma_start3A_262 = arith.constant 1 : i32
          %dma_start3A_263 = arith.constant 0 : i32
          %dma_start3A_264 = arith.constant 0 : i32
          %dma_start3A_265 = tpu.memref_slice %arg9[%dma_start3A_262, %dma_start3A_263, %dma_start3A_264] : memref<3x80x128xf32, #tpu.memory_space<vmem>> -> memref<1x80x128xf32, #tpu.memory_space<vmem>>
          %dma_start3A_266 = tpu.memref_squeeze %dma_start3A_265 : memref<1x80x128xf32, #tpu.memory_space<vmem>> -> memref<80x128xf32, #tpu.memory_space<vmem>>
          %dma_start3A_267 = arith.constant 0 : i32
          %dma_start3A_268 = tpu.memref_slice %arg7[%add3A_261, %dma_start3A_267] : memref<50x80xi32, #tpu.memory_space<vmem>> -> memref<1x80xi32, #tpu.memory_space<vmem>>
          %dma_start3A_269 = tpu.memref_squeeze %dma_start3A_268 : memref<1x80xi32, #tpu.memory_space<vmem>> -> memref<80xi32, #tpu.memory_space<vmem>>
          %dma_start3A_270 = arith.constant 0 : i32
          %dma_start3A_271 = arith.constant 0 : i32
          %dma_start3A_272 = tpu.memref_slice %arg2[%dma_start3A_270, %dma_start3A_271] : memref<10000x128xf32, #tpu.memory_space<hbm>> -> memref<10000x128xf32, #tpu.memory_space<hbm>>
          tpu.enqueue_indirect_dma source(%dma_start3A_272 : memref<10000x128xf32, #tpu.memory_space<hbm>>) target(%dma_start3A_266 : memref<80x128xf32, #tpu.memory_space<vmem>>) offsets(%dma_start3A_269 : memref<80xi32, #tpu.memory_space<vmem>>) semaphore(%arg11 : memref<!tpu.dma_semaphore, #tpu.memory_space<semaphore_mem>>)
        } else {
        }
        %run_scoped3A = arith.constant 2 : i32
        "tpu.region"() ({
          %run_scoped3A_260 = tpu.sem_alloc : memref<!tpu.dma_semaphore, #tpu.memory_space<semaphore_mem>>
          %dma_start3A_261 = arith.constant 0 : i32
          %dma_start3A_262 = arith.constant 0 : i32
          %dma_start3A_263 = tpu.memref_slice %arg9[%run_scoped3A, %dma_start3A_261, %dma_start3A_262] : memref<3x80x128xf32, #tpu.memory_space<vmem>> -> memref<1x80x128xf32, #tpu.memory_space<vmem>>
          %dma_start3A_264 = tpu.memref_squeeze %dma_start3A_263 : memref<1x80x128xf32, #tpu.memory_space<vmem>> -> memref<80x128xf32, #tpu.memory_space<vmem>>
          %dma_start3A_265 = arith.constant 0 : i32
          %dma_start3A_266 = tpu.memref_slice %arg8[%add3A_237, %dma_start3A_265] : memref<50x80xi32, #tpu.memory_space<vmem>> -> memref<1x80xi32, #tpu.memory_space<vmem>>
          %dma_start3A_267 = tpu.memref_squeeze %dma_start3A_266 : memref<1x80xi32, #tpu.memory_space<vmem>> -> memref<80xi32, #tpu.memory_space<vmem>>
          %dma_start3A_268 = arith.constant 0 : i32
          %dma_start3A_269 = arith.constant 0 : i32
          %dma_start3A_270 = tpu.memref_slice %arg6[%dma_start3A_268, %dma_start3A_269] : memref<10000x128xf32, #tpu.memory_space<vmem_shared>> -> memref<10000x128xf32, #tpu.memory_space<vmem_shared>>
          tpu.enqueue_indirect_dma source(%dma_start3A_264 : memref<80x128xf32, #tpu.memory_space<vmem>>) target(%dma_start3A_270 : memref<10000x128xf32, #tpu.memory_space<vmem_shared>>) offsets(%dma_start3A_267 : memref<80xi32, #tpu.memory_space<vmem>>) semaphore(%run_scoped3A_260 : memref<!tpu.dma_semaphore, #tpu.memory_space<semaphore_mem>>) {add = true}
          %dma_wait3A_271 = arith.constant 0 : i32
          %dma_wait3A_272 = arith.constant 0 : i32
          %dma_wait3A_273 = tpu.memref_slice %arg9[%run_scoped3A, %dma_wait3A_271, %dma_wait3A_272] : memref<3x80x128xf32, #tpu.memory_space<vmem>> -> memref<1x80x128xf32, #tpu.memory_space<vmem>>
          %dma_wait3A_274 = tpu.memref_squeeze %dma_wait3A_273 : memref<1x80x128xf32, #tpu.memory_space<vmem>> -> memref<80x128xf32, #tpu.memory_space<vmem>>
          %dma_wait3A_275 = arith.constant 0 : i32
          %dma_wait3A_276 = tpu.memref_slice %arg8[%add3A_237, %dma_wait3A_275] : memref<50x80xi32, #tpu.memory_space<vmem>> -> memref<1x80xi32, #tpu.memory_space<vmem>>
          %dma_wait3A_277 = tpu.memref_squeeze %dma_wait3A_276 : memref<1x80xi32, #tpu.memory_space<vmem>> -> memref<80xi32, #tpu.memory_space<vmem>>
          %dma_wait3A_278 = arith.constant 0 : i32
          %dma_wait3A_279 = arith.constant 0 : i32
          %dma_wait3A_280 = tpu.memref_slice %arg6[%dma_wait3A_278, %dma_wait3A_279] : memref<10000x128xf32, #tpu.memory_space<vmem_shared>> -> memref<10000x128xf32, #tpu.memory_space<vmem_shared>>
          tpu.wait_indirect_dma semaphore(%run_scoped3A_260 : memref<!tpu.dma_semaphore, #tpu.memory_space<semaphore_mem>>) src(%dma_wait3A_274 : memref<80x128xf32, #tpu.memory_space<vmem>>) dst(%dma_wait3A_280 : memref<10000x128xf32, #tpu.memory_space<vmem_shared>>)
          tpu.yield
        }) : () -> ()
      } else {
      }
    }
    %scan3A_204 = arith.constant 17 : i32
    %barrier3A_205 = arith.constant 0 : index
    tpu.barrier barrier_id(%barrier3A_205)
    %lt3A_206 = arith.constant 15 : i32
    %lt3A_207 = arith.cmpi slt, %arg1, %lt3A_206 : i32
    %convert_element_type3A_208 = arith.extui %lt3A_207 : i1 to i32
    %cond3A_209 = arith.constant 0 : i32
    %cond3A_210 = arith.cmpi ne, %convert_element_type3A_208, %cond3A_209 : i32
    scf.if %cond3A_210 {
      "tpu.region"() ({
        %run_scoped3A = tpu.sem_alloc : memref<!tpu.dma_semaphore, #tpu.memory_space<semaphore_mem>>
        %dma_start3A_216 = arith.constant 0 : i32
        %dma_start3A_217 = tpu.memref_slice %arg5[%arg0, %multiple_of3A, %dma_start3A_216] : memref<2x10000x128xf32, #tpu.memory_space<hbm>> -> memref<1x640x128xf32, #tpu.memory_space<hbm>>
        %dma_start3A_218 = tpu.memref_squeeze %dma_start3A_217 : memref<1x640x128xf32, #tpu.memory_space<hbm>> -> memref<640x128xf32, #tpu.memory_space<hbm>>
        %dma_start3A_219 = arith.constant 0 : i32
        %dma_start3A_220 = tpu.memref_slice %arg6[%multiple_of3A, %dma_start3A_219] : memref<10000x128xf32, #tpu.memory_space<vmem_shared>> -> memref<640x128xf32, #tpu.memory_space<vmem_shared>>
        tpu.enqueue_dma source(%dma_start3A_220 : memref<640x128xf32, #tpu.memory_space<vmem_shared>>) target(%dma_start3A_218 : memref<640x128xf32, #tpu.memory_space<hbm>>) target_semaphore(%run_scoped3A : memref<!tpu.dma_semaphore, #tpu.memory_space<semaphore_mem>>)
        %dma_wait3A = arith.constant 0 : i32
        %dma_wait3A_221 = tpu.memref_slice %arg5[%arg0, %multiple_of3A, %dma_wait3A] : memref<2x10000x128xf32, #tpu.memory_space<hbm>> -> memref<1x640x128xf32, #tpu.memory_space<hbm>>
        %dma_wait3A_222 = tpu.memref_squeeze %dma_wait3A_221 : memref<1x640x128xf32, #tpu.memory_space<hbm>> -> memref<640x128xf32, #tpu.memory_space<hbm>>
        %dma_wait3A_223 = arith.constant 0 : i32
        %dma_wait3A_224 = tpu.memref_slice %arg6[%multiple_of3A, %dma_wait3A_223] : memref<10000x128xf32, #tpu.memory_space<vmem_shared>> -> memref<640x128xf32, #tpu.memory_space<vmem_shared>>
        tpu.wait_dma2 semaphore(%run_scoped3A : memref<!tpu.dma_semaphore, #tpu.memory_space<semaphore_mem>>) src(%dma_wait3A_224 : memref<640x128xf32, #tpu.memory_space<vmem_shared>>) dst(%dma_wait3A_222 : memref<640x128xf32, #tpu.memory_space<hbm>>)
        tpu.yield
      }) : () -> ()
    } else {
    }
    %eq3A_211 = arith.constant 15 : i32
    %eq3A_212 = arith.cmpi eq, %arg1, %eq3A_211 : i32
    %convert_element_type3A_213 = arith.extui %eq3A_212 : i1 to i32
    %cond3A_214 = arith.constant 0 : i32
    %cond3A_215 = arith.cmpi ne, %convert_element_type3A_213, %cond3A_214 : i32
    scf.if %cond3A_215 {
      "tpu.region"() ({
        %run_scoped3A = tpu.sem_alloc : memref<!tpu.dma_semaphore, #tpu.memory_space<semaphore_mem>>
        %dma_start3A_216 = arith.constant 9600 : i32
        %dma_start3A_217 = arith.constant 0 : i32
        %dma_start3A_218 = tpu.memref_slice %arg5[%arg0, %dma_start3A_216, %dma_start3A_217] : memref<2x10000x128xf32, #tpu.memory_space<hbm>> -> memref<1x400x128xf32, #tpu.memory_space<hbm>>
        %dma_start3A_219 = tpu.memref_squeeze %dma_start3A_218 : memref<1x400x128xf32, #tpu.memory_space<hbm>> -> memref<400x128xf32, #tpu.memory_space<hbm>>
        %dma_start3A_220 = arith.constant 9600 : i32
        %dma_start3A_221 = arith.constant 0 : i32
        %dma_start3A_222 = tpu.memref_slice %arg6[%dma_start3A_220, %dma_start3A_221] : memref<10000x128xf32, #tpu.memory_space<vmem_shared>> -> memref<400x128xf32, #tpu.memory_space<vmem_shared>>
        tpu.enqueue_dma source(%dma_start3A_222 : memref<400x128xf32, #tpu.memory_space<vmem_shared>>) target(%dma_start3A_219 : memref<400x128xf32, #tpu.memory_space<hbm>>) target_semaphore(%run_scoped3A : memref<!tpu.dma_semaphore, #tpu.memory_space<semaphore_mem>>)
        %dma_wait3A = arith.constant 9600 : i32
        %dma_wait3A_223 = arith.constant 0 : i32
        %dma_wait3A_224 = tpu.memref_slice %arg5[%arg0, %dma_wait3A, %dma_wait3A_223] : memref<2x10000x128xf32, #tpu.memory_space<hbm>> -> memref<1x400x128xf32, #tpu.memory_space<hbm>>
        %dma_wait3A_225 = tpu.memref_squeeze %dma_wait3A_224 : memref<1x400x128xf32, #tpu.memory_space<hbm>> -> memref<400x128xf32, #tpu.memory_space<hbm>>
        %dma_wait3A_226 = arith.constant 9600 : i32
        %dma_wait3A_227 = arith.constant 0 : i32
        %dma_wait3A_228 = tpu.memref_slice %arg6[%dma_wait3A_226, %dma_wait3A_227] : memref<10000x128xf32, #tpu.memory_space<vmem_shared>> -> memref<400x128xf32, #tpu.memory_space<vmem_shared>>
        tpu.wait_dma2 semaphore(%run_scoped3A : memref<!tpu.dma_semaphore, #tpu.memory_space<semaphore_mem>>) src(%dma_wait3A_228 : memref<400x128xf32, #tpu.memory_space<vmem_shared>>) dst(%dma_wait3A_225 : memref<400x128xf32, #tpu.memory_space<hbm>>)
        tpu.yield
      }) : () -> ()
    } else {
    }
    return
  }
}

module attributes {stable_mosaic.version = 14 : i64} {
  func.func @_tc_pair_partial_body(%arg0: i32, %arg1: memref<2x2000x128xf32, #tpu.memory_space<vmem>>, %arg2: memref<2x128x128xf32, #tpu.memory_space<vmem>>, %arg3: memref<2x1x128xf32, #tpu.memory_space<vmem>>, %arg4: memref<2x128x128xf32, #tpu.memory_space<vmem>>, %arg5: memref<2x1x128xf32, #tpu.memory_space<vmem>>, %arg6: memref<2x128x128xf32, #tpu.memory_space<vmem>>, %arg7: memref<2000x128xf32, #tpu.memory_space<vmem>>) attributes {dimension_semantics = [#tpu.dimension_semantics<arbitrary>], iteration_bounds = array<i64: 5>, scalar_prefetch = 0 : i64, scratch_operands = 0 : i64, tpu.core_type = #tpu.core_type<tc>, window_params = [{transform_indices = @transform_0, window_bounds = array<i64: 2, 2000, 128>}, {pipeline_mode = #tpu.pipeline_mode<synchronous>, transform_indices = @transform_1, window_bounds = array<i64: 2, 128, 128>}, {pipeline_mode = #tpu.pipeline_mode<synchronous>, transform_indices = @transform_2, window_bounds = array<i64: 2, 1, 128>}, {pipeline_mode = #tpu.pipeline_mode<synchronous>, transform_indices = @transform_3, window_bounds = array<i64: 2, 128, 128>}, {pipeline_mode = #tpu.pipeline_mode<synchronous>, transform_indices = @transform_4, window_bounds = array<i64: 2, 1, 128>}, {pipeline_mode = #tpu.pipeline_mode<synchronous>, transform_indices = @transform_5, window_bounds = array<i64: 2, 128, 128>}, {transform_indices = @transform_6, window_bounds = array<i64: 2000, 128>}]} {
    %broadcast_in_dim3A = arith.constant 0.000000e+00 : f32
    %broadcast_in_dim3A_0 = vector.broadcast %broadcast_in_dim3A : f32 to vector<2000x128xf32>
    %get3A = arith.constant 0 : index
    %get3A_1 = arith.constant 0 : index
    %get3A_2 = arith.constant 0 : index
    %get3A_3 = vector.load %arg1[%get3A, %get3A_1, %get3A_2] : memref<2x2000x128xf32, #tpu.memory_space<vmem>>, vector<1x2000x128xf32>
    %get3A_4 = vector.shape_cast %get3A_3 : vector<1x2000x128xf32> to vector<2000x128xf32>
    %get3A_5 = arith.constant 0 : index
    %get3A_6 = arith.constant 0 : index
    %get3A_7 = arith.constant 0 : index
    %get3A_8 = vector.load %arg2[%get3A_5, %get3A_6, %get3A_7] : memref<2x128x128xf32, #tpu.memory_space<vmem>>, vector<1x128x128xf32>
    %get3A_9 = vector.shape_cast %get3A_8 : vector<1x128x128xf32> to vector<128x128xf32>
    %dot_general3A = arith.constant dense<0.000000e+00> : vector<2000x128xf32>
    %dot_general3A_10 = tpu.matmul %get3A_4, %get3A_9, %dot_general3A {dimension_numbers = #tpu.dot_dimension_numbers<[1], [0], [0], [1], [0, 0, 1, 1], [], []>, transpose_lhs_hint = false} : vector<2000x128xf32>, vector<128x128xf32>, vector<2000x128xf32> -> vector<2000x128xf32>
    %get3A_11 = arith.constant 0 : index
    %get3A_12 = arith.constant 0 : index
    %get3A_13 = arith.constant 0 : index
    %get3A_14 = vector.load %arg3[%get3A_11, %get3A_12, %get3A_13] : memref<2x1x128xf32, #tpu.memory_space<vmem>>, vector<1x1x128xf32>
    %get3A_15 = vector.shape_cast %get3A_14 : vector<1x1x128xf32> to vector<1x128xf32>
    %add3A = vector.broadcast %get3A_15 : vector<1x128xf32> to vector<2000x128xf32>
    %add3A_16 = arith.addf %dot_general3A_10, %add3A : vector<2000x128xf32>
    %max3A = arith.constant 0.000000e+00 : f32
    %max3A_17 = vector.broadcast %max3A : f32 to vector<2000x128xf32>
    %max3A_18 = arith.maximumf %add3A_16, %max3A_17 : vector<2000x128xf32>
    %get3A_19 = arith.constant 0 : index
    %get3A_20 = arith.constant 0 : index
    %get3A_21 = arith.constant 0 : index
    %get3A_22 = vector.load %arg4[%get3A_19, %get3A_20, %get3A_21] : memref<2x128x128xf32, #tpu.memory_space<vmem>>, vector<1x128x128xf32>
    %get3A_23 = vector.shape_cast %get3A_22 : vector<1x128x128xf32> to vector<128x128xf32>
    %dot_general3A_24 = arith.constant dense<0.000000e+00> : vector<2000x128xf32>
    %dot_general3A_25 = tpu.matmul %max3A_18, %get3A_23, %dot_general3A_24 {dimension_numbers = #tpu.dot_dimension_numbers<[1], [0], [0], [1], [0, 0, 1, 1], [], []>, transpose_lhs_hint = false} : vector<2000x128xf32>, vector<128x128xf32>, vector<2000x128xf32> -> vector<2000x128xf32>
    %get3A_26 = arith.constant 0 : index
    %get3A_27 = arith.constant 0 : index
    %get3A_28 = arith.constant 0 : index
    %get3A_29 = vector.load %arg5[%get3A_26, %get3A_27, %get3A_28] : memref<2x1x128xf32, #tpu.memory_space<vmem>>, vector<1x1x128xf32>
    %get3A_30 = vector.shape_cast %get3A_29 : vector<1x1x128xf32> to vector<1x128xf32>
    %add3A_31 = vector.broadcast %get3A_30 : vector<1x128xf32> to vector<2000x128xf32>
    %add3A_32 = arith.addf %dot_general3A_25, %add3A_31 : vector<2000x128xf32>
    %get3A_33 = arith.constant 0 : index
    %get3A_34 = arith.constant 0 : index
    %get3A_35 = arith.constant 0 : index
    %get3A_36 = vector.load %arg6[%get3A_33, %get3A_34, %get3A_35] : memref<2x128x128xf32, #tpu.memory_space<vmem>>, vector<1x128x128xf32>
    %get3A_37 = vector.shape_cast %get3A_36 : vector<1x128x128xf32> to vector<128x128xf32>
    %dot_general3A_38 = arith.constant dense<0.000000e+00> : vector<2000x128xf32>
    %dot_general3A_39 = tpu.matmul %add3A_32, %get3A_37, %dot_general3A_38 {dimension_numbers = #tpu.dot_dimension_numbers<[1], [0], [0], [1], [0, 0, 1, 1], [], []>, transpose_lhs_hint = false} : vector<2000x128xf32>, vector<128x128xf32>, vector<2000x128xf32> -> vector<2000x128xf32>
    %add3A_40 = arith.addf %broadcast_in_dim3A_0, %dot_general3A_39 : vector<2000x128xf32>
    %get3A_41 = arith.constant 1 : index
    %get3A_42 = arith.constant 0 : index
    %get3A_43 = arith.constant 0 : index
    %get3A_44 = vector.load %arg1[%get3A_41, %get3A_42, %get3A_43] : memref<2x2000x128xf32, #tpu.memory_space<vmem>>, vector<1x2000x128xf32>
    %get3A_45 = vector.shape_cast %get3A_44 : vector<1x2000x128xf32> to vector<2000x128xf32>
    %get3A_46 = arith.constant 1 : index
    %get3A_47 = arith.constant 0 : index
    %get3A_48 = arith.constant 0 : index
    %get3A_49 = vector.load %arg2[%get3A_46, %get3A_47, %get3A_48] : memref<2x128x128xf32, #tpu.memory_space<vmem>>, vector<1x128x128xf32>
    %get3A_50 = vector.shape_cast %get3A_49 : vector<1x128x128xf32> to vector<128x128xf32>
    %dot_general3A_51 = arith.constant dense<0.000000e+00> : vector<2000x128xf32>
    %dot_general3A_52 = tpu.matmul %get3A_45, %get3A_50, %dot_general3A_51 {dimension_numbers = #tpu.dot_dimension_numbers<[1], [0], [0], [1], [0, 0, 1, 1], [], []>, transpose_lhs_hint = false} : vector<2000x128xf32>, vector<128x128xf32>, vector<2000x128xf32> -> vector<2000x128xf32>
    %get3A_53 = arith.constant 1 : index
    %get3A_54 = arith.constant 0 : index
    %get3A_55 = arith.constant 0 : index
    %get3A_56 = vector.load %arg3[%get3A_53, %get3A_54, %get3A_55] : memref<2x1x128xf32, #tpu.memory_space<vmem>>, vector<1x1x128xf32>
    %get3A_57 = vector.shape_cast %get3A_56 : vector<1x1x128xf32> to vector<1x128xf32>
    %add3A_58 = vector.broadcast %get3A_57 : vector<1x128xf32> to vector<2000x128xf32>
    %add3A_59 = arith.addf %dot_general3A_52, %add3A_58 : vector<2000x128xf32>
    %max3A_60 = arith.constant 0.000000e+00 : f32
    %max3A_61 = vector.broadcast %max3A_60 : f32 to vector<2000x128xf32>
    %max3A_62 = arith.maximumf %add3A_59, %max3A_61 : vector<2000x128xf32>
    %get3A_63 = arith.constant 1 : index
    %get3A_64 = arith.constant 0 : index
    %get3A_65 = arith.constant 0 : index
    %get3A_66 = vector.load %arg4[%get3A_63, %get3A_64, %get3A_65] : memref<2x128x128xf32, #tpu.memory_space<vmem>>, vector<1x128x128xf32>
    %get3A_67 = vector.shape_cast %get3A_66 : vector<1x128x128xf32> to vector<128x128xf32>
    %dot_general3A_68 = arith.constant dense<0.000000e+00> : vector<2000x128xf32>
    %dot_general3A_69 = tpu.matmul %max3A_62, %get3A_67, %dot_general3A_68 {dimension_numbers = #tpu.dot_dimension_numbers<[1], [0], [0], [1], [0, 0, 1, 1], [], []>, transpose_lhs_hint = false} : vector<2000x128xf32>, vector<128x128xf32>, vector<2000x128xf32> -> vector<2000x128xf32>
    %get3A_70 = arith.constant 1 : index
    %get3A_71 = arith.constant 0 : index
    %get3A_72 = arith.constant 0 : index
    %get3A_73 = vector.load %arg5[%get3A_70, %get3A_71, %get3A_72] : memref<2x1x128xf32, #tpu.memory_space<vmem>>, vector<1x1x128xf32>
    %get3A_74 = vector.shape_cast %get3A_73 : vector<1x1x128xf32> to vector<1x128xf32>
    %add3A_75 = vector.broadcast %get3A_74 : vector<1x128xf32> to vector<2000x128xf32>
    %add3A_76 = arith.addf %dot_general3A_69, %add3A_75 : vector<2000x128xf32>
    %get3A_77 = arith.constant 1 : index
    %get3A_78 = arith.constant 0 : index
    %get3A_79 = arith.constant 0 : index
    %get3A_80 = vector.load %arg6[%get3A_77, %get3A_78, %get3A_79] : memref<2x128x128xf32, #tpu.memory_space<vmem>>, vector<1x128x128xf32>
    %get3A_81 = vector.shape_cast %get3A_80 : vector<1x128x128xf32> to vector<128x128xf32>
    %dot_general3A_82 = arith.constant dense<0.000000e+00> : vector<2000x128xf32>
    %dot_general3A_83 = tpu.matmul %add3A_76, %get3A_81, %dot_general3A_82 {dimension_numbers = #tpu.dot_dimension_numbers<[1], [0], [0], [1], [0, 0, 1, 1], [], []>, transpose_lhs_hint = false} : vector<2000x128xf32>, vector<128x128xf32>, vector<2000x128xf32> -> vector<2000x128xf32>
    %add3A_84 = arith.addf %add3A_40, %dot_general3A_83 : vector<2000x128xf32>
    %swap3A = arith.constant 0 : index
    %swap3A_85 = arith.constant 0 : index
    %swap3A_86 = vector.load %arg7[%swap3A, %swap3A_85] : memref<2000x128xf32, #tpu.memory_space<vmem>>, vector<2000x128xf32>
    tpu.vector_store %arg7[%swap3A, %swap3A_85], %add3A_84 {strides = array<i32>} : memref<2000x128xf32, #tpu.memory_space<vmem>>, vector<2000x128xf32>,
    return
  }
  func.func @transform_0(%arg0: i32) -> (i32, i32, i32) {
    %c0_i32 = arith.constant 0 : i32
    %c0_i32_0 = arith.constant 0 : i32
    %c0_i32_1 = arith.constant 0 : i32
    return %c0_i32, %arg0, %c0_i32_0 : i32, i32, i32
  }
  func.func @transform_1(%arg0: i32) -> (i32, i32, i32) {
    %c0_i32 = arith.constant 0 : i32
    %c0_i32_0 = arith.constant 0 : i32
    %c0_i32_1 = arith.constant 0 : i32
    %c0_i32_2 = arith.constant 0 : i32
    return %c0_i32, %c0_i32_0, %c0_i32_1 : i32, i32, i32
  }
  func.func @transform_2(%arg0: i32) -> (i32, i32, i32) {
    %c0_i32 = arith.constant 0 : i32
    %c0_i32_0 = arith.constant 0 : i32
    %c0_i32_1 = arith.constant 0 : i32
    %c0_i32_2 = arith.constant 0 : i32
    return %c0_i32, %c0_i32_0, %c0_i32_1 : i32, i32, i32
  }
  func.func @transform_3(%arg0: i32) -> (i32, i32, i32) {
    %c0_i32 = arith.constant 0 : i32
    %c0_i32_0 = arith.constant 0 : i32
    %c0_i32_1 = arith.constant 0 : i32
    %c0_i32_2 = arith.constant 0 : i32
    return %c0_i32, %c0_i32_0, %c0_i32_1 : i32, i32, i32
  }
  func.func @transform_4(%arg0: i32) -> (i32, i32, i32) {
    %c0_i32 = arith.constant 0 : i32
    %c0_i32_0 = arith.constant 0 : i32
    %c0_i32_1 = arith.constant 0 : i32
    %c0_i32_2 = arith.constant 0 : i32
    return %c0_i32, %c0_i32_0, %c0_i32_1 : i32, i32, i32
  }
  func.func @transform_5(%arg0: i32) -> (i32, i32, i32) {
    %c0_i32 = arith.constant 0 : i32
    %c0_i32_0 = arith.constant 0 : i32
    %c0_i32_1 = arith.constant 0 : i32
    %c0_i32_2 = arith.constant 0 : i32
    return %c0_i32, %c0_i32_0, %c0_i32_1 : i32, i32, i32
  }
  func.func @transform_6(%arg0: i32) -> (i32, i32) {
    %c0_i32 = arith.constant 0 : i32
    %c0_i32_0 = arith.constant 0 : i32
    return %arg0, %c0_i32 : i32, i32
  }
}

module attributes {stable_mosaic.version = 14 : i64} {
  func.func @_tc_pair_final_body(%arg0: i32, %arg1: memref<2x2000x128xf32, #tpu.memory_space<vmem>>, %arg2: memref<2x128x128xf32, #tpu.memory_space<vmem>>, %arg3: memref<2x1x128xf32, #tpu.memory_space<vmem>>, %arg4: memref<2x128x128xf32, #tpu.memory_space<vmem>>, %arg5: memref<2x1x128xf32, #tpu.memory_space<vmem>>, %arg6: memref<2x128x128xf32, #tpu.memory_space<vmem>>, %arg7: memref<1x128xf32, #tpu.memory_space<vmem>>, %arg8: memref<2000x128xf32, #tpu.memory_space<vmem>>, %arg9: memref<2000x128xf32, #tpu.memory_space<vmem>>) attributes {dimension_semantics = [#tpu.dimension_semantics<arbitrary>], iteration_bounds = array<i64: 5>, scalar_prefetch = 0 : i64, scratch_operands = 0 : i64, tpu.core_type = #tpu.core_type<tc>, window_params = [{transform_indices = @transform_0, window_bounds = array<i64: 2, 2000, 128>}, {pipeline_mode = #tpu.pipeline_mode<synchronous>, transform_indices = @transform_1, window_bounds = array<i64: 2, 128, 128>}, {pipeline_mode = #tpu.pipeline_mode<synchronous>, transform_indices = @transform_2, window_bounds = array<i64: 2, 1, 128>}, {pipeline_mode = #tpu.pipeline_mode<synchronous>, transform_indices = @transform_3, window_bounds = array<i64: 2, 128, 128>}, {pipeline_mode = #tpu.pipeline_mode<synchronous>, transform_indices = @transform_4, window_bounds = array<i64: 2, 1, 128>}, {pipeline_mode = #tpu.pipeline_mode<synchronous>, transform_indices = @transform_5, window_bounds = array<i64: 2, 128, 128>}, {pipeline_mode = #tpu.pipeline_mode<synchronous>, transform_indices = @transform_6, window_bounds = array<i64: 1, 128>}, {transform_indices = @transform_7, window_bounds = array<i64: 2000, 128>}, {transform_indices = @transform_8, window_bounds = array<i64: 2000, 128>}]} {
    %get3A = arith.constant 0 : index
    %get3A_0 = arith.constant 0 : index
    %get3A_1 = vector.load %arg8[%get3A, %get3A_0] : memref<2000x128xf32, #tpu.memory_space<vmem>>, vector<2000x128xf32>
    %get3A_2 = arith.constant 0 : index
    %get3A_3 = arith.constant 0 : index
    %get3A_4 = arith.constant 0 : index
    %get3A_5 = vector.load %arg1[%get3A_2, %get3A_3, %get3A_4] : memref<2x2000x128xf32, #tpu.memory_space<vmem>>, vector<1x2000x128xf32>
    %get3A_6 = vector.shape_cast %get3A_5 : vector<1x2000x128xf32> to vector<2000x128xf32>
    %get3A_7 = arith.constant 0 : index
    %get3A_8 = arith.constant 0 : index
    %get3A_9 = arith.constant 0 : index
    %get3A_10 = vector.load %arg2[%get3A_7, %get3A_8, %get3A_9] : memref<2x128x128xf32, #tpu.memory_space<vmem>>, vector<1x128x128xf32>
    %get3A_11 = vector.shape_cast %get3A_10 : vector<1x128x128xf32> to vector<128x128xf32>
    %dot_general3A = arith.constant dense<0.000000e+00> : vector<2000x128xf32>
    %dot_general3A_12 = tpu.matmul %get3A_6, %get3A_11, %dot_general3A {dimension_numbers = #tpu.dot_dimension_numbers<[1], [0], [0], [1], [0, 0, 1, 1], [], []>, transpose_lhs_hint = false} : vector<2000x128xf32>, vector<128x128xf32>, vector<2000x128xf32> -> vector<2000x128xf32>
    %get3A_13 = arith.constant 0 : index
    %get3A_14 = arith.constant 0 : index
    %get3A_15 = arith.constant 0 : index
    %get3A_16 = vector.load %arg3[%get3A_13, %get3A_14, %get3A_15] : memref<2x1x128xf32, #tpu.memory_space<vmem>>, vector<1x1x128xf32>
    %get3A_17 = vector.shape_cast %get3A_16 : vector<1x1x128xf32> to vector<1x128xf32>
    %add3A = vector.broadcast %get3A_17 : vector<1x128xf32> to vector<2000x128xf32>
    %add3A_18 = arith.addf %dot_general3A_12, %add3A : vector<2000x128xf32>
    %max3A = arith.constant 0.000000e+00 : f32
    %max3A_19 = vector.broadcast %max3A : f32 to vector<2000x128xf32>
    %max3A_20 = arith.maximumf %add3A_18, %max3A_19 : vector<2000x128xf32>
    %get3A_21 = arith.constant 0 : index
    %get3A_22 = arith.constant 0 : index
    %get3A_23 = arith.constant 0 : index
    %get3A_24 = vector.load %arg4[%get3A_21, %get3A_22, %get3A_23] : memref<2x128x128xf32, #tpu.memory_space<vmem>>, vector<1x128x128xf32>
    %get3A_25 = vector.shape_cast %get3A_24 : vector<1x128x128xf32> to vector<128x128xf32>
    %dot_general3A_26 = arith.constant dense<0.000000e+00> : vector<2000x128xf32>
    %dot_general3A_27 = tpu.matmul %max3A_20, %get3A_25, %dot_general3A_26 {dimension_numbers = #tpu.dot_dimension_numbers<[1], [0], [0], [1], [0, 0, 1, 1], [], []>, transpose_lhs_hint = false} : vector<2000x128xf32>, vector<128x128xf32>, vector<2000x128xf32> -> vector<2000x128xf32>
    %get3A_28 = arith.constant 0 : index
    %get3A_29 = arith.constant 0 : index
    %get3A_30 = arith.constant 0 : index
    %get3A_31 = vector.load %arg5[%get3A_28, %get3A_29, %get3A_30] : memref<2x1x128xf32, #tpu.memory_space<vmem>>, vector<1x1x128xf32>
    %get3A_32 = vector.shape_cast %get3A_31 : vector<1x1x128xf32> to vector<1x128xf32>
    %add3A_33 = vector.broadcast %get3A_32 : vector<1x128xf32> to vector<2000x128xf32>
    %add3A_34 = arith.addf %dot_general3A_27, %add3A_33 : vector<2000x128xf32>
    %get3A_35 = arith.constant 0 : index
    %get3A_36 = arith.constant 0 : index
    %get3A_37 = arith.constant 0 : index
    %get3A_38 = vector.load %arg6[%get3A_35, %get3A_36, %get3A_37] : memref<2x128x128xf32, #tpu.memory_space<vmem>>, vector<1x128x128xf32>
    %get3A_39 = vector.shape_cast %get3A_38 : vector<1x128x128xf32> to vector<128x128xf32>
    %dot_general3A_40 = arith.constant dense<0.000000e+00> : vector<2000x128xf32>
    %dot_general3A_41 = tpu.matmul %add3A_34, %get3A_39, %dot_general3A_40 {dimension_numbers = #tpu.dot_dimension_numbers<[1], [0], [0], [1], [0, 0, 1, 1], [], []>, transpose_lhs_hint = false} : vector<2000x128xf32>, vector<128x128xf32>, vector<2000x128xf32> -> vector<2000x128xf32>
    %add3A_42 = arith.addf %get3A_1, %dot_general3A_41 : vector<2000x128xf32>
    %get3A_43 = arith.constant 1 : index
    %get3A_44 = arith.constant 0 : index
    %get3A_45 = arith.constant 0 : index
    %get3A_46 = vector.load %arg1[%get3A_43, %get3A_44, %get3A_45] : memref<2x2000x128xf32, #tpu.memory_space<vmem>>, vector<1x2000x128xf32>
    %get3A_47 = vector.shape_cast %get3A_46 : vector<1x2000x128xf32> to vector<2000x128xf32>
    %get3A_48 = arith.constant 1 : index
    %get3A_49 = arith.constant 0 : index
    %get3A_50 = arith.constant 0 : index
    %get3A_51 = vector.load %arg2[%get3A_48, %get3A_49, %get3A_50] : memref<2x128x128xf32, #tpu.memory_space<vmem>>, vector<1x128x128xf32>
    %get3A_52 = vector.shape_cast %get3A_51 : vector<1x128x128xf32> to vector<128x128xf32>
    %dot_general3A_53 = arith.constant dense<0.000000e+00> : vector<2000x128xf32>
    %dot_general3A_54 = tpu.matmul %get3A_47, %get3A_52, %dot_general3A_53 {dimension_numbers = #tpu.dot_dimension_numbers<[1], [0], [0], [1], [0, 0, 1, 1], [], []>, transpose_lhs_hint = false} : vector<2000x128xf32>, vector<128x128xf32>, vector<2000x128xf32> -> vector<2000x128xf32>
    %get3A_55 = arith.constant 1 : index
    %get3A_56 = arith.constant 0 : index
    %get3A_57 = arith.constant 0 : index
    %get3A_58 = vector.load %arg3[%get3A_55, %get3A_56, %get3A_57] : memref<2x1x128xf32, #tpu.memory_space<vmem>>, vector<1x1x128xf32>
    %get3A_59 = vector.shape_cast %get3A_58 : vector<1x1x128xf32> to vector<1x128xf32>
    %add3A_60 = vector.broadcast %get3A_59 : vector<1x128xf32> to vector<2000x128xf32>
    %add3A_61 = arith.addf %dot_general3A_54, %add3A_60 : vector<2000x128xf32>
    %max3A_62 = arith.constant 0.000000e+00 : f32
    %max3A_63 = vector.broadcast %max3A_62 : f32 to vector<2000x128xf32>
    %max3A_64 = arith.maximumf %add3A_61, %max3A_63 : vector<2000x128xf32>
    %get3A_65 = arith.constant 1 : index
    %get3A_66 = arith.constant 0 : index
    %get3A_67 = arith.constant 0 : index
    %get3A_68 = vector.load %arg4[%get3A_65, %get3A_66, %get3A_67] : memref<2x128x128xf32, #tpu.memory_space<vmem>>, vector<1x128x128xf32>
    %get3A_69 = vector.shape_cast %get3A_68 : vector<1x128x128xf32> to vector<128x128xf32>
    %dot_general3A_70 = arith.constant dense<0.000000e+00> : vector<2000x128xf32>
    %dot_general3A_71 = tpu.matmul %max3A_64, %get3A_69, %dot_general3A_70 {dimension_numbers = #tpu.dot_dimension_numbers<[1], [0], [0], [1], [0, 0, 1, 1], [], []>, transpose_lhs_hint = false} : vector<2000x128xf32>, vector<128x128xf32>, vector<2000x128xf32> -> vector<2000x128xf32>
    %get3A_72 = arith.constant 1 : index
    %get3A_73 = arith.constant 0 : index
    %get3A_74 = arith.constant 0 : index
    %get3A_75 = vector.load %arg5[%get3A_72, %get3A_73, %get3A_74] : memref<2x1x128xf32, #tpu.memory_space<vmem>>, vector<1x1x128xf32>
    %get3A_76 = vector.shape_cast %get3A_75 : vector<1x1x128xf32> to vector<1x128xf32>
    %add3A_77 = vector.broadcast %get3A_76 : vector<1x128xf32> to vector<2000x128xf32>
    %add3A_78 = arith.addf %dot_general3A_71, %add3A_77 : vector<2000x128xf32>
    %get3A_79 = arith.constant 1 : index
    %get3A_80 = arith.constant 0 : index
    %get3A_81 = arith.constant 0 : index
    %get3A_82 = vector.load %arg6[%get3A_79, %get3A_80, %get3A_81] : memref<2x128x128xf32, #tpu.memory_space<vmem>>, vector<1x128x128xf32>
    %get3A_83 = vector.shape_cast %get3A_82 : vector<1x128x128xf32> to vector<128x128xf32>
    %dot_general3A_84 = arith.constant dense<0.000000e+00> : vector<2000x128xf32>
    %dot_general3A_85 = tpu.matmul %add3A_78, %get3A_83, %dot_general3A_84 {dimension_numbers = #tpu.dot_dimension_numbers<[1], [0], [0], [1], [0, 0, 1, 1], [], []>, transpose_lhs_hint = false} : vector<2000x128xf32>, vector<128x128xf32>, vector<2000x128xf32> -> vector<2000x128xf32>
    %add3A_86 = arith.addf %add3A_42, %dot_general3A_85 : vector<2000x128xf32>
    %get3A_87 = arith.constant 0 : index
    %get3A_88 = arith.constant 0 : index
    %get3A_89 = vector.load %arg7[%get3A_87, %get3A_88] : memref<1x128xf32, #tpu.memory_space<vmem>>, vector<1x128xf32>
    %get3A_90 = vector.shape_cast %get3A_89 : vector<1x128xf32> to vector<128xf32>
    %broadcast_in_dim3A = vector.shape_cast %get3A_90 : vector<128xf32> to vector<1x128xf32>
    %add3A_91 = vector.broadcast %broadcast_in_dim3A : vector<1x128xf32> to vector<2000x128xf32>
    %add3A_92 = arith.addf %add3A_86, %add3A_91 : vector<2000x128xf32>
    %max3A_93 = arith.constant 0.000000e+00 : f32
    %max3A_94 = vector.broadcast %max3A_93 : f32 to vector<2000x128xf32>
    %max3A_95 = arith.maximumf %add3A_92, %max3A_94 : vector<2000x128xf32>
    %swap3A = arith.constant 0 : index
    %swap3A_96 = arith.constant 0 : index
    %swap3A_97 = vector.load %arg9[%swap3A, %swap3A_96] : memref<2000x128xf32, #tpu.memory_space<vmem>>, vector<2000x128xf32>
    tpu.vector_store %arg9[%swap3A, %swap3A_96], %max3A_95 {strides = array<i32>} : memref<2000x128xf32, #tpu.memory_space<vmem>>, vector<2000x128xf32>,
    return
  }
  func.func @transform_0(%arg0: i32) -> (i32, i32, i32) {
    %c0_i32 = arith.constant 0 : i32
    %c0_i32_0 = arith.constant 0 : i32
    %c0_i32_1 = arith.constant 0 : i32
    return %c0_i32, %arg0, %c0_i32_0 : i32, i32, i32
  }
  func.func @transform_1(%arg0: i32) -> (i32, i32, i32) {
    %c0_i32 = arith.constant 0 : i32
    %c0_i32_0 = arith.constant 0 : i32
    %c0_i32_1 = arith.constant 0 : i32
    %c0_i32_2 = arith.constant 0 : i32
    return %c0_i32, %c0_i32_0, %c0_i32_1 : i32, i32, i32
  }
  func.func @transform_2(%arg0: i32) -> (i32, i32, i32) {
    %c0_i32 = arith.constant 0 : i32
    %c0_i32_0 = arith.constant 0 : i32
    %c0_i32_1 = arith.constant 0 : i32
    %c0_i32_2 = arith.constant 0 : i32
    return %c0_i32, %c0_i32_0, %c0_i32_1 : i32, i32, i32
  }
  func.func @transform_3(%arg0: i32) -> (i32, i32, i32) {
    %c0_i32 = arith.constant 0 : i32
    %c0_i32_0 = arith.constant 0 : i32
    %c0_i32_1 = arith.constant 0 : i32
    %c0_i32_2 = arith.constant 0 : i32
    return %c0_i32, %c0_i32_0, %c0_i32_1 : i32, i32, i32
  }
  func.func @transform_4(%arg0: i32) -> (i32, i32, i32) {
    %c0_i32 = arith.constant 0 : i32
    %c0_i32_0 = arith.constant 0 : i32
    %c0_i32_1 = arith.constant 0 : i32
    %c0_i32_2 = arith.constant 0 : i32
    return %c0_i32, %c0_i32_0, %c0_i32_1 : i32, i32, i32
  }
  func.func @transform_5(%arg0: i32) -> (i32, i32, i32) {
    %c0_i32 = arith.constant 0 : i32
    %c0_i32_0 = arith.constant 0 : i32
    %c0_i32_1 = arith.constant 0 : i32
    %c0_i32_2 = arith.constant 0 : i32
    return %c0_i32, %c0_i32_0, %c0_i32_1 : i32, i32, i32
  }
  func.func @transform_6(%arg0: i32) -> (i32, i32) {
    %c0_i32 = arith.constant 0 : i32
    %c0_i32_0 = arith.constant 0 : i32
    %c0_i32_1 = arith.constant 0 : i32
    return %c0_i32, %c0_i32_0 : i32, i32
  }
  func.func @transform_7(%arg0: i32) -> (i32, i32) {
    %c0_i32 = arith.constant 0 : i32
    %c0_i32_0 = arith.constant 0 : i32
    return %arg0, %c0_i32 : i32, i32
  }
  func.func @transform_8(%arg0: i32) -> (i32, i32) {
    %c0_i32 = arith.constant 0 : i32
    %c0_i32_0 = arith.constant 0 : i32
    return %arg0, %c0_i32 : i32, i32
  }
}

</mosaic_0001>

<sc_bundles>
// kernel: kernel.6.cloned.1.call-start
scs
__scs_entry_jumppad:
0x0: {  	(pc) =	sbr.rel $0x88, $3  }
0x1: {  	(tag) =	ssettag $0x0;
	lr =	simm.s32 $0x1  }
0x2: {  	[smem:$0x3F8A] =	sst lr;
	_ =	strace $0xD0000000  }
0x3: {  	_ = 	snop  }
0x4: {  	_ = 	snop  }
0x5: {  	_ = 	snop  }
0x6: {  	_ = 	snop  }
0x7: {  	_ = 	snop  }
__scs_overlays_trampoline_lowered:
0x8: {  	[smem:$0x3F99] =	sst s0  }
0x9: {  	[smem:$0x3F9A] =	sst s1  }
0xa: {  	[smem:$0x3F9B] =	sst s2  }
0xb: {  	[smem:$0x3F9C] =	sst s3  }
0xc: {  	[smem:$0x3F9D] =	sst s4  }
0xd: {  	[smem:$0x3F9E] =	sst s5  }
0xe: {  	[smem:$0x3F9F] =	sst s6  }
0xf: {  	[smem:$0x3FA0] =	sst s7  }
0x10: {  	[smem:$0x3FA1] =	sst s8  }
0x11: {  	[smem:$0x3FA2] =	sst s9;
	s0 =	simm.s32 @!p0 $0x0  }
0x12: {  	s1 =	sld [smem:$0x3F88];
	s0 =	simm.s32 @p0 $0x1  }
0x13: {  	[smem:$0x3FA3] =	sst s0;
	s0 =	simm.s32 @!p1 $0x0  }
0x14: {  	s2 =	sld [smem:$0x3F87];
	s0 =	simm.s32 @p1 $0x1  }
0x15: {  	[smem:$0x3FA4] =	sst s0;
	s0 =	simm.s32 @!p2 $0x0  }
0x16: {  	s3 =	sld [smem:$0x3FDB];
	s0 =	simm.s32 @p2 $0x1  }
0x17: {  	s4 =	simm.s32 $0x1BF5;
	[smem:$0x3FA6] =	sst s0  }
0x18: {  	s0 =	sld [smem:$0x3F89];
	_ =	swait.ge [sflag:s4], $0x0  }
0x19: {  	s7 =	sld [smem:$0x3F8A]  }
0x1a: {  	s8 =	sadd.s32 $0xFFFFE003, lr  }
0x1b: {  	s9 =	sadd.s32 $0xFFFFFEF7, lr;
	s5 =	simm.s32 $0xFFFFFFFF;
	p2 =	slt.u32 s8, $0xFFFFF086  }
0x1c: {  	p1 =	slt.u32 s9, $0xF7A;
	s5 =	simm.s32 @!p2 $0x0  }
0x1d: {  	s5 =	simm.s32 @p1 $0x1;
	p0 =	seq.s32 s7, s2  }
0x1e: {  	s7 =	smul.u32 @!p0 $0xF7A, s2;
	p2 =	seq.s32 @!p0 s5, $0x0  }
0x1f: {  	s9 =	smul.u32 $0xF7A, s1;
	s8 =	simm.s32 @!p0 $0x1BF5;
	p2 =	por !p2, p0  }
0x20: {  	[sflag:s8] =	ssyncset.s32 @!p0 $0xFFFFF086;
	s6 =	sadd.s32 @!p0 s3, s7;
	s7 =	simm.s32 @!p0 $0x108  }
0x21: {  	s3 =	sadd.s32 s3, s9;
	s6 =	sadd.s32 @!p0 $0x88, s6;
	s7 =	simm.s32 @p2 $0x1082  }
0x22: {  	[simem:s7], [sflag:s8] =	dma.local @!p0 [hbm:s6], $0xF7A  }
0x23: {  	s9 =	sor.u32 $0xD0000000, s2;
	s6 =	simm.s32 $0x108;
	_ =	swait.ge @!p0 [sflag:s8], $0x0  }
0x24: {  	s3 =	sadd.s32 $0x88, s3;
	s6 =	simm.s32 @!p1 $0x1082;
	[sflag:s4] =	ssyncset.s32 $0xFFFFF086  }
0x25: {  	[simem:s6], [sflag:s4] =	dma.local [hbm:s3], $0xF7A  }
0x26: {  	[smem:$0x3F8A] =	sst s1;
	(tag) =	ssettag s2;
	_ =	strace s9  }
0x27: {  	s1 =	sld [smem:$0x3F9A]  }
0x28: {  	s2 =	sld [smem:$0x3F9B]  }
0x29: {  	s4 =	sld [smem:$0x3F9D]  }
0x2a: {  	p0 =	seq.s32 s5, $0x0;
	s5 =	sld [smem:$0x3F9E]  }
0x2b: {  	s6 =	sld [smem:$0x3F9F]  }
0x2c: {  	s7 =	sld [smem:$0x3FA0]  }
0x2d: {  	s3 =	simm.s32 $0x108;
	s8 =	sld [smem:$0x3FA1]  }
0x2e: {  	s3 =	simm.s32 @!p0 $0x1082;
	s9 =	sld [smem:$0x3FA2]  }
0x2f: {  	lr =	sadd.s32 s0, s3;
	s0 =	sld [smem:$0x3F99]  }
0x30: {  	s3 =	sld [smem:$0x3F9C]  }
0x31: {  	[smem:$0x3FA5] =	sst s10  }
0x32: {  	s10 =	sld [smem:$0x3FA3];
	_ =	sdelay $0x3  }
0x33: {  	p0 =	seq.s32 s10, $0x1;
	s10 =	sld [smem:$0x3FA5];
	_ =	sdelay $0x3  }
0x34: {  	[smem:$0x3FA5] =	sst s10  }
0x35: {  	s10 =	sld [smem:$0x3FA4];
	_ =	sdelay $0x3  }
0x36: {  	p1 =	seq.s32 s10, $0x1;
	s10 =	sld [smem:$0x3FA5];
	_ =	sdelay $0x3  }
0x37: {  	[smem:$0x3FA5] =	sst s10  }
0x38: {  	s10 =	sld [smem:$0x3FA6]  }
0x39: {  	_ = 	snop;
	(pc) =	sbr.ind lr, $3  }
0x3a: {  	_ = 	snop  }
0x3b: {  	_ = 	snop  }
0x3c: {  	p2 =	seq.s32 s10, $0x1;
	s10 =	sld [smem:$0x3FA5]  }
0x3d: {  	_ =	shalt  }
0x3e: {  	_ =	shalt  }
0x3f: {  	_ =	shalt  }
0x40: {  	_ =	shalt  }
0x41: {  	_ =	shalt  }
0x42: {  	_ =	shalt  }
0x43: {  	_ =	shalt  }
0x44: {  	_ =	shalt  }
0x45: {  	_ =	shalt  }
0x46: {  	_ =	shalt  }
0x47: {  	_ =	shalt  }
0x48: {  	_ =	shalt  }
0x49: {  	_ =	shalt  }
0x4a: {  	_ =	shalt  }
0x4b: {  	_ =	shalt  }
0x4c: {  	_ =	shalt  }
0x4d: {  	_ =	shalt  }
0x4e: {  	_ =	shalt  }
0x4f: {  	_ =	shalt  }
0x50: {  	_ =	shalt  }
0x51: {  	_ =	shalt  }
0x52: {  	_ =	shalt  }
0x53: {  	_ =	shalt  }
0x54: {  	_ =	shalt  }
0x55: {  	_ =	shalt  }
0x56: {  	_ =	shalt  }
0x57: {  	_ =	shalt  }
0x58: {  	_ =	shalt  }
0x59: {  	_ =	shalt  }
0x5a: {  	_ =	shalt  }
0x5b: {  	_ =	shalt  }
0x5c: {  	_ =	shalt  }
0x5d: {  	_ =	shalt  }
0x5e: {  	_ =	shalt  }
0x5f: {  	_ =	shalt  }
0x60: {  	_ =	shalt  }
0x61: {  	_ =	shalt  }
0x62: {  	_ =	shalt  }
0x63: {  	_ =	shalt  }
0x64: {  	_ =	shalt  }
0x65: {  	_ =	shalt  }
0x66: {  	_ =	shalt  }
0x67: {  	_ =	shalt  }
0x68: {  	_ =	shalt  }
0x69: {  	_ =	shalt  }
0x6a: {  	_ =	shalt  }
0x6b: {  	_ =	shalt  }
0x6c: {  	_ =	shalt  }
0x6d: {  	_ =	shalt  }
0x6e: {  	_ =	shalt  }
0x6f: {  	_ =	shalt  }
0x70: {  	_ =	shalt  }
0x71: {  	_ =	shalt  }
0x72: {  	_ =	shalt  }
0x73: {  	_ =	shalt  }
0x74: {  	_ =	shalt  }
0x75: {  	_ =	shalt  }
0x76: {  	_ =	shalt  }
0x77: {  	_ =	shalt  }
0x78: {  	_ =	shalt  }
0x79: {  	_ =	shalt  }
0x7a: {  	_ =	shalt  }
0x7b: {  	_ =	shalt  }
0x7c: {  	_ =	shalt  }
0x7d: {  	_ =	shalt  }
0x7e: {  	_ =	shalt  }
0x7f: {  	_ =	shalt  }
0x80: {  	_ =	shalt  }
0x81: {  	_ =	shalt  }
0x82: {  	_ =	shalt  }
0x83: {  	_ =	shalt  }
0x84: {  	_ =	shalt  }
0x85: {  	_ =	shalt  }
0x86: {  	_ =	shalt  }
0x87: {  	_ =	shalt  }
.Lfunc_end0:
.L_simem_size_0:
called_computation_lowered:
.L_overlay_start_0:
0x88: {  	s2 =	sld [smem:$0x3FD9]  }
0x89: {  	s3 =	sld [smem:$0x3FFE];
	_ =	sdelay $0x1  }
0x8a: {  	s1 =	srdreg.scid  }
0x8b: {  	s0 =	sand.u32 $0x1, s1  }
0x8c: {  	s17 =	sshll.u32 s0, $0xA;
	s2 =	sadd.s32 s3, s2  }
0x8d: {  	s2 =	sadd.s32 s2, s17  }
0x8e: {  	[smem:$0x3FB1] =	sst s2  }
0x8f: {  	_ = 	snop  }
0x90: {  	s2 =	sld [smem:$0x3FC9];
	(tm) =	ssettm $0x1  }
0x91: {  	s18 =	sld [smem:$0x3FFB];
	_ =	sdelay $0x3  }
0x92: {  	_ =	strace s18  }
0x93: {  	s3 =	sld [smem:$0x3FFC];
	_ =	sdelay $0x3  }
0x94: {  	_ =	strace s3  }
0x95: {  	s3 =	sld [smem:$0x3FFD];
	_ =	sdelay $0x3  }
0x96: {  	_ =	strace s3  }
0x97: {  	_ =	strace $0x8FFFFFFF  }
0x98: {  	s19 =	sld [smem:$0x3FDB];
	_ =	sdelay $0x1  }
0x99: {  	s4 =	simm.s32 $_scs_section_size  }
0x9a: {  	s5 =	simm.s32 $_size__tile_overlayer_lowered;
	s6 =	simm.s32 $_tile_overlayer_lowered  }
0x9b: {  	s22 =	simm.s32 $0x1BFF;
	s21 =	sshll.u32 s6, $0x1;
	s3 =	sadd.s32 s4, s19  }
0x9c: {  	s7 =	simm.s32 $0x0;
	s20 =	sshll.u32 s5, $0x1;
	s5 =	sadd.s32 s21, s3  }
0x9d: {  	[timem:s7], [sflag:s22] =	dma.local [hbm:s5], s20  }
0x9e: {  	_ =	swait.ge [sflag:s22], s20  }
0x9f: {  	s4 =	ssub.s32 $0x0, s20;
	[sflag:s22] =	ssyncset.done $0x0  }
0xa0: {  	[sflag:s22] =	ssyncadd.s32 s4;
	_ =	sdelay $0x1  }
0xa1: {  	s23 =	simm.s32 $0x1B8B  }
0xa2: {  	_ =	swait.ge [sflag:s23], $0x1  }
0xa3: {  	[sflag:s23] =	ssyncset.done $0x0  }
0xa4: {  	s25 =	simm.s32 $0x1B8E;
	s24 =	sld [smem:$0x3FFE];
	[sflag:s23] =	ssyncadd.s32 $0xFFFFFFFF  }
0xa5: {  	s26 =	simm.s32 $execute0_lowered;
	[smem:$0x3FD2] =	sst s25  }
0xa6: {  	s5 =	sshll.u32 s26, $0x1;
	_ =	strace $0x80000046;
	[dreg:$0x1] =	wrdreg $0xFFFFFFFF  }
0xa7: {  	s28 =	simm.s32 $_size_execute0_lowered;
	s3 =	sadd.s32 s3, s5;
	[dreg:$0x0] =	wrdreg $0x0  }
0xa8: {  	s5 =	sshll.u32 s28, $0x1;
	[dreg:$0x2] =	wrdreg s3  }
0xa9: {  	[dreg:$0x3] =	wrdreg s5  }
0xaa: {  	[dreg:$0x4] =	wrdreg $0xC0  }
0xab: {  	_ =	task [dreg:s7], $0x5FFFF  }
0xac: {  	[dreg:$0x1] =	wrdreg $0xFFFFFFFF  }
0xad: {  	[dreg:$0x0] =	wrdreg $0x60  }
0xae: {  	[dreg:$0x2] =	wrdreg s2  }
0xaf: {  	[dreg:$0x3] =	wrdreg s24  }
0xb0: {  	[dreg:$0x4] =	wrdreg $0x0  }
0xb1: {  	[dreg:$0x5] =	wrdreg $0x9  }
0xb2: {  	_ =	task.clear_ibuf [dreg:s7], $0x6FFFF;
	_ =	strace $0x90000046  }
0xb3: {  	s29 =	simm.s32 $0x9;
	_ =	strace $0x80000048  }
0xb4: {  	_ =	swait.ge [sflag:s29], $0x1  }
0xb5: {  	[sflag:s29] =	ssyncadd.s32 $0xFFFFFFFF  }
0xb6: {  	_ =	strace $0x90000048  }
0xb7: {  	_ =	sfence  }
0xb8: {  	s30 =	sld [smem:$0x0];
	_ =	sdelay $0x2  }
0xb9: {  	s31 =	sshll.u32 s1, $0xD;
	s1 =	sshrl.u32 s1, $0x2  }
0xba: {  	s3 =	sand.u32 $0x4000, s31;
	s1 =	sadd.s32 s1, s30  }
0xbb: {  	s0 =	sor.u32 s3, s0;
	s1 =	sshll.u32 s1, $0x11  }
0xbc: {  	s0 =	sor.u32 s1, s0  }
0xbd: {  	s0 =	sadd.s32 $0x8F2B, s0  }
0xbe: {  	[sflag:s0] =	ssyncadd.remote.s32 $0x1  }
0xbf: {  	_ =	sfence.sel $0xFFFF  }
0xc0: {  	[dreg:$0x0] =	wrdreg $0xFFFFFFFF;
	(pc) =	sbr.abs _section_cstart, $3  }
0xc1: {  	[dreg:$0x1] =	wrdreg $0xFFFFFFFF  }
0xc2: {  	_ =	task.clear_ibuf [dreg:s7], $0x2FFFF;
	_ =	strace $0x9FFFFFFF  }
0xc3: {  	(tm) =	ssettm $0x7FFFFFFF  }
tec
execute0_lowered:
.L_overlay_start_1:
0x0: {  	(tag) =	ssettag $0x1  }
0x1: {  	s1 =	rddreg [dreg:$0x0]  }
0x2: {  	s0 =	rddreg [dreg:$0x1]  }
0x3: {  	s2 =	rddreg [dreg:$0x2]  }
0x4: {  	s4 =	simm.s32 $0x0;
	s3 =	srdreg.scid;
	s11 =	stileid.u32  }
0x5: {  	s28 =	simm.s32 $0x17080;
	s29 =	simm.s32 $0x13900;
	s30 =	simm.s32 $0x19880  }
0x6: {  	s31 =	simm.s32 $0x1;
	[smem:$0x7FF] =	sst s4;
	s5 =	smul.u32 $0x50000, s11  }
0x7: {  	s3 =	sand.u32 $0x1, s3;
	s6 =	sadd.s32 $0x49E00, s0;
	s8 =	smul.u32 $0x2800, s11  }
0x8: {  	s19 =	smul.u32 $0x8C00, s11;
	s10 =	sadd.s32 $0x12C000, s2;
	s9 =	sadd.s32 $0x25800, s1  }
0x9: {  	s21 =	smul.u32 $0x14000, s11;
	_ =	strace $0x80000047;
	s18 =	ssub.s32 $0x2, s3  }
0xa: {  	s20 =	smul.u32 $0x138800, s3;
	[dreg:$0x5] =	wrdreg s9;
	p0 =	seq.s32 s3, $0x0  }
0xb: {  	s3 =	simm.s32 $0x5;
	s7 =	sshrl.u32 s18, $0x1;
	s5 =	sshrl.u32 s5, $0x2  }
0xc: {  	s8 =	sadd.s32 s1, s8;
	s22 =	sshrl.u32 s19, $0x3;
	s4 =	ssub.s32 s18, s7  }
0xd: {  	s5 =	sadd.s32 s5, s2;
	[dreg:$0x4] =	wrdreg s8;
	s7 =	simm.s32 $0x3E00  }
0xe: {  	s9 =	sadd.s32 s21, s20;
	s8 =	sshrl.u32 s20, $0x3;
	s7 =	simm.s32 @!p0 $0x26E00  }
0xf: {  	s9 =	sshrl.u32 s9, $0x3;
	s8 =	sadd.s32 s6, s8;
	s24 =	smax.u32 s4, $0x1  }
0x10: {  	p0 =	seq.s32 s11, $0xF;
	s4 =	simm.s32 $0x2;
	s0 =	sadd.s32 s7, s0  }
0x11: {  	s6 =	sadd.s32 s6, s9;
	s23 =	sadd.s32 $0x25800, s8;
	[dreg:$0x8] =	wrdreg s24  }
0x12: {  	s20 =	sshrl.u32 @p0 s10, $0x3;
	s24 =	simm.s32 $0x4;
	[dreg:$0x6] =	wrdreg s6  }
0x13: {  	s7 =	simm.s32 $0x16D00;
	s8 =	simm.s32 $0x0;
	[dreg:$0x7] =	wrdreg s23  }
0x14: {  	s9 =	sadd.s32 s0, s22;
	s0 =	sshll.u32 @!p0 s11, $0x6;
	s22 =	sshrl.u32 @!p0 s5, $0x3  }
0x15: {  	s23 =	simm.s32 $0x13880;
	s5 =	simm.s32 $0x3;
	s6 =	simm.s32 $0x16C80  }
0x16: {  	s25 =	sadd.s32 $0x11800, s9;
	s26 =	sadd.s32 $0x380, s9;
	s13 =	sadd.s32 $0x11B80, s9  }
0x17: {  	s14 =	sadd.s32 $0x700, s9;
	s15 =	sadd.s32 $0x11F00, s9;
	s16 =	sadd.s32 $0xA80, s9  }
0x18: {  	s17 =	sadd.s32 $0x12280, s9;
	s18 =	sadd.s32 $0xE00, s9;
	s19 =	sadd.s32 $0x12600, s9  }
0x19: {  	s21 =	sor.u32 @!p0 $0x1C04, s0;
	s0 =	simm.s32 $0x1C080;
	[dreg:$0x9] =	wrdreg s25  }
0x1a: {  	[dreg:$0xa] =	wrdreg s26;
	s25 =	simm.s32 $0x15480;
	s26 =	simm.s32 $0x50  }
.LBB2_1:
0x1b: {  	s10 =	simm.s32 @p0 $0x1FC4;
	s11 =	rddreg [dreg:$0x5]  }
0x1c: {  	[spmem:s20], [sflag:s10] =	dma.local @p0 [hbm:s11], $0x1900  }
0x1d: {  	s10 =	simm.s32 @p0 $0x4  }
0x1e: {  	_ =	swait.ge @p0 [sflag:s10], $0x1900  }
0x1f: {  	[sflag:s10] =	ssyncset.done @p0 $0x0  }
0x20: {  	[sflag:s10] =	ssyncadd.s32 @p0 $0xFFFFE700;
	s10 =	rddreg [dreg:$0x4]  }
0x21: {  	[spmem:s22], [sflag:s21] =	dma.local @!p0 [hbm:s10], $0x2800  }
0x22: {  	s10 =	simm.s32 @!p0 $0x4  }
0x23: {  	_ =	swait.ge @!p0 [sflag:s10], $0x2800  }
0x24: {  	[sflag:s10] =	ssyncset.done @!p0 $0x0  }
0x25: {  	[sflag:s10] =	ssyncadd.s32 @!p0 $0xFFFFD800  }
0x26: {  	s11 =	simm.s32 $0x0;
	[bflag:$0x0] =	sbarrier.arrive $0xFFFF  }
0x27: {  	[tilespmem:s23], [sflag:$0x4] =	stream.linear.gather [hbm4b:s9+s11], $0x1900, $0x38;
	[tilespmem:$0x1E880] =	vst v63  }
0x28: {  	_ =	swait.ge [sflag:s24], $0x1900  }
0x29: {  	[sflag:s24] =	ssyncset.done $0x0  }
0x2a: {  	s12 =	rddreg [dreg:$0x9];
	[sflag:s24] =	ssyncadd.s32 $0xFFFFE700  }
0x2b: {  	[tilespmem:s25], [sflag:$0x4] =	stream.linear.gather [hbm4b:s12+s11], $0x1900, $0x38;
	[tilespmem:$0x1E880] =	vst v63  }
0x2c: {  	_ =	swait.ge [sflag:s24], $0x1900  }
0x2d: {  	[sflag:s24] =	ssyncset.done $0x0  }
0x2e: {  	[sflag:s24] =	ssyncadd.s32 $0xFFFFE700  }
0x2f: {  	[tilespmem:s28], [sflag:$0x1] =	stream.indirect.gather [hbm4b:s1+s26], $0x80, s23, s26, $0xb8;
	[tilespmem:$0x1E880] =	vst v63  }
0x30: {  	_ = 	snop  }
0x31: {  	[tilespmem:s30], [sflag:$0x2] =	stream.indirect.gather [hbm4b:s1+s26], $0x80, s29, s26, $0xb8;
	[tilespmem:$0x1E880] =	vst v63  }
0x32: {  	_ =	swait.ge [sflag:s31], $0x2800  }
0x33: {  	[sflag:s31] =	ssyncset.done $0x0  }
0x34: {  	s11 =	simm.s32 $0x13980;
	[sflag:s31] =	ssyncadd.s32 $0xFFFFD800  }
0x35: {  	[tilespmem:s0], [sflag:$0x3] =	stream.indirect.gather [hbm4b:s1+s26], $0x80, s11, s26, $0xb8;
	[tilespmem:$0x1E880] =	vst v63  }
0x36: {  	s12 =	simm.s32 $0x15480  }
0x37: {  	[spmem:s2] =	stream.indirect.scatter.add.f32 [tilespmem:s28], [sflag:$0x5], $0x80, s12, s26, $0xb8;
	[tilespmem:$0x1E880] =	vst v63  }
0x38: {  	_ =	swait.ge [sflag:s3], $0x2800  }
0x39: {  	[sflag:s3] =	ssyncset.done $0x0  }
0x3a: {  	[sflag:s3] =	ssyncadd.s32 $0xFFFFD800  }
0x3b: {  	_ =	swait.ge [sflag:s4], $0x2800  }
0x3c: {  	[sflag:s4] =	ssyncset.done $0x0  }
0x3d: {  	s11 =	simm.s32 $0x13A00;
	[sflag:s4] =	ssyncadd.s32 $0xFFFFD800  }
0x3e: {  	[tilespmem:s28], [sflag:$0x1] =	stream.indirect.gather [hbm4b:s1+s26], $0x80, s11, s26, $0xb8;
	[tilespmem:$0x1E880] =	vst v63  }
0x3f: {  	s12 =	simm.s32 $0x15500  }
0x40: {  	[spmem:s2] =	stream.indirect.scatter.add.f32 [tilespmem:s30], [sflag:$0x5], $0x80, s12, s26, $0xb8;
	[tilespmem:$0x1E880] =	vst v63  }
0x41: {  	_ =	swait.ge [sflag:s3], $0x2800  }
0x42: {  	[sflag:s3] =	ssyncset.done $0x0  }
0x43: {  	[sflag:s3] =	ssyncadd.s32 $0xFFFFD800  }
0x44: {  	_ =	swait.ge [sflag:s5], $0x2800  }
0x45: {  	[sflag:s5] =	ssyncset.done $0x0  }
0x46: {  	s11 =	simm.s32 $0x13A80;
	[sflag:s5] =	ssyncadd.s32 $0xFFFFD800  }
0x47: {  	[tilespmem:s30], [sflag:$0x2] =	stream.indirect.gather [hbm4b:s1+s26], $0x80, s11, s26, $0xb8;
	[tilespmem:$0x1E880] =	vst v63  }
0x48: {  	s12 =	simm.s32 $0x15580  }
0x49: {  	[spmem:s2] =	stream.indirect.scatter.add.f32 [tilespmem:s0], [sflag:$0x4], $0x80, s12, s26, $0xb8;
	[tilespmem:$0x1E880] =	vst v63  }
0x4a: {  	_ =	swait.ge [sflag:s24], $0x2800  }
0x4b: {  	s10 =	simm.s32 $0x600;
	[sflag:s24] =	ssyncset.done $0x0  }
.LBB2_2:
0x4c: {  	p1 =	sne.s32 s10, $0x5A00  }
0x4d: {  	[sflag:s24] =	ssyncadd.s32 $0xFFFFD800;
	s11 =	smov.u32 s10;
	s10 =	sadd.s32 $0x600, s10  }
0x4e: {  	_ = 	snop  }
0x4f: {  	_ =	swait.ge [sflag:s31], $0x2800  }
0x50: {  	s11 =	sshra.s32 s11, $0x2;
	[sflag:s31] =	ssyncset.done $0x0  }
0x51: {  	s12 =	sadd.s32 $0x13980, s11;
	[sflag:s31] =	ssyncadd.s32 $0xFFFFD800  }
0x52: {  	[tilespmem:s0], [sflag:$0x3] =	stream.indirect.gather [hbm4b:s1+s26], $0x80, s12, s26, $0xb8;
	[tilespmem:$0x1E880] =	vst v63  }
0x53: {  	s12 =	sadd.s32 $0x15480, s11  }
0x54: {  	[spmem:s2] =	stream.indirect.scatter.add.f32 [tilespmem:s28], [sflag:$0x5], $0x80, s12, s26, $0xb8;
	[tilespmem:$0x1E880] =	vst v63  }
0x55: {  	_ =	swait.ge [sflag:s3], $0x2800  }
0x56: {  	[sflag:s3] =	ssyncset.done $0x0  }
0x57: {  	[sflag:s3] =	ssyncadd.s32 $0xFFFFD800  }
0x58: {  	_ =	swait.ge [sflag:s4], $0x2800  }
0x59: {  	[sflag:s4] =	ssyncset.done $0x0  }
0x5a: {  	s12 =	sadd.s32 $0x13A00, s11;
	[sflag:s4] =	ssyncadd.s32 $0xFFFFD800  }
0x5b: {  	[tilespmem:s28], [sflag:$0x1] =	stream.indirect.gather [hbm4b:s1+s26], $0x80, s12, s26, $0xb8;
	[tilespmem:$0x1E880] =	vst v63  }
0x5c: {  	s12 =	sadd.s32 $0x15500, s11  }
0x5d: {  	[spmem:s2] =	stream.indirect.scatter.add.f32 [tilespmem:s30], [sflag:$0x5], $0x80, s12, s26, $0xb8;
	[tilespmem:$0x1E880] =	vst v63  }
0x5e: {  	_ =	swait.ge [sflag:s3], $0x2800  }
0x5f: {  	[sflag:s3] =	ssyncset.done $0x0  }
0x60: {  	[sflag:s3] =	ssyncadd.s32 $0xFFFFD800  }
0x61: {  	_ =	swait.ge [sflag:s5], $0x2800  }
0x62: {  	[sflag:s5] =	ssyncset.done $0x0  }
0x63: {  	s12 =	sadd.s32 $0x13A80, s11;
	[sflag:s5] =	ssyncadd.s32 $0xFFFFD800  }
0x64: {  	[tilespmem:s30], [sflag:$0x2] =	stream.indirect.gather [hbm4b:s1+s26], $0x80, s12, s26, $0xb8;
	[tilespmem:$0x1E880] =	vst v63  }
.Ltmp0:
0x65: {  	_ = 	snop;
	(pc) =	sbr.rel @p1 .LBB2_2-.Ltmp0, $4  }
0x66: {  	s11 =	sadd.s32 $0x15580, s11  }
0x67: {  	[spmem:s2] =	stream.indirect.scatter.add.f32 [tilespmem:s0], [sflag:$0x4], $0x80, s11, s26, $0xb8;
	[tilespmem:$0x1E880] =	vst v63  }
0x68: {  	_ =	swait.ge [sflag:s24], $0x2800  }
0x69: {  	[sflag:s24] =	ssyncset.done $0x0  }
0x6a: {  	[sflag:s24] =	ssyncadd.s32 $0xFFFFD800  }
0x6b: {  	_ =	swait.ge [sflag:s31], $0x2800  }
0x6c: {  	[sflag:s31] =	ssyncset.done $0x0  }
0x6d: {  	[sflag:s31] =	ssyncadd.s32 $0xFFFFD800  }
0x6e: {  	[spmem:s2] =	stream.indirect.scatter.add.f32 [tilespmem:s28], [sflag:$0x5], $0x80, s6, s26, $0xb8;
	[tilespmem:$0x1E880] =	vst v63  }
0x6f: {  	_ =	swait.ge [sflag:s3], $0x2800  }
0x70: {  	[sflag:s3] =	ssyncset.done $0x0  }
0x71: {  	[sflag:s3] =	ssyncadd.s32 $0xFFFFD800  }
0x72: {  	_ =	swait.ge [sflag:s4], $0x2800  }
0x73: {  	[sflag:s4] =	ssyncset.done $0x0  }
0x74: {  	[sflag:s4] =	ssyncadd.s32 $0xFFFFD800  }
0x75: {  	[spmem:s2] =	stream.indirect.scatter.add.f32 [tilespmem:s30], [sflag:$0x5], $0x80, s7, s26, $0xb8;
	[tilespmem:$0x1E880] =	vst v63  }
0x76: {  	_ =	swait.ge [sflag:s3], $0x2800  }
0x77: {  	[sflag:s3] =	ssyncset.done $0x0  }
0x78: {  	s10 =	simm.s32 $0x0;
	s11 =	rddreg [dreg:$0xa];
	[sflag:s3] =	ssyncadd.s32 $0xFFFFD800  }
0x79: {  	[tilespmem:s23], [sflag:$0x4] =	stream.linear.gather [hbm4b:s11+s10], $0x1900, $0x38;
	[tilespmem:$0x1E880] =	vst v63  }
0x7a: {  	_ =	swait.ge [sflag:s24], $0x1900  }
0x7b: {  	[sflag:s24] =	ssyncset.done $0x0  }
0x7c: {  	[sflag:s24] =	ssyncadd.s32 $0xFFFFE700  }
0x7d: {  	[tilespmem:s25], [sflag:$0x4] =	stream.linear.gather [hbm4b:s13+s10], $0x1900, $0x38;
	[tilespmem:$0x1E880] =	vst v63  }
0x7e: {  	_ =	swait.ge [sflag:s24], $0x1900  }
0x7f: {  	[sflag:s24] =	ssyncset.done $0x0  }
0x80: {  	[sflag:s24] =	ssyncadd.s32 $0xFFFFE700  }
0x81: {  	[tilespmem:s28], [sflag:$0x1] =	stream.indirect.gather [hbm4b:s1+s26], $0x80, s23, s26, $0xb8;
	[tilespmem:$0x1E880] =	vst v63  }
0x82: {  	_ = 	snop  }
0x83: {  	[tilespmem:s30], [sflag:$0x2] =	stream.indirect.gather [hbm4b:s1+s26], $0x80, s29, s26, $0xb8;
	[tilespmem:$0x1E880] =	vst v63  }
0x84: {  	_ =	swait.ge [sflag:s31], $0x2800  }
0x85: {  	[sflag:s31] =	ssyncset.done $0x0  }
0x86: {  	s11 =	simm.s32 $0x13980;
	[sflag:s31] =	ssyncadd.s32 $0xFFFFD800  }
0x87: {  	[tilespmem:s0], [sflag:$0x3] =	stream.indirect.gather [hbm4b:s1+s26], $0x80, s11, s26, $0xb8;
	[tilespmem:$0x1E880] =	vst v63  }
0x88: {  	s12 =	simm.s32 $0x15480  }
0x89: {  	[spmem:s2] =	stream.indirect.scatter.add.f32 [tilespmem:s28], [sflag:$0x5], $0x80, s12, s26, $0xb8;
	[tilespmem:$0x1E880] =	vst v63  }
0x8a: {  	_ =	swait.ge [sflag:s3], $0x2800  }
0x8b: {  	[sflag:s3] =	ssyncset.done $0x0  }
0x8c: {  	[sflag:s3] =	ssyncadd.s32 $0xFFFFD800  }
0x8d: {  	_ =	swait.ge [sflag:s4], $0x2800  }
0x8e: {  	[sflag:s4] =	ssyncset.done $0x0  }
0x8f: {  	s11 =	simm.s32 $0x13A00;
	[sflag:s4] =	ssyncadd.s32 $0xFFFFD800  }
0x90: {  	[tilespmem:s28], [sflag:$0x1] =	stream.indirect.gather [hbm4b:s1+s26], $0x80, s11, s26, $0xb8;
	[tilespmem:$0x1E880] =	vst v63  }
0x91: {  	s12 =	simm.s32 $0x15500  }
0x92: {  	[spmem:s2] =	stream.indirect.scatter.add.f32 [tilespmem:s30], [sflag:$0x5], $0x80, s12, s26, $0xb8;
	[tilespmem:$0x1E880] =	vst v63  }
0x93: {  	_ =	swait.ge [sflag:s3], $0x2800  }
0x94: {  	[sflag:s3] =	ssyncset.done $0x0  }
0x95: {  	[sflag:s3] =	ssyncadd.s32 $0xFFFFD800  }
0x96: {  	_ =	swait.ge [sflag:s5], $0x2800  }
0x97: {  	[sflag:s5] =	ssyncset.done $0x0  }
0x98: {  	s11 =	simm.s32 $0x13A80;
	[sflag:s5] =	ssyncadd.s32 $0xFFFFD800  }
0x99: {  	[tilespmem:s30], [sflag:$0x2] =	stream.indirect.gather [hbm4b:s1+s26], $0x80, s11, s26, $0xb8;
	[tilespmem:$0x1E880] =	vst v63  }
0x9a: {  	s12 =	simm.s32 $0x15580  }
0x9b: {  	[spmem:s2] =	stream.indirect.scatter.add.f32 [tilespmem:s0], [sflag:$0x4], $0x80, s12, s26, $0xb8;
	[tilespmem:$0x1E880] =	vst v63  }
0x9c: {  	_ =	swait.ge [sflag:s24], $0x2800  }
0x9d: {  	s10 =	simm.s32 $0x600;
	[sflag:s24] =	ssyncset.done $0x0  }
.LBB2_4:
0x9e: {  	p1 =	sne.s32 s10, $0x5A00  }
0x9f: {  	[sflag:s24] =	ssyncadd.s32 $0xFFFFD800;
	s11 =	smov.u32 s10;
	s10 =	sadd.s32 $0x600, s10  }
0xa0: {  	_ = 	snop  }
0xa1: {  	_ =	swait.ge [sflag:s31], $0x2800  }
0xa2: {  	s11 =	sshra.s32 s11, $0x2;
	[sflag:s31] =	ssyncset.done $0x0  }
0xa3: {  	s12 =	sadd.s32 $0x13980, s11;
	[sflag:s31] =	ssyncadd.s32 $0xFFFFD800  }
0xa4: {  	[tilespmem:s0], [sflag:$0x3] =	stream.indirect.gather [hbm4b:s1+s26], $0x80, s12, s26, $0xb8;
	[tilespmem:$0x1E880] =	vst v63  }
0xa5: {  	s12 =	sadd.s32 $0x15480, s11  }
0xa6: {  	[spmem:s2] =	stream.indirect.scatter.add.f32 [tilespmem:s28], [sflag:$0x5], $0x80, s12, s26, $0xb8;
	[tilespmem:$0x1E880] =	vst v63  }
0xa7: {  	_ =	swait.ge [sflag:s3], $0x2800  }
0xa8: {  	[sflag:s3] =	ssyncset.done $0x0  }
0xa9: {  	[sflag:s3] =	ssyncadd.s32 $0xFFFFD800  }
0xaa: {  	_ =	swait.ge [sflag:s4], $0x2800  }
0xab: {  	[sflag:s4] =	ssyncset.done $0x0  }
0xac: {  	s12 =	sadd.s32 $0x13A00, s11;
	[sflag:s4] =	ssyncadd.s32 $0xFFFFD800  }
0xad: {  	[tilespmem:s28], [sflag:$0x1] =	stream.indirect.gather [hbm4b:s1+s26], $0x80, s12, s26, $0xb8;
	[tilespmem:$0x1E880] =	vst v63  }
0xae: {  	s12 =	sadd.s32 $0x15500, s11  }
0xaf: {  	[spmem:s2] =	stream.indirect.scatter.add.f32 [tilespmem:s30], [sflag:$0x5], $0x80, s12, s26, $0xb8;
	[tilespmem:$0x1E880] =	vst v63  }
0xb0: {  	_ =	swait.ge [sflag:s3], $0x2800  }
0xb1: {  	[sflag:s3] =	ssyncset.done $0x0  }
0xb2: {  	[sflag:s3] =	ssyncadd.s32 $0xFFFFD800  }
0xb3: {  	_ =	swait.ge [sflag:s5], $0x2800  }
0xb4: {  	[sflag:s5] =	ssyncset.done $0x0  }
0xb5: {  	s12 =	sadd.s32 $0x13A80, s11;
	[sflag:s5] =	ssyncadd.s32 $0xFFFFD800  }
0xb6: {  	[tilespmem:s30], [sflag:$0x2] =	stream.indirect.gather [hbm4b:s1+s26], $0x80, s12, s26, $0xb8;
	[tilespmem:$0x1E880] =	vst v63  }
.Ltmp1:
0xb7: {  	_ = 	snop;
	(pc) =	sbr.rel @p1 .LBB2_4-.Ltmp1, $4  }
0xb8: {  	s11 =	sadd.s32 $0x15580, s11  }
0xb9: {  	[spmem:s2] =	stream.indirect.scatter.add.f32 [tilespmem:s0], [sflag:$0x4], $0x80, s11, s26, $0xb8;
	[tilespmem:$0x1E880] =	vst v63  }
0xba: {  	_ =	swait.ge [sflag:s24], $0x2800  }
0xbb: {  	[sflag:s24] =	ssyncset.done $0x0  }
0xbc: {  	[sflag:s24] =	ssyncadd.s32 $0xFFFFD800  }
0xbd: {  	_ =	swait.ge [sflag:s31], $0x2800  }
0xbe: {  	[sflag:s31] =	ssyncset.done $0x0  }
0xbf: {  	[sflag:s31] =	ssyncadd.s32 $0xFFFFD800  }
0xc0: {  	[spmem:s2] =	stream.indirect.scatter.add.f32 [tilespmem:s28], [sflag:$0x5], $0x80, s6, s26, $0xb8;
	[tilespmem:$0x1E880] =	vst v63  }
0xc1: {  	_ =	swait.ge [sflag:s3], $0x2800  }
0xc2: {  	[sflag:s3] =	ssyncset.done $0x0  }
0xc3: {  	[sflag:s3] =	ssyncadd.s32 $0xFFFFD800  }
0xc4: {  	_ =	swait.ge [sflag:s4], $0x2800  }
0xc5: {  	[sflag:s4] =	ssyncset.done $0x0  }
0xc6: {  	[sflag:s4] =	ssyncadd.s32 $0xFFFFD800  }
0xc7: {  	[spmem:s2] =	stream.indirect.scatter.add.f32 [tilespmem:s30], [sflag:$0x5], $0x80, s7, s26, $0xb8;
	[tilespmem:$0x1E880] =	vst v63  }
0xc8: {  	_ =	swait.ge [sflag:s3], $0x2800  }
0xc9: {  	[sflag:s3] =	ssyncset.done $0x0  }
0xca: {  	s10 =	simm.s32 $0x0;
	[sflag:s3] =	ssyncadd.s32 $0xFFFFD800  }
0xcb: {  	[tilespmem:s23], [sflag:$0x4] =	stream.linear.gather [hbm4b:s14+s10], $0x1900, $0x38;
	[tilespmem:$0x1E880] =	vst v63  }
0xcc: {  	_ =	swait.ge [sflag:s24], $0x1900  }
0xcd: {  	[sflag:s24] =	ssyncset.done $0x0  }
0xce: {  	[sflag:s24] =	ssyncadd.s32 $0xFFFFE700  }
0xcf: {  	[tilespmem:s25], [sflag:$0x4] =	stream.linear.gather [hbm4b:s15+s10], $0x1900, $0x38;
	[tilespmem:$0x1E880] =	vst v63  }
0xd0: {  	_ =	swait.ge [sflag:s24], $0x1900  }
0xd1: {  	[sflag:s24] =	ssyncset.done $0x0  }
0xd2: {  	[sflag:s24] =	ssyncadd.s32 $0xFFFFE700  }
0xd3: {  	[tilespmem:s28], [sflag:$0x1] =	stream.indirect.gather [hbm4b:s1+s26], $0x80, s23, s26, $0xb8;
	[tilespmem:$0x1E880] =	vst v63  }
0xd4: {  	_ = 	snop  }
0xd5: {  	[tilespmem:s30], [sflag:$0x2] =	stream.indirect.gather [hbm4b:s1+s26], $0x80, s29, s26, $0xb8;
	[tilespmem:$0x1E880] =	vst v63  }
0xd6: {  	_ =	swait.ge [sflag:s31], $0x2800  }
0xd7: {  	[sflag:s31] =	ssyncset.done $0x0  }
0xd8: {  	s11 =	simm.s32 $0x13980;
	[sflag:s31] =	ssyncadd.s32 $0xFFFFD800  }
0xd9: {  	[tilespmem:s0], [sflag:$0x3] =	stream.indirect.gather [hbm4b:s1+s26], $0x80, s11, s26, $0xb8;
	[tilespmem:$0x1E880] =	vst v63  }
0xda: {  	s12 =	simm.s32 $0x15480  }
0xdb: {  	[spmem:s2] =	stream.indirect.scatter.add.f32 [tilespmem:s28], [sflag:$0x5], $0x80, s12, s26, $0xb8;
	[tilespmem:$0x1E880] =	vst v63  }
0xdc: {  	_ =	swait.ge [sflag:s3], $0x2800  }
0xdd: {  	[sflag:s3] =	ssyncset.done $0x0  }
0xde: {  	[sflag:s3] =	ssyncadd.s32 $0xFFFFD800  }
0xdf: {  	_ =	swait.ge [sflag:s4], $0x2800  }
0xe0: {  	[sflag:s4] =	ssyncset.done $0x0  }
0xe1: {  	s11 =	simm.s32 $0x13A00;
	[sflag:s4] =	ssyncadd.s32 $0xFFFFD800  }
0xe2: {  	[tilespmem:s28], [sflag:$0x1] =	stream.indirect.gather [hbm4b:s1+s26], $0x80, s11, s26, $0xb8;
	[tilespmem:$0x1E880] =	vst v63  }
0xe3: {  	s12 =	simm.s32 $0x15500  }
0xe4: {  	[spmem:s2] =	stream.indirect.scatter.add.f32 [tilespmem:s30], [sflag:$0x5], $0x80, s12, s26, $0xb8;
	[tilespmem:$0x1E880] =	vst v63  }
0xe5: {  	_ =	swait.ge [sflag:s3], $0x2800  }
0xe6: {  	[sflag:s3] =	ssyncset.done $0x0  }
0xe7: {  	[sflag:s3] =	ssyncadd.s32 $0xFFFFD800  }
0xe8: {  	_ =	swait.ge [sflag:s5], $0x2800  }
0xe9: {  	[sflag:s5] =	ssyncset.done $0x0  }
0xea: {  	s11 =	simm.s32 $0x13A80;
	[sflag:s5] =	ssyncadd.s32 $0xFFFFD800  }
0xeb: {  	[tilespmem:s30], [sflag:$0x2] =	stream.indirect.gather [hbm4b:s1+s26], $0x80, s11, s26, $0xb8;
	[tilespmem:$0x1E880] =	vst v63  }
0xec: {  	s12 =	simm.s32 $0x15580  }
0xed: {  	[spmem:s2] =	stream.indirect.scatter.add.f32 [tilespmem:s0], [sflag:$0x4], $0x80, s12, s26, $0xb8;
	[tilespmem:$0x1E880] =	vst v63  }
0xee: {  	_ =	swait.ge [sflag:s24], $0x2800  }
0xef: {  	s10 =	simm.s32 $0x600;
	[sflag:s24] =	ssyncset.done $0x0  }
.LBB2_6:
0xf0: {  	p1 =	sne.s32 s10, $0x5A00  }
0xf1: {  	[sflag:s24] =	ssyncadd.s32 $0xFFFFD800;
	s11 =	smov.u32 s10;
	s10 =	sadd.s32 $0x600, s10  }
0xf2: {  	_ = 	snop  }
0xf3: {  	_ =	swait.ge [sflag:s31], $0x2800  }
0xf4: {  	s11 =	sshra.s32 s11, $0x2;
	[sflag:s31] =	ssyncset.done $0x0  }
0xf5: {  	s12 =	sadd.s32 $0x13980, s11;
	[sflag:s31] =	ssyncadd.s32 $0xFFFFD800  }
0xf6: {  	[tilespmem:s0], [sflag:$0x3] =	stream.indirect.gather [hbm4b:s1+s26], $0x80, s12, s26, $0xb8;
	[tilespmem:$0x1E880] =	vst v63  }
0xf7: {  	s12 =	sadd.s32 $0x15480, s11  }
0xf8: {  	[spmem:s2] =	stream.indirect.scatter.add.f32 [tilespmem:s28], [sflag:$0x5], $0x80, s12, s26, $0xb8;
	[tilespmem:$0x1E880] =	vst v63  }
0xf9: {  	_ =	swait.ge [sflag:s3], $0x2800  }
0xfa: {  	[sflag:s3] =	ssyncset.done $0x0  }
0xfb: {  	[sflag:s3] =	ssyncadd.s32 $0xFFFFD800  }
0xfc: {  	_ =	swait.ge [sflag:s4], $0x2800  }
0xfd: {  	[sflag:s4] =	ssyncset.done $0x0  }
0xfe: {  	s12 =	sadd.s32 $0x13A00, s11;
	[sflag:s4] =	ssyncadd.s32 $0xFFFFD800  }
0xff: {  	[tilespmem:s28], [sflag:$0x1] =	stream.indirect.gather [hbm4b:s1+s26], $0x80, s12, s26, $0xb8;
	[tilespmem:$0x1E880] =	vst v63  }
0x100: {  	s12 =	sadd.s32 $0x15500, s11  }
0x101: {  	[spmem:s2] =	stream.indirect.scatter.add.f32 [tilespmem:s30], [sflag:$0x5], $0x80, s12, s26, $0xb8;
	[tilespmem:$0x1E880] =	vst v63  }
0x102: {  	_ =	swait.ge [sflag:s3], $0x2800  }
0x103: {  	[sflag:s3] =	ssyncset.done $0x0  }
0x104: {  	[sflag:s3] =	ssyncadd.s32 $0xFFFFD800  }
0x105: {  	_ =	swait.ge [sflag:s5], $0x2800  }
0x106: {  	[sflag:s5] =	ssyncset.done $0x0  }
0x107: {  	s12 =	sadd.s32 $0x13A80, s11;
	[sflag:s5] =	ssyncadd.s32 $0xFFFFD800  }
0x108: {  	[tilespmem:s30], [sflag:$0x2] =	stream.indirect.gather [hbm4b:s1+s26], $0x80, s12, s26, $0xb8;
	[tilespmem:$0x1E880] =	vst v63  }
.Ltmp2:
0x109: {  	_ = 	snop;
	(pc) =	sbr.rel @p1 .LBB2_6-.Ltmp2, $4  }
0x10a: {  	s11 =	sadd.s32 $0x15580, s11  }
0x10b: {  	[spmem:s2] =	stream.indirect.scatter.add.f32 [tilespmem:s0], [sflag:$0x4], $0x80, s11, s26, $0xb8;
	[tilespmem:$0x1E880] =	vst v63  }
0x10c: {  	_ =	swait.ge [sflag:s24], $0x2800  }
0x10d: {  	[sflag:s24] =	ssyncset.done $0x0  }
0x10e: {  	[sflag:s24] =	ssyncadd.s32 $0xFFFFD800  }
0x10f: {  	_ =	swait.ge [sflag:s31], $0x2800  }
0x110: {  	[sflag:s31] =	ssyncset.done $0x0  }
0x111: {  	[sflag:s31] =	ssyncadd.s32 $0xFFFFD800  }
0x112: {  	[spmem:s2] =	stream.indirect.scatter.add.f32 [tilespmem:s28], [sflag:$0x5], $0x80, s6, s26, $0xb8;
	[tilespmem:$0x1E880] =	vst v63  }
0x113: {  	_ =	swait.ge [sflag:s3], $0x2800  }
0x114: {  	[sflag:s3] =	ssyncset.done $0x0  }
0x115: {  	[sflag:s3] =	ssyncadd.s32 $0xFFFFD800  }
0x116: {  	_ =	swait.ge [sflag:s4], $0x2800  }
0x117: {  	[sflag:s4] =	ssyncset.done $0x0  }
0x118: {  	[sflag:s4] =	ssyncadd.s32 $0xFFFFD800  }
0x119: {  	[spmem:s2] =	stream.indirect.scatter.add.f32 [tilespmem:s30], [sflag:$0x5], $0x80, s7, s26, $0xb8;
	[tilespmem:$0x1E880] =	vst v63  }
0x11a: {  	_ =	swait.ge [sflag:s3], $0x2800  }
0x11b: {  	[sflag:s3] =	ssyncset.done $0x0  }
0x11c: {  	s10 =	simm.s32 $0x0;
	[sflag:s3] =	ssyncadd.s32 $0xFFFFD800  }
0x11d: {  	[tilespmem:s23], [sflag:$0x4] =	stream.linear.gather [hbm4b:s16+s10], $0x1900, $0x38;
	[tilespmem:$0x1E880] =	vst v63  }
0x11e: {  	_ =	swait.ge [sflag:s24], $0x1900  }
0x11f: {  	[sflag:s24] =	ssyncset.done $0x0  }
0x120: {  	[sflag:s24] =	ssyncadd.s32 $0xFFFFE700  }
0x121: {  	[tilespmem:s25], [sflag:$0x4] =	stream.linear.gather [hbm4b:s17+s10], $0x1900, $0x38;
	[tilespmem:$0x1E880] =	vst v63  }
0x122: {  	_ =	swait.ge [sflag:s24], $0x1900  }
0x123: {  	[sflag:s24] =	ssyncset.done $0x0  }
0x124: {  	[sflag:s24] =	ssyncadd.s32 $0xFFFFE700  }
0x125: {  	[tilespmem:s28], [sflag:$0x1] =	stream.indirect.gather [hbm4b:s1+s26], $0x80, s23, s26, $0xb8;
	[tilespmem:$0x1E880] =	vst v63  }
0x126: {  	_ = 	snop  }
0x127: {  	[tilespmem:s30], [sflag:$0x2] =	stream.indirect.gather [hbm4b:s1+s26], $0x80, s29, s26, $0xb8;
	[tilespmem:$0x1E880] =	vst v63  }
0x128: {  	_ =	swait.ge [sflag:s31], $0x2800  }
0x129: {  	[sflag:s31] =	ssyncset.done $0x0  }
0x12a: {  	s11 =	simm.s32 $0x13980;
	[sflag:s31] =	ssyncadd.s32 $0xFFFFD800  }
0x12b: {  	[tilespmem:s0], [sflag:$0x3] =	stream.indirect.gather [hbm4b:s1+s26], $0x80, s11, s26, $0xb8;
	[tilespmem:$0x1E880] =	vst v63  }
0x12c: {  	s12 =	simm.s32 $0x15480  }
0x12d: {  	[spmem:s2] =	stream.indirect.scatter.add.f32 [tilespmem:s28], [sflag:$0x5], $0x80, s12, s26, $0xb8;
	[tilespmem:$0x1E880] =	vst v63  }
0x12e: {  	_ =	swait.ge [sflag:s3], $0x2800  }
0x12f: {  	[sflag:s3] =	ssyncset.done $0x0  }
0x130: {  	[sflag:s3] =	ssyncadd.s32 $0xFFFFD800  }
0x131: {  	_ =	swait.ge [sflag:s4], $0x2800  }
0x132: {  	[sflag:s4] =	ssyncset.done $0x0  }
0x133: {  	s11 =	simm.s32 $0x13A00;
	[sflag:s4] =	ssyncadd.s32 $0xFFFFD800  }
0x134: {  	[tilespmem:s28], [sflag:$0x1] =	stream.indirect.gather [hbm4b:s1+s26], $0x80, s11, s26, $0xb8;
	[tilespmem:$0x1E880] =	vst v63  }
0x135: {  	s12 =	simm.s32 $0x15500  }
0x136: {  	[spmem:s2] =	stream.indirect.scatter.add.f32 [tilespmem:s30], [sflag:$0x5], $0x80, s12, s26, $0xb8;
	[tilespmem:$0x1E880] =	vst v63  }
0x137: {  	_ =	swait.ge [sflag:s3], $0x2800  }
0x138: {  	[sflag:s3] =	ssyncset.done $0x0  }
0x139: {  	[sflag:s3] =	ssyncadd.s32 $0xFFFFD800  }
0x13a: {  	_ =	swait.ge [sflag:s5], $0x2800  }
0x13b: {  	[sflag:s5] =	ssyncset.done $0x0  }
0x13c: {  	s11 =	simm.s32 $0x13A80;
	[sflag:s5] =	ssyncadd.s32 $0xFFFFD800  }
0x13d: {  	[tilespmem:s30], [sflag:$0x2] =	stream.indirect.gather [hbm4b:s1+s26], $0x80, s11, s26, $0xb8;
	[tilespmem:$0x1E880] =	vst v63  }
0x13e: {  	s12 =	simm.s32 $0x15580  }
0x13f: {  	[spmem:s2] =	stream.indirect.scatter.add.f32 [tilespmem:s0], [sflag:$0x4], $0x80, s12, s26, $0xb8;
	[tilespmem:$0x1E880] =	vst v63  }
0x140: {  	_ =	swait.ge [sflag:s24], $0x2800  }
0x141: {  	s10 =	simm.s32 $0x600;
	[sflag:s24] =	ssyncset.done $0x0  }
.LBB2_8:
0x142: {  	p1 =	sne.s32 s10, $0x5A00  }
0x143: {  	[sflag:s24] =	ssyncadd.s32 $0xFFFFD800;
	s11 =	smov.u32 s10;
	s10 =	sadd.s32 $0x600, s10  }
0x144: {  	_ = 	snop  }
0x145: {  	_ =	swait.ge [sflag:s31], $0x2800  }
0x146: {  	s11 =	sshra.s32 s11, $0x2;
	[sflag:s31] =	ssyncset.done $0x0  }
0x147: {  	s12 =	sadd.s32 $0x13980, s11;
	[sflag:s31] =	ssyncadd.s32 $0xFFFFD800  }
0x148: {  	[tilespmem:s0], [sflag:$0x3] =	stream.indirect.gather [hbm4b:s1+s26], $0x80, s12, s26, $0xb8;
	[tilespmem:$0x1E880] =	vst v63  }
0x149: {  	s12 =	sadd.s32 $0x15480, s11  }
0x14a: {  	[spmem:s2] =	stream.indirect.scatter.add.f32 [tilespmem:s28], [sflag:$0x5], $0x80, s12, s26, $0xb8;
	[tilespmem:$0x1E880] =	vst v63  }
0x14b: {  	_ =	swait.ge [sflag:s3], $0x2800  }
0x14c: {  	[sflag:s3] =	ssyncset.done $0x0  }
0x14d: {  	[sflag:s3] =	ssyncadd.s32 $0xFFFFD800  }
0x14e: {  	_ =	swait.ge [sflag:s4], $0x2800  }
0x14f: {  	[sflag:s4] =	ssyncset.done $0x0  }
0x150: {  	s12 =	sadd.s32 $0x13A00, s11;
	[sflag:s4] =	ssyncadd.s32 $0xFFFFD800  }
0x151: {  	[tilespmem:s28], [sflag:$0x1] =	stream.indirect.gather [hbm4b:s1+s26], $0x80, s12, s26, $0xb8;
	[tilespmem:$0x1E880] =	vst v63  }
0x152: {  	s12 =	sadd.s32 $0x15500, s11  }
0x153: {  	[spmem:s2] =	stream.indirect.scatter.add.f32 [tilespmem:s30], [sflag:$0x5], $0x80, s12, s26, $0xb8;
	[tilespmem:$0x1E880] =	vst v63  }
0x154: {  	_ =	swait.ge [sflag:s3], $0x2800  }
0x155: {  	[sflag:s3] =	ssyncset.done $0x0  }
0x156: {  	[sflag:s3] =	ssyncadd.s32 $0xFFFFD800  }
0x157: {  	_ =	swait.ge [sflag:s5], $0x2800  }
0x158: {  	[sflag:s5] =	ssyncset.done $0x0  }
0x159: {  	s12 =	sadd.s32 $0x13A80, s11;
	[sflag:s5] =	ssyncadd.s32 $0xFFFFD800  }
0x15a: {  	[tilespmem:s30], [sflag:$0x2] =	stream.indirect.gather [hbm4b:s1+s26], $0x80, s12, s26, $0xb8;
	[tilespmem:$0x1E880] =	vst v63  }
.Ltmp3:
0x15b: {  	_ = 	snop;
	(pc) =	sbr.rel @p1 .LBB2_8-.Ltmp3, $4  }
0x15c: {  	s11 =	sadd.s32 $0x15580, s11  }
0x15d: {  	[spmem:s2] =	stream.indirect.scatter.add.f32 [tilespmem:s0], [sflag:$0x4], $0x80, s11, s26, $0xb8;
	[tilespmem:$0x1E880] =	vst v63  }
0x15e: {  	_ =	swait.ge [sflag:s24], $0x2800  }
0x15f: {  	[sflag:s24] =	ssyncset.done $0x0  }
0x160: {  	[sflag:s24] =	ssyncadd.s32 $0xFFFFD800  }
0x161: {  	_ =	swait.ge [sflag:s31], $0x2800  }
0x162: {  	[sflag:s31] =	ssyncset.done $0x0  }
0x163: {  	[sflag:s31] =	ssyncadd.s32 $0xFFFFD800  }
0x164: {  	[spmem:s2] =	stream.indirect.scatter.add.f32 [tilespmem:s28], [sflag:$0x5], $0x80, s6, s26, $0xb8;
	[tilespmem:$0x1E880] =	vst v63  }
0x165: {  	_ =	swait.ge [sflag:s3], $0x2800  }
0x166: {  	[sflag:s3] =	ssyncset.done $0x0  }
0x167: {  	[sflag:s3] =	ssyncadd.s32 $0xFFFFD800  }
0x168: {  	_ =	swait.ge [sflag:s4], $0x2800  }
0x169: {  	[sflag:s4] =	ssyncset.done $0x0  }
0x16a: {  	[sflag:s4] =	ssyncadd.s32 $0xFFFFD800  }
0x16b: {  	[spmem:s2] =	stream.indirect.scatter.add.f32 [tilespmem:s30], [sflag:$0x5], $0x80, s7, s26, $0xb8;
	[tilespmem:$0x1E880] =	vst v63  }
0x16c: {  	_ =	swait.ge [sflag:s3], $0x2800  }
0x16d: {  	[sflag:s3] =	ssyncset.done $0x0  }
0x16e: {  	s10 =	simm.s32 $0x0;
	[sflag:s3] =	ssyncadd.s32 $0xFFFFD800  }
0x16f: {  	[tilespmem:s23], [sflag:$0x4] =	stream.linear.gather [hbm4b:s18+s10], $0x1900, $0x38;
	[tilespmem:$0x1E880] =	vst v63  }
0x170: {  	_ =	swait.ge [sflag:s24], $0x1900  }
0x171: {  	[sflag:s24] =	ssyncset.done $0x0  }
0x172: {  	[sflag:s24] =	ssyncadd.s32 $0xFFFFE700  }
0x173: {  	[tilespmem:s25], [sflag:$0x4] =	stream.linear.gather [hbm4b:s19+s10], $0x1900, $0x38;
	[tilespmem:$0x1E880] =	vst v63  }
0x174: {  	_ =	swait.ge [sflag:s24], $0x1900  }
0x175: {  	[sflag:s24] =	ssyncset.done $0x0  }
0x176: {  	[sflag:s24] =	ssyncadd.s32 $0xFFFFE700  }
0x177: {  	[tilespmem:s28], [sflag:$0x1] =	stream.indirect.gather [hbm4b:s1+s26], $0x80, s23, s26, $0xb8;
	[tilespmem:$0x1E880] =	vst v63  }
0x178: {  	_ = 	snop  }
0x179: {  	[tilespmem:s30], [sflag:$0x2] =	stream.indirect.gather [hbm4b:s1+s26], $0x80, s29, s26, $0xb8;
	[tilespmem:$0x1E880] =	vst v63  }
0x17a: {  	_ =	swait.ge [sflag:s31], $0x2800  }
0x17b: {  	[sflag:s31] =	ssyncset.done $0x0  }
0x17c: {  	s11 =	simm.s32 $0x13980;
	[sflag:s31] =	ssyncadd.s32 $0xFFFFD800  }
0x17d: {  	[tilespmem:s0], [sflag:$0x3] =	stream.indirect.gather [hbm4b:s1+s26], $0x80, s11, s26, $0xb8;
	[tilespmem:$0x1E880] =	vst v63  }
0x17e: {  	s12 =	simm.s32 $0x15480  }
0x17f: {  	[spmem:s2] =	stream.indirect.scatter.add.f32 [tilespmem:s28], [sflag:$0x5], $0x80, s12, s26, $0xb8;
	[tilespmem:$0x1E880] =	vst v63  }
0x180: {  	_ =	swait.ge [sflag:s3], $0x2800  }
0x181: {  	[sflag:s3] =	ssyncset.done $0x0  }
0x182: {  	[sflag:s3] =	ssyncadd.s32 $0xFFFFD800  }
0x183: {  	_ =	swait.ge [sflag:s4], $0x2800  }
0x184: {  	[sflag:s4] =	ssyncset.done $0x0  }
0x185: {  	s11 =	simm.s32 $0x13A00;
	[sflag:s4] =	ssyncadd.s32 $0xFFFFD800  }
0x186: {  	[tilespmem:s28], [sflag:$0x1] =	stream.indirect.gather [hbm4b:s1+s26], $0x80, s11, s26, $0xb8;
	[tilespmem:$0x1E880] =	vst v63  }
0x187: {  	s12 =	simm.s32 $0x15500  }
0x188: {  	[spmem:s2] =	stream.indirect.scatter.add.f32 [tilespmem:s30], [sflag:$0x5], $0x80, s12, s26, $0xb8;
	[tilespmem:$0x1E880] =	vst v63  }
0x189: {  	_ =	swait.ge [sflag:s3], $0x2800  }
0x18a: {  	[sflag:s3] =	ssyncset.done $0x0  }
0x18b: {  	[sflag:s3] =	ssyncadd.s32 $0xFFFFD800  }
0x18c: {  	_ =	swait.ge [sflag:s5], $0x2800  }
0x18d: {  	[sflag:s5] =	ssyncset.done $0x0  }
0x18e: {  	s11 =	simm.s32 $0x13A80;
	[sflag:s5] =	ssyncadd.s32 $0xFFFFD800  }
0x18f: {  	[tilespmem:s30], [sflag:$0x2] =	stream.indirect.gather [hbm4b:s1+s26], $0x80, s11, s26, $0xb8;
	[tilespmem:$0x1E880] =	vst v63  }
0x190: {  	s12 =	simm.s32 $0x15580  }
0x191: {  	[spmem:s2] =	stream.indirect.scatter.add.f32 [tilespmem:s0], [sflag:$0x4], $0x80, s12, s26, $0xb8;
	[tilespmem:$0x1E880] =	vst v63  }
0x192: {  	_ =	swait.ge [sflag:s24], $0x2800  }
0x193: {  	s10 =	simm.s32 $0x600;
	[sflag:s24] =	ssyncset.done $0x0  }
.LBB2_10:
0x194: {  	p1 =	sne.s32 s10, $0x5A00  }
0x195: {  	[sflag:s24] =	ssyncadd.s32 $0xFFFFD800;
	s11 =	smov.u32 s10;
	s10 =	sadd.s32 $0x600, s10  }
0x196: {  	_ = 	snop  }
0x197: {  	_ =	swait.ge [sflag:s31], $0x2800  }
0x198: {  	s11 =	sshra.s32 s11, $0x2;
	[sflag:s31] =	ssyncset.done $0x0  }
0x199: {  	s12 =	sadd.s32 $0x13980, s11;
	[sflag:s31] =	ssyncadd.s32 $0xFFFFD800  }
0x19a: {  	[tilespmem:s0], [sflag:$0x3] =	stream.indirect.gather [hbm4b:s1+s26], $0x80, s12, s26, $0xb8;
	[tilespmem:$0x1E880] =	vst v63  }
0x19b: {  	s12 =	sadd.s32 $0x15480, s11  }
0x19c: {  	[spmem:s2] =	stream.indirect.scatter.add.f32 [tilespmem:s28], [sflag:$0x5], $0x80, s12, s26, $0xb8;
	[tilespmem:$0x1E880] =	vst v63  }
0x19d: {  	_ =	swait.ge [sflag:s3], $0x2800  }
0x19e: {  	[sflag:s3] =	ssyncset.done $0x0  }
0x19f: {  	[sflag:s3] =	ssyncadd.s32 $0xFFFFD800  }
0x1a0: {  	_ =	swait.ge [sflag:s4], $0x2800  }
0x1a1: {  	[sflag:s4] =	ssyncset.done $0x0  }
0x1a2: {  	s12 =	sadd.s32 $0x13A00, s11;
	[sflag:s4] =	ssyncadd.s32 $0xFFFFD800  }
0x1a3: {  	[tilespmem:s28], [sflag:$0x1] =	stream.indirect.gather [hbm4b:s1+s26], $0x80, s12, s26, $0xb8;
	[tilespmem:$0x1E880] =	vst v63  }
0x1a4: {  	s12 =	sadd.s32 $0x15500, s11  }
0x1a5: {  	[spmem:s2] =	stream.indirect.scatter.add.f32 [tilespmem:s30], [sflag:$0x5], $0x80, s12, s26, $0xb8;
	[tilespmem:$0x1E880] =	vst v63  }
0x1a6: {  	_ =	swait.ge [sflag:s3], $0x2800  }
0x1a7: {  	[sflag:s3] =	ssyncset.done $0x0  }
0x1a8: {  	[sflag:s3] =	ssyncadd.s32 $0xFFFFD800  }
0x1a9: {  	_ =	swait.ge [sflag:s5], $0x2800  }
0x1aa: {  	[sflag:s5] =	ssyncset.done $0x0  }
0x1ab: {  	s12 =	sadd.s32 $0x13A80, s11;
	[sflag:s5] =	ssyncadd.s32 $0xFFFFD800  }
0x1ac: {  	[tilespmem:s30], [sflag:$0x2] =	stream.indirect.gather [hbm4b:s1+s26], $0x80, s12, s26, $0xb8;
	[tilespmem:$0x1E880] =	vst v63  }
.Ltmp4:
0x1ad: {  	_ = 	snop;
	(pc) =	sbr.rel @p1 .LBB2_10-.Ltmp4, $4  }
0x1ae: {  	s11 =	sadd.s32 $0x15580, s11  }
0x1af: {  	[spmem:s2] =	stream.indirect.scatter.add.f32 [tilespmem:s0], [sflag:$0x4], $0x80, s11, s26, $0xb8;
	[tilespmem:$0x1E880] =	vst v63  }
0x1b0: {  	_ =	swait.ge [sflag:s24], $0x2800  }
0x1b1: {  	[sflag:s24] =	ssyncset.done $0x0  }
0x1b2: {  	[sflag:s24] =	ssyncadd.s32 $0xFFFFD800  }
0x1b3: {  	_ =	swait.ge [sflag:s31], $0x2800  }
0x1b4: {  	[sflag:s31] =	ssyncset.done $0x0  }
0x1b5: {  	[sflag:s31] =	ssyncadd.s32 $0xFFFFD800  }
0x1b6: {  	[spmem:s2] =	stream.indirect.scatter.add.f32 [tilespmem:s28], [sflag:$0x5], $0x80, s6, s26, $0xb8;
	[tilespmem:$0x1E880] =	vst v63  }
0x1b7: {  	_ =	swait.ge [sflag:s3], $0x2800  }
0x1b8: {  	[sflag:s3] =	ssyncset.done $0x0  }
0x1b9: {  	[sflag:s3] =	ssyncadd.s32 $0xFFFFD800  }
0x1ba: {  	_ =	swait.ge [sflag:s4], $0x2800  }
0x1bb: {  	[sflag:s4] =	ssyncset.done $0x0  }
0x1bc: {  	[sflag:s4] =	ssyncadd.s32 $0xFFFFD800  }
0x1bd: {  	[spmem:s2] =	stream.indirect.scatter.add.f32 [tilespmem:s30], [sflag:$0x5], $0x80, s7, s26, $0xb8;
	[tilespmem:$0x1E880] =	vst v63  }
0x1be: {  	_ =	swait.ge [sflag:s3], $0x2800  }
0x1bf: {  	[sflag:s3] =	ssyncset.done $0x0  }
0x1c0: {  	[sflag:s3] =	ssyncadd.s32 $0xFFFFD800  }
0x1c1: {  	[bflag:$0x0] =	sbarrier.arrive $0xFFFF  }
0x1c2: {  	s10 =	simm.s32 @p0 $0x1FC4;
	s11 =	rddreg [dreg:$0x7]  }
0x1c3: {  	[hbm:s11], [sflag:s10] =	dma.local @p0 [spmem:s20], $0x1900  }
0x1c4: {  	s10 =	simm.s32 @p0 $0x4  }
0x1c5: {  	_ =	swait.ge @p0 [sflag:s10], $0x1900  }
0x1c6: {  	[sflag:s10] =	ssyncset.done @p0 $0x0  }
0x1c7: {  	[sflag:s10] =	ssyncadd.s32 @p0 $0xFFFFE700;
	s10 =	rddreg [dreg:$0x6]  }
0x1c8: {  	[hbm:s10], [sflag:s21] =	dma.local @!p0 [spmem:s22], $0x2800  }
0x1c9: {  	s10 =	simm.s32 @!p0 $0x4  }
0x1ca: {  	_ =	swait.ge @!p0 [sflag:s10], $0x2800  }
0x1cb: {  	s8 =	sadd.s32 $0x1, s8;
	s12 =	rddreg [dreg:$0x8]  }
0x1cc: {  	p1 =	sne.s32 s8, s12  }
.Ltmp5:
0x1cd: {  	_ = 	snop;
	(pc) =	sbr.rel @p1 .LBB2_1-.Ltmp5, $3  }
0x1ce: {  	_ =	sdelay $0x1  }
0x1cf: {  	[sflag:s10] =	ssyncset.done @!p0 $0x0  }
0x1d0: {  	[sflag:s10] =	ssyncadd.s32 @!p0 $0xFFFFD800  }
0x1d1: {  	_ =	sfence.sel $0x180000  }
0x1d2: {  	[bflag:$0x0] =	sbarrier.arrive $0xFFFF  }
0x1d3: {  	_ =	strace $0x90000047  }
0x1d4: {  	s0 =	stileid.u32;
	[bflag:$0x2] =	sbarrier.arrive $0xFFFF  }
0x1d5: {  	p0 =	sne.s32 s0, $0x0;
	s0 =	rddreg [dreg:$0x3]  }
0x1d6: {  	s0 =	sadd.s32 @!p0 $0x100000, s0  }
0x1d7: {  	[sflag:s0] =	ssyncadd.tile.s32 @!p0 $0x1;
	_ =	shalt  }
.Lfunc_end2:
_tile_overlayer_lowered:
.L_overlay_start_2:
0x1d8: {  	(tag) =	ssettag $0x2  }
0x1d9: {  	s0 =	rddreg [dreg:$0x0];
	s2 =	stileid.u32  }
0x1da: {  	s1 =	rddreg [dreg:$0x1];
	p0 =	sne.s32 s2, $0x0  }
0x1db: {  	s3 =	rddreg [dreg:$0x2];
	[bflag:$0x3] =	sbarrier.arrive $0xFFFF;
	s2 =	simm.s32 @!p0 $0x1C04  }
0x1dc: {  	[timem:s3], [sflag:s2] =	dma.local @!p0 [hbm:s0], s1  }
0x1dd: {  	s0 =	simm.s32 @!p0 $0x4  }
0x1de: {  	_ =	swait.ge @!p0 [sflag:s0], s1  }
0x1df: {  	s1 =	ssub.s32 @!p0 $0x0, s1;
	[sflag:s0] =	ssyncset.done @!p0 $0x0  }
0x1e0: {  	[sflag:s0] =	ssyncadd.s32 @!p0 s1  }
0x1e1: {  	[bflag:$0x3] =	sbarrier.arrive $0xFFFF  }
0x1e2: {  	_ =	shalt  }

// kernel: kernel.9.cloned.1.call-start
scs
__scs_entry_jumppad:
0x0: {  	(pc) =	sbr.rel $0x88, $3  }
0x1: {  	(tag) =	ssettag $0x0;
	lr =	simm.s32 $0x1  }
0x2: {  	[smem:$0x3F8A] =	sst lr;
	_ =	strace $0xD0000000  }
0x3: {  	_ = 	snop  }
0x4: {  	_ = 	snop  }
0x5: {  	_ = 	snop  }
0x6: {  	_ = 	snop  }
0x7: {  	_ = 	snop  }
__scs_overlays_trampoline_lowered:
0x8: {  	[smem:$0x3F99] =	sst s0  }
0x9: {  	[smem:$0x3F9A] =	sst s1  }
0xa: {  	[smem:$0x3F9B] =	sst s2  }
0xb: {  	[smem:$0x3F9C] =	sst s3  }
0xc: {  	[smem:$0x3F9D] =	sst s4  }
0xd: {  	[smem:$0x3F9E] =	sst s5  }
0xe: {  	[smem:$0x3F9F] =	sst s6  }
0xf: {  	[smem:$0x3FA0] =	sst s7  }
0x10: {  	[smem:$0x3FA1] =	sst s8  }
0x11: {  	[smem:$0x3FA2] =	sst s9;
	s0 =	simm.s32 @!p0 $0x0  }
0x12: {  	s1 =	sld [smem:$0x3F88];
	s0 =	simm.s32 @p0 $0x1  }
0x13: {  	[smem:$0x3FA3] =	sst s0;
	s0 =	simm.s32 @!p1 $0x0  }
0x14: {  	s2 =	sld [smem:$0x3F87];
	s0 =	simm.s32 @p1 $0x1  }
0x15: {  	[smem:$0x3FA4] =	sst s0;
	s0 =	simm.s32 @!p2 $0x0  }
0x16: {  	s3 =	sld [smem:$0x3FDB];
	s0 =	simm.s32 @p2 $0x1  }
0x17: {  	s4 =	simm.s32 $0x1BF5;
	[smem:$0x3FA6] =	sst s0  }
0x18: {  	s0 =	sld [smem:$0x3F89];
	_ =	swait.ge [sflag:s4], $0x0  }
0x19: {  	s7 =	sld [smem:$0x3F8A]  }
0x1a: {  	s8 =	sadd.s32 $0xFFFFE003, lr  }
0x1b: {  	s9 =	sadd.s32 $0xFFFFFEF7, lr;
	s5 =	simm.s32 $0xFFFFFFFF;
	p2 =	slt.u32 s8, $0xFFFFF086  }
0x1c: {  	p1 =	slt.u32 s9, $0xF7A;
	s5 =	simm.s32 @!p2 $0x0  }
0x1d: {  	s5 =	simm.s32 @p1 $0x1;
	p0 =	seq.s32 s7, s2  }
0x1e: {  	s7 =	smul.u32 @!p0 $0xF7A, s2;
	p2 =	seq.s32 @!p0 s5, $0x0  }
0x1f: {  	s9 =	smul.u32 $0xF7A, s1;
	s8 =	simm.s32 @!p0 $0x1BF5;
	p2 =	por !p2, p0  }
0x20: {  	[sflag:s8] =	ssyncset.s32 @!p0 $0xFFFFF086;
	s6 =	sadd.s32 @!p0 s3, s7;
	s7 =	simm.s32 @!p0 $0x108  }
0x21: {  	s3 =	sadd.s32 s3, s9;
	s6 =	sadd.s32 @!p0 $0x88, s6;
	s7 =	simm.s32 @p2 $0x1082  }
0x22: {  	[simem:s7], [sflag:s8] =	dma.local @!p0 [hbm:s6], $0xF7A  }
0x23: {  	s9 =	sor.u32 $0xD0000000, s2;
	s6 =	simm.s32 $0x108;
	_ =	swait.ge @!p0 [sflag:s8], $0x0  }
0x24: {  	s3 =	sadd.s32 $0x88, s3;
	s6 =	simm.s32 @!p1 $0x1082;
	[sflag:s4] =	ssyncset.s32 $0xFFFFF086  }
0x25: {  	[simem:s6], [sflag:s4] =	dma.local [hbm:s3], $0xF7A  }
0x26: {  	[smem:$0x3F8A] =	sst s1;
	(tag) =	ssettag s2;
	_ =	strace s9  }
0x27: {  	s1 =	sld [smem:$0x3F9A]  }
0x28: {  	s2 =	sld [smem:$0x3F9B]  }
0x29: {  	s4 =	sld [smem:$0x3F9D]  }
0x2a: {  	p0 =	seq.s32 s5, $0x0;
	s5 =	sld [smem:$0x3F9E]  }
0x2b: {  	s6 =	sld [smem:$0x3F9F]  }
0x2c: {  	s7 =	sld [smem:$0x3FA0]  }
0x2d: {  	s3 =	simm.s32 $0x108;
	s8 =	sld [smem:$0x3FA1]  }
0x2e: {  	s3 =	simm.s32 @!p0 $0x1082;
	s9 =	sld [smem:$0x3FA2]  }
0x2f: {  	lr =	sadd.s32 s0, s3;
	s0 =	sld [smem:$0x3F99]  }
0x30: {  	s3 =	sld [smem:$0x3F9C]  }
0x31: {  	[smem:$0x3FA5] =	sst s10  }
0x32: {  	s10 =	sld [smem:$0x3FA3];
	_ =	sdelay $0x3  }
0x33: {  	p0 =	seq.s32 s10, $0x1;
	s10 =	sld [smem:$0x3FA5];
	_ =	sdelay $0x3  }
0x34: {  	[smem:$0x3FA5] =	sst s10  }
0x35: {  	s10 =	sld [smem:$0x3FA4];
	_ =	sdelay $0x3  }
0x36: {  	p1 =	seq.s32 s10, $0x1;
	s10 =	sld [smem:$0x3FA5];
	_ =	sdelay $0x3  }
0x37: {  	[smem:$0x3FA5] =	sst s10  }
0x38: {  	s10 =	sld [smem:$0x3FA6]  }
0x39: {  	_ = 	snop;
	(pc) =	sbr.ind lr, $3  }
0x3a: {  	_ = 	snop  }
0x3b: {  	_ = 	snop  }
0x3c: {  	p2 =	seq.s32 s10, $0x1;
	s10 =	sld [smem:$0x3FA5]  }
0x3d: {  	_ =	shalt  }
0x3e: {  	_ =	shalt  }
0x3f: {  	_ =	shalt  }
0x40: {  	_ =	shalt  }
0x41: {  	_ =	shalt  }
0x42: {  	_ =	shalt  }
0x43: {  	_ =	shalt  }
0x44: {  	_ =	shalt  }
0x45: {  	_ =	shalt  }
0x46: {  	_ =	shalt  }
0x47: {  	_ =	shalt  }
0x48: {  	_ =	shalt  }
0x49: {  	_ =	shalt  }
0x4a: {  	_ =	shalt  }
0x4b: {  	_ =	shalt  }
0x4c: {  	_ =	shalt  }
0x4d: {  	_ =	shalt  }
0x4e: {  	_ =	shalt  }
0x4f: {  	_ =	shalt  }
0x50: {  	_ =	shalt  }
0x51: {  	_ =	shalt  }
0x52: {  	_ =	shalt  }
0x53: {  	_ =	shalt  }
0x54: {  	_ =	shalt  }
0x55: {  	_ =	shalt  }
0x56: {  	_ =	shalt  }
0x57: {  	_ =	shalt  }
0x58: {  	_ =	shalt  }
0x59: {  	_ =	shalt  }
0x5a: {  	_ =	shalt  }
0x5b: {  	_ =	shalt  }
0x5c: {  	_ =	shalt  }
0x5d: {  	_ =	shalt  }
0x5e: {  	_ =	shalt  }
0x5f: {  	_ =	shalt  }
0x60: {  	_ =	shalt  }
0x61: {  	_ =	shalt  }
0x62: {  	_ =	shalt  }
0x63: {  	_ =	shalt  }
0x64: {  	_ =	shalt  }
0x65: {  	_ =	shalt  }
0x66: {  	_ =	shalt  }
0x67: {  	_ =	shalt  }
0x68: {  	_ =	shalt  }
0x69: {  	_ =	shalt  }
0x6a: {  	_ =	shalt  }
0x6b: {  	_ =	shalt  }
0x6c: {  	_ =	shalt  }
0x6d: {  	_ =	shalt  }
0x6e: {  	_ =	shalt  }
0x6f: {  	_ =	shalt  }
0x70: {  	_ =	shalt  }
0x71: {  	_ =	shalt  }
0x72: {  	_ =	shalt  }
0x73: {  	_ =	shalt  }
0x74: {  	_ =	shalt  }
0x75: {  	_ =	shalt  }
0x76: {  	_ =	shalt  }
0x77: {  	_ =	shalt  }
0x78: {  	_ =	shalt  }
0x79: {  	_ =	shalt  }
0x7a: {  	_ =	shalt  }
0x7b: {  	_ =	shalt  }
0x7c: {  	_ =	shalt  }
0x7d: {  	_ =	shalt  }
0x7e: {  	_ =	shalt  }
0x7f: {  	_ =	shalt  }
0x80: {  	_ =	shalt  }
0x81: {  	_ =	shalt  }
0x82: {  	_ =	shalt  }
0x83: {  	_ =	shalt  }
0x84: {  	_ =	shalt  }
0x85: {  	_ =	shalt  }
0x86: {  	_ =	shalt  }
0x87: {  	_ =	shalt  }
.Lfunc_end0:
.L_simem_size_0:
called_computation.1_lowered:
.L_overlay_start_0:
0x88: {  	s2 =	sld [smem:$0x3FD9]  }
0x89: {  	s3 =	sld [smem:$0x3FFE];
	_ =	sdelay $0x1  }
0x8a: {  	s1 =	srdreg.scid  }
0x8b: {  	s0 =	sand.u32 $0x1, s1  }
0x8c: {  	s17 =	sshll.u32 s0, $0xA;
	s2 =	sadd.s32 s3, s2  }
0x8d: {  	s2 =	sadd.s32 s2, s17  }
0x8e: {  	[smem:$0x3FB1] =	sst s2  }
0x8f: {  	_ = 	snop  }
0x90: {  	s18 =	sld [smem:$0x3FC9]  }
0x91: {  	s4 =	sld [smem:$0x3FD0];
	(tm) =	ssettm $0x1  }
0x92: {  	s19 =	sld [smem:$0x3FFB];
	_ =	sdelay $0x3  }
0x93: {  	_ =	strace s19  }
0x94: {  	s2 =	sld [smem:$0x3FFC];
	_ =	sdelay $0x3  }
0x95: {  	_ =	strace s2  }
0x96: {  	s2 =	sld [smem:$0x3FFD];
	_ =	sdelay $0x3  }
0x97: {  	_ =	strace s2  }
0x98: {  	_ =	strace $0x8FFFFFFF  }
0x99: {  	s20 =	sld [smem:$0x3FDB];
	_ =	sdelay $0x1  }
0x9a: {  	s5 =	simm.s32 $_scs_section_size  }
0x9b: {  	s6 =	simm.s32 $_size__tile_overlayer_lowered;
	s7 =	simm.s32 $_tile_overlayer_lowered  }
0x9c: {  	s8 =	simm.s32 $0x1BFF;
	s21 =	sshll.u32 s7, $0x1;
	s5 =	sadd.s32 s5, s20  }
0x9d: {  	s22 =	simm.s32 $0x0;
	s6 =	sshll.u32 s6, $0x1;
	s7 =	sadd.s32 s21, s5  }
0x9e: {  	[timem:s22], [sflag:s8] =	dma.local [hbm:s7], s6  }
0x9f: {  	_ =	swait.ge [sflag:s8], s6  }
0xa0: {  	s6 =	ssub.s32 $0x0, s6;
	[sflag:s8] =	ssyncset.done $0x0  }
0xa1: {  	[sflag:s8] =	ssyncadd.s32 s6;
	_ =	sdelay $0x1  }
0xa2: {  	s23 =	simm.s32 $0x1B8B  }
0xa3: {  	_ =	swait.ge [sflag:s23], $0x1  }
0xa4: {  	[sflag:s23] =	ssyncset.done $0x0  }
0xa5: {  	[sflag:s23] =	ssyncadd.s32 $0xFFFFFFFF  }
0xa6: {  	s6 =	sld [smem:$0x0]  }
0xa7: {  	s7 =	sand.u32 $0xFFFFFFFE, s1  }
0xa8: {  	p0 =	sne.s32 s1, s7  }
0xa9: {  	s7 =	sshll.u32 @p0 s7, $0xE  }
0xaa: {  	s7 =	sadd.s32 @p0 $0x11B8D, s7;
	s8 =	sshll.u32 @p0 s6, $0x11  }
0xab: {  	s7 =	sor.u32 @p0 s8, s7  }
0xac: {  	[sflag:s7] =	ssyncadd.remote.s32 @p0 $0x1;
	_ =	sdelay $0x1  }
0xad: {  	s7 =	simm.s32 @p0 $0x1B8D  }
0xae: {  	_ =	swait.eq @p0 [sflag:s7], $0x1  }
0xaf: {  	[sflag:s7] =	ssyncadd.s32 @p0 $0xFFFFFFFF  }
0xb0: {  	s8 =	sshll.u32 @!p0 s1, $0xE  }
0xb1: {  	s8 =	sor.u32 @!p0 $0x4000, s8;
	s7 =	simm.s32 @!p0 $0x1B8D  }
0xb2: {  	s6 =	sshll.u32 @!p0 s6, $0x11;
	s8 =	sadd.s32 @!p0 $0x11B8D, s8;
	_ =	swait.eq @!p0 [sflag:s7], $0x1  }
0xb3: {  	s6 =	sor.u32 @!p0 s6, s8;
	[sflag:s7] =	ssyncadd.s32 @!p0 $0xFFFFFFFF  }
0xb4: {  	s25 =	simm.s32 $0x1B8E;
	s24 =	sld [smem:$0x3FFE];
	[sflag:s6] =	ssyncadd.remote.s32 @!p0 $0x1  }
0xb5: {  	s26 =	simm.s32 $execute0_lowered;
	[smem:$0x3FD2] =	sst s25  }
0xb6: {  	s7 =	sshll.u32 s26, $0x1;
	_ =	strace $0x80000049;
	[dreg:$0x1] =	wrdreg $0xFFFFFFFF  }
0xb7: {  	s28 =	simm.s32 $_size_execute0_lowered;
	s5 =	sadd.s32 s5, s7;
	[dreg:$0x0] =	wrdreg $0x0  }
0xb8: {  	s7 =	sshll.u32 s28, $0x1;
	[dreg:$0x2] =	wrdreg s5  }
0xb9: {  	[dreg:$0x3] =	wrdreg s7  }
0xba: {  	[dreg:$0x4] =	wrdreg $0xC0  }
0xbb: {  	_ =	task [dreg:s22], $0x5FFFF  }
0xbc: {  	[dreg:$0x1] =	wrdreg $0xFFFFFFFF  }
0xbd: {  	[dreg:$0x0] =	wrdreg $0x60  }
0xbe: {  	[dreg:$0x2] =	wrdreg s18  }
0xbf: {  	[dreg:$0x3] =	wrdreg s4  }
0xc0: {  	[dreg:$0x4] =	wrdreg s24  }
0xc1: {  	[dreg:$0x5] =	wrdreg $0x0  }
0xc2: {  	[dreg:$0x6] =	wrdreg $0xA  }
0xc3: {  	_ =	task.clear_ibuf [dreg:s22], $0x7FFFF;
	_ =	strace $0x90000049  }
0xc4: {  	s29 =	simm.s32 $0xA;
	_ =	strace $0x8000004B  }
0xc5: {  	_ =	swait.ge [sflag:s29], $0x1  }
0xc6: {  	[sflag:s29] =	ssyncadd.s32 $0xFFFFFFFF  }
0xc7: {  	_ =	strace $0x9000004B  }
0xc8: {  	_ =	sfence  }
0xc9: {  	s30 =	sld [smem:$0x0];
	_ =	sdelay $0x2  }
0xca: {  	s31 =	sshll.u32 s1, $0xD;
	s1 =	sshrl.u32 s1, $0x2  }
0xcb: {  	s4 =	sand.u32 $0x4000, s31;
	s1 =	sadd.s32 s1, s30  }
0xcc: {  	s0 =	sor.u32 s4, s0;
	s1 =	sshll.u32 s1, $0x11  }
0xcd: {  	s0 =	sor.u32 s1, s0  }
0xce: {  	s0 =	sadd.s32 $0x8F2B, s0  }
0xcf: {  	[sflag:s0] =	ssyncadd.remote.s32 $0x1  }
0xd0: {  	_ =	sfence.sel $0xFFFF  }
0xd1: {  	[dreg:$0x0] =	wrdreg $0xFFFFFFFF;
	(pc) =	sbr.abs _section_cstart, $3  }
0xd2: {  	[dreg:$0x1] =	wrdreg $0xFFFFFFFF  }
0xd3: {  	_ =	task.clear_ibuf [dreg:s22], $0x2FFFF;
	_ =	strace $0x9FFFFFFF  }
0xd4: {  	(tm) =	ssettm $0x7FFFFFFF  }
0xd5: {  	_ =	shalt  }
tec
execute0_lowered:
.L_overlay_start_1:
0x0: {  	(tag) =	ssettag $0x1  }
0x1: {  	s1 =	rddreg [dreg:$0x0]  }
0x2: {  	s0 =	rddreg [dreg:$0x1]  }
0x3: {  	s3 =	rddreg [dreg:$0x2]  }
0x4: {  	s2 =	rddreg [dreg:$0x3];
	s4 =	simm.s32 $0x0;
	s17 =	srdreg.scid  }
0x5: {  	s11 =	stileid.u32;
	s28 =	simm.s32 $0x17080;
	s29 =	simm.s32 $0x13900  }
0x6: {  	s30 =	simm.s32 $0x19880;
	s31 =	simm.s32 $0x1;
	s5 =	smul.u32 $0x50000, s11  }
0x7: {  	[smem:$0x7FF] =	sst s4;
	s4 =	sand.u32 $0x1, s17;
	s8 =	smul.u32 $0x2800, s11  }
0x8: {  	s6 =	sadd.s32 $0x98000, s3;
	s3 =	sadd.s32 $0xBB000, s3;
	s10 =	smul.u32 $0x8C00, s11  }
0x9: {  	s19 =	smul.u32 $0x14000, s11;
	s20 =	sadd.s32 $0x12C000, s2;
	s12 =	sadd.s32 $0x25800, s1  }
0xa: {  	_ =	strace $0x8000004A;
	s7 =	ssub.s32 $0x2, s4;
	s18 =	smul.u32 $0x138800, s4  }
0xb: {  	[dreg:$0x6] =	wrdreg s12;
	p0 =	seq.s32 s4, $0x0;
	s4 =	simm.s32 $0x2  }
0xc: {  	s9 =	sshrl.u32 s7, $0x1;
	s5 =	sshrl.u32 s5, $0x2;
	s8 =	sadd.s32 s1, s8  }
0xd: {  	s21 =	sshrl.u32 s10, $0x3;
	s6 =	smov.u32 @p0 s0;
	p0 =	seq.s32 s11, $0xF  }
0xe: {  	s7 =	ssub.s32 s7, s9;
	s5 =	sadd.s32 s5, s2;
	[dreg:$0x5] =	wrdreg s8  }
0xf: {  	s8 =	sadd.s32 s19, s18;
	s9 =	sshrl.u32 s18, $0x3;
	s0 =	sshll.u32 @!p0 s11, $0x6  }
0x10: {  	s20 =	sshrl.u32 @p0 s20, $0x3;
	s8 =	sshrl.u32 s8, $0x3;
	s9 =	sadd.s32 s3, s9  }
0x11: {  	s24 =	smax.u32 s7, $0x1;
	s7 =	simm.s32 $0x16D00;
	s22 =	sadd.s32 s3, s8  }
0x12: {  	s23 =	sadd.s32 $0x25800, s9;
	s9 =	sadd.s32 s6, s21;
	[dreg:$0x9] =	wrdreg s24  }
0x13: {  	s21 =	sor.u32 @!p0 $0x1C04, s0;
	s24 =	simm.s32 $0x4;
	s0 =	simm.s32 $0x1C080  }
0x14: {  	s3 =	simm.s32 $0x5;
	s6 =	simm.s32 $0x16C80;
	[dreg:$0x7] =	wrdreg s22  }
0x15: {  	s8 =	simm.s32 $0x0;
	[dreg:$0x8] =	wrdreg s23;
	s25 =	sadd.s32 $0x11800, s9  }
0x16: {  	s26 =	sadd.s32 $0x380, s9;
	s13 =	sadd.s32 $0x11B80, s9;
	s14 =	sadd.s32 $0x700, s9  }
0x17: {  	s15 =	sadd.s32 $0x11F00, s9;
	s16 =	sadd.s32 $0xA80, s9;
	s17 =	sadd.s32 $0x12280, s9  }
0x18: {  	s18 =	sadd.s32 $0xE00, s9;
	s19 =	sadd.s32 $0x12600, s9;
	s22 =	sshrl.u32 @!p0 s5, $0x3  }
0x19: {  	s23 =	simm.s32 $0x13880;
	s5 =	simm.s32 $0x3;
	[dreg:$0xa] =	wrdreg s25  }
0x1a: {  	[dreg:$0xb] =	wrdreg s26;
	s25 =	simm.s32 $0x15480;
	s26 =	simm.s32 $0x50  }
.LBB2_1:
0x1b: {  	s10 =	simm.s32 @p0 $0x1FC4;
	s11 =	rddreg [dreg:$0x6]  }
0x1c: {  	[spmem:s20], [sflag:s10] =	dma.local @p0 [hbm:s11], $0x1900  }
0x1d: {  	s10 =	simm.s32 @p0 $0x4  }
0x1e: {  	_ =	swait.ge @p0 [sflag:s10], $0x1900  }
0x1f: {  	[sflag:s10] =	ssyncset.done @p0 $0x0  }
0x20: {  	[sflag:s10] =	ssyncadd.s32 @p0 $0xFFFFE700;
	s10 =	rddreg [dreg:$0x5]  }
0x21: {  	[spmem:s22], [sflag:s21] =	dma.local @!p0 [hbm:s10], $0x2800  }
0x22: {  	s10 =	simm.s32 @!p0 $0x4  }
0x23: {  	_ =	swait.ge @!p0 [sflag:s10], $0x2800  }
0x24: {  	[sflag:s10] =	ssyncset.done @!p0 $0x0  }
0x25: {  	[sflag:s10] =	ssyncadd.s32 @!p0 $0xFFFFD800  }
0x26: {  	s11 =	simm.s32 $0x0;
	[bflag:$0x0] =	sbarrier.arrive $0xFFFF  }
0x27: {  	[tilespmem:s23], [sflag:$0x4] =	stream.linear.gather [hbm4b:s9+s11], $0x1900, $0x38;
	[tilespmem:$0x1E880] =	vst v63  }
0x28: {  	_ =	swait.ge [sflag:s24], $0x1900  }
0x29: {  	[sflag:s24] =	ssyncset.done $0x0  }
0x2a: {  	s12 =	rddreg [dreg:$0xa];
	[sflag:s24] =	ssyncadd.s32 $0xFFFFE700  }
0x2b: {  	[tilespmem:s25], [sflag:$0x4] =	stream.linear.gather [hbm4b:s12+s11], $0x1900, $0x38;
	[tilespmem:$0x1E880] =	vst v63  }
0x2c: {  	_ =	swait.ge [sflag:s24], $0x1900  }
0x2d: {  	[sflag:s24] =	ssyncset.done $0x0  }
0x2e: {  	[sflag:s24] =	ssyncadd.s32 $0xFFFFE700  }
0x2f: {  	[tilespmem:s28], [sflag:$0x1] =	stream.indirect.gather [hbm4b:s1+s26], $0x80, s23, s26, $0xb8;
	[tilespmem:$0x1E880] =	vst v63  }
0x30: {  	_ = 	snop  }
0x31: {  	[tilespmem:s30], [sflag:$0x2] =	stream.indirect.gather [hbm4b:s1+s26], $0x80, s29, s26, $0xb8;
	[tilespmem:$0x1E880] =	vst v63  }
0x32: {  	_ =	swait.ge [sflag:s31], $0x2800  }
0x33: {  	[sflag:s31] =	ssyncset.done $0x0  }
0x34: {  	s11 =	simm.s32 $0x13980;
	[sflag:s31] =	ssyncadd.s32 $0xFFFFD800  }
0x35: {  	[tilespmem:s0], [sflag:$0x3] =	stream.indirect.gather [hbm4b:s1+s26], $0x80, s11, s26, $0xb8;
	[tilespmem:$0x1E880] =	vst v63  }
0x36: {  	s12 =	simm.s32 $0x15480  }
0x37: {  	[spmem:s2] =	stream.indirect.scatter.add.f32 [tilespmem:s28], [sflag:$0x5], $0x80, s12, s26, $0xb8;
	[tilespmem:$0x1E880] =	vst v63  }
0x38: {  	_ =	swait.ge [sflag:s3], $0x2800  }
0x39: {  	[sflag:s3] =	ssyncset.done $0x0  }
0x3a: {  	[sflag:s3] =	ssyncadd.s32 $0xFFFFD800  }
0x3b: {  	_ =	swait.ge [sflag:s4], $0x2800  }
0x3c: {  	[sflag:s4] =	ssyncset.done $0x0  }
0x3d: {  	s11 =	simm.s32 $0x13A00;
	[sflag:s4] =	ssyncadd.s32 $0xFFFFD800  }
0x3e: {  	[tilespmem:s28], [sflag:$0x1] =	stream.indirect.gather [hbm4b:s1+s26], $0x80, s11, s26, $0xb8;
	[tilespmem:$0x1E880] =	vst v63  }
0x3f: {  	s12 =	simm.s32 $0x15500  }
0x40: {  	[spmem:s2] =	stream.indirect.scatter.add.f32 [tilespmem:s30], [sflag:$0x5], $0x80, s12, s26, $0xb8;
	[tilespmem:$0x1E880] =	vst v63  }
0x41: {  	_ =	swait.ge [sflag:s3], $0x2800  }
0x42: {  	[sflag:s3] =	ssyncset.done $0x0  }
0x43: {  	[sflag:s3] =	ssyncadd.s32 $0xFFFFD800  }
0x44: {  	_ =	swait.ge [sflag:s5], $0x2800  }
0x45: {  	[sflag:s5] =	ssyncset.done $0x0  }
0x46: {  	s11 =	simm.s32 $0x13A80;
	[sflag:s5] =	ssyncadd.s32 $0xFFFFD800  }
0x47: {  	[tilespmem:s30], [sflag:$0x2] =	stream.indirect.gather [hbm4b:s1+s26], $0x80, s11, s26, $0xb8;
	[tilespmem:$0x1E880] =	vst v63  }
0x48: {  	s12 =	simm.s32 $0x15580  }
0x49: {  	[spmem:s2] =	stream.indirect.scatter.add.f32 [tilespmem:s0], [sflag:$0x4], $0x80, s12, s26, $0xb8;
	[tilespmem:$0x1E880] =	vst v63  }
0x4a: {  	_ =	swait.ge [sflag:s24], $0x2800  }
0x4b: {  	s10 =	simm.s32 $0x600;
	[sflag:s24] =	ssyncset.done $0x0  }
.LBB2_2:
0x4c: {  	p1 =	sne.s32 s10, $0x5A00  }
0x4d: {  	[sflag:s24] =	ssyncadd.s32 $0xFFFFD800;
	s11 =	smov.u32 s10;
	s10 =	sadd.s32 $0x600, s10  }
0x4e: {  	_ = 	snop  }
0x4f: {  	_ =	swait.ge [sflag:s31], $0x2800  }
0x50: {  	s11 =	sshra.s32 s11, $0x2;
	[sflag:s31] =	ssyncset.done $0x0  }
0x51: {  	s12 =	sadd.s32 $0x13980, s11;
	[sflag:s31] =	ssyncadd.s32 $0xFFFFD800  }
0x52: {  	[tilespmem:s0], [sflag:$0x3] =	stream.indirect.gather [hbm4b:s1+s26], $0x80, s12, s26, $0xb8;
	[tilespmem:$0x1E880] =	vst v63  }
0x53: {  	s12 =	sadd.s32 $0x15480, s11  }
0x54: {  	[spmem:s2] =	stream.indirect.scatter.add.f32 [tilespmem:s28], [sflag:$0x5], $0x80, s12, s26, $0xb8;
	[tilespmem:$0x1E880] =	vst v63  }
0x55: {  	_ =	swait.ge [sflag:s3], $0x2800  }
0x56: {  	[sflag:s3] =	ssyncset.done $0x0  }
0x57: {  	[sflag:s3] =	ssyncadd.s32 $0xFFFFD800  }
0x58: {  	_ =	swait.ge [sflag:s4], $0x2800  }
0x59: {  	[sflag:s4] =	ssyncset.done $0x0  }
0x5a: {  	s12 =	sadd.s32 $0x13A00, s11;
	[sflag:s4] =	ssyncadd.s32 $0xFFFFD800  }
0x5b: {  	[tilespmem:s28], [sflag:$0x1] =	stream.indirect.gather [hbm4b:s1+s26], $0x80, s12, s26, $0xb8;
	[tilespmem:$0x1E880] =	vst v63  }
0x5c: {  	s12 =	sadd.s32 $0x15500, s11  }
0x5d: {  	[spmem:s2] =	stream.indirect.scatter.add.f32 [tilespmem:s30], [sflag:$0x5], $0x80, s12, s26, $0xb8;
	[tilespmem:$0x1E880] =	vst v63  }
0x5e: {  	_ =	swait.ge [sflag:s3], $0x2800  }
0x5f: {  	[sflag:s3] =	ssyncset.done $0x0  }
0x60: {  	[sflag:s3] =	ssyncadd.s32 $0xFFFFD800  }
0x61: {  	_ =	swait.ge [sflag:s5], $0x2800  }
0x62: {  	[sflag:s5] =	ssyncset.done $0x0  }
0x63: {  	s12 =	sadd.s32 $0x13A80, s11;
	[sflag:s5] =	ssyncadd.s32 $0xFFFFD800  }
0x64: {  	[tilespmem:s30], [sflag:$0x2] =	stream.indirect.gather [hbm4b:s1+s26], $0x80, s12, s26, $0xb8;
	[tilespmem:$0x1E880] =	vst v63  }
.Ltmp0:
0x65: {  	_ = 	snop;
	(pc) =	sbr.rel @p1 .LBB2_2-.Ltmp0, $4  }
0x66: {  	s11 =	sadd.s32 $0x15580, s11  }
0x67: {  	[spmem:s2] =	stream.indirect.scatter.add.f32 [tilespmem:s0], [sflag:$0x4], $0x80, s11, s26, $0xb8;
	[tilespmem:$0x1E880] =	vst v63  }
0x68: {  	_ =	swait.ge [sflag:s24], $0x2800  }
0x69: {  	[sflag:s24] =	ssyncset.done $0x0  }
0x6a: {  	[sflag:s24] =	ssyncadd.s32 $0xFFFFD800  }
0x6b: {  	_ =	swait.ge [sflag:s31], $0x2800  }
0x6c: {  	[sflag:s31] =	ssyncset.done $0x0  }
0x6d: {  	[sflag:s31] =	ssyncadd.s32 $0xFFFFD800  }
0x6e: {  	[spmem:s2] =	stream.indirect.scatter.add.f32 [tilespmem:s28], [sflag:$0x5], $0x80, s6, s26, $0xb8;
	[tilespmem:$0x1E880] =	vst v63  }
0x6f: {  	_ =	swait.ge [sflag:s3], $0x2800  }
0x70: {  	[sflag:s3] =	ssyncset.done $0x0  }
0x71: {  	[sflag:s3] =	ssyncadd.s32 $0xFFFFD800  }
0x72: {  	_ =	swait.ge [sflag:s4], $0x2800  }
0x73: {  	[sflag:s4] =	ssyncset.done $0x0  }
0x74: {  	[sflag:s4] =	ssyncadd.s32 $0xFFFFD800  }
0x75: {  	[spmem:s2] =	stream.indirect.scatter.add.f32 [tilespmem:s30], [sflag:$0x5], $0x80, s7, s26, $0xb8;
	[tilespmem:$0x1E880] =	vst v63  }
0x76: {  	_ =	swait.ge [sflag:s3], $0x2800  }
0x77: {  	[sflag:s3] =	ssyncset.done $0x0  }
0x78: {  	s10 =	simm.s32 $0x0;
	s11 =	rddreg [dreg:$0xb];
	[sflag:s3] =	ssyncadd.s32 $0xFFFFD800  }
0x79: {  	[tilespmem:s23], [sflag:$0x4] =	stream.linear.gather [hbm4b:s11+s10], $0x1900, $0x38;
	[tilespmem:$0x1E880] =	vst v63  }
0x7a: {  	_ =	swait.ge [sflag:s24], $0x1900  }
0x7b: {  	[sflag:s24] =	ssyncset.done $0x0  }
0x7c: {  	[sflag:s24] =	ssyncadd.s32 $0xFFFFE700  }
0x7d: {  	[tilespmem:s25], [sflag:$0x4] =	stream.linear.gather [hbm4b:s13+s10], $0x1900, $0x38;
	[tilespmem:$0x1E880] =	vst v63  }
0x7e: {  	_ =	swait.ge [sflag:s24], $0x1900  }
0x7f: {  	[sflag:s24] =	ssyncset.done $0x0  }
0x80: {  	[sflag:s24] =	ssyncadd.s32 $0xFFFFE700  }
0x81: {  	[tilespmem:s28], [sflag:$0x1] =	stream.indirect.gather [hbm4b:s1+s26], $0x80, s23, s26, $0xb8;
	[tilespmem:$0x1E880] =	vst v63  }
0x82: {  	_ = 	snop  }
0x83: {  	[tilespmem:s30], [sflag:$0x2] =	stream.indirect.gather [hbm4b:s1+s26], $0x80, s29, s26, $0xb8;
	[tilespmem:$0x1E880] =	vst v63  }
0x84: {  	_ =	swait.ge [sflag:s31], $0x2800  }
0x85: {  	[sflag:s31] =	ssyncset.done $0x0  }
0x86: {  	s11 =	simm.s32 $0x13980;
	[sflag:s31] =	ssyncadd.s32 $0xFFFFD800  }
0x87: {  	[tilespmem:s0], [sflag:$0x3] =	stream.indirect.gather [hbm4b:s1+s26], $0x80, s11, s26, $0xb8;
	[tilespmem:$0x1E880] =	vst v63  }
0x88: {  	s12 =	simm.s32 $0x15480  }
0x89: {  	[spmem:s2] =	stream.indirect.scatter.add.f32 [tilespmem:s28], [sflag:$0x5], $0x80, s12, s26, $0xb8;
	[tilespmem:$0x1E880] =	vst v63  }
0x8a: {  	_ =	swait.ge [sflag:s3], $0x2800  }
0x8b: {  	[sflag:s3] =	ssyncset.done $0x0  }
0x8c: {  	[sflag:s3] =	ssyncadd.s32 $0xFFFFD800  }
0x8d: {  	_ =	swait.ge [sflag:s4], $0x2800  }
0x8e: {  	[sflag:s4] =	ssyncset.done $0x0  }
0x8f: {  	s11 =	simm.s32 $0x13A00;
	[sflag:s4] =	ssyncadd.s32 $0xFFFFD800  }
0x90: {  	[tilespmem:s28], [sflag:$0x1] =	stream.indirect.gather [hbm4b:s1+s26], $0x80, s11, s26, $0xb8;
	[tilespmem:$0x1E880] =	vst v63  }
0x91: {  	s12 =	simm.s32 $0x15500  }
0x92: {  	[spmem:s2] =	stream.indirect.scatter.add.f32 [tilespmem:s30], [sflag:$0x5], $0x80, s12, s26, $0xb8;
	[tilespmem:$0x1E880] =	vst v63  }
0x93: {  	_ =	swait.ge [sflag:s3], $0x2800  }
0x94: {  	[sflag:s3] =	ssyncset.done $0x0  }
0x95: {  	[sflag:s3] =	ssyncadd.s32 $0xFFFFD800  }
0x96: {  	_ =	swait.ge [sflag:s5], $0x2800  }
0x97: {  	[sflag:s5] =	ssyncset.done $0x0  }
0x98: {  	s11 =	simm.s32 $0x13A80;
	[sflag:s5] =	ssyncadd.s32 $0xFFFFD800  }
0x99: {  	[tilespmem:s30], [sflag:$0x2] =	stream.indirect.gather [hbm4b:s1+s26], $0x80, s11, s26, $0xb8;
	[tilespmem:$0x1E880] =	vst v63  }
0x9a: {  	s12 =	simm.s32 $0x15580  }
0x9b: {  	[spmem:s2] =	stream.indirect.scatter.add.f32 [tilespmem:s0], [sflag:$0x4], $0x80, s12, s26, $0xb8;
	[tilespmem:$0x1E880] =	vst v63  }
0x9c: {  	_ =	swait.ge [sflag:s24], $0x2800  }
0x9d: {  	s10 =	simm.s32 $0x600;
	[sflag:s24] =	ssyncset.done $0x0  }
.LBB2_4:
0x9e: {  	p1 =	sne.s32 s10, $0x5A00  }
0x9f: {  	[sflag:s24] =	ssyncadd.s32 $0xFFFFD800;
	s11 =	smov.u32 s10;
	s10 =	sadd.s32 $0x600, s10  }
0xa0: {  	_ = 	snop  }
0xa1: {  	_ =	swait.ge [sflag:s31], $0x2800  }
0xa2: {  	s11 =	sshra.s32 s11, $0x2;
	[sflag:s31] =	ssyncset.done $0x0  }
0xa3: {  	s12 =	sadd.s32 $0x13980, s11;
	[sflag:s31] =	ssyncadd.s32 $0xFFFFD800  }
0xa4: {  	[tilespmem:s0], [sflag:$0x3] =	stream.indirect.gather [hbm4b:s1+s26], $0x80, s12, s26, $0xb8;
	[tilespmem:$0x1E880] =	vst v63  }
0xa5: {  	s12 =	sadd.s32 $0x15480, s11  }
0xa6: {  	[spmem:s2] =	stream.indirect.scatter.add.f32 [tilespmem:s28], [sflag:$0x5], $0x80, s12, s26, $0xb8;
	[tilespmem:$0x1E880] =	vst v63  }
0xa7: {  	_ =	swait.ge [sflag:s3], $0x2800  }
0xa8: {  	[sflag:s3] =	ssyncset.done $0x0  }
0xa9: {  	[sflag:s3] =	ssyncadd.s32 $0xFFFFD800  }
0xaa: {  	_ =	swait.ge [sflag:s4], $0x2800  }
0xab: {  	[sflag:s4] =	ssyncset.done $0x0  }
0xac: {  	s12 =	sadd.s32 $0x13A00, s11;
	[sflag:s4] =	ssyncadd.s32 $0xFFFFD800  }
0xad: {  	[tilespmem:s28], [sflag:$0x1] =	stream.indirect.gather [hbm4b:s1+s26], $0x80, s12, s26, $0xb8;
	[tilespmem:$0x1E880] =	vst v63  }
0xae: {  	s12 =	sadd.s32 $0x15500, s11  }
0xaf: {  	[spmem:s2] =	stream.indirect.scatter.add.f32 [tilespmem:s30], [sflag:$0x5], $0x80, s12, s26, $0xb8;
	[tilespmem:$0x1E880] =	vst v63  }
0xb0: {  	_ =	swait.ge [sflag:s3], $0x2800  }
0xb1: {  	[sflag:s3] =	ssyncset.done $0x0  }
0xb2: {  	[sflag:s3] =	ssyncadd.s32 $0xFFFFD800  }
0xb3: {  	_ =	swait.ge [sflag:s5], $0x2800  }
0xb4: {  	[sflag:s5] =	ssyncset.done $0x0  }
0xb5: {  	s12 =	sadd.s32 $0x13A80, s11;
	[sflag:s5] =	ssyncadd.s32 $0xFFFFD800  }
0xb6: {  	[tilespmem:s30], [sflag:$0x2] =	stream.indirect.gather [hbm4b:s1+s26], $0x80, s12, s26, $0xb8;
	[tilespmem:$0x1E880] =	vst v63  }
.Ltmp1:
0xb7: {  	_ = 	snop;
	(pc) =	sbr.rel @p1 .LBB2_4-.Ltmp1, $4  }
0xb8: {  	s11 =	sadd.s32 $0x15580, s11  }
0xb9: {  	[spmem:s2] =	stream.indirect.scatter.add.f32 [tilespmem:s0], [sflag:$0x4], $0x80, s11, s26, $0xb8;
	[tilespmem:$0x1E880] =	vst v63  }
0xba: {  	_ =	swait.ge [sflag:s24], $0x2800  }
0xbb: {  	[sflag:s24] =	ssyncset.done $0x0  }
0xbc: {  	[sflag:s24] =	ssyncadd.s32 $0xFFFFD800  }
0xbd: {  	_ =	swait.ge [sflag:s31], $0x2800  }
0xbe: {  	[sflag:s31] =	ssyncset.done $0x0  }
0xbf: {  	[sflag:s31] =	ssyncadd.s32 $0xFFFFD800  }
0xc0: {  	[spmem:s2] =	stream.indirect.scatter.add.f32 [tilespmem:s28], [sflag:$0x5], $0x80, s6, s26, $0xb8;
	[tilespmem:$0x1E880] =	vst v63  }
0xc1: {  	_ =	swait.ge [sflag:s3], $0x2800  }
0xc2: {  	[sflag:s3] =	ssyncset.done $0x0  }
0xc3: {  	[sflag:s3] =	ssyncadd.s32 $0xFFFFD800  }
0xc4: {  	_ =	swait.ge [sflag:s4], $0x2800  }
0xc5: {  	[sflag:s4] =	ssyncset.done $0x0  }
0xc6: {  	[sflag:s4] =	ssyncadd.s32 $0xFFFFD800  }
0xc7: {  	[spmem:s2] =	stream.indirect.scatter.add.f32 [tilespmem:s30], [sflag:$0x5], $0x80, s7, s26, $0xb8;
	[tilespmem:$0x1E880] =	vst v63  }
0xc8: {  	_ =	swait.ge [sflag:s3], $0x2800  }
0xc9: {  	[sflag:s3] =	ssyncset.done $0x0  }
0xca: {  	s10 =	simm.s32 $0x0;
	[sflag:s3] =	ssyncadd.s32 $0xFFFFD800  }
0xcb: {  	[tilespmem:s23], [sflag:$0x4] =	stream.linear.gather [hbm4b:s14+s10], $0x1900, $0x38;
	[tilespmem:$0x1E880] =	vst v63  }
0xcc: {  	_ =	swait.ge [sflag:s24], $0x1900  }
0xcd: {  	[sflag:s24] =	ssyncset.done $0x0  }
0xce: {  	[sflag:s24] =	ssyncadd.s32 $0xFFFFE700  }
0xcf: {  	[tilespmem:s25], [sflag:$0x4] =	stream.linear.gather [hbm4b:s15+s10], $0x1900, $0x38;
	[tilespmem:$0x1E880] =	vst v63  }
0xd0: {  	_ =	swait.ge [sflag:s24], $0x1900  }
0xd1: {  	[sflag:s24] =	ssyncset.done $0x0  }
0xd2: {  	[sflag:s24] =	ssyncadd.s32 $0xFFFFE700  }
0xd3: {  	[tilespmem:s28], [sflag:$0x1] =	stream.indirect.gather [hbm4b:s1+s26], $0x80, s23, s26, $0xb8;
	[tilespmem:$0x1E880] =	vst v63  }
0xd4: {  	_ = 	snop  }
0xd5: {  	[tilespmem:s30], [sflag:$0x2] =	stream.indirect.gather [hbm4b:s1+s26], $0x80, s29, s26, $0xb8;
	[tilespmem:$0x1E880] =	vst v63  }
0xd6: {  	_ =	swait.ge [sflag:s31], $0x2800  }
0xd7: {  	[sflag:s31] =	ssyncset.done $0x0  }
0xd8: {  	s11 =	simm.s32 $0x13980;
	[sflag:s31] =	ssyncadd.s32 $0xFFFFD800  }
0xd9: {  	[tilespmem:s0], [sflag:$0x3] =	stream.indirect.gather [hbm4b:s1+s26], $0x80, s11, s26, $0xb8;
	[tilespmem:$0x1E880] =	vst v63  }
0xda: {  	s12 =	simm.s32 $0x15480  }
0xdb: {  	[spmem:s2] =	stream.indirect.scatter.add.f32 [tilespmem:s28], [sflag:$0x5], $0x80, s12, s26, $0xb8;
	[tilespmem:$0x1E880] =	vst v63  }
0xdc: {  	_ =	swait.ge [sflag:s3], $0x2800  }
0xdd: {  	[sflag:s3] =	ssyncset.done $0x0  }
0xde: {  	[sflag:s3] =	ssyncadd.s32 $0xFFFFD800  }
0xdf: {  	_ =	swait.ge [sflag:s4], $0x2800  }
0xe0: {  	[sflag:s4] =	ssyncset.done $0x0  }
0xe1: {  	s11 =	simm.s32 $0x13A00;
	[sflag:s4] =	ssyncadd.s32 $0xFFFFD800  }
0xe2: {  	[tilespmem:s28], [sflag:$0x1] =	stream.indirect.gather [hbm4b:s1+s26], $0x80, s11, s26, $0xb8;
	[tilespmem:$0x1E880] =	vst v63  }
0xe3: {  	s12 =	simm.s32 $0x15500  }
0xe4: {  	[spmem:s2] =	stream.indirect.scatter.add.f32 [tilespmem:s30], [sflag:$0x5], $0x80, s12, s26, $0xb8;
	[tilespmem:$0x1E880] =	vst v63  }
0xe5: {  	_ =	swait.ge [sflag:s3], $0x2800  }
0xe6: {  	[sflag:s3] =	ssyncset.done $0x0  }
0xe7: {  	[sflag:s3] =	ssyncadd.s32 $0xFFFFD800  }
0xe8: {  	_ =	swait.ge [sflag:s5], $0x2800  }
0xe9: {  	[sflag:s5] =	ssyncset.done $0x0  }
0xea: {  	s11 =	simm.s32 $0x13A80;
	[sflag:s5] =	ssyncadd.s32 $0xFFFFD800  }
0xeb: {  	[tilespmem:s30], [sflag:$0x2] =	stream.indirect.gather [hbm4b:s1+s26], $0x80, s11, s26, $0xb8;
	[tilespmem:$0x1E880] =	vst v63  }
0xec: {  	s12 =	simm.s32 $0x15580  }
0xed: {  	[spmem:s2] =	stream.indirect.scatter.add.f32 [tilespmem:s0], [sflag:$0x4], $0x80, s12, s26, $0xb8;
	[tilespmem:$0x1E880] =	vst v63  }
0xee: {  	_ =	swait.ge [sflag:s24], $0x2800  }
0xef: {  	s10 =	simm.s32 $0x600;
	[sflag:s24] =	ssyncset.done $0x0  }
.LBB2_6:
0xf0: {  	p1 =	sne.s32 s10, $0x5A00  }
0xf1: {  	[sflag:s24] =	ssyncadd.s32 $0xFFFFD800;
	s11 =	smov.u32 s10;
	s10 =	sadd.s32 $0x600, s10  }
0xf2: {  	_ = 	snop  }
0xf3: {  	_ =	swait.ge [sflag:s31], $0x2800  }
0xf4: {  	s11 =	sshra.s32 s11, $0x2;
	[sflag:s31] =	ssyncset.done $0x0  }
0xf5: {  	s12 =	sadd.s32 $0x13980, s11;
	[sflag:s31] =	ssyncadd.s32 $0xFFFFD800  }
0xf6: {  	[tilespmem:s0], [sflag:$0x3] =	stream.indirect.gather [hbm4b:s1+s26], $0x80, s12, s26, $0xb8;
	[tilespmem:$0x1E880] =	vst v63  }
0xf7: {  	s12 =	sadd.s32 $0x15480, s11  }
0xf8: {  	[spmem:s2] =	stream.indirect.scatter.add.f32 [tilespmem:s28], [sflag:$0x5], $0x80, s12, s26, $0xb8;
	[tilespmem:$0x1E880] =	vst v63  }
0xf9: {  	_ =	swait.ge [sflag:s3], $0x2800  }
0xfa: {  	[sflag:s3] =	ssyncset.done $0x0  }
0xfb: {  	[sflag:s3] =	ssyncadd.s32 $0xFFFFD800  }
0xfc: {  	_ =	swait.ge [sflag:s4], $0x2800  }
0xfd: {  	[sflag:s4] =	ssyncset.done $0x0  }
0xfe: {  	s12 =	sadd.s32 $0x13A00, s11;
	[sflag:s4] =	ssyncadd.s32 $0xFFFFD800  }
0xff: {  	[tilespmem:s28], [sflag:$0x1] =	stream.indirect.gather [hbm4b:s1+s26], $0x80, s12, s26, $0xb8;
	[tilespmem:$0x1E880] =	vst v63  }
0x100: {  	s12 =	sadd.s32 $0x15500, s11  }
0x101: {  	[spmem:s2] =	stream.indirect.scatter.add.f32 [tilespmem:s30], [sflag:$0x5], $0x80, s12, s26, $0xb8;
	[tilespmem:$0x1E880] =	vst v63  }
0x102: {  	_ =	swait.ge [sflag:s3], $0x2800  }
0x103: {  	[sflag:s3] =	ssyncset.done $0x0  }
0x104: {  	[sflag:s3] =	ssyncadd.s32 $0xFFFFD800  }
0x105: {  	_ =	swait.ge [sflag:s5], $0x2800  }
0x106: {  	[sflag:s5] =	ssyncset.done $0x0  }
0x107: {  	s12 =	sadd.s32 $0x13A80, s11;
	[sflag:s5] =	ssyncadd.s32 $0xFFFFD800  }
0x108: {  	[tilespmem:s30], [sflag:$0x2] =	stream.indirect.gather [hbm4b:s1+s26], $0x80, s12, s26, $0xb8;
	[tilespmem:$0x1E880] =	vst v63  }
.Ltmp2:
0x109: {  	_ = 	snop;
	(pc) =	sbr.rel @p1 .LBB2_6-.Ltmp2, $4  }
0x10a: {  	s11 =	sadd.s32 $0x15580, s11  }
0x10b: {  	[spmem:s2] =	stream.indirect.scatter.add.f32 [tilespmem:s0], [sflag:$0x4], $0x80, s11, s26, $0xb8;
	[tilespmem:$0x1E880] =	vst v63  }
0x10c: {  	_ =	swait.ge [sflag:s24], $0x2800  }
0x10d: {  	[sflag:s24] =	ssyncset.done $0x0  }
0x10e: {  	[sflag:s24] =	ssyncadd.s32 $0xFFFFD800  }
0x10f: {  	_ =	swait.ge [sflag:s31], $0x2800  }
0x110: {  	[sflag:s31] =	ssyncset.done $0x0  }
0x111: {  	[sflag:s31] =	ssyncadd.s32 $0xFFFFD800  }
0x112: {  	[spmem:s2] =	stream.indirect.scatter.add.f32 [tilespmem:s28], [sflag:$0x5], $0x80, s6, s26, $0xb8;
	[tilespmem:$0x1E880] =	vst v63  }
0x113: {  	_ =	swait.ge [sflag:s3], $0x2800  }
0x114: {  	[sflag:s3] =	ssyncset.done $0x0  }
0x115: {  	[sflag:s3] =	ssyncadd.s32 $0xFFFFD800  }
0x116: {  	_ =	swait.ge [sflag:s4], $0x2800  }
0x117: {  	[sflag:s4] =	ssyncset.done $0x0  }
0x118: {  	[sflag:s4] =	ssyncadd.s32 $0xFFFFD800  }
0x119: {  	[spmem:s2] =	stream.indirect.scatter.add.f32 [tilespmem:s30], [sflag:$0x5], $0x80, s7, s26, $0xb8;
	[tilespmem:$0x1E880] =	vst v63  }
0x11a: {  	_ =	swait.ge [sflag:s3], $0x2800  }
0x11b: {  	[sflag:s3] =	ssyncset.done $0x0  }
0x11c: {  	s10 =	simm.s32 $0x0;
	[sflag:s3] =	ssyncadd.s32 $0xFFFFD800  }
0x11d: {  	[tilespmem:s23], [sflag:$0x4] =	stream.linear.gather [hbm4b:s16+s10], $0x1900, $0x38;
	[tilespmem:$0x1E880] =	vst v63  }
0x11e: {  	_ =	swait.ge [sflag:s24], $0x1900  }
0x11f: {  	[sflag:s24] =	ssyncset.done $0x0  }
0x120: {  	[sflag:s24] =	ssyncadd.s32 $0xFFFFE700  }
0x121: {  	[tilespmem:s25], [sflag:$0x4] =	stream.linear.gather [hbm4b:s17+s10], $0x1900, $0x38;
	[tilespmem:$0x1E880] =	vst v63  }
0x122: {  	_ =	swait.ge [sflag:s24], $0x1900  }
0x123: {  	[sflag:s24] =	ssyncset.done $0x0  }
0x124: {  	[sflag:s24] =	ssyncadd.s32 $0xFFFFE700  }
0x125: {  	[tilespmem:s28], [sflag:$0x1] =	stream.indirect.gather [hbm4b:s1+s26], $0x80, s23, s26, $0xb8;
	[tilespmem:$0x1E880] =	vst v63  }
0x126: {  	_ = 	snop  }
0x127: {  	[tilespmem:s30], [sflag:$0x2] =	stream.indirect.gather [hbm4b:s1+s26], $0x80, s29, s26, $0xb8;
	[tilespmem:$0x1E880] =	vst v63  }
0x128: {  	_ =	swait.ge [sflag:s31], $0x2800  }
0x129: {  	[sflag:s31] =	ssyncset.done $0x0  }
0x12a: {  	s11 =	simm.s32 $0x13980;
	[sflag:s31] =	ssyncadd.s32 $0xFFFFD800  }
0x12b: {  	[tilespmem:s0], [sflag:$0x3] =	stream.indirect.gather [hbm4b:s1+s26], $0x80, s11, s26, $0xb8;
	[tilespmem:$0x1E880] =	vst v63  }
0x12c: {  	s12 =	simm.s32 $0x15480  }
0x12d: {  	[spmem:s2] =	stream.indirect.scatter.add.f32 [tilespmem:s28], [sflag:$0x5], $0x80, s12, s26, $0xb8;
	[tilespmem:$0x1E880] =	vst v63  }
0x12e: {  	_ =	swait.ge [sflag:s3], $0x2800  }
0x12f: {  	[sflag:s3] =	ssyncset.done $0x0  }
0x130: {  	[sflag:s3] =	ssyncadd.s32 $0xFFFFD800  }
0x131: {  	_ =	swait.ge [sflag:s4], $0x2800  }
0x132: {  	[sflag:s4] =	ssyncset.done $0x0  }
0x133: {  	s11 =	simm.s32 $0x13A00;
	[sflag:s4] =	ssyncadd.s32 $0xFFFFD800  }
0x134: {  	[tilespmem:s28], [sflag:$0x1] =	stream.indirect.gather [hbm4b:s1+s26], $0x80, s11, s26, $0xb8;
	[tilespmem:$0x1E880] =	vst v63  }
0x135: {  	s12 =	simm.s32 $0x15500  }
0x136: {  	[spmem:s2] =	stream.indirect.scatter.add.f32 [tilespmem:s30], [sflag:$0x5], $0x80, s12, s26, $0xb8;
	[tilespmem:$0x1E880] =	vst v63  }
0x137: {  	_ =	swait.ge [sflag:s3], $0x2800  }
0x138: {  	[sflag:s3] =	ssyncset.done $0x0  }
0x139: {  	[sflag:s3] =	ssyncadd.s32 $0xFFFFD800  }
0x13a: {  	_ =	swait.ge [sflag:s5], $0x2800  }
0x13b: {  	[sflag:s5] =	ssyncset.done $0x0  }
0x13c: {  	s11 =	simm.s32 $0x13A80;
	[sflag:s5] =	ssyncadd.s32 $0xFFFFD800  }
0x13d: {  	[tilespmem:s30], [sflag:$0x2] =	stream.indirect.gather [hbm4b:s1+s26], $0x80, s11, s26, $0xb8;
	[tilespmem:$0x1E880] =	vst v63  }
0x13e: {  	s12 =	simm.s32 $0x15580  }
0x13f: {  	[spmem:s2] =	stream.indirect.scatter.add.f32 [tilespmem:s0], [sflag:$0x4], $0x80, s12, s26, $0xb8;
	[tilespmem:$0x1E880] =	vst v63  }
0x140: {  	_ =	swait.ge [sflag:s24], $0x2800  }
0x141: {  	s10 =	simm.s32 $0x600;
	[sflag:s24] =	ssyncset.done $0x0  }
.LBB2_8:
0x142: {  	p1 =	sne.s32 s10, $0x5A00  }
0x143: {  	[sflag:s24] =	ssyncadd.s32 $0xFFFFD800;
	s11 =	smov.u32 s10;
	s10 =	sadd.s32 $0x600, s10  }
0x144: {  	_ = 	snop  }
0x145: {  	_ =	swait.ge [sflag:s31], $0x2800  }
0x146: {  	s11 =	sshra.s32 s11, $0x2;
	[sflag:s31] =	ssyncset.done $0x0  }
0x147: {  	s12 =	sadd.s32 $0x13980, s11;
	[sflag:s31] =	ssyncadd.s32 $0xFFFFD800  }
0x148: {  	[tilespmem:s0], [sflag:$0x3] =	stream.indirect.gather [hbm4b:s1+s26], $0x80, s12, s26, $0xb8;
	[tilespmem:$0x1E880] =	vst v63  }
0x149: {  	s12 =	sadd.s32 $0x15480, s11  }
0x14a: {  	[spmem:s2] =	stream.indirect.scatter.add.f32 [tilespmem:s28], [sflag:$0x5], $0x80, s12, s26, $0xb8;
	[tilespmem:$0x1E880] =	vst v63  }
0x14b: {  	_ =	swait.ge [sflag:s3], $0x2800  }
0x14c: {  	[sflag:s3] =	ssyncset.done $0x0  }
0x14d: {  	[sflag:s3] =	ssyncadd.s32 $0xFFFFD800  }
0x14e: {  	_ =	swait.ge [sflag:s4], $0x2800  }
0x14f: {  	[sflag:s4] =	ssyncset.done $0x0  }
0x150: {  	s12 =	sadd.s32 $0x13A00, s11;
	[sflag:s4] =	ssyncadd.s32 $0xFFFFD800  }
0x151: {  	[tilespmem:s28], [sflag:$0x1] =	stream.indirect.gather [hbm4b:s1+s26], $0x80, s12, s26, $0xb8;
	[tilespmem:$0x1E880] =	vst v63  }
0x152: {  	s12 =	sadd.s32 $0x15500, s11  }
0x153: {  	[spmem:s2] =	stream.indirect.scatter.add.f32 [tilespmem:s30], [sflag:$0x5], $0x80, s12, s26, $0xb8;
	[tilespmem:$0x1E880] =	vst v63  }
0x154: {  	_ =	swait.ge [sflag:s3], $0x2800  }
0x155: {  	[sflag:s3] =	ssyncset.done $0x0  }
0x156: {  	[sflag:s3] =	ssyncadd.s32 $0xFFFFD800  }
0x157: {  	_ =	swait.ge [sflag:s5], $0x2800  }
0x158: {  	[sflag:s5] =	ssyncset.done $0x0  }
0x159: {  	s12 =	sadd.s32 $0x13A80, s11;
	[sflag:s5] =	ssyncadd.s32 $0xFFFFD800  }
0x15a: {  	[tilespmem:s30], [sflag:$0x2] =	stream.indirect.gather [hbm4b:s1+s26], $0x80, s12, s26, $0xb8;
	[tilespmem:$0x1E880] =	vst v63  }
.Ltmp3:
0x15b: {  	_ = 	snop;
	(pc) =	sbr.rel @p1 .LBB2_8-.Ltmp3, $4  }
0x15c: {  	s11 =	sadd.s32 $0x15580, s11  }
0x15d: {  	[spmem:s2] =	stream.indirect.scatter.add.f32 [tilespmem:s0], [sflag:$0x4], $0x80, s11, s26, $0xb8;
	[tilespmem:$0x1E880] =	vst v63  }
0x15e: {  	_ =	swait.ge [sflag:s24], $0x2800  }
0x15f: {  	[sflag:s24] =	ssyncset.done $0x0  }
0x160: {  	[sflag:s24] =	ssyncadd.s32 $0xFFFFD800  }
0x161: {  	_ =	swait.ge [sflag:s31], $0x2800  }
0x162: {  	[sflag:s31] =	ssyncset.done $0x0  }
0x163: {  	[sflag:s31] =	ssyncadd.s32 $0xFFFFD800  }
0x164: {  	[spmem:s2] =	stream.indirect.scatter.add.f32 [tilespmem:s28], [sflag:$0x5], $0x80, s6, s26, $0xb8;
	[tilespmem:$0x1E880] =	vst v63  }
0x165: {  	_ =	swait.ge [sflag:s3], $0x2800  }
0x166: {  	[sflag:s3] =	ssyncset.done $0x0  }
0x167: {  	[sflag:s3] =	ssyncadd.s32 $0xFFFFD800  }
0x168: {  	_ =	swait.ge [sflag:s4], $0x2800  }
0x169: {  	[sflag:s4] =	ssyncset.done $0x0  }
0x16a: {  	[sflag:s4] =	ssyncadd.s32 $0xFFFFD800  }
0x16b: {  	[spmem:s2] =	stream.indirect.scatter.add.f32 [tilespmem:s30], [sflag:$0x5], $0x80, s7, s26, $0xb8;
	[tilespmem:$0x1E880] =	vst v63  }
0x16c: {  	_ =	swait.ge [sflag:s3], $0x2800  }
0x16d: {  	[sflag:s3] =	ssyncset.done $0x0  }
0x16e: {  	s10 =	simm.s32 $0x0;
	[sflag:s3] =	ssyncadd.s32 $0xFFFFD800  }
0x16f: {  	[tilespmem:s23], [sflag:$0x4] =	stream.linear.gather [hbm4b:s18+s10], $0x1900, $0x38;
	[tilespmem:$0x1E880] =	vst v63  }
0x170: {  	_ =	swait.ge [sflag:s24], $0x1900  }
0x171: {  	[sflag:s24] =	ssyncset.done $0x0  }
0x172: {  	[sflag:s24] =	ssyncadd.s32 $0xFFFFE700  }
0x173: {  	[tilespmem:s25], [sflag:$0x4] =	stream.linear.gather [hbm4b:s19+s10], $0x1900, $0x38;
	[tilespmem:$0x1E880] =	vst v63  }
0x174: {  	_ =	swait.ge [sflag:s24], $0x1900  }
0x175: {  	[sflag:s24] =	ssyncset.done $0x0  }
0x176: {  	[sflag:s24] =	ssyncadd.s32 $0xFFFFE700  }
0x177: {  	[tilespmem:s28], [sflag:$0x1] =	stream.indirect.gather [hbm4b:s1+s26], $0x80, s23, s26, $0xb8;
	[tilespmem:$0x1E880] =	vst v63  }
0x178: {  	_ = 	snop  }
0x179: {  	[tilespmem:s30], [sflag:$0x2] =	stream.indirect.gather [hbm4b:s1+s26], $0x80, s29, s26, $0xb8;
	[tilespmem:$0x1E880] =	vst v63  }
0x17a: {  	_ =	swait.ge [sflag:s31], $0x2800  }
0x17b: {  	[sflag:s31] =	ssyncset.done $0x0  }
0x17c: {  	s11 =	simm.s32 $0x13980;
	[sflag:s31] =	ssyncadd.s32 $0xFFFFD800  }
0x17d: {  	[tilespmem:s0], [sflag:$0x3] =	stream.indirect.gather [hbm4b:s1+s26], $0x80, s11, s26, $0xb8;
	[tilespmem:$0x1E880] =	vst v63  }
0x17e: {  	s12 =	simm.s32 $0x15480  }
0x17f: {  	[spmem:s2] =	stream.indirect.scatter.add.f32 [tilespmem:s28], [sflag:$0x5], $0x80, s12, s26, $0xb8;
	[tilespmem:$0x1E880] =	vst v63  }
0x180: {  	_ =	swait.ge [sflag:s3], $0x2800  }
0x181: {  	[sflag:s3] =	ssyncset.done $0x0  }
0x182: {  	[sflag:s3] =	ssyncadd.s32 $0xFFFFD800  }
0x183: {  	_ =	swait.ge [sflag:s4], $0x2800  }
0x184: {  	[sflag:s4] =	ssyncset.done $0x0  }
0x185: {  	s11 =	simm.s32 $0x13A00;
	[sflag:s4] =	ssyncadd.s32 $0xFFFFD800  }
0x186: {  	[tilespmem:s28], [sflag:$0x1] =	stream.indirect.gather [hbm4b:s1+s26], $0x80, s11, s26, $0xb8;
	[tilespmem:$0x1E880] =	vst v63  }
0x187: {  	s12 =	simm.s32 $0x15500  }
0x188: {  	[spmem:s2] =	stream.indirect.scatter.add.f32 [tilespmem:s30], [sflag:$0x5], $0x80, s12, s26, $0xb8;
	[tilespmem:$0x1E880] =	vst v63  }
0x189: {  	_ =	swait.ge [sflag:s3], $0x2800  }
0x18a: {  	[sflag:s3] =	ssyncset.done $0x0  }
0x18b: {  	[sflag:s3] =	ssyncadd.s32 $0xFFFFD800  }
0x18c: {  	_ =	swait.ge [sflag:s5], $0x2800  }
0x18d: {  	[sflag:s5] =	ssyncset.done $0x0  }
0x18e: {  	s11 =	simm.s32 $0x13A80;
	[sflag:s5] =	ssyncadd.s32 $0xFFFFD800  }
0x18f: {  	[tilespmem:s30], [sflag:$0x2] =	stream.indirect.gather [hbm4b:s1+s26], $0x80, s11, s26, $0xb8;
	[tilespmem:$0x1E880] =	vst v63  }
0x190: {  	s12 =	simm.s32 $0x15580  }
0x191: {  	[spmem:s2] =	stream.indirect.scatter.add.f32 [tilespmem:s0], [sflag:$0x4], $0x80, s12, s26, $0xb8;
	[tilespmem:$0x1E880] =	vst v63  }
0x192: {  	_ =	swait.ge [sflag:s24], $0x2800  }
0x193: {  	s10 =	simm.s32 $0x600;
	[sflag:s24] =	ssyncset.done $0x0  }
.LBB2_10:
0x194: {  	p1 =	sne.s32 s10, $0x5A00  }
0x195: {  	[sflag:s24] =	ssyncadd.s32 $0xFFFFD800;
	s11 =	smov.u32 s10;
	s10 =	sadd.s32 $0x600, s10  }
0x196: {  	_ = 	snop  }
0x197: {  	_ =	swait.ge [sflag:s31], $0x2800  }
0x198: {  	s11 =	sshra.s32 s11, $0x2;
	[sflag:s31] =	ssyncset.done $0x0  }
0x199: {  	s12 =	sadd.s32 $0x13980, s11;
	[sflag:s31] =	ssyncadd.s32 $0xFFFFD800  }
0x19a: {  	[tilespmem:s0], [sflag:$0x3] =	stream.indirect.gather [hbm4b:s1+s26], $0x80, s12, s26, $0xb8;
	[tilespmem:$0x1E880] =	vst v63  }
0x19b: {  	s12 =	sadd.s32 $0x15480, s11  }
0x19c: {  	[spmem:s2] =	stream.indirect.scatter.add.f32 [tilespmem:s28], [sflag:$0x5], $0x80, s12, s26, $0xb8;
	[tilespmem:$0x1E880] =	vst v63  }
0x19d: {  	_ =	swait.ge [sflag:s3], $0x2800  }
0x19e: {  	[sflag:s3] =	ssyncset.done $0x0  }
0x19f: {  	[sflag:s3] =	ssyncadd.s32 $0xFFFFD800  }
0x1a0: {  	_ =	swait.ge [sflag:s4], $0x2800  }
0x1a1: {  	[sflag:s4] =	ssyncset.done $0x0  }
0x1a2: {  	s12 =	sadd.s32 $0x13A00, s11;
	[sflag:s4] =	ssyncadd.s32 $0xFFFFD800  }
0x1a3: {  	[tilespmem:s28], [sflag:$0x1] =	stream.indirect.gather [hbm4b:s1+s26], $0x80, s12, s26, $0xb8;
	[tilespmem:$0x1E880] =	vst v63  }
0x1a4: {  	s12 =	sadd.s32 $0x15500, s11  }
0x1a5: {  	[spmem:s2] =	stream.indirect.scatter.add.f32 [tilespmem:s30], [sflag:$0x5], $0x80, s12, s26, $0xb8;
	[tilespmem:$0x1E880] =	vst v63  }
0x1a6: {  	_ =	swait.ge [sflag:s3], $0x2800  }
0x1a7: {  	[sflag:s3] =	ssyncset.done $0x0  }
0x1a8: {  	[sflag:s3] =	ssyncadd.s32 $0xFFFFD800  }
0x1a9: {  	_ =	swait.ge [sflag:s5], $0x2800  }
0x1aa: {  	[sflag:s5] =	ssyncset.done $0x0  }
0x1ab: {  	s12 =	sadd.s32 $0x13A80, s11;
	[sflag:s5] =	ssyncadd.s32 $0xFFFFD800  }
0x1ac: {  	[tilespmem:s30], [sflag:$0x2] =	stream.indirect.gather [hbm4b:s1+s26], $0x80, s12, s26, $0xb8;
	[tilespmem:$0x1E880] =	vst v63  }
.Ltmp4:
0x1ad: {  	_ = 	snop;
	(pc) =	sbr.rel @p1 .LBB2_10-.Ltmp4, $4  }
0x1ae: {  	s11 =	sadd.s32 $0x15580, s11  }
0x1af: {  	[spmem:s2] =	stream.indirect.scatter.add.f32 [tilespmem:s0], [sflag:$0x4], $0x80, s11, s26, $0xb8;
	[tilespmem:$0x1E880] =	vst v63  }
0x1b0: {  	_ =	swait.ge [sflag:s24], $0x2800  }
0x1b1: {  	[sflag:s24] =	ssyncset.done $0x0  }
0x1b2: {  	[sflag:s24] =	ssyncadd.s32 $0xFFFFD800  }
0x1b3: {  	_ =	swait.ge [sflag:s31], $0x2800  }
0x1b4: {  	[sflag:s31] =	ssyncset.done $0x0  }
0x1b5: {  	[sflag:s31] =	ssyncadd.s32 $0xFFFFD800  }
0x1b6: {  	[spmem:s2] =	stream.indirect.scatter.add.f32 [tilespmem:s28], [sflag:$0x5], $0x80, s6, s26, $0xb8;
	[tilespmem:$0x1E880] =	vst v63  }
0x1b7: {  	_ =	swait.ge [sflag:s3], $0x2800  }
0x1b8: {  	[sflag:s3] =	ssyncset.done $0x0  }
0x1b9: {  	[sflag:s3] =	ssyncadd.s32 $0xFFFFD800  }
0x1ba: {  	_ =	swait.ge [sflag:s4], $0x2800  }
0x1bb: {  	[sflag:s4] =	ssyncset.done $0x0  }
0x1bc: {  	[sflag:s4] =	ssyncadd.s32 $0xFFFFD800  }
0x1bd: {  	[spmem:s2] =	stream.indirect.scatter.add.f32 [tilespmem:s30], [sflag:$0x5], $0x80, s7, s26, $0xb8;
	[tilespmem:$0x1E880] =	vst v63  }
0x1be: {  	_ =	swait.ge [sflag:s3], $0x2800  }
0x1bf: {  	[sflag:s3] =	ssyncset.done $0x0  }
0x1c0: {  	[sflag:s3] =	ssyncadd.s32 $0xFFFFD800  }
0x1c1: {  	[bflag:$0x0] =	sbarrier.arrive $0xFFFF  }
0x1c2: {  	s10 =	simm.s32 @p0 $0x1FC4;
	s11 =	rddreg [dreg:$0x8]  }
0x1c3: {  	[hbm:s11], [sflag:s10] =	dma.local @p0 [spmem:s20], $0x1900  }
0x1c4: {  	s10 =	simm.s32 @p0 $0x4  }
0x1c5: {  	_ =	swait.ge @p0 [sflag:s10], $0x1900  }
0x1c6: {  	[sflag:s10] =	ssyncset.done @p0 $0x0  }
0x1c7: {  	[sflag:s10] =	ssyncadd.s32 @p0 $0xFFFFE700;
	s10 =	rddreg [dreg:$0x7]  }
0x1c8: {  	[hbm:s10], [sflag:s21] =	dma.local @!p0 [spmem:s22], $0x2800  }
0x1c9: {  	s10 =	simm.s32 @!p0 $0x4  }
0x1ca: {  	_ =	swait.ge @!p0 [sflag:s10], $0x2800  }
0x1cb: {  	s8 =	sadd.s32 $0x1, s8;
	s12 =	rddreg [dreg:$0x9]  }
0x1cc: {  	p1 =	sne.s32 s8, s12  }
.Ltmp5:
0x1cd: {  	_ = 	snop;
	(pc) =	sbr.rel @p1 .LBB2_1-.Ltmp5, $3  }
0x1ce: {  	_ =	sdelay $0x1  }
0x1cf: {  	[sflag:s10] =	ssyncset.done @!p0 $0x0  }
0x1d0: {  	[sflag:s10] =	ssyncadd.s32 @!p0 $0xFFFFD800  }
0x1d1: {  	_ =	sfence.sel $0x180000  }
0x1d2: {  	[bflag:$0x0] =	sbarrier.arrive $0xFFFF  }
0x1d3: {  	_ =	strace $0x9000004A  }
0x1d4: {  	s0 =	stileid.u32;
	[bflag:$0x2] =	sbarrier.arrive $0xFFFF  }
0x1d5: {  	p0 =	sne.s32 s0, $0x0;
	s0 =	rddreg [dreg:$0x4]  }
0x1d6: {  	s0 =	sadd.s32 @!p0 $0x100000, s0  }
0x1d7: {  	[sflag:s0] =	ssyncadd.tile.s32 @!p0 $0x1;
	_ =	shalt  }
.Lfunc_end2:
_tile_overlayer_lowered:
.L_overlay_start_2:
0x1d8: {  	(tag) =	ssettag $0x2  }
0x1d9: {  	s0 =	rddreg [dreg:$0x0];
	s2 =	stileid.u32  }
0x1da: {  	s1 =	rddreg [dreg:$0x1];
	p0 =	sne.s32 s2, $0x0  }
0x1db: {  	s3 =	rddreg [dreg:$0x2];
	[bflag:$0x3] =	sbarrier.arrive $0xFFFF;
	s2 =	simm.s32 @!p0 $0x1C04  }
0x1dc: {  	[timem:s3], [sflag:s2] =	dma.local @!p0 [hbm:s0], s1  }
0x1dd: {  	s0 =	simm.s32 @!p0 $0x4  }
0x1de: {  	_ =	swait.ge @!p0 [sflag:s0], s1  }
0x1df: {  	s1 =	ssub.s32 @!p0 $0x0, s1;
	[sflag:s0] =	ssyncset.done @!p0 $0x0  }
0x1e0: {  	[sflag:s0] =	ssyncadd.s32 @!p0 s1  }
0x1e1: {  	[bflag:$0x3] =	sbarrier.arrive $0xFFFF  }
0x1e2: {  	_ =	shalt  }

</sc_bundles>
